<compile_context>
chip_gen: v7x
topology: tpu7x:2x2x1
jax: 0.10.2.dev20260603
libtpu: 0.0.44.dev20260713+nightly
codegen_flags: <defaults>
</compile_context>

<pallas_src>
import functools

import jax
import jax.numpy as jnp
from jax import lax
from jax.experimental import pallas as pl
from jax.experimental.pallas import tpu as pltpu
from jax.experimental.pallas import tpu_sc as plsc

D = 64
V = 446
NC = 2
NS = 16
NW = NC * NS
CHUNK = 256


def _sc_body(nchunks, x_hbm, idx_hbm, te_hbm, out_hbm,
             te_v, idx_all, x_a, x_b, out_a, out_b,
             dma_a, dma_b, st_a, st_b):
    cid = lax.axis_index("c")
    sid = lax.axis_index("s")
    wid = sid * NC + cid
    row0 = wid * nchunks * CHUNK

    def issue_load(ci, x_v, sem):
        pltpu.async_copy(x_hbm.at[pl.ds(row0 + ci * CHUNK, CHUNK)], x_v, sem)

    def wait_load(x_v, sem):
        pltpu.make_async_copy(x_hbm.at[pl.ds(0, CHUNK)], x_v, sem).wait()

    def issue_store(ci, out_v, sem):
        pltpu.async_copy(out_v,
                         out_hbm.at[pl.ds(row0 + ci * CHUNK, CHUNK)], sem)

    def wait_store(out_v, sem):
        pltpu.make_async_copy(out_v, out_hbm.at[pl.ds(0, CHUNK)], sem).wait()

    def compute(ci, x_v, out_v):
        @plsc.parallel_loop(0, CHUNK // 16, unroll=1)
        def _(g):
            tvec = idx_all[pl.ds(ci * CHUNK + g * 16, 16)]
            for r in range(16):
                t = tvec[r]
                i = g * 16 + r
                for k in range(D // 16):
                    sl = pl.ds(k * 16, 16)
                    out_v[i, sl] = x_v[i, sl] + te_v[t, sl]

    pltpu.sync_copy(te_hbm, te_v)
    pltpu.sync_copy(idx_hbm.at[pl.ds(row0, nchunks * CHUNK)], idx_all)
    issue_load(0, x_a, dma_a)
    issue_load(1, x_b, dma_b)

    def run_pair(p, _):
        c0 = 2 * p
        wait_load(x_a, dma_a)

        @pl.when(p > 0)
        def _():
            wait_store(out_a, st_a)

        compute(c0, x_a, out_a)
        issue_store(c0, out_a, st_a)

        @pl.when(c0 + 2 < nchunks)
        def _():
            issue_load(c0 + 2, x_a, dma_a)

        wait_load(x_b, dma_b)

        @pl.when(p > 0)
        def _():
            wait_store(out_b, st_b)

        compute(c0 + 1, x_b, out_b)
        issue_store(c0 + 1, out_b, st_b)

        @pl.when(c0 + 3 < nchunks)
        def _():
            issue_load(c0 + 3, x_b, dma_b)

        return 0

    lax.fori_loop(0, nchunks // 2, run_pair, 0)
    wait_store(out_a, st_a)
    wait_store(out_b, st_b)


@functools.partial(jax.jit, static_argnames=("n",))
def _run(x2d, idx, te, n):
    nchunks = n // (NW * CHUNK)
    body = functools.partial(_sc_body, nchunks)
    return pl.kernel(
        body,
        out_type=jax.ShapeDtypeStruct((n, D), jnp.float32),
        mesh=plsc.VectorSubcoreMesh(core_axis_name="c", subcore_axis_name="s"),
        scratch_types=[
            pltpu.VMEM((V, D), jnp.float32),
            pltpu.VMEM((nchunks * CHUNK,), jnp.int32),
            pltpu.VMEM((CHUNK, D), jnp.float32),
            pltpu.VMEM((CHUNK, D), jnp.float32),
            pltpu.VMEM((CHUNK, D), jnp.float32),
            pltpu.VMEM((CHUNK, D), jnp.float32),
            pltpu.SemaphoreType.DMA,
            pltpu.SemaphoreType.DMA,
            pltpu.SemaphoreType.DMA,
            pltpu.SemaphoreType.DMA,
        ],
        compiler_params=pltpu.CompilerParams(use_tc_tiling_on_sc=False),
    )(x2d, idx, te)


def kernel(x, timestamp, te):
    b, h, d = x.shape
    n = b * h
    x2d = x.reshape(n, d)
    idx = timestamp.astype(jnp.int32).reshape(n)
    out = _run(x2d, idx, te, n)
    return out.reshape(b, h, d)

# --- scband reference (transcript-rebuilt; emitter-appended) ---
"""Pipeline reference for scband-time-stamp-embedding-22454089024188 (READ-ONLY COPY).

The authoritative reference and input builder live on the scoring server;
editing this copy changes nothing except your own understanding.
"""

import jax, jax.numpy as jnp
import numpy as np

D_MODEL = 64
MAX_LEN = 446
BATCH = 4096
HIST = 200

def setup_inputs(seed: int = 0) -> dict:
    key = jax.random.key(seed)
    k1, k2, k3 = jax.random.split(key, 3)
    x = jax.random.normal(k1, (BATCH, HIST, D_MODEL), dtype=jnp.float32)
    timestamp = jax.random.randint(k2, (BATCH, HIST), 0, MAX_LEN, dtype=jnp.int64)
    te = jax.random.normal(k3, (MAX_LEN, D_MODEL), dtype=jnp.float32)
    return {"x": x, "timestamp": timestamp, "te": te}

def reference(x, timestamp, te):
    # x = x + self.te(timestamp); dropout is identity in eval mode
    emb = jnp.take(te, timestamp, axis=0)
    out = x + emb
    return out

if __name__ == "__main__":
    import jax
    _d = setup_inputs()
    print(jax.jit(kernel)(*tuple(_d.values())))

</pallas_src>

<mosaic_0001>
#map = affine_map<(d0, d1) -> (0, 0)>
#map1 = affine_map<(d0, d1) -> (0)>
module attributes {stable_mosaic.version = 14 : i64} {
  func.func @_sc_body(%arg0: i32, %arg1: i32, %arg2: memref<819200x64xf32, #tpu.memory_space<hbm>>, %arg3: memref<819200xi32, #tpu.memory_space<hbm>>, %arg4: memref<446x64xf32, #tpu.memory_space<hbm>>, %arg5: memref<819200x64xf32, #tpu.memory_space<hbm>>, %arg6: memref<446x64xf32, #tpu.memory_space<vmem>>, %arg7: memref<25600xi32, #tpu.memory_space<vmem>>, %arg8: memref<256x64xf32, #tpu.memory_space<vmem>>, %arg9: memref<256x64xf32, #tpu.memory_space<vmem>>, %arg10: memref<256x64xf32, #tpu.memory_space<vmem>>, %arg11: memref<256x64xf32, #tpu.memory_space<vmem>>, %arg12: memref<!tpu.dma_semaphore, #tpu.memory_space<semaphore_mem>>, %arg13: memref<!tpu.dma_semaphore, #tpu.memory_space<semaphore_mem>>, %arg14: memref<!tpu.dma_semaphore, #tpu.memory_space<semaphore_mem>>, %arg15: memref<!tpu.dma_semaphore, #tpu.memory_space<semaphore_mem>>) attributes {dimension_semantics = [#tpu.dimension_semantics<core_parallel>, #tpu.dimension_semantics<subcore_parallel>], iteration_bounds = array<i64: 2, 16>, scalar_prefetch = 0 : i64, scratch_operands = 10 : i64, tpu.core_type = #tpu.core_type<sc_vector_subcore>, window_params = [{transform_indices = #map}, {transform_indices = #map1}, {transform_indices = #map}, {transform_indices = #map}]} {
    %mul3A = arith.constant 2 : i32
    %mul3A_0 = arith.muli %arg1, %mul3A : i32
    %add3A = arith.addi %mul3A_0, %arg0 : i32
    %mul3A_1 = arith.constant 100 : i32
    %mul3A_2 = arith.muli %add3A, %mul3A_1 : i32
    %mul3A_3 = arith.constant 256 : i32
    %mul3A_4 = arith.muli %mul3A_2, %mul3A_3 : i32
    "tpu.region"() ({
      %run_scoped3A = tpu.sem_alloc : memref<!tpu.dma_semaphore, #tpu.memory_space<semaphore_mem>>
      tpu.enqueue_dma source(%arg4 : memref<446x64xf32, #tpu.memory_space<hbm>>) target(%arg6 : memref<446x64xf32, #tpu.memory_space<vmem>>) target_semaphore(%run_scoped3A : memref<!tpu.dma_semaphore, #tpu.memory_space<semaphore_mem>>)
      tpu.wait_dma2 semaphore(%run_scoped3A : memref<!tpu.dma_semaphore, #tpu.memory_space<semaphore_mem>>) src(%arg4 : memref<446x64xf32, #tpu.memory_space<hbm>>) dst(%arg6 : memref<446x64xf32, #tpu.memory_space<vmem>>)
      tpu.yield
    }) : () -> ()
    "tpu.region"() ({
      %run_scoped3A = tpu.sem_alloc : memref<!tpu.dma_semaphore, #tpu.memory_space<semaphore_mem>>
      %dma_start3A_33 = tpu.memref_slice %arg3[%mul3A_4] : memref<819200xi32, #tpu.memory_space<hbm>> -> memref<25600xi32, #tpu.memory_space<hbm>>
      %dma_start3A_34 = tpu.memref_slice %arg3[%mul3A_4] : memref<819200xi32, #tpu.memory_space<hbm>> -> memref<25600xi32, #tpu.memory_space<hbm>>
      tpu.enqueue_dma source(%dma_start3A_34 : memref<25600xi32, #tpu.memory_space<hbm>>) target(%arg7 : memref<25600xi32, #tpu.memory_space<vmem>>) target_semaphore(%run_scoped3A : memref<!tpu.dma_semaphore, #tpu.memory_space<semaphore_mem>>)
      %dma_wait3A_35 = tpu.memref_slice %arg3[%mul3A_4] : memref<819200xi32, #tpu.memory_space<hbm>> -> memref<25600xi32, #tpu.memory_space<hbm>>
      %dma_wait3A_36 = tpu.memref_slice %arg3[%mul3A_4] : memref<819200xi32, #tpu.memory_space<hbm>> -> memref<25600xi32, #tpu.memory_space<hbm>>
      tpu.wait_dma2 semaphore(%run_scoped3A : memref<!tpu.dma_semaphore, #tpu.memory_space<semaphore_mem>>) src(%dma_wait3A_36 : memref<25600xi32, #tpu.memory_space<hbm>>) dst(%arg7 : memref<25600xi32, #tpu.memory_space<vmem>>)
      tpu.yield
    }) : () -> ()
    %add3A_5 = arith.constant 0 : i32
    %add3A_6 = arith.addi %mul3A_4, %add3A_5 : i32
    %dma_start3A = arith.constant 0 : i32
    %dma_start3A_7 = tpu.memref_slice %arg2[%add3A_6, %dma_start3A] : memref<819200x64xf32, #tpu.memory_space<hbm>> -> memref<256x64xf32, #tpu.memory_space<hbm>>
    %dma_start3A_8 = arith.constant 0 : i32
    %dma_start3A_9 = tpu.memref_slice %arg2[%add3A_6, %dma_start3A_8] : memref<819200x64xf32, #tpu.memory_space<hbm>> -> memref<256x64xf32, #tpu.memory_space<hbm>>
    tpu.enqueue_dma source(%dma_start3A_9 : memref<256x64xf32, #tpu.memory_space<hbm>>) target(%arg8 : memref<256x64xf32, #tpu.memory_space<vmem>>) target_semaphore(%arg12 : memref<!tpu.dma_semaphore, #tpu.memory_space<semaphore_mem>>)
    %add3A_10 = arith.constant 256 : i32
    %add3A_11 = arith.addi %mul3A_4, %add3A_10 : i32
    %dma_start3A_12 = arith.constant 0 : i32
    %dma_start3A_13 = tpu.memref_slice %arg2[%add3A_11, %dma_start3A_12] : memref<819200x64xf32, #tpu.memory_space<hbm>> -> memref<256x64xf32, #tpu.memory_space<hbm>>
    %dma_start3A_14 = arith.constant 0 : i32
    %dma_start3A_15 = tpu.memref_slice %arg2[%add3A_11, %dma_start3A_14] : memref<819200x64xf32, #tpu.memory_space<hbm>> -> memref<256x64xf32, #tpu.memory_space<hbm>>
    tpu.enqueue_dma source(%dma_start3A_15 : memref<256x64xf32, #tpu.memory_space<hbm>>) target(%arg9 : memref<256x64xf32, #tpu.memory_space<vmem>>) target_semaphore(%arg13 : memref<!tpu.dma_semaphore, #tpu.memory_space<semaphore_mem>>)
    %scan3A = arith.constant 0 : i32
    %scan3A_16 = arith.constant 0 : i32
    %scan3A_17 = arith.constant 50 : i32
    %scan3A_18 = arith.addi %scan3A_16, %scan3A_17 : i32
    %scan3A_19 = arith.constant 1 : i32
    %scan3A_20 = scf.for %scan3A_33 = %scan3A_16 to %scan3A_18 step %scan3A_19 iter_args(%scan3A_34 = %scan3A) -> (i32)  : i32 {
      %mul3A_35 = arith.constant 2 : i32
      %mul3A_36 = arith.muli %mul3A_35, %scan3A_33 : i32
      %dma_wait3A_37 = arith.constant 0 : i32
      %dma_wait3A_38 = arith.constant 0 : i32
      %dma_wait3A_39 = tpu.memref_slice %arg2[%dma_wait3A_37, %dma_wait3A_38] : memref<819200x64xf32, #tpu.memory_space<hbm>> -> memref<256x64xf32, #tpu.memory_space<hbm>>
      %dma_wait3A_40 = arith.constant 0 : i32
      %dma_wait3A_41 = arith.constant 0 : i32
      %dma_wait3A_42 = tpu.memref_slice %arg2[%dma_wait3A_40, %dma_wait3A_41] : memref<819200x64xf32, #tpu.memory_space<hbm>> -> memref<256x64xf32, #tpu.memory_space<hbm>>
      tpu.wait_dma2 semaphore(%arg12 : memref<!tpu.dma_semaphore, #tpu.memory_space<semaphore_mem>>) src(%dma_wait3A_42 : memref<256x64xf32, #tpu.memory_space<hbm>>) dst(%arg8 : memref<256x64xf32, #tpu.memory_space<vmem>>)
      %gt3A = arith.constant 0 : i32
      %gt3A_43 = arith.cmpi sgt, %scan3A_33, %gt3A : i32
      %convert_element_type3A = arith.extui %gt3A_43 : i1 to i32
      %cond3A = arith.constant 0 : i32
      %cond3A_44 = arith.cmpi ne, %convert_element_type3A, %cond3A : i32
      scf.if %cond3A_44 {
        %dma_wait3A_93 = arith.constant 0 : i32
        %dma_wait3A_94 = arith.constant 0 : i32
        %dma_wait3A_95 = tpu.memref_slice %arg5[%dma_wait3A_93, %dma_wait3A_94] : memref<819200x64xf32, #tpu.memory_space<hbm>> -> memref<256x64xf32, #tpu.memory_space<hbm>>
        %dma_wait3A_96 = arith.constant 0 : i32
        %dma_wait3A_97 = arith.constant 0 : i32
        %dma_wait3A_98 = tpu.memref_slice %arg5[%dma_wait3A_96, %dma_wait3A_97] : memref<819200x64xf32, #tpu.memory_space<hbm>> -> memref<256x64xf32, #tpu.memory_space<hbm>>
        tpu.wait_dma2 semaphore(%arg14 : memref<!tpu.dma_semaphore, #tpu.memory_space<semaphore_mem>>) src(%arg10 : memref<256x64xf32, #tpu.memory_space<vmem>>) dst(%dma_wait3A_98 : memref<256x64xf32, #tpu.memory_space<hbm>>)
      } else {
      }
      %parallel_loop3A = arith.constant 0 : i32
      %parallel_loop3A_45 = arith.constant 16 : i32
      %parallel_loop3A_46 = arith.constant 1 : i32
      scf.for %parallel_loop3A_93 = %parallel_loop3A to %parallel_loop3A_45 step %parallel_loop3A_46  : i32 {
        %parallel_loop3A_94 = arith.constant 256 : i32
        %parallel_loop3A_95 = arith.muli %mul3A_36, %parallel_loop3A_94 : i32
        %parallel_loop3A_96 = arith.constant 16 : i32
        %parallel_loop3A_97 = arith.muli %parallel_loop3A_93, %parallel_loop3A_96 : i32
        %parallel_loop3A_98 = arith.addi %parallel_loop3A_95, %parallel_loop3A_97 : i32
        %parallel_loop3A_99 = arith.index_cast %parallel_loop3A_98 : i32 to index
        %parallel_loop3A_100 = tpu.vector_load %arg7[%parallel_loop3A_99] {strides = array<i32>} : memref<25600xi32, #tpu.memory_space<vmem>>, vector<16xi32>,
        %parallel_loop3A_101 = vector.shape_cast %parallel_loop3A_100 : vector<16xi32> to vector<16xi32>
        %parallel_loop3A_102 = vector.extract_strided_slice %parallel_loop3A_101 {offsets = [0], sizes = [1], strides = [1]} : vector<16xi32> to vector<1xi32>
        %parallel_loop3A_103 = vector.extract %parallel_loop3A_102[0] : i32 from vector<1xi32>
        %parallel_loop3A_104 = arith.constant 16 : i32
        %parallel_loop3A_105 = arith.muli %parallel_loop3A_93, %parallel_loop3A_104 : i32
        %parallel_loop3A_106 = arith.constant 0 : i32
        %parallel_loop3A_107 = arith.addi %parallel_loop3A_105, %parallel_loop3A_106 : i32
        %parallel_loop3A_108 = arith.index_cast %parallel_loop3A_107 : i32 to index
        %parallel_loop3A_109 = arith.constant 0 : index
        %parallel_loop3A_110 = tpu.vector_load %arg8[%parallel_loop3A_108, %parallel_loop3A_109] {strides = array<i32>} : memref<256x64xf32, #tpu.memory_space<vmem>>, vector<1x16xf32>,
        %parallel_loop3A_111 = vector.shape_cast %parallel_loop3A_110 : vector<1x16xf32> to vector<16xf32>
        %parallel_loop3A_112 = arith.index_cast %parallel_loop3A_103 : i32 to index
        %parallel_loop3A_113 = arith.constant 0 : index
        %parallel_loop3A_114 = tpu.vector_load %arg6[%parallel_loop3A_112, %parallel_loop3A_113] {strides = array<i32>} : memref<446x64xf32, #tpu.memory_space<vmem>>, vector<1x16xf32>,
        %parallel_loop3A_115 = vector.shape_cast %parallel_loop3A_114 : vector<1x16xf32> to vector<16xf32>
        %parallel_loop3A_116 = arith.addf %parallel_loop3A_111, %parallel_loop3A_115 : vector<16xf32>
        %parallel_loop3A_117 = arith.index_cast %parallel_loop3A_107 : i32 to index
        %parallel_loop3A_118 = arith.constant 0 : index
        %parallel_loop3A_119 = tpu.vector_load %arg10[%parallel_loop3A_117, %parallel_loop3A_118] {strides = array<i32>} : memref<256x64xf32, #tpu.memory_space<vmem>>, vector<1x16xf32>,
        %parallel_loop3A_120 = vector.shape_cast %parallel_loop3A_119 : vector<1x16xf32> to vector<16xf32>
        %parallel_loop3A_121 = vector.shape_cast %parallel_loop3A_116 : vector<16xf32> to vector<1x16xf32>
        tpu.vector_store %arg10[%parallel_loop3A_117, %parallel_loop3A_118], %parallel_loop3A_121 {strides = array<i32>} : memref<256x64xf32, #tpu.memory_space<vmem>>, vector<1x16xf32>,
        %parallel_loop3A_122 = arith.index_cast %parallel_loop3A_107 : i32 to index
        %parallel_loop3A_123 = arith.constant 16 : index
        %parallel_loop3A_124 = tpu.vector_load %arg8[%parallel_loop3A_122, %parallel_loop3A_123] {strides = array<i32>} : memref<256x64xf32, #tpu.memory_space<vmem>>, vector<1x16xf32>,
        %parallel_loop3A_125 = vector.shape_cast %parallel_loop3A_124 : vector<1x16xf32> to vector<16xf32>
        %parallel_loop3A_126 = arith.index_cast %parallel_loop3A_103 : i32 to index
        %parallel_loop3A_127 = arith.constant 16 : index
        %parallel_loop3A_128 = tpu.vector_load %arg6[%parallel_loop3A_126, %parallel_loop3A_127] {strides = array<i32>} : memref<446x64xf32, #tpu.memory_space<vmem>>, vector<1x16xf32>,
        %parallel_loop3A_129 = vector.shape_cast %parallel_loop3A_128 : vector<1x16xf32> to vector<16xf32>
        %parallel_loop3A_130 = arith.addf %parallel_loop3A_125, %parallel_loop3A_129 : vector<16xf32>
        %parallel_loop3A_131 = arith.index_cast %parallel_loop3A_107 : i32 to index
        %parallel_loop3A_132 = arith.constant 16 : index
        %parallel_loop3A_133 = tpu.vector_load %arg10[%parallel_loop3A_131, %parallel_loop3A_132] {strides = array<i32>} : memref<256x64xf32, #tpu.memory_space<vmem>>, vector<1x16xf32>,
        %parallel_loop3A_134 = vector.shape_cast %parallel_loop3A_133 : vector<1x16xf32> to vector<16xf32>
        %parallel_loop3A_135 = vector.shape_cast %parallel_loop3A_130 : vector<16xf32> to vector<1x16xf32>
        tpu.vector_store %arg10[%parallel_loop3A_131, %parallel_loop3A_132], %parallel_loop3A_135 {strides = array<i32>} : memref<256x64xf32, #tpu.memory_space<vmem>>, vector<1x16xf32>,
        %parallel_loop3A_136 = arith.index_cast %parallel_loop3A_107 : i32 to index
        %parallel_loop3A_137 = arith.constant 32 : index
        %parallel_loop3A_138 = tpu.vector_load %arg8[%parallel_loop3A_136, %parallel_loop3A_137] {strides = array<i32>} : memref<256x64xf32, #tpu.memory_space<vmem>>, vector<1x16xf32>,
        %parallel_loop3A_139 = vector.shape_cast %parallel_loop3A_138 : vector<1x16xf32> to vector<16xf32>
        %parallel_loop3A_140 = arith.index_cast %parallel_loop3A_103 : i32 to index
        %parallel_loop3A_141 = arith.constant 32 : index
        %parallel_loop3A_142 = tpu.vector_load %arg6[%parallel_loop3A_140, %parallel_loop3A_141] {strides = array<i32>} : memref<446x64xf32, #tpu.memory_space<vmem>>, vector<1x16xf32>,
        %parallel_loop3A_143 = vector.shape_cast %parallel_loop3A_142 : vector<1x16xf32> to vector<16xf32>
        %parallel_loop3A_144 = arith.addf %parallel_loop3A_139, %parallel_loop3A_143 : vector<16xf32>
        %parallel_loop3A_145 = arith.index_cast %parallel_loop3A_107 : i32 to index
        %parallel_loop3A_146 = arith.constant 32 : index
        %parallel_loop3A_147 = tpu.vector_load %arg10[%parallel_loop3A_145, %parallel_loop3A_146] {strides = array<i32>} : memref<256x64xf32, #tpu.memory_space<vmem>>, vector<1x16xf32>,
        %parallel_loop3A_148 = vector.shape_cast %parallel_loop3A_147 : vector<1x16xf32> to vector<16xf32>
        %parallel_loop3A_149 = vector.shape_cast %parallel_loop3A_144 : vector<16xf32> to vector<1x16xf32>
        tpu.vector_store %arg10[%parallel_loop3A_145, %parallel_loop3A_146], %parallel_loop3A_149 {strides = array<i32>} : memref<256x64xf32, #tpu.memory_space<vmem>>, vector<1x16xf32>,
        %parallel_loop3A_150 = arith.index_cast %parallel_loop3A_107 : i32 to index
        %parallel_loop3A_151 = arith.constant 48 : index
        %parallel_loop3A_152 = tpu.vector_load %arg8[%parallel_loop3A_150, %parallel_loop3A_151] {strides = array<i32>} : memref<256x64xf32, #tpu.memory_space<vmem>>, vector<1x16xf32>,
        %parallel_loop3A_153 = vector.shape_cast %parallel_loop3A_152 : vector<1x16xf32> to vector<16xf32>
        %parallel_loop3A_154 = arith.index_cast %parallel_loop3A_103 : i32 to index
        %parallel_loop3A_155 = arith.constant 48 : index
        %parallel_loop3A_156 = tpu.vector_load %arg6[%parallel_loop3A_154, %parallel_loop3A_155] {strides = array<i32>} : memref<446x64xf32, #tpu.memory_space<vmem>>, vector<1x16xf32>,
        %parallel_loop3A_157 = vector.shape_cast %parallel_loop3A_156 : vector<1x16xf32> to vector<16xf32>
        %parallel_loop3A_158 = arith.addf %parallel_loop3A_153, %parallel_loop3A_157 : vector<16xf32>
        %parallel_loop3A_159 = arith.index_cast %parallel_loop3A_107 : i32 to index
        %parallel_loop3A_160 = arith.constant 48 : index
        %parallel_loop3A_161 = tpu.vector_load %arg10[%parallel_loop3A_159, %parallel_loop3A_160] {strides = array<i32>} : memref<256x64xf32, #tpu.memory_space<vmem>>, vector<1x16xf32>,
        %parallel_loop3A_162 = vector.shape_cast %parallel_loop3A_161 : vector<1x16xf32> to vector<16xf32>
        %parallel_loop3A_163 = vector.shape_cast %parallel_loop3A_158 : vector<16xf32> to vector<1x16xf32>
        tpu.vector_store %arg10[%parallel_loop3A_159, %parallel_loop3A_160], %parallel_loop3A_163 {strides = array<i32>} : memref<256x64xf32, #tpu.memory_space<vmem>>, vector<1x16xf32>,
        %parallel_loop3A_164 = vector.extract_strided_slice %parallel_loop3A_101 {offsets = [1], sizes = [1], strides = [1]} : vector<16xi32> to vector<1xi32>
        %parallel_loop3A_165 = vector.extract %parallel_loop3A_164[0] : i32 from vector<1xi32>
        %parallel_loop3A_166 = arith.constant 16 : i32
        %parallel_loop3A_167 = arith.muli %parallel_loop3A_93, %parallel_loop3A_166 : i32
        %parallel_loop3A_168 = arith.constant 1 : i32
        %parallel_loop3A_169 = arith.addi %parallel_loop3A_167, %parallel_loop3A_168 : i32
        %parallel_loop3A_170 = arith.index_cast %parallel_loop3A_169 : i32 to index
        %parallel_loop3A_171 = arith.constant 0 : index
        %parallel_loop3A_172 = tpu.vector_load %arg8[%parallel_loop3A_170, %parallel_loop3A_171] {strides = array<i32>} : memref<256x64xf32, #tpu.memory_space<vmem>>, vector<1x16xf32>,
        %parallel_loop3A_173 = vector.shape_cast %parallel_loop3A_172 : vector<1x16xf32> to vector<16xf32>
        %parallel_loop3A_174 = arith.index_cast %parallel_loop3A_165 : i32 to index
        %parallel_loop3A_175 = arith.constant 0 : index
        %parallel_loop3A_176 = tpu.vector_load %arg6[%parallel_loop3A_174, %parallel_loop3A_175] {strides = array<i32>} : memref<446x64xf32, #tpu.memory_space<vmem>>, vector<1x16xf32>,
        %parallel_loop3A_177 = vector.shape_cast %parallel_loop3A_176 : vector<1x16xf32> to vector<16xf32>
        %parallel_loop3A_178 = arith.addf %parallel_loop3A_173, %parallel_loop3A_177 : vector<16xf32>
        %parallel_loop3A_179 = arith.index_cast %parallel_loop3A_169 : i32 to index
        %parallel_loop3A_180 = arith.constant 0 : index
        %parallel_loop3A_181 = tpu.vector_load %arg10[%parallel_loop3A_179, %parallel_loop3A_180] {strides = array<i32>} : memref<256x64xf32, #tpu.memory_space<vmem>>, vector<1x16xf32>,
        %parallel_loop3A_182 = vector.shape_cast %parallel_loop3A_181 : vector<1x16xf32> to vector<16xf32>
        %parallel_loop3A_183 = vector.shape_cast %parallel_loop3A_178 : vector<16xf32> to vector<1x16xf32>
        tpu.vector_store %arg10[%parallel_loop3A_179, %parallel_loop3A_180], %parallel_loop3A_183 {strides = array<i32>} : memref<256x64xf32, #tpu.memory_space<vmem>>, vector<1x16xf32>,
        %parallel_loop3A_184 = arith.index_cast %parallel_loop3A_169 : i32 to index
        %parallel_loop3A_185 = arith.constant 16 : index
        %parallel_loop3A_186 = tpu.vector_load %arg8[%parallel_loop3A_184, %parallel_loop3A_185] {strides = array<i32>} : memref<256x64xf32, #tpu.memory_space<vmem>>, vector<1x16xf32>,
        %parallel_loop3A_187 = vector.shape_cast %parallel_loop3A_186 : vector<1x16xf32> to vector<16xf32>
        %parallel_loop3A_188 = arith.index_cast %parallel_loop3A_165 : i32 to index
        %parallel_loop3A_189 = arith.constant 16 : index
        %parallel_loop3A_190 = tpu.vector_load %arg6[%parallel_loop3A_188, %parallel_loop3A_189] {strides = array<i32>} : memref<446x64xf32, #tpu.memory_space<vmem>>, vector<1x16xf32>,
        %parallel_loop3A_191 = vector.shape_cast %parallel_loop3A_190 : vector<1x16xf32> to vector<16xf32>
        %parallel_loop3A_192 = arith.addf %parallel_loop3A_187, %parallel_loop3A_191 : vector<16xf32>
        %parallel_loop3A_193 = arith.index_cast %parallel_loop3A_169 : i32 to index
        %parallel_loop3A_194 = arith.constant 16 : index
        %parallel_loop3A_195 = tpu.vector_load %arg10[%parallel_loop3A_193, %parallel_loop3A_194] {strides = array<i32>} : memref<256x64xf32, #tpu.memory_space<vmem>>, vector<1x16xf32>,
        %parallel_loop3A_196 = vector.shape_cast %parallel_loop3A_195 : vector<1x16xf32> to vector<16xf32>
        %parallel_loop3A_197 = vector.shape_cast %parallel_loop3A_192 : vector<16xf32> to vector<1x16xf32>
        tpu.vector_store %arg10[%parallel_loop3A_193, %parallel_loop3A_194], %parallel_loop3A_197 {strides = array<i32>} : memref<256x64xf32, #tpu.memory_space<vmem>>, vector<1x16xf32>,
        %parallel_loop3A_198 = arith.index_cast %parallel_loop3A_169 : i32 to index
        %parallel_loop3A_199 = arith.constant 32 : index
        %parallel_loop3A_200 = tpu.vector_load %arg8[%parallel_loop3A_198, %parallel_loop3A_199] {strides = array<i32>} : memref<256x64xf32, #tpu.memory_space<vmem>>, vector<1x16xf32>,
        %parallel_loop3A_201 = vector.shape_cast %parallel_loop3A_200 : vector<1x16xf32> to vector<16xf32>
        %parallel_loop3A_202 = arith.index_cast %parallel_loop3A_165 : i32 to index
        %parallel_loop3A_203 = arith.constant 32 : index
        %parallel_loop3A_204 = tpu.vector_load %arg6[%parallel_loop3A_202, %parallel_loop3A_203] {strides = array<i32>} : memref<446x64xf32, #tpu.memory_space<vmem>>, vector<1x16xf32>,
        %parallel_loop3A_205 = vector.shape_cast %parallel_loop3A_204 : vector<1x16xf32> to vector<16xf32>
        %parallel_loop3A_206 = arith.addf %parallel_loop3A_201, %parallel_loop3A_205 : vector<16xf32>
        %parallel_loop3A_207 = arith.index_cast %parallel_loop3A_169 : i32 to index
        %parallel_loop3A_208 = arith.constant 32 : index
        %parallel_loop3A_209 = tpu.vector_load %arg10[%parallel_loop3A_207, %parallel_loop3A_208] {strides = array<i32>} : memref<256x64xf32, #tpu.memory_space<vmem>>, vector<1x16xf32>,
        %parallel_loop3A_210 = vector.shape_cast %parallel_loop3A_209 : vector<1x16xf32> to vector<16xf32>
        %parallel_loop3A_211 = vector.shape_cast %parallel_loop3A_206 : vector<16xf32> to vector<1x16xf32>
        tpu.vector_store %arg10[%parallel_loop3A_207, %parallel_loop3A_208], %parallel_loop3A_211 {strides = array<i32>} : memref<256x64xf32, #tpu.memory_space<vmem>>, vector<1x16xf32>,
        %parallel_loop3A_212 = arith.index_cast %parallel_loop3A_169 : i32 to index
        %parallel_loop3A_213 = arith.constant 48 : index
        %parallel_loop3A_214 = tpu.vector_load %arg8[%parallel_loop3A_212, %parallel_loop3A_213] {strides = array<i32>} : memref<256x64xf32, #tpu.memory_space<vmem>>, vector<1x16xf32>,
        %parallel_loop3A_215 = vector.shape_cast %parallel_loop3A_214 : vector<1x16xf32> to vector<16xf32>
        %parallel_loop3A_216 = arith.index_cast %parallel_loop3A_165 : i32 to index
        %parallel_loop3A_217 = arith.constant 48 : index
        %parallel_loop3A_218 = tpu.vector_load %arg6[%parallel_loop3A_216, %parallel_loop3A_217] {strides = array<i32>} : memref<446x64xf32, #tpu.memory_space<vmem>>, vector<1x16xf32>,
        %parallel_loop3A_219 = vector.shape_cast %parallel_loop3A_218 : vector<1x16xf32> to vector<16xf32>
        %parallel_loop3A_220 = arith.addf %parallel_loop3A_215, %parallel_loop3A_219 : vector<16xf32>
        %parallel_loop3A_221 = arith.index_cast %parallel_loop3A_169 : i32 to index
        %parallel_loop3A_222 = arith.constant 48 : index
        %parallel_loop3A_223 = tpu.vector_load %arg10[%parallel_loop3A_221, %parallel_loop3A_222] {strides = array<i32>} : memref<256x64xf32, #tpu.memory_space<vmem>>, vector<1x16xf32>,
        %parallel_loop3A_224 = vector.shape_cast %parallel_loop3A_223 : vector<1x16xf32> to vector<16xf32>
        %parallel_loop3A_225 = vector.shape_cast %parallel_loop3A_220 : vector<16xf32> to vector<1x16xf32>
        tpu.vector_store %arg10[%parallel_loop3A_221, %parallel_loop3A_222], %parallel_loop3A_225 {strides = array<i32>} : memref<256x64xf32, #tpu.memory_space<vmem>>, vector<1x16xf32>,
        %parallel_loop3A_226 = vector.extract_strided_slice %parallel_loop3A_101 {offsets = [2], sizes = [1], strides = [1]} : vector<16xi32> to vector<1xi32>
        %parallel_loop3A_227 = vector.extract %parallel_loop3A_226[0] : i32 from vector<1xi32>
        %parallel_loop3A_228 = arith.constant 16 : i32
        %parallel_loop3A_229 = arith.muli %parallel_loop3A_93, %parallel_loop3A_228 : i32
        %parallel_loop3A_230 = arith.constant 2 : i32
        %parallel_loop3A_231 = arith.addi %parallel_loop3A_229, %parallel_loop3A_230 : i32
        %parallel_loop3A_232 = arith.index_cast %parallel_loop3A_231 : i32 to index
        %parallel_loop3A_233 = arith.constant 0 : index
        %parallel_loop3A_234 = tpu.vector_load %arg8[%parallel_loop3A_232, %parallel_loop3A_233] {strides = array<i32>} : memref<256x64xf32, #tpu.memory_space<vmem>>, vector<1x16xf32>,
        %parallel_loop3A_235 = vector.shape_cast %parallel_loop3A_234 : vector<1x16xf32> to vector<16xf32>
        %parallel_loop3A_236 = arith.index_cast %parallel_loop3A_227 : i32 to index
        %parallel_loop3A_237 = arith.constant 0 : index
        %parallel_loop3A_238 = tpu.vector_load %arg6[%parallel_loop3A_236, %parallel_loop3A_237] {strides = array<i32>} : memref<446x64xf32, #tpu.memory_space<vmem>>, vector<1x16xf32>,
        %parallel_loop3A_239 = vector.shape_cast %parallel_loop3A_238 : vector<1x16xf32> to vector<16xf32>
        %parallel_loop3A_240 = arith.addf %parallel_loop3A_235, %parallel_loop3A_239 : vector<16xf32>
        %parallel_loop3A_241 = arith.index_cast %parallel_loop3A_231 : i32 to index
        %parallel_loop3A_242 = arith.constant 0 : index
        %parallel_loop3A_243 = tpu.vector_load %arg10[%parallel_loop3A_241, %parallel_loop3A_242] {strides = array<i32>} : memref<256x64xf32, #tpu.memory_space<vmem>>, vector<1x16xf32>,
        %parallel_loop3A_244 = vector.shape_cast %parallel_loop3A_243 : vector<1x16xf32> to vector<16xf32>
        %parallel_loop3A_245 = vector.shape_cast %parallel_loop3A_240 : vector<16xf32> to vector<1x16xf32>
        tpu.vector_store %arg10[%parallel_loop3A_241, %parallel_loop3A_242], %parallel_loop3A_245 {strides = array<i32>} : memref<256x64xf32, #tpu.memory_space<vmem>>, vector<1x16xf32>,
        %parallel_loop3A_246 = arith.index_cast %parallel_loop3A_231 : i32 to index
        %parallel_loop3A_247 = arith.constant 16 : index
        %parallel_loop3A_248 = tpu.vector_load %arg8[%parallel_loop3A_246, %parallel_loop3A_247] {strides = array<i32>} : memref<256x64xf32, #tpu.memory_space<vmem>>, vector<1x16xf32>,
        %parallel_loop3A_249 = vector.shape_cast %parallel_loop3A_248 : vector<1x16xf32> to vector<16xf32>
        %parallel_loop3A_250 = arith.index_cast %parallel_loop3A_227 : i32 to index
        %parallel_loop3A_251 = arith.constant 16 : index
        %parallel_loop3A_252 = tpu.vector_load %arg6[%parallel_loop3A_250, %parallel_loop3A_251] {strides = array<i32>} : memref<446x64xf32, #tpu.memory_space<vmem>>, vector<1x16xf32>,
        %parallel_loop3A_253 = vector.shape_cast %parallel_loop3A_252 : vector<1x16xf32> to vector<16xf32>
        %parallel_loop3A_254 = arith.addf %parallel_loop3A_249, %parallel_loop3A_253 : vector<16xf32>
        %parallel_loop3A_255 = arith.index_cast %parallel_loop3A_231 : i32 to index
        %parallel_loop3A_256 = arith.constant 16 : index
        %parallel_loop3A_257 = tpu.vector_load %arg10[%parallel_loop3A_255, %parallel_loop3A_256] {strides = array<i32>} : memref<256x64xf32, #tpu.memory_space<vmem>>, vector<1x16xf32>,
        %parallel_loop3A_258 = vector.shape_cast %parallel_loop3A_257 : vector<1x16xf32> to vector<16xf32>
        %parallel_loop3A_259 = vector.shape_cast %parallel_loop3A_254 : vector<16xf32> to vector<1x16xf32>
        tpu.vector_store %arg10[%parallel_loop3A_255, %parallel_loop3A_256], %parallel_loop3A_259 {strides = array<i32>} : memref<256x64xf32, #tpu.memory_space<vmem>>, vector<1x16xf32>,
        %parallel_loop3A_260 = arith.index_cast %parallel_loop3A_231 : i32 to index
        %parallel_loop3A_261 = arith.constant 32 : index
        %parallel_loop3A_262 = tpu.vector_load %arg8[%parallel_loop3A_260, %parallel_loop3A_261] {strides = array<i32>} : memref<256x64xf32, #tpu.memory_space<vmem>>, vector<1x16xf32>,
        %parallel_loop3A_263 = vector.shape_cast %parallel_loop3A_262 : vector<1x16xf32> to vector<16xf32>
        %parallel_loop3A_264 = arith.index_cast %parallel_loop3A_227 : i32 to index
        %parallel_loop3A_265 = arith.constant 32 : index
        %parallel_loop3A_266 = tpu.vector_load %arg6[%parallel_loop3A_264, %parallel_loop3A_265] {strides = array<i32>} : memref<446x64xf32, #tpu.memory_space<vmem>>, vector<1x16xf32>,
        %parallel_loop3A_267 = vector.shape_cast %parallel_loop3A_266 : vector<1x16xf32> to vector<16xf32>
        %parallel_loop3A_268 = arith.addf %parallel_loop3A_263, %parallel_loop3A_267 : vector<16xf32>
        %parallel_loop3A_269 = arith.index_cast %parallel_loop3A_231 : i32 to index
        %parallel_loop3A_270 = arith.constant 32 : index
        %parallel_loop3A_271 = tpu.vector_load %arg10[%parallel_loop3A_269, %parallel_loop3A_270] {strides = array<i32>} : memref<256x64xf32, #tpu.memory_space<vmem>>, vector<1x16xf32>,
        %parallel_loop3A_272 = vector.shape_cast %parallel_loop3A_271 : vector<1x16xf32> to vector<16xf32>
        %parallel_loop3A_273 = vector.shape_cast %parallel_loop3A_268 : vector<16xf32> to vector<1x16xf32>
        tpu.vector_store %arg10[%parallel_loop3A_269, %parallel_loop3A_270], %parallel_loop3A_273 {strides = array<i32>} : memref<256x64xf32, #tpu.memory_space<vmem>>, vector<1x16xf32>,
        %parallel_loop3A_274 = arith.index_cast %parallel_loop3A_231 : i32 to index
        %parallel_loop3A_275 = arith.constant 48 : index
        %parallel_loop3A_276 = tpu.vector_load %arg8[%parallel_loop3A_274, %parallel_loop3A_275] {strides = array<i32>} : memref<256x64xf32, #tpu.memory_space<vmem>>, vector<1x16xf32>,
        %parallel_loop3A_277 = vector.shape_cast %parallel_loop3A_276 : vector<1x16xf32> to vector<16xf32>
        %parallel_loop3A_278 = arith.index_cast %parallel_loop3A_227 : i32 to index
        %parallel_loop3A_279 = arith.constant 48 : index
        %parallel_loop3A_280 = tpu.vector_load %arg6[%parallel_loop3A_278, %parallel_loop3A_279] {strides = array<i32>} : memref<446x64xf32, #tpu.memory_space<vmem>>, vector<1x16xf32>,
        %parallel_loop3A_281 = vector.shape_cast %parallel_loop3A_280 : vector<1x16xf32> to vector<16xf32>
        %parallel_loop3A_282 = arith.addf %parallel_loop3A_277, %parallel_loop3A_281 : vector<16xf32>
        %parallel_loop3A_283 = arith.index_cast %parallel_loop3A_231 : i32 to index
        %parallel_loop3A_284 = arith.constant 48 : index
        %parallel_loop3A_285 = tpu.vector_load %arg10[%parallel_loop3A_283, %parallel_loop3A_284] {strides = array<i32>} : memref<256x64xf32, #tpu.memory_space<vmem>>, vector<1x16xf32>,
        %parallel_loop3A_286 = vector.shape_cast %parallel_loop3A_285 : vector<1x16xf32> to vector<16xf32>
        %parallel_loop3A_287 = vector.shape_cast %parallel_loop3A_282 : vector<16xf32> to vector<1x16xf32>
        tpu.vector_store %arg10[%parallel_loop3A_283, %parallel_loop3A_284], %parallel_loop3A_287 {strides = array<i32>} : memref<256x64xf32, #tpu.memory_space<vmem>>, vector<1x16xf32>,
        %parallel_loop3A_288 = vector.extract_strided_slice %parallel_loop3A_101 {offsets = [3], sizes = [1], strides = [1]} : vector<16xi32> to vector<1xi32>
        %parallel_loop3A_289 = vector.extract %parallel_loop3A_288[0] : i32 from vector<1xi32>
        %parallel_loop3A_290 = arith.constant 16 : i32
        %parallel_loop3A_291 = arith.muli %parallel_loop3A_93, %parallel_loop3A_290 : i32
        %parallel_loop3A_292 = arith.constant 3 : i32
        %parallel_loop3A_293 = arith.addi %parallel_loop3A_291, %parallel_loop3A_292 : i32
        %parallel_loop3A_294 = arith.index_cast %parallel_loop3A_293 : i32 to index
        %parallel_loop3A_295 = arith.constant 0 : index
        %parallel_loop3A_296 = tpu.vector_load %arg8[%parallel_loop3A_294, %parallel_loop3A_295] {strides = array<i32>} : memref<256x64xf32, #tpu.memory_space<vmem>>, vector<1x16xf32>,
        %parallel_loop3A_297 = vector.shape_cast %parallel_loop3A_296 : vector<1x16xf32> to vector<16xf32>
        %parallel_loop3A_298 = arith.index_cast %parallel_loop3A_289 : i32 to index
        %parallel_loop3A_299 = arith.constant 0 : index
        %parallel_loop3A_300 = tpu.vector_load %arg6[%parallel_loop3A_298, %parallel_loop3A_299] {strides = array<i32>} : memref<446x64xf32, #tpu.memory_space<vmem>>, vector<1x16xf32>,
        %parallel_loop3A_301 = vector.shape_cast %parallel_loop3A_300 : vector<1x16xf32> to vector<16xf32>
        %parallel_loop3A_302 = arith.addf %parallel_loop3A_297, %parallel_loop3A_301 : vector<16xf32>
        %parallel_loop3A_303 = arith.index_cast %parallel_loop3A_293 : i32 to index
        %parallel_loop3A_304 = arith.constant 0 : index
        %parallel_loop3A_305 = tpu.vector_load %arg10[%parallel_loop3A_303, %parallel_loop3A_304] {strides = array<i32>} : memref<256x64xf32, #tpu.memory_space<vmem>>, vector<1x16xf32>,
        %parallel_loop3A_306 = vector.shape_cast %parallel_loop3A_305 : vector<1x16xf32> to vector<16xf32>
        %parallel_loop3A_307 = vector.shape_cast %parallel_loop3A_302 : vector<16xf32> to vector<1x16xf32>
        tpu.vector_store %arg10[%parallel_loop3A_303, %parallel_loop3A_304], %parallel_loop3A_307 {strides = array<i32>} : memref<256x64xf32, #tpu.memory_space<vmem>>, vector<1x16xf32>,
        %parallel_loop3A_308 = arith.index_cast %parallel_loop3A_293 : i32 to index
        %parallel_loop3A_309 = arith.constant 16 : index
        %parallel_loop3A_310 = tpu.vector_load %arg8[%parallel_loop3A_308, %parallel_loop3A_309] {strides = array<i32>} : memref<256x64xf32, #tpu.memory_space<vmem>>, vector<1x16xf32>,
        %parallel_loop3A_311 = vector.shape_cast %parallel_loop3A_310 : vector<1x16xf32> to vector<16xf32>
        %parallel_loop3A_312 = arith.index_cast %parallel_loop3A_289 : i32 to index
        %parallel_loop3A_313 = arith.constant 16 : index
        %parallel_loop3A_314 = tpu.vector_load %arg6[%parallel_loop3A_312, %parallel_loop3A_313] {strides = array<i32>} : memref<446x64xf32, #tpu.memory_space<vmem>>, vector<1x16xf32>,
        %parallel_loop3A_315 = vector.shape_cast %parallel_loop3A_314 : vector<1x16xf32> to vector<16xf32>
        %parallel_loop3A_316 = arith.addf %parallel_loop3A_311, %parallel_loop3A_315 : vector<16xf32>
        %parallel_loop3A_317 = arith.index_cast %parallel_loop3A_293 : i32 to index
        %parallel_loop3A_318 = arith.constant 16 : index
        %parallel_loop3A_319 = tpu.vector_load %arg10[%parallel_loop3A_317, %parallel_loop3A_318] {strides = array<i32>} : memref<256x64xf32, #tpu.memory_space<vmem>>, vector<1x16xf32>,
        %parallel_loop3A_320 = vector.shape_cast %parallel_loop3A_319 : vector<1x16xf32> to vector<16xf32>
        %parallel_loop3A_321 = vector.shape_cast %parallel_loop3A_316 : vector<16xf32> to vector<1x16xf32>
        tpu.vector_store %arg10[%parallel_loop3A_317, %parallel_loop3A_318], %parallel_loop3A_321 {strides = array<i32>} : memref<256x64xf32, #tpu.memory_space<vmem>>, vector<1x16xf32>,
        %parallel_loop3A_322 = arith.index_cast %parallel_loop3A_293 : i32 to index
        %parallel_loop3A_323 = arith.constant 32 : index
        %parallel_loop3A_324 = tpu.vector_load %arg8[%parallel_loop3A_322, %parallel_loop3A_323] {strides = array<i32>} : memref<256x64xf32, #tpu.memory_space<vmem>>, vector<1x16xf32>,
        %parallel_loop3A_325 = vector.shape_cast %parallel_loop3A_324 : vector<1x16xf32> to vector<16xf32>
        %parallel_loop3A_326 = arith.index_cast %parallel_loop3A_289 : i32 to index
        %parallel_loop3A_327 = arith.constant 32 : index
        %parallel_loop3A_328 = tpu.vector_load %arg6[%parallel_loop3A_326, %parallel_loop3A_327] {strides = array<i32>} : memref<446x64xf32, #tpu.memory_space<vmem>>, vector<1x16xf32>,
        %parallel_loop3A_329 = vector.shape_cast %parallel_loop3A_328 : vector<1x16xf32> to vector<16xf32>
        %parallel_loop3A_330 = arith.addf %parallel_loop3A_325, %parallel_loop3A_329 : vector<16xf32>
        %parallel_loop3A_331 = arith.index_cast %parallel_loop3A_293 : i32 to index
        %parallel_loop3A_332 = arith.constant 32 : index
        %parallel_loop3A_333 = tpu.vector_load %arg10[%parallel_loop3A_331, %parallel_loop3A_332] {strides = array<i32>} : memref<256x64xf32, #tpu.memory_space<vmem>>, vector<1x16xf32>,
        %parallel_loop3A_334 = vector.shape_cast %parallel_loop3A_333 : vector<1x16xf32> to vector<16xf32>
        %parallel_loop3A_335 = vector.shape_cast %parallel_loop3A_330 : vector<16xf32> to vector<1x16xf32>
        tpu.vector_store %arg10[%parallel_loop3A_331, %parallel_loop3A_332], %parallel_loop3A_335 {strides = array<i32>} : memref<256x64xf32, #tpu.memory_space<vmem>>, vector<1x16xf32>,
        %parallel_loop3A_336 = arith.index_cast %parallel_loop3A_293 : i32 to index
        %parallel_loop3A_337 = arith.constant 48 : index
        %parallel_loop3A_338 = tpu.vector_load %arg8[%parallel_loop3A_336, %parallel_loop3A_337] {strides = array<i32>} : memref<256x64xf32, #tpu.memory_space<vmem>>, vector<1x16xf32>,
        %parallel_loop3A_339 = vector.shape_cast %parallel_loop3A_338 : vector<1x16xf32> to vector<16xf32>
        %parallel_loop3A_340 = arith.index_cast %parallel_loop3A_289 : i32 to index
        %parallel_loop3A_341 = arith.constant 48 : index
        %parallel_loop3A_342 = tpu.vector_load %arg6[%parallel_loop3A_340, %parallel_loop3A_341] {strides = array<i32>} : memref<446x64xf32, #tpu.memory_space<vmem>>, vector<1x16xf32>,
        %parallel_loop3A_343 = vector.shape_cast %parallel_loop3A_342 : vector<1x16xf32> to vector<16xf32>
        %parallel_loop3A_344 = arith.addf %parallel_loop3A_339, %parallel_loop3A_343 : vector<16xf32>
        %parallel_loop3A_345 = arith.index_cast %parallel_loop3A_293 : i32 to index
        %parallel_loop3A_346 = arith.constant 48 : index
        %parallel_loop3A_347 = tpu.vector_load %arg10[%parallel_loop3A_345, %parallel_loop3A_346] {strides = array<i32>} : memref<256x64xf32, #tpu.memory_space<vmem>>, vector<1x16xf32>,
        %parallel_loop3A_348 = vector.shape_cast %parallel_loop3A_347 : vector<1x16xf32> to vector<16xf32>
        %parallel_loop3A_349 = vector.shape_cast %parallel_loop3A_344 : vector<16xf32> to vector<1x16xf32>
        tpu.vector_store %arg10[%parallel_loop3A_345, %parallel_loop3A_346], %parallel_loop3A_349 {strides = array<i32>} : memref<256x64xf32, #tpu.memory_space<vmem>>, vector<1x16xf32>,
        %parallel_loop3A_350 = vector.extract_strided_slice %parallel_loop3A_101 {offsets = [4], sizes = [1], strides = [1]} : vector<16xi32> to vector<1xi32>
        %parallel_loop3A_351 = vector.extract %parallel_loop3A_350[0] : i32 from vector<1xi32>
        %parallel_loop3A_352 = arith.constant 16 : i32
        %parallel_loop3A_353 = arith.muli %parallel_loop3A_93, %parallel_loop3A_352 : i32
        %parallel_loop3A_354 = arith.constant 4 : i32
        %parallel_loop3A_355 = arith.addi %parallel_loop3A_353, %parallel_loop3A_354 : i32
        %parallel_loop3A_356 = arith.index_cast %parallel_loop3A_355 : i32 to index
        %parallel_loop3A_357 = arith.constant 0 : index
        %parallel_loop3A_358 = tpu.vector_load %arg8[%parallel_loop3A_356, %parallel_loop3A_357] {strides = array<i32>} : memref<256x64xf32, #tpu.memory_space<vmem>>, vector<1x16xf32>,
        %parallel_loop3A_359 = vector.shape_cast %parallel_loop3A_358 : vector<1x16xf32> to vector<16xf32>
        %parallel_loop3A_360 = arith.index_cast %parallel_loop3A_351 : i32 to index
        %parallel_loop3A_361 = arith.constant 0 : index
        %parallel_loop3A_362 = tpu.vector_load %arg6[%parallel_loop3A_360, %parallel_loop3A_361] {strides = array<i32>} : memref<446x64xf32, #tpu.memory_space<vmem>>, vector<1x16xf32>,
        %parallel_loop3A_363 = vector.shape_cast %parallel_loop3A_362 : vector<1x16xf32> to vector<16xf32>
        %parallel_loop3A_364 = arith.addf %parallel_loop3A_359, %parallel_loop3A_363 : vector<16xf32>
        %parallel_loop3A_365 = arith.index_cast %parallel_loop3A_355 : i32 to index
        %parallel_loop3A_366 = arith.constant 0 : index
        %parallel_loop3A_367 = tpu.vector_load %arg10[%parallel_loop3A_365, %parallel_loop3A_366] {strides = array<i32>} : memref<256x64xf32, #tpu.memory_space<vmem>>, vector<1x16xf32>,
        %parallel_loop3A_368 = vector.shape_cast %parallel_loop3A_367 : vector<1x16xf32> to vector<16xf32>
        %parallel_loop3A_369 = vector.shape_cast %parallel_loop3A_364 : vector<16xf32> to vector<1x16xf32>
        tpu.vector_store %arg10[%parallel_loop3A_365, %parallel_loop3A_366], %parallel_loop3A_369 {strides = array<i32>} : memref<256x64xf32, #tpu.memory_space<vmem>>, vector<1x16xf32>,
        %parallel_loop3A_370 = arith.index_cast %parallel_loop3A_355 : i32 to index
        %parallel_loop3A_371 = arith.constant 16 : index
        %parallel_loop3A_372 = tpu.vector_load %arg8[%parallel_loop3A_370, %parallel_loop3A_371] {strides = array<i32>} : memref<256x64xf32, #tpu.memory_space<vmem>>, vector<1x16xf32>,
        %parallel_loop3A_373 = vector.shape_cast %parallel_loop3A_372 : vector<1x16xf32> to vector<16xf32>
        %parallel_loop3A_374 = arith.index_cast %parallel_loop3A_351 : i32 to index
        %parallel_loop3A_375 = arith.constant 16 : index
        %parallel_loop3A_376 = tpu.vector_load %arg6[%parallel_loop3A_374, %parallel_loop3A_375] {strides = array<i32>} : memref<446x64xf32, #tpu.memory_space<vmem>>, vector<1x16xf32>,
        %parallel_loop3A_377 = vector.shape_cast %parallel_loop3A_376 : vector<1x16xf32> to vector<16xf32>
        %parallel_loop3A_378 = arith.addf %parallel_loop3A_373, %parallel_loop3A_377 : vector<16xf32>
        %parallel_loop3A_379 = arith.index_cast %parallel_loop3A_355 : i32 to index
        %parallel_loop3A_380 = arith.constant 16 : index
        %parallel_loop3A_381 = tpu.vector_load %arg10[%parallel_loop3A_379, %parallel_loop3A_380] {strides = array<i32>} : memref<256x64xf32, #tpu.memory_space<vmem>>, vector<1x16xf32>,
        %parallel_loop3A_382 = vector.shape_cast %parallel_loop3A_381 : vector<1x16xf32> to vector<16xf32>
        %parallel_loop3A_383 = vector.shape_cast %parallel_loop3A_378 : vector<16xf32> to vector<1x16xf32>
        tpu.vector_store %arg10[%parallel_loop3A_379, %parallel_loop3A_380], %parallel_loop3A_383 {strides = array<i32>} : memref<256x64xf32, #tpu.memory_space<vmem>>, vector<1x16xf32>,
        %parallel_loop3A_384 = arith.index_cast %parallel_loop3A_355 : i32 to index
        %parallel_loop3A_385 = arith.constant 32 : index
        %parallel_loop3A_386 = tpu.vector_load %arg8[%parallel_loop3A_384, %parallel_loop3A_385] {strides = array<i32>} : memref<256x64xf32, #tpu.memory_space<vmem>>, vector<1x16xf32>,
        %parallel_loop3A_387 = vector.shape_cast %parallel_loop3A_386 : vector<1x16xf32> to vector<16xf32>
        %parallel_loop3A_388 = arith.index_cast %parallel_loop3A_351 : i32 to index
        %parallel_loop3A_389 = arith.constant 32 : index
        %parallel_loop3A_390 = tpu.vector_load %arg6[%parallel_loop3A_388, %parallel_loop3A_389] {strides = array<i32>} : memref<446x64xf32, #tpu.memory_space<vmem>>, vector<1x16xf32>,
        %parallel_loop3A_391 = vector.shape_cast %parallel_loop3A_390 : vector<1x16xf32> to vector<16xf32>
        %parallel_loop3A_392 = arith.addf %parallel_loop3A_387, %parallel_loop3A_391 : vector<16xf32>
        %parallel_loop3A_393 = arith.index_cast %parallel_loop3A_355 : i32 to index
        %parallel_loop3A_394 = arith.constant 32 : index
        %parallel_loop3A_395 = tpu.vector_load %arg10[%parallel_loop3A_393, %parallel_loop3A_394] {strides = array<i32>} : memref<256x64xf32, #tpu.memory_space<vmem>>, vector<1x16xf32>,
        %parallel_loop3A_396 = vector.shape_cast %parallel_loop3A_395 : vector<1x16xf32> to vector<16xf32>
        %parallel_loop3A_397 = vector.shape_cast %parallel_loop3A_392 : vector<16xf32> to vector<1x16xf32>
        tpu.vector_store %arg10[%parallel_loop3A_393, %parallel_loop3A_394], %parallel_loop3A_397 {strides = array<i32>} : memref<256x64xf32, #tpu.memory_space<vmem>>, vector<1x16xf32>,
        %parallel_loop3A_398 = arith.index_cast %parallel_loop3A_355 : i32 to index
        %parallel_loop3A_399 = arith.constant 48 : index
        %parallel_loop3A_400 = tpu.vector_load %arg8[%parallel_loop3A_398, %parallel_loop3A_399] {strides = array<i32>} : memref<256x64xf32, #tpu.memory_space<vmem>>, vector<1x16xf32>,
        %parallel_loop3A_401 = vector.shape_cast %parallel_loop3A_400 : vector<1x16xf32> to vector<16xf32>
        %parallel_loop3A_402 = arith.index_cast %parallel_loop3A_351 : i32 to index
        %parallel_loop3A_403 = arith.constant 48 : index
        %parallel_loop3A_404 = tpu.vector_load %arg6[%parallel_loop3A_402, %parallel_loop3A_403] {strides = array<i32>} : memref<446x64xf32, #tpu.memory_space<vmem>>, vector<1x16xf32>,
        %parallel_loop3A_405 = vector.shape_cast %parallel_loop3A_404 : vector<1x16xf32> to vector<16xf32>
        %parallel_loop3A_406 = arith.addf %parallel_loop3A_401, %parallel_loop3A_405 : vector<16xf32>
        %parallel_loop3A_407 = arith.index_cast %parallel_loop3A_355 : i32 to index
        %parallel_loop3A_408 = arith.constant 48 : index
        %parallel_loop3A_409 = tpu.vector_load %arg10[%parallel_loop3A_407, %parallel_loop3A_408] {strides = array<i32>} : memref<256x64xf32, #tpu.memory_space<vmem>>, vector<1x16xf32>,
        %parallel_loop3A_410 = vector.shape_cast %parallel_loop3A_409 : vector<1x16xf32> to vector<16xf32>
        %parallel_loop3A_411 = vector.shape_cast %parallel_loop3A_406 : vector<16xf32> to vector<1x16xf32>
        tpu.vector_store %arg10[%parallel_loop3A_407, %parallel_loop3A_408], %parallel_loop3A_411 {strides = array<i32>} : memref<256x64xf32, #tpu.memory_space<vmem>>, vector<1x16xf32>,
        %parallel_loop3A_412 = vector.extract_strided_slice %parallel_loop3A_101 {offsets = [5], sizes = [1], strides = [1]} : vector<16xi32> to vector<1xi32>
        %parallel_loop3A_413 = vector.extract %parallel_loop3A_412[0] : i32 from vector<1xi32>
        %parallel_loop3A_414 = arith.constant 16 : i32
        %parallel_loop3A_415 = arith.muli %parallel_loop3A_93, %parallel_loop3A_414 : i32
        %parallel_loop3A_416 = arith.constant 5 : i32
        %parallel_loop3A_417 = arith.addi %parallel_loop3A_415, %parallel_loop3A_416 : i32
        %parallel_loop3A_418 = arith.index_cast %parallel_loop3A_417 : i32 to index
        %parallel_loop3A_419 = arith.constant 0 : index
        %parallel_loop3A_420 = tpu.vector_load %arg8[%parallel_loop3A_418, %parallel_loop3A_419] {strides = array<i32>} : memref<256x64xf32, #tpu.memory_space<vmem>>, vector<1x16xf32>,
        %parallel_loop3A_421 = vector.shape_cast %parallel_loop3A_420 : vector<1x16xf32> to vector<16xf32>
        %parallel_loop3A_422 = arith.index_cast %parallel_loop3A_413 : i32 to index
        %parallel_loop3A_423 = arith.constant 0 : index
        %parallel_loop3A_424 = tpu.vector_load %arg6[%parallel_loop3A_422, %parallel_loop3A_423] {strides = array<i32>} : memref<446x64xf32, #tpu.memory_space<vmem>>, vector<1x16xf32>,
        %parallel_loop3A_425 = vector.shape_cast %parallel_loop3A_424 : vector<1x16xf32> to vector<16xf32>
        %parallel_loop3A_426 = arith.addf %parallel_loop3A_421, %parallel_loop3A_425 : vector<16xf32>
        %parallel_loop3A_427 = arith.index_cast %parallel_loop3A_417 : i32 to index
        %parallel_loop3A_428 = arith.constant 0 : index
        %parallel_loop3A_429 = tpu.vector_load %arg10[%parallel_loop3A_427, %parallel_loop3A_428] {strides = array<i32>} : memref<256x64xf32, #tpu.memory_space<vmem>>, vector<1x16xf32>,
        %parallel_loop3A_430 = vector.shape_cast %parallel_loop3A_429 : vector<1x16xf32> to vector<16xf32>
        %parallel_loop3A_431 = vector.shape_cast %parallel_loop3A_426 : vector<16xf32> to vector<1x16xf32>
        tpu.vector_store %arg10[%parallel_loop3A_427, %parallel_loop3A_428], %parallel_loop3A_431 {strides = array<i32>} : memref<256x64xf32, #tpu.memory_space<vmem>>, vector<1x16xf32>,
        %parallel_loop3A_432 = arith.index_cast %parallel_loop3A_417 : i32 to index
        %parallel_loop3A_433 = arith.constant 16 : index
        %parallel_loop3A_434 = tpu.vector_load %arg8[%parallel_loop3A_432, %parallel_loop3A_433] {strides = array<i32>} : memref<256x64xf32, #tpu.memory_space<vmem>>, vector<1x16xf32>,
        %parallel_loop3A_435 = vector.shape_cast %parallel_loop3A_434 : vector<1x16xf32> to vector<16xf32>
        %parallel_loop3A_436 = arith.index_cast %parallel_loop3A_413 : i32 to index
        %parallel_loop3A_437 = arith.constant 16 : index
        %parallel_loop3A_438 = tpu.vector_load %arg6[%parallel_loop3A_436, %parallel_loop3A_437] {strides = array<i32>} : memref<446x64xf32, #tpu.memory_space<vmem>>, vector<1x16xf32>,
        %parallel_loop3A_439 = vector.shape_cast %parallel_loop3A_438 : vector<1x16xf32> to vector<16xf32>
        %parallel_loop3A_440 = arith.addf %parallel_loop3A_435, %parallel_loop3A_439 : vector<16xf32>
        %parallel_loop3A_441 = arith.index_cast %parallel_loop3A_417 : i32 to index
        %parallel_loop3A_442 = arith.constant 16 : index
        %parallel_loop3A_443 = tpu.vector_load %arg10[%parallel_loop3A_441, %parallel_loop3A_442] {strides = array<i32>} : memref<256x64xf32, #tpu.memory_space<vmem>>, vector<1x16xf32>,
        %parallel_loop3A_444 = vector.shape_cast %parallel_loop3A_443 : vector<1x16xf32> to vector<16xf32>
        %parallel_loop3A_445 = vector.shape_cast %parallel_loop3A_440 : vector<16xf32> to vector<1x16xf32>
        tpu.vector_store %arg10[%parallel_loop3A_441, %parallel_loop3A_442], %parallel_loop3A_445 {strides = array<i32>} : memref<256x64xf32, #tpu.memory_space<vmem>>, vector<1x16xf32>,
        %parallel_loop3A_446 = arith.index_cast %parallel_loop3A_417 : i32 to index
        %parallel_loop3A_447 = arith.constant 32 : index
        %parallel_loop3A_448 = tpu.vector_load %arg8[%parallel_loop3A_446, %parallel_loop3A_447] {strides = array<i32>} : memref<256x64xf32, #tpu.memory_space<vmem>>, vector<1x16xf32>,
        %parallel_loop3A_449 = vector.shape_cast %parallel_loop3A_448 : vector<1x16xf32> to vector<16xf32>
        %parallel_loop3A_450 = arith.index_cast %parallel_loop3A_413 : i32 to index
        %parallel_loop3A_451 = arith.constant 32 : index
        %parallel_loop3A_452 = tpu.vector_load %arg6[%parallel_loop3A_450, %parallel_loop3A_451] {strides = array<i32>} : memref<446x64xf32, #tpu.memory_space<vmem>>, vector<1x16xf32>,
        %parallel_loop3A_453 = vector.shape_cast %parallel_loop3A_452 : vector<1x16xf32> to vector<16xf32>
        %parallel_loop3A_454 = arith.addf %parallel_loop3A_449, %parallel_loop3A_453 : vector<16xf32>
        %parallel_loop3A_455 = arith.index_cast %parallel_loop3A_417 : i32 to index
        %parallel_loop3A_456 = arith.constant 32 : index
        %parallel_loop3A_457 = tpu.vector_load %arg10[%parallel_loop3A_455, %parallel_loop3A_456] {strides = array<i32>} : memref<256x64xf32, #tpu.memory_space<vmem>>, vector<1x16xf32>,
        %parallel_loop3A_458 = vector.shape_cast %parallel_loop3A_457 : vector<1x16xf32> to vector<16xf32>
        %parallel_loop3A_459 = vector.shape_cast %parallel_loop3A_454 : vector<16xf32> to vector<1x16xf32>
        tpu.vector_store %arg10[%parallel_loop3A_455, %parallel_loop3A_456], %parallel_loop3A_459 {strides = array<i32>} : memref<256x64xf32, #tpu.memory_space<vmem>>, vector<1x16xf32>,
        %parallel_loop3A_460 = arith.index_cast %parallel_loop3A_417 : i32 to index
        %parallel_loop3A_461 = arith.constant 48 : index
        %parallel_loop3A_462 = tpu.vector_load %arg8[%parallel_loop3A_460, %parallel_loop3A_461] {strides = array<i32>} : memref<256x64xf32, #tpu.memory_space<vmem>>, vector<1x16xf32>,
        %parallel_loop3A_463 = vector.shape_cast %parallel_loop3A_462 : vector<1x16xf32> to vector<16xf32>
        %parallel_loop3A_464 = arith.index_cast %parallel_loop3A_413 : i32 to index
        %parallel_loop3A_465 = arith.constant 48 : index
        %parallel_loop3A_466 = tpu.vector_load %arg6[%parallel_loop3A_464, %parallel_loop3A_465] {strides = array<i32>} : memref<446x64xf32, #tpu.memory_space<vmem>>, vector<1x16xf32>,
        %parallel_loop3A_467 = vector.shape_cast %parallel_loop3A_466 : vector<1x16xf32> to vector<16xf32>
        %parallel_loop3A_468 = arith.addf %parallel_loop3A_463, %parallel_loop3A_467 : vector<16xf32>
        %parallel_loop3A_469 = arith.index_cast %parallel_loop3A_417 : i32 to index
        %parallel_loop3A_470 = arith.constant 48 : index
        %parallel_loop3A_471 = tpu.vector_load %arg10[%parallel_loop3A_469, %parallel_loop3A_470] {strides = array<i32>} : memref<256x64xf32, #tpu.memory_space<vmem>>, vector<1x16xf32>,
        %parallel_loop3A_472 = vector.shape_cast %parallel_loop3A_471 : vector<1x16xf32> to vector<16xf32>
        %parallel_loop3A_473 = vector.shape_cast %parallel_loop3A_468 : vector<16xf32> to vector<1x16xf32>
        tpu.vector_store %arg10[%parallel_loop3A_469, %parallel_loop3A_470], %parallel_loop3A_473 {strides = array<i32>} : memref<256x64xf32, #tpu.memory_space<vmem>>, vector<1x16xf32>,
        %parallel_loop3A_474 = vector.extract_strided_slice %parallel_loop3A_101 {offsets = [6], sizes = [1], strides = [1]} : vector<16xi32> to vector<1xi32>
        %parallel_loop3A_475 = vector.extract %parallel_loop3A_474[0] : i32 from vector<1xi32>
        %parallel_loop3A_476 = arith.constant 16 : i32
        %parallel_loop3A_477 = arith.muli %parallel_loop3A_93, %parallel_loop3A_476 : i32
        %parallel_loop3A_478 = arith.constant 6 : i32
        %parallel_loop3A_479 = arith.addi %parallel_loop3A_477, %parallel_loop3A_478 : i32
        %parallel_loop3A_480 = arith.index_cast %parallel_loop3A_479 : i32 to index
        %parallel_loop3A_481 = arith.constant 0 : index
        %parallel_loop3A_482 = tpu.vector_load %arg8[%parallel_loop3A_480, %parallel_loop3A_481] {strides = array<i32>} : memref<256x64xf32, #tpu.memory_space<vmem>>, vector<1x16xf32>,
        %parallel_loop3A_483 = vector.shape_cast %parallel_loop3A_482 : vector<1x16xf32> to vector<16xf32>
        %parallel_loop3A_484 = arith.index_cast %parallel_loop3A_475 : i32 to index
        %parallel_loop3A_485 = arith.constant 0 : index
        %parallel_loop3A_486 = tpu.vector_load %arg6[%parallel_loop3A_484, %parallel_loop3A_485] {strides = array<i32>} : memref<446x64xf32, #tpu.memory_space<vmem>>, vector<1x16xf32>,
        %parallel_loop3A_487 = vector.shape_cast %parallel_loop3A_486 : vector<1x16xf32> to vector<16xf32>
        %parallel_loop3A_488 = arith.addf %parallel_loop3A_483, %parallel_loop3A_487 : vector<16xf32>
        %parallel_loop3A_489 = arith.index_cast %parallel_loop3A_479 : i32 to index
        %parallel_loop3A_490 = arith.constant 0 : index
        %parallel_loop3A_491 = tpu.vector_load %arg10[%parallel_loop3A_489, %parallel_loop3A_490] {strides = array<i32>} : memref<256x64xf32, #tpu.memory_space<vmem>>, vector<1x16xf32>,
        %parallel_loop3A_492 = vector.shape_cast %parallel_loop3A_491 : vector<1x16xf32> to vector<16xf32>
        %parallel_loop3A_493 = vector.shape_cast %parallel_loop3A_488 : vector<16xf32> to vector<1x16xf32>
        tpu.vector_store %arg10[%parallel_loop3A_489, %parallel_loop3A_490], %parallel_loop3A_493 {strides = array<i32>} : memref<256x64xf32, #tpu.memory_space<vmem>>, vector<1x16xf32>,
        %parallel_loop3A_494 = arith.index_cast %parallel_loop3A_479 : i32 to index
        %parallel_loop3A_495 = arith.constant 16 : index
        %parallel_loop3A_496 = tpu.vector_load %arg8[%parallel_loop3A_494, %parallel_loop3A_495] {strides = array<i32>} : memref<256x64xf32, #tpu.memory_space<vmem>>, vector<1x16xf32>,
        %parallel_loop3A_497 = vector.shape_cast %parallel_loop3A_496 : vector<1x16xf32> to vector<16xf32>
        %parallel_loop3A_498 = arith.index_cast %parallel_loop3A_475 : i32 to index
        %parallel_loop3A_499 = arith.constant 16 : index
        %parallel_loop3A_500 = tpu.vector_load %arg6[%parallel_loop3A_498, %parallel_loop3A_499] {strides = array<i32>} : memref<446x64xf32, #tpu.memory_space<vmem>>, vector<1x16xf32>,
        %parallel_loop3A_501 = vector.shape_cast %parallel_loop3A_500 : vector<1x16xf32> to vector<16xf32>
        %parallel_loop3A_502 = arith.addf %parallel_loop3A_497, %parallel_loop3A_501 : vector<16xf32>
        %parallel_loop3A_503 = arith.index_cast %parallel_loop3A_479 : i32 to index
        %parallel_loop3A_504 = arith.constant 16 : index
        %parallel_loop3A_505 = tpu.vector_load %arg10[%parallel_loop3A_503, %parallel_loop3A_504] {strides = array<i32>} : memref<256x64xf32, #tpu.memory_space<vmem>>, vector<1x16xf32>,
        %parallel_loop3A_506 = vector.shape_cast %parallel_loop3A_505 : vector<1x16xf32> to vector<16xf32>
        %parallel_loop3A_507 = vector.shape_cast %parallel_loop3A_502 : vector<16xf32> to vector<1x16xf32>
        tpu.vector_store %arg10[%parallel_loop3A_503, %parallel_loop3A_504], %parallel_loop3A_507 {strides = array<i32>} : memref<256x64xf32, #tpu.memory_space<vmem>>, vector<1x16xf32>,
        %parallel_loop3A_508 = arith.index_cast %parallel_loop3A_479 : i32 to index
        %parallel_loop3A_509 = arith.constant 32 : index
        %parallel_loop3A_510 = tpu.vector_load %arg8[%parallel_loop3A_508, %parallel_loop3A_509] {strides = array<i32>} : memref<256x64xf32, #tpu.memory_space<vmem>>, vector<1x16xf32>,
        %parallel_loop3A_511 = vector.shape_cast %parallel_loop3A_510 : vector<1x16xf32> to vector<16xf32>
        %parallel_loop3A_512 = arith.index_cast %parallel_loop3A_475 : i32 to index
        %parallel_loop3A_513 = arith.constant 32 : index
        %parallel_loop3A_514 = tpu.vector_load %arg6[%parallel_loop3A_512, %parallel_loop3A_513] {strides = array<i32>} : memref<446x64xf32, #tpu.memory_space<vmem>>, vector<1x16xf32>,
        %parallel_loop3A_515 = vector.shape_cast %parallel_loop3A_514 : vector<1x16xf32> to vector<16xf32>
        %parallel_loop3A_516 = arith.addf %parallel_loop3A_511, %parallel_loop3A_515 : vector<16xf32>
        %parallel_loop3A_517 = arith.index_cast %parallel_loop3A_479 : i32 to index
        %parallel_loop3A_518 = arith.constant 32 : index
        %parallel_loop3A_519 = tpu.vector_load %arg10[%parallel_loop3A_517, %parallel_loop3A_518] {strides = array<i32>} : memref<256x64xf32, #tpu.memory_space<vmem>>, vector<1x16xf32>,
        %parallel_loop3A_520 = vector.shape_cast %parallel_loop3A_519 : vector<1x16xf32> to vector<16xf32>
        %parallel_loop3A_521 = vector.shape_cast %parallel_loop3A_516 : vector<16xf32> to vector<1x16xf32>
        tpu.vector_store %arg10[%parallel_loop3A_517, %parallel_loop3A_518], %parallel_loop3A_521 {strides = array<i32>} : memref<256x64xf32, #tpu.memory_space<vmem>>, vector<1x16xf32>,
        %parallel_loop3A_522 = arith.index_cast %parallel_loop3A_479 : i32 to index
        %parallel_loop3A_523 = arith.constant 48 : index
        %parallel_loop3A_524 = tpu.vector_load %arg8[%parallel_loop3A_522, %parallel_loop3A_523] {strides = array<i32>} : memref<256x64xf32, #tpu.memory_space<vmem>>, vector<1x16xf32>,
        %parallel_loop3A_525 = vector.shape_cast %parallel_loop3A_524 : vector<1x16xf32> to vector<16xf32>
        %parallel_loop3A_526 = arith.index_cast %parallel_loop3A_475 : i32 to index
        %parallel_loop3A_527 = arith.constant 48 : index
        %parallel_loop3A_528 = tpu.vector_load %arg6[%parallel_loop3A_526, %parallel_loop3A_527] {strides = array<i32>} : memref<446x64xf32, #tpu.memory_space<vmem>>, vector<1x16xf32>,
        %parallel_loop3A_529 = vector.shape_cast %parallel_loop3A_528 : vector<1x16xf32> to vector<16xf32>
        %parallel_loop3A_530 = arith.addf %parallel_loop3A_525, %parallel_loop3A_529 : vector<16xf32>
        %parallel_loop3A_531 = arith.index_cast %parallel_loop3A_479 : i32 to index
        %parallel_loop3A_532 = arith.constant 48 : index
        %parallel_loop3A_533 = tpu.vector_load %arg10[%parallel_loop3A_531, %parallel_loop3A_532] {strides = array<i32>} : memref<256x64xf32, #tpu.memory_space<vmem>>, vector<1x16xf32>,
        %parallel_loop3A_534 = vector.shape_cast %parallel_loop3A_533 : vector<1x16xf32> to vector<16xf32>
        %parallel_loop3A_535 = vector.shape_cast %parallel_loop3A_530 : vector<16xf32> to vector<1x16xf32>
        tpu.vector_store %arg10[%parallel_loop3A_531, %parallel_loop3A_532], %parallel_loop3A_535 {strides = array<i32>} : memref<256x64xf32, #tpu.memory_space<vmem>>, vector<1x16xf32>,
        %parallel_loop3A_536 = vector.extract_strided_slice %parallel_loop3A_101 {offsets = [7], sizes = [1], strides = [1]} : vector<16xi32> to vector<1xi32>
        %parallel_loop3A_537 = vector.extract %parallel_loop3A_536[0] : i32 from vector<1xi32>
        %parallel_loop3A_538 = arith.constant 16 : i32
        %parallel_loop3A_539 = arith.muli %parallel_loop3A_93, %parallel_loop3A_538 : i32
        %parallel_loop3A_540 = arith.constant 7 : i32
        %parallel_loop3A_541 = arith.addi %parallel_loop3A_539, %parallel_loop3A_540 : i32
        %parallel_loop3A_542 = arith.index_cast %parallel_loop3A_541 : i32 to index
        %parallel_loop3A_543 = arith.constant 0 : index
        %parallel_loop3A_544 = tpu.vector_load %arg8[%parallel_loop3A_542, %parallel_loop3A_543] {strides = array<i32>} : memref<256x64xf32, #tpu.memory_space<vmem>>, vector<1x16xf32>,
        %parallel_loop3A_545 = vector.shape_cast %parallel_loop3A_544 : vector<1x16xf32> to vector<16xf32>
        %parallel_loop3A_546 = arith.index_cast %parallel_loop3A_537 : i32 to index
        %parallel_loop3A_547 = arith.constant 0 : index
        %parallel_loop3A_548 = tpu.vector_load %arg6[%parallel_loop3A_546, %parallel_loop3A_547] {strides = array<i32>} : memref<446x64xf32, #tpu.memory_space<vmem>>, vector<1x16xf32>,
        %parallel_loop3A_549 = vector.shape_cast %parallel_loop3A_548 : vector<1x16xf32> to vector<16xf32>
        %parallel_loop3A_550 = arith.addf %parallel_loop3A_545, %parallel_loop3A_549 : vector<16xf32>
        %parallel_loop3A_551 = arith.index_cast %parallel_loop3A_541 : i32 to index
        %parallel_loop3A_552 = arith.constant 0 : index
        %parallel_loop3A_553 = tpu.vector_load %arg10[%parallel_loop3A_551, %parallel_loop3A_552] {strides = array<i32>} : memref<256x64xf32, #tpu.memory_space<vmem>>, vector<1x16xf32>,
        %parallel_loop3A_554 = vector.shape_cast %parallel_loop3A_553 : vector<1x16xf32> to vector<16xf32>
        %parallel_loop3A_555 = vector.shape_cast %parallel_loop3A_550 : vector<16xf32> to vector<1x16xf32>
        tpu.vector_store %arg10[%parallel_loop3A_551, %parallel_loop3A_552], %parallel_loop3A_555 {strides = array<i32>} : memref<256x64xf32, #tpu.memory_space<vmem>>, vector<1x16xf32>,
        %parallel_loop3A_556 = arith.index_cast %parallel_loop3A_541 : i32 to index
        %parallel_loop3A_557 = arith.constant 16 : index
        %parallel_loop3A_558 = tpu.vector_load %arg8[%parallel_loop3A_556, %parallel_loop3A_557] {strides = array<i32>} : memref<256x64xf32, #tpu.memory_space<vmem>>, vector<1x16xf32>,
        %parallel_loop3A_559 = vector.shape_cast %parallel_loop3A_558 : vector<1x16xf32> to vector<16xf32>
        %parallel_loop3A_560 = arith.index_cast %parallel_loop3A_537 : i32 to index
        %parallel_loop3A_561 = arith.constant 16 : index
        %parallel_loop3A_562 = tpu.vector_load %arg6[%parallel_loop3A_560, %parallel_loop3A_561] {strides = array<i32>} : memref<446x64xf32, #tpu.memory_space<vmem>>, vector<1x16xf32>,
        %parallel_loop3A_563 = vector.shape_cast %parallel_loop3A_562 : vector<1x16xf32> to vector<16xf32>
        %parallel_loop3A_564 = arith.addf %parallel_loop3A_559, %parallel_loop3A_563 : vector<16xf32>
        %parallel_loop3A_565 = arith.index_cast %parallel_loop3A_541 : i32 to index
        %parallel_loop3A_566 = arith.constant 16 : index
        %parallel_loop3A_567 = tpu.vector_load %arg10[%parallel_loop3A_565, %parallel_loop3A_566] {strides = array<i32>} : memref<256x64xf32, #tpu.memory_space<vmem>>, vector<1x16xf32>,
        %parallel_loop3A_568 = vector.shape_cast %parallel_loop3A_567 : vector<1x16xf32> to vector<16xf32>
        %parallel_loop3A_569 = vector.shape_cast %parallel_loop3A_564 : vector<16xf32> to vector<1x16xf32>
        tpu.vector_store %arg10[%parallel_loop3A_565, %parallel_loop3A_566], %parallel_loop3A_569 {strides = array<i32>} : memref<256x64xf32, #tpu.memory_space<vmem>>, vector<1x16xf32>,
        %parallel_loop3A_570 = arith.index_cast %parallel_loop3A_541 : i32 to index
        %parallel_loop3A_571 = arith.constant 32 : index
        %parallel_loop3A_572 = tpu.vector_load %arg8[%parallel_loop3A_570, %parallel_loop3A_571] {strides = array<i32>} : memref<256x64xf32, #tpu.memory_space<vmem>>, vector<1x16xf32>,
        %parallel_loop3A_573 = vector.shape_cast %parallel_loop3A_572 : vector<1x16xf32> to vector<16xf32>
        %parallel_loop3A_574 = arith.index_cast %parallel_loop3A_537 : i32 to index
        %parallel_loop3A_575 = arith.constant 32 : index
        %parallel_loop3A_576 = tpu.vector_load %arg6[%parallel_loop3A_574, %parallel_loop3A_575] {strides = array<i32>} : memref<446x64xf32, #tpu.memory_space<vmem>>, vector<1x16xf32>,
        %parallel_loop3A_577 = vector.shape_cast %parallel_loop3A_576 : vector<1x16xf32> to vector<16xf32>
        %parallel_loop3A_578 = arith.addf %parallel_loop3A_573, %parallel_loop3A_577 : vector<16xf32>
        %parallel_loop3A_579 = arith.index_cast %parallel_loop3A_541 : i32 to index
        %parallel_loop3A_580 = arith.constant 32 : index
        %parallel_loop3A_581 = tpu.vector_load %arg10[%parallel_loop3A_579, %parallel_loop3A_580] {strides = array<i32>} : memref<256x64xf32, #tpu.memory_space<vmem>>, vector<1x16xf32>,
        %parallel_loop3A_582 = vector.shape_cast %parallel_loop3A_581 : vector<1x16xf32> to vector<16xf32>
        %parallel_loop3A_583 = vector.shape_cast %parallel_loop3A_578 : vector<16xf32> to vector<1x16xf32>
        tpu.vector_store %arg10[%parallel_loop3A_579, %parallel_loop3A_580], %parallel_loop3A_583 {strides = array<i32>} : memref<256x64xf32, #tpu.memory_space<vmem>>, vector<1x16xf32>,
        %parallel_loop3A_584 = arith.index_cast %parallel_loop3A_541 : i32 to index
        %parallel_loop3A_585 = arith.constant 48 : index
        %parallel_loop3A_586 = tpu.vector_load %arg8[%parallel_loop3A_584, %parallel_loop3A_585] {strides = array<i32>} : memref<256x64xf32, #tpu.memory_space<vmem>>, vector<1x16xf32>,
        %parallel_loop3A_587 = vector.shape_cast %parallel_loop3A_586 : vector<1x16xf32> to vector<16xf32>
        %parallel_loop3A_588 = arith.index_cast %parallel_loop3A_537 : i32 to index
        %parallel_loop3A_589 = arith.constant 48 : index
        %parallel_loop3A_590 = tpu.vector_load %arg6[%parallel_loop3A_588, %parallel_loop3A_589] {strides = array<i32>} : memref<446x64xf32, #tpu.memory_space<vmem>>, vector<1x16xf32>,
        %parallel_loop3A_591 = vector.shape_cast %parallel_loop3A_590 : vector<1x16xf32> to vector<16xf32>
        %parallel_loop3A_592 = arith.addf %parallel_loop3A_587, %parallel_loop3A_591 : vector<16xf32>
        %parallel_loop3A_593 = arith.index_cast %parallel_loop3A_541 : i32 to index
        %parallel_loop3A_594 = arith.constant 48 : index
        %parallel_loop3A_595 = tpu.vector_load %arg10[%parallel_loop3A_593, %parallel_loop3A_594] {strides = array<i32>} : memref<256x64xf32, #tpu.memory_space<vmem>>, vector<1x16xf32>,
        %parallel_loop3A_596 = vector.shape_cast %parallel_loop3A_595 : vector<1x16xf32> to vector<16xf32>
        %parallel_loop3A_597 = vector.shape_cast %parallel_loop3A_592 : vector<16xf32> to vector<1x16xf32>
        tpu.vector_store %arg10[%parallel_loop3A_593, %parallel_loop3A_594], %parallel_loop3A_597 {strides = array<i32>} : memref<256x64xf32, #tpu.memory_space<vmem>>, vector<1x16xf32>,
        %parallel_loop3A_598 = vector.extract_strided_slice %parallel_loop3A_101 {offsets = [8], sizes = [1], strides = [1]} : vector<16xi32> to vector<1xi32>
        %parallel_loop3A_599 = vector.extract %parallel_loop3A_598[0] : i32 from vector<1xi32>
        %parallel_loop3A_600 = arith.constant 16 : i32
        %parallel_loop3A_601 = arith.muli %parallel_loop3A_93, %parallel_loop3A_600 : i32
        %parallel_loop3A_602 = arith.constant 8 : i32
        %parallel_loop3A_603 = arith.addi %parallel_loop3A_601, %parallel_loop3A_602 : i32
        %parallel_loop3A_604 = arith.index_cast %parallel_loop3A_603 : i32 to index
        %parallel_loop3A_605 = arith.constant 0 : index
        %parallel_loop3A_606 = tpu.vector_load %arg8[%parallel_loop3A_604, %parallel_loop3A_605] {strides = array<i32>} : memref<256x64xf32, #tpu.memory_space<vmem>>, vector<1x16xf32>,
        %parallel_loop3A_607 = vector.shape_cast %parallel_loop3A_606 : vector<1x16xf32> to vector<16xf32>
        %parallel_loop3A_608 = arith.index_cast %parallel_loop3A_599 : i32 to index
        %parallel_loop3A_609 = arith.constant 0 : index
        %parallel_loop3A_610 = tpu.vector_load %arg6[%parallel_loop3A_608, %parallel_loop3A_609] {strides = array<i32>} : memref<446x64xf32, #tpu.memory_space<vmem>>, vector<1x16xf32>,
        %parallel_loop3A_611 = vector.shape_cast %parallel_loop3A_610 : vector<1x16xf32> to vector<16xf32>
        %parallel_loop3A_612 = arith.addf %parallel_loop3A_607, %parallel_loop3A_611 : vector<16xf32>
        %parallel_loop3A_613 = arith.index_cast %parallel_loop3A_603 : i32 to index
        %parallel_loop3A_614 = arith.constant 0 : index
        %parallel_loop3A_615 = tpu.vector_load %arg10[%parallel_loop3A_613, %parallel_loop3A_614] {strides = array<i32>} : memref<256x64xf32, #tpu.memory_space<vmem>>, vector<1x16xf32>,
        %parallel_loop3A_616 = vector.shape_cast %parallel_loop3A_615 : vector<1x16xf32> to vector<16xf32>
        %parallel_loop3A_617 = vector.shape_cast %parallel_loop3A_612 : vector<16xf32> to vector<1x16xf32>
        tpu.vector_store %arg10[%parallel_loop3A_613, %parallel_loop3A_614], %parallel_loop3A_617 {strides = array<i32>} : memref<256x64xf32, #tpu.memory_space<vmem>>, vector<1x16xf32>,
        %parallel_loop3A_618 = arith.index_cast %parallel_loop3A_603 : i32 to index
        %parallel_loop3A_619 = arith.constant 16 : index
        %parallel_loop3A_620 = tpu.vector_load %arg8[%parallel_loop3A_618, %parallel_loop3A_619] {strides = array<i32>} : memref<256x64xf32, #tpu.memory_space<vmem>>, vector<1x16xf32>,
        %parallel_loop3A_621 = vector.shape_cast %parallel_loop3A_620 : vector<1x16xf32> to vector<16xf32>
        %parallel_loop3A_622 = arith.index_cast %parallel_loop3A_599 : i32 to index
        %parallel_loop3A_623 = arith.constant 16 : index
        %parallel_loop3A_624 = tpu.vector_load %arg6[%parallel_loop3A_622, %parallel_loop3A_623] {strides = array<i32>} : memref<446x64xf32, #tpu.memory_space<vmem>>, vector<1x16xf32>,
        %parallel_loop3A_625 = vector.shape_cast %parallel_loop3A_624 : vector<1x16xf32> to vector<16xf32>
        %parallel_loop3A_626 = arith.addf %parallel_loop3A_621, %parallel_loop3A_625 : vector<16xf32>
        %parallel_loop3A_627 = arith.index_cast %parallel_loop3A_603 : i32 to index
        %parallel_loop3A_628 = arith.constant 16 : index
        %parallel_loop3A_629 = tpu.vector_load %arg10[%parallel_loop3A_627, %parallel_loop3A_628] {strides = array<i32>} : memref<256x64xf32, #tpu.memory_space<vmem>>, vector<1x16xf32>,
        %parallel_loop3A_630 = vector.shape_cast %parallel_loop3A_629 : vector<1x16xf32> to vector<16xf32>
        %parallel_loop3A_631 = vector.shape_cast %parallel_loop3A_626 : vector<16xf32> to vector<1x16xf32>
        tpu.vector_store %arg10[%parallel_loop3A_627, %parallel_loop3A_628], %parallel_loop3A_631 {strides = array<i32>} : memref<256x64xf32, #tpu.memory_space<vmem>>, vector<1x16xf32>,
        %parallel_loop3A_632 = arith.index_cast %parallel_loop3A_603 : i32 to index
        %parallel_loop3A_633 = arith.constant 32 : index
        %parallel_loop3A_634 = tpu.vector_load %arg8[%parallel_loop3A_632, %parallel_loop3A_633] {strides = array<i32>} : memref<256x64xf32, #tpu.memory_space<vmem>>, vector<1x16xf32>,
        %parallel_loop3A_635 = vector.shape_cast %parallel_loop3A_634 : vector<1x16xf32> to vector<16xf32>
        %parallel_loop3A_636 = arith.index_cast %parallel_loop3A_599 : i32 to index
        %parallel_loop3A_637 = arith.constant 32 : index
        %parallel_loop3A_638 = tpu.vector_load %arg6[%parallel_loop3A_636, %parallel_loop3A_637] {strides = array<i32>} : memref<446x64xf32, #tpu.memory_space<vmem>>, vector<1x16xf32>,
        %parallel_loop3A_639 = vector.shape_cast %parallel_loop3A_638 : vector<1x16xf32> to vector<16xf32>
        %parallel_loop3A_640 = arith.addf %parallel_loop3A_635, %parallel_loop3A_639 : vector<16xf32>
        %parallel_loop3A_641 = arith.index_cast %parallel_loop3A_603 : i32 to index
        %parallel_loop3A_642 = arith.constant 32 : index
        %parallel_loop3A_643 = tpu.vector_load %arg10[%parallel_loop3A_641, %parallel_loop3A_642] {strides = array<i32>} : memref<256x64xf32, #tpu.memory_space<vmem>>, vector<1x16xf32>,
        %parallel_loop3A_644 = vector.shape_cast %parallel_loop3A_643 : vector<1x16xf32> to vector<16xf32>
        %parallel_loop3A_645 = vector.shape_cast %parallel_loop3A_640 : vector<16xf32> to vector<1x16xf32>
        tpu.vector_store %arg10[%parallel_loop3A_641, %parallel_loop3A_642], %parallel_loop3A_645 {strides = array<i32>} : memref<256x64xf32, #tpu.memory_space<vmem>>, vector<1x16xf32>,
        %parallel_loop3A_646 = arith.index_cast %parallel_loop3A_603 : i32 to index
        %parallel_loop3A_647 = arith.constant 48 : index
        %parallel_loop3A_648 = tpu.vector_load %arg8[%parallel_loop3A_646, %parallel_loop3A_647] {strides = array<i32>} : memref<256x64xf32, #tpu.memory_space<vmem>>, vector<1x16xf32>,
        %parallel_loop3A_649 = vector.shape_cast %parallel_loop3A_648 : vector<1x16xf32> to vector<16xf32>
        %parallel_loop3A_650 = arith.index_cast %parallel_loop3A_599 : i32 to index
        %parallel_loop3A_651 = arith.constant 48 : index
        %parallel_loop3A_652 = tpu.vector_load %arg6[%parallel_loop3A_650, %parallel_loop3A_651] {strides = array<i32>} : memref<446x64xf32, #tpu.memory_space<vmem>>, vector<1x16xf32>,
        %parallel_loop3A_653 = vector.shape_cast %parallel_loop3A_652 : vector<1x16xf32> to vector<16xf32>
        %parallel_loop3A_654 = arith.addf %parallel_loop3A_649, %parallel_loop3A_653 : vector<16xf32>
        %parallel_loop3A_655 = arith.index_cast %parallel_loop3A_603 : i32 to index
        %parallel_loop3A_656 = arith.constant 48 : index
        %parallel_loop3A_657 = tpu.vector_load %arg10[%parallel_loop3A_655, %parallel_loop3A_656] {strides = array<i32>} : memref<256x64xf32, #tpu.memory_space<vmem>>, vector<1x16xf32>,
        %parallel_loop3A_658 = vector.shape_cast %parallel_loop3A_657 : vector<1x16xf32> to vector<16xf32>
        %parallel_loop3A_659 = vector.shape_cast %parallel_loop3A_654 : vector<16xf32> to vector<1x16xf32>
        tpu.vector_store %arg10[%parallel_loop3A_655, %parallel_loop3A_656], %parallel_loop3A_659 {strides = array<i32>} : memref<256x64xf32, #tpu.memory_space<vmem>>, vector<1x16xf32>,
        %parallel_loop3A_660 = vector.extract_strided_slice %parallel_loop3A_101 {offsets = [9], sizes = [1], strides = [1]} : vector<16xi32> to vector<1xi32>
        %parallel_loop3A_661 = vector.extract %parallel_loop3A_660[0] : i32 from vector<1xi32>
        %parallel_loop3A_662 = arith.constant 16 : i32
        %parallel_loop3A_663 = arith.muli %parallel_loop3A_93, %parallel_loop3A_662 : i32
        %parallel_loop3A_664 = arith.constant 9 : i32
        %parallel_loop3A_665 = arith.addi %parallel_loop3A_663, %parallel_loop3A_664 : i32
        %parallel_loop3A_666 = arith.index_cast %parallel_loop3A_665 : i32 to index
        %parallel_loop3A_667 = arith.constant 0 : index
        %parallel_loop3A_668 = tpu.vector_load %arg8[%parallel_loop3A_666, %parallel_loop3A_667] {strides = array<i32>} : memref<256x64xf32, #tpu.memory_space<vmem>>, vector<1x16xf32>,
        %parallel_loop3A_669 = vector.shape_cast %parallel_loop3A_668 : vector<1x16xf32> to vector<16xf32>
        %parallel_loop3A_670 = arith.index_cast %parallel_loop3A_661 : i32 to index
        %parallel_loop3A_671 = arith.constant 0 : index
        %parallel_loop3A_672 = tpu.vector_load %arg6[%parallel_loop3A_670, %parallel_loop3A_671] {strides = array<i32>} : memref<446x64xf32, #tpu.memory_space<vmem>>, vector<1x16xf32>,
        %parallel_loop3A_673 = vector.shape_cast %parallel_loop3A_672 : vector<1x16xf32> to vector<16xf32>
        %parallel_loop3A_674 = arith.addf %parallel_loop3A_669, %parallel_loop3A_673 : vector<16xf32>
        %parallel_loop3A_675 = arith.index_cast %parallel_loop3A_665 : i32 to index
        %parallel_loop3A_676 = arith.constant 0 : index
        %parallel_loop3A_677 = tpu.vector_load %arg10[%parallel_loop3A_675, %parallel_loop3A_676] {strides = array<i32>} : memref<256x64xf32, #tpu.memory_space<vmem>>, vector<1x16xf32>,
        %parallel_loop3A_678 = vector.shape_cast %parallel_loop3A_677 : vector<1x16xf32> to vector<16xf32>
        %parallel_loop3A_679 = vector.shape_cast %parallel_loop3A_674 : vector<16xf32> to vector<1x16xf32>
        tpu.vector_store %arg10[%parallel_loop3A_675, %parallel_loop3A_676], %parallel_loop3A_679 {strides = array<i32>} : memref<256x64xf32, #tpu.memory_space<vmem>>, vector<1x16xf32>,
        %parallel_loop3A_680 = arith.index_cast %parallel_loop3A_665 : i32 to index
        %parallel_loop3A_681 = arith.constant 16 : index
        %parallel_loop3A_682 = tpu.vector_load %arg8[%parallel_loop3A_680, %parallel_loop3A_681] {strides = array<i32>} : memref<256x64xf32, #tpu.memory_space<vmem>>, vector<1x16xf32>,
        %parallel_loop3A_683 = vector.shape_cast %parallel_loop3A_682 : vector<1x16xf32> to vector<16xf32>
        %parallel_loop3A_684 = arith.index_cast %parallel_loop3A_661 : i32 to index
        %parallel_loop3A_685 = arith.constant 16 : index
        %parallel_loop3A_686 = tpu.vector_load %arg6[%parallel_loop3A_684, %parallel_loop3A_685] {strides = array<i32>} : memref<446x64xf32, #tpu.memory_space<vmem>>, vector<1x16xf32>,
        %parallel_loop3A_687 = vector.shape_cast %parallel_loop3A_686 : vector<1x16xf32> to vector<16xf32>
        %parallel_loop3A_688 = arith.addf %parallel_loop3A_683, %parallel_loop3A_687 : vector<16xf32>
        %parallel_loop3A_689 = arith.index_cast %parallel_loop3A_665 : i32 to index
        %parallel_loop3A_690 = arith.constant 16 : index
        %parallel_loop3A_691 = tpu.vector_load %arg10[%parallel_loop3A_689, %parallel_loop3A_690] {strides = array<i32>} : memref<256x64xf32, #tpu.memory_space<vmem>>, vector<1x16xf32>,
        %parallel_loop3A_692 = vector.shape_cast %parallel_loop3A_691 : vector<1x16xf32> to vector<16xf32>
        %parallel_loop3A_693 = vector.shape_cast %parallel_loop3A_688 : vector<16xf32> to vector<1x16xf32>
        tpu.vector_store %arg10[%parallel_loop3A_689, %parallel_loop3A_690], %parallel_loop3A_693 {strides = array<i32>} : memref<256x64xf32, #tpu.memory_space<vmem>>, vector<1x16xf32>,
        %parallel_loop3A_694 = arith.index_cast %parallel_loop3A_665 : i32 to index
        %parallel_loop3A_695 = arith.constant 32 : index
        %parallel_loop3A_696 = tpu.vector_load %arg8[%parallel_loop3A_694, %parallel_loop3A_695] {strides = array<i32>} : memref<256x64xf32, #tpu.memory_space<vmem>>, vector<1x16xf32>,
        %parallel_loop3A_697 = vector.shape_cast %parallel_loop3A_696 : vector<1x16xf32> to vector<16xf32>
        %parallel_loop3A_698 = arith.index_cast %parallel_loop3A_661 : i32 to index
        %parallel_loop3A_699 = arith.constant 32 : index
        %parallel_loop3A_700 = tpu.vector_load %arg6[%parallel_loop3A_698, %parallel_loop3A_699] {strides = array<i32>} : memref<446x64xf32, #tpu.memory_space<vmem>>, vector<1x16xf32>,
        %parallel_loop3A_701 = vector.shape_cast %parallel_loop3A_700 : vector<1x16xf32> to vector<16xf32>
        %parallel_loop3A_702 = arith.addf %parallel_loop3A_697, %parallel_loop3A_701 : vector<16xf32>
        %parallel_loop3A_703 = arith.index_cast %parallel_loop3A_665 : i32 to index
        %parallel_loop3A_704 = arith.constant 32 : index
        %parallel_loop3A_705 = tpu.vector_load %arg10[%parallel_loop3A_703, %parallel_loop3A_704] {strides = array<i32>} : memref<256x64xf32, #tpu.memory_space<vmem>>, vector<1x16xf32>,
        %parallel_loop3A_706 = vector.shape_cast %parallel_loop3A_705 : vector<1x16xf32> to vector<16xf32>
        %parallel_loop3A_707 = vector.shape_cast %parallel_loop3A_702 : vector<16xf32> to vector<1x16xf32>
        tpu.vector_store %arg10[%parallel_loop3A_703, %parallel_loop3A_704], %parallel_loop3A_707 {strides = array<i32>} : memref<256x64xf32, #tpu.memory_space<vmem>>, vector<1x16xf32>,
        %parallel_loop3A_708 = arith.index_cast %parallel_loop3A_665 : i32 to index
        %parallel_loop3A_709 = arith.constant 48 : index
        %parallel_loop3A_710 = tpu.vector_load %arg8[%parallel_loop3A_708, %parallel_loop3A_709] {strides = array<i32>} : memref<256x64xf32, #tpu.memory_space<vmem>>, vector<1x16xf32>,
        %parallel_loop3A_711 = vector.shape_cast %parallel_loop3A_710 : vector<1x16xf32> to vector<16xf32>
        %parallel_loop3A_712 = arith.index_cast %parallel_loop3A_661 : i32 to index
        %parallel_loop3A_713 = arith.constant 48 : index
        %parallel_loop3A_714 = tpu.vector_load %arg6[%parallel_loop3A_712, %parallel_loop3A_713] {strides = array<i32>} : memref<446x64xf32, #tpu.memory_space<vmem>>, vector<1x16xf32>,
        %parallel_loop3A_715 = vector.shape_cast %parallel_loop3A_714 : vector<1x16xf32> to vector<16xf32>
        %parallel_loop3A_716 = arith.addf %parallel_loop3A_711, %parallel_loop3A_715 : vector<16xf32>
        %parallel_loop3A_717 = arith.index_cast %parallel_loop3A_665 : i32 to index
        %parallel_loop3A_718 = arith.constant 48 : index
        %parallel_loop3A_719 = tpu.vector_load %arg10[%parallel_loop3A_717, %parallel_loop3A_718] {strides = array<i32>} : memref<256x64xf32, #tpu.memory_space<vmem>>, vector<1x16xf32>,
        %parallel_loop3A_720 = vector.shape_cast %parallel_loop3A_719 : vector<1x16xf32> to vector<16xf32>
        %parallel_loop3A_721 = vector.shape_cast %parallel_loop3A_716 : vector<16xf32> to vector<1x16xf32>
        tpu.vector_store %arg10[%parallel_loop3A_717, %parallel_loop3A_718], %parallel_loop3A_721 {strides = array<i32>} : memref<256x64xf32, #tpu.memory_space<vmem>>, vector<1x16xf32>,
        %parallel_loop3A_722 = vector.extract_strided_slice %parallel_loop3A_101 {offsets = [10], sizes = [1], strides = [1]} : vector<16xi32> to vector<1xi32>
        %parallel_loop3A_723 = vector.extract %parallel_loop3A_722[0] : i32 from vector<1xi32>
        %parallel_loop3A_724 = arith.constant 16 : i32
        %parallel_loop3A_725 = arith.muli %parallel_loop3A_93, %parallel_loop3A_724 : i32
        %parallel_loop3A_726 = arith.constant 10 : i32
        %parallel_loop3A_727 = arith.addi %parallel_loop3A_725, %parallel_loop3A_726 : i32
        %parallel_loop3A_728 = arith.index_cast %parallel_loop3A_727 : i32 to index
        %parallel_loop3A_729 = arith.constant 0 : index
        %parallel_loop3A_730 = tpu.vector_load %arg8[%parallel_loop3A_728, %parallel_loop3A_729] {strides = array<i32>} : memref<256x64xf32, #tpu.memory_space<vmem>>, vector<1x16xf32>,
        %parallel_loop3A_731 = vector.shape_cast %parallel_loop3A_730 : vector<1x16xf32> to vector<16xf32>
        %parallel_loop3A_732 = arith.index_cast %parallel_loop3A_723 : i32 to index
        %parallel_loop3A_733 = arith.constant 0 : index
        %parallel_loop3A_734 = tpu.vector_load %arg6[%parallel_loop3A_732, %parallel_loop3A_733] {strides = array<i32>} : memref<446x64xf32, #tpu.memory_space<vmem>>, vector<1x16xf32>,
        %parallel_loop3A_735 = vector.shape_cast %parallel_loop3A_734 : vector<1x16xf32> to vector<16xf32>
        %parallel_loop3A_736 = arith.addf %parallel_loop3A_731, %parallel_loop3A_735 : vector<16xf32>
        %parallel_loop3A_737 = arith.index_cast %parallel_loop3A_727 : i32 to index
        %parallel_loop3A_738 = arith.constant 0 : index
        %parallel_loop3A_739 = tpu.vector_load %arg10[%parallel_loop3A_737, %parallel_loop3A_738] {strides = array<i32>} : memref<256x64xf32, #tpu.memory_space<vmem>>, vector<1x16xf32>,
        %parallel_loop3A_740 = vector.shape_cast %parallel_loop3A_739 : vector<1x16xf32> to vector<16xf32>
        %parallel_loop3A_741 = vector.shape_cast %parallel_loop3A_736 : vector<16xf32> to vector<1x16xf32>
        tpu.vector_store %arg10[%parallel_loop3A_737, %parallel_loop3A_738], %parallel_loop3A_741 {strides = array<i32>} : memref<256x64xf32, #tpu.memory_space<vmem>>, vector<1x16xf32>,
        %parallel_loop3A_742 = arith.index_cast %parallel_loop3A_727 : i32 to index
        %parallel_loop3A_743 = arith.constant 16 : index
        %parallel_loop3A_744 = tpu.vector_load %arg8[%parallel_loop3A_742, %parallel_loop3A_743] {strides = array<i32>} : memref<256x64xf32, #tpu.memory_space<vmem>>, vector<1x16xf32>,
        %parallel_loop3A_745 = vector.shape_cast %parallel_loop3A_744 : vector<1x16xf32> to vector<16xf32>
        %parallel_loop3A_746 = arith.index_cast %parallel_loop3A_723 : i32 to index
        %parallel_loop3A_747 = arith.constant 16 : index
        %parallel_loop3A_748 = tpu.vector_load %arg6[%parallel_loop3A_746, %parallel_loop3A_747] {strides = array<i32>} : memref<446x64xf32, #tpu.memory_space<vmem>>, vector<1x16xf32>,
        %parallel_loop3A_749 = vector.shape_cast %parallel_loop3A_748 : vector<1x16xf32> to vector<16xf32>
        %parallel_loop3A_750 = arith.addf %parallel_loop3A_745, %parallel_loop3A_749 : vector<16xf32>
        %parallel_loop3A_751 = arith.index_cast %parallel_loop3A_727 : i32 to index
        %parallel_loop3A_752 = arith.constant 16 : index
        %parallel_loop3A_753 = tpu.vector_load %arg10[%parallel_loop3A_751, %parallel_loop3A_752] {strides = array<i32>} : memref<256x64xf32, #tpu.memory_space<vmem>>, vector<1x16xf32>,
        %parallel_loop3A_754 = vector.shape_cast %parallel_loop3A_753 : vector<1x16xf32> to vector<16xf32>
        %parallel_loop3A_755 = vector.shape_cast %parallel_loop3A_750 : vector<16xf32> to vector<1x16xf32>
        tpu.vector_store %arg10[%parallel_loop3A_751, %parallel_loop3A_752], %parallel_loop3A_755 {strides = array<i32>} : memref<256x64xf32, #tpu.memory_space<vmem>>, vector<1x16xf32>,
        %parallel_loop3A_756 = arith.index_cast %parallel_loop3A_727 : i32 to index
        %parallel_loop3A_757 = arith.constant 32 : index
        %parallel_loop3A_758 = tpu.vector_load %arg8[%parallel_loop3A_756, %parallel_loop3A_757] {strides = array<i32>} : memref<256x64xf32, #tpu.memory_space<vmem>>, vector<1x16xf32>,
        %parallel_loop3A_759 = vector.shape_cast %parallel_loop3A_758 : vector<1x16xf32> to vector<16xf32>
        %parallel_loop3A_760 = arith.index_cast %parallel_loop3A_723 : i32 to index
        %parallel_loop3A_761 = arith.constant 32 : index
        %parallel_loop3A_762 = tpu.vector_load %arg6[%parallel_loop3A_760, %parallel_loop3A_761] {strides = array<i32>} : memref<446x64xf32, #tpu.memory_space<vmem>>, vector<1x16xf32>,
        %parallel_loop3A_763 = vector.shape_cast %parallel_loop3A_762 : vector<1x16xf32> to vector<16xf32>
        %parallel_loop3A_764 = arith.addf %parallel_loop3A_759, %parallel_loop3A_763 : vector<16xf32>
        %parallel_loop3A_765 = arith.index_cast %parallel_loop3A_727 : i32 to index
        %parallel_loop3A_766 = arith.constant 32 : index
        %parallel_loop3A_767 = tpu.vector_load %arg10[%parallel_loop3A_765, %parallel_loop3A_766] {strides = array<i32>} : memref<256x64xf32, #tpu.memory_space<vmem>>, vector<1x16xf32>,
        %parallel_loop3A_768 = vector.shape_cast %parallel_loop3A_767 : vector<1x16xf32> to vector<16xf32>
        %parallel_loop3A_769 = vector.shape_cast %parallel_loop3A_764 : vector<16xf32> to vector<1x16xf32>
        tpu.vector_store %arg10[%parallel_loop3A_765, %parallel_loop3A_766], %parallel_loop3A_769 {strides = array<i32>} : memref<256x64xf32, #tpu.memory_space<vmem>>, vector<1x16xf32>,
        %parallel_loop3A_770 = arith.index_cast %parallel_loop3A_727 : i32 to index
        %parallel_loop3A_771 = arith.constant 48 : index
        %parallel_loop3A_772 = tpu.vector_load %arg8[%parallel_loop3A_770, %parallel_loop3A_771] {strides = array<i32>} : memref<256x64xf32, #tpu.memory_space<vmem>>, vector<1x16xf32>,
        %parallel_loop3A_773 = vector.shape_cast %parallel_loop3A_772 : vector<1x16xf32> to vector<16xf32>
        %parallel_loop3A_774 = arith.index_cast %parallel_loop3A_723 : i32 to index
        %parallel_loop3A_775 = arith.constant 48 : index
        %parallel_loop3A_776 = tpu.vector_load %arg6[%parallel_loop3A_774, %parallel_loop3A_775] {strides = array<i32>} : memref<446x64xf32, #tpu.memory_space<vmem>>, vector<1x16xf32>,
        %parallel_loop3A_777 = vector.shape_cast %parallel_loop3A_776 : vector<1x16xf32> to vector<16xf32>
        %parallel_loop3A_778 = arith.addf %parallel_loop3A_773, %parallel_loop3A_777 : vector<16xf32>
        %parallel_loop3A_779 = arith.index_cast %parallel_loop3A_727 : i32 to index
        %parallel_loop3A_780 = arith.constant 48 : index
        %parallel_loop3A_781 = tpu.vector_load %arg10[%parallel_loop3A_779, %parallel_loop3A_780] {strides = array<i32>} : memref<256x64xf32, #tpu.memory_space<vmem>>, vector<1x16xf32>,
        %parallel_loop3A_782 = vector.shape_cast %parallel_loop3A_781 : vector<1x16xf32> to vector<16xf32>
        %parallel_loop3A_783 = vector.shape_cast %parallel_loop3A_778 : vector<16xf32> to vector<1x16xf32>
        tpu.vector_store %arg10[%parallel_loop3A_779, %parallel_loop3A_780], %parallel_loop3A_783 {strides = array<i32>} : memref<256x64xf32, #tpu.memory_space<vmem>>, vector<1x16xf32>,
        %parallel_loop3A_784 = vector.extract_strided_slice %parallel_loop3A_101 {offsets = [11], sizes = [1], strides = [1]} : vector<16xi32> to vector<1xi32>
        %parallel_loop3A_785 = vector.extract %parallel_loop3A_784[0] : i32 from vector<1xi32>
        %parallel_loop3A_786 = arith.constant 16 : i32
        %parallel_loop3A_787 = arith.muli %parallel_loop3A_93, %parallel_loop3A_786 : i32
        %parallel_loop3A_788 = arith.constant 11 : i32
        %parallel_loop3A_789 = arith.addi %parallel_loop3A_787, %parallel_loop3A_788 : i32
        %parallel_loop3A_790 = arith.index_cast %parallel_loop3A_789 : i32 to index
        %parallel_loop3A_791 = arith.constant 0 : index
        %parallel_loop3A_792 = tpu.vector_load %arg8[%parallel_loop3A_790, %parallel_loop3A_791] {strides = array<i32>} : memref<256x64xf32, #tpu.memory_space<vmem>>, vector<1x16xf32>,
        %parallel_loop3A_793 = vector.shape_cast %parallel_loop3A_792 : vector<1x16xf32> to vector<16xf32>
        %parallel_loop3A_794 = arith.index_cast %parallel_loop3A_785 : i32 to index
        %parallel_loop3A_795 = arith.constant 0 : index
        %parallel_loop3A_796 = tpu.vector_load %arg6[%parallel_loop3A_794, %parallel_loop3A_795] {strides = array<i32>} : memref<446x64xf32, #tpu.memory_space<vmem>>, vector<1x16xf32>,
        %parallel_loop3A_797 = vector.shape_cast %parallel_loop3A_796 : vector<1x16xf32> to vector<16xf32>
        %parallel_loop3A_798 = arith.addf %parallel_loop3A_793, %parallel_loop3A_797 : vector<16xf32>
        %parallel_loop3A_799 = arith.index_cast %parallel_loop3A_789 : i32 to index
        %parallel_loop3A_800 = arith.constant 0 : index
        %parallel_loop3A_801 = tpu.vector_load %arg10[%parallel_loop3A_799, %parallel_loop3A_800] {strides = array<i32>} : memref<256x64xf32, #tpu.memory_space<vmem>>, vector<1x16xf32>,
        %parallel_loop3A_802 = vector.shape_cast %parallel_loop3A_801 : vector<1x16xf32> to vector<16xf32>
        %parallel_loop3A_803 = vector.shape_cast %parallel_loop3A_798 : vector<16xf32> to vector<1x16xf32>
        tpu.vector_store %arg10[%parallel_loop3A_799, %parallel_loop3A_800], %parallel_loop3A_803 {strides = array<i32>} : memref<256x64xf32, #tpu.memory_space<vmem>>, vector<1x16xf32>,
        %parallel_loop3A_804 = arith.index_cast %parallel_loop3A_789 : i32 to index
        %parallel_loop3A_805 = arith.constant 16 : index
        %parallel_loop3A_806 = tpu.vector_load %arg8[%parallel_loop3A_804, %parallel_loop3A_805] {strides = array<i32>} : memref<256x64xf32, #tpu.memory_space<vmem>>, vector<1x16xf32>,
        %parallel_loop3A_807 = vector.shape_cast %parallel_loop3A_806 : vector<1x16xf32> to vector<16xf32>
        %parallel_loop3A_808 = arith.index_cast %parallel_loop3A_785 : i32 to index
        %parallel_loop3A_809 = arith.constant 16 : index
        %parallel_loop3A_810 = tpu.vector_load %arg6[%parallel_loop3A_808, %parallel_loop3A_809] {strides = array<i32>} : memref<446x64xf32, #tpu.memory_space<vmem>>, vector<1x16xf32>,
        %parallel_loop3A_811 = vector.shape_cast %parallel_loop3A_810 : vector<1x16xf32> to vector<16xf32>
        %parallel_loop3A_812 = arith.addf %parallel_loop3A_807, %parallel_loop3A_811 : vector<16xf32>
        %parallel_loop3A_813 = arith.index_cast %parallel_loop3A_789 : i32 to index
        %parallel_loop3A_814 = arith.constant 16 : index
        %parallel_loop3A_815 = tpu.vector_load %arg10[%parallel_loop3A_813, %parallel_loop3A_814] {strides = array<i32>} : memref<256x64xf32, #tpu.memory_space<vmem>>, vector<1x16xf32>,
        %parallel_loop3A_816 = vector.shape_cast %parallel_loop3A_815 : vector<1x16xf32> to vector<16xf32>
        %parallel_loop3A_817 = vector.shape_cast %parallel_loop3A_812 : vector<16xf32> to vector<1x16xf32>
        tpu.vector_store %arg10[%parallel_loop3A_813, %parallel_loop3A_814], %parallel_loop3A_817 {strides = array<i32>} : memref<256x64xf32, #tpu.memory_space<vmem>>, vector<1x16xf32>,
        %parallel_loop3A_818 = arith.index_cast %parallel_loop3A_789 : i32 to index
        %parallel_loop3A_819 = arith.constant 32 : index
        %parallel_loop3A_820 = tpu.vector_load %arg8[%parallel_loop3A_818, %parallel_loop3A_819] {strides = array<i32>} : memref<256x64xf32, #tpu.memory_space<vmem>>, vector<1x16xf32>,
        %parallel_loop3A_821 = vector.shape_cast %parallel_loop3A_820 : vector<1x16xf32> to vector<16xf32>
        %parallel_loop3A_822 = arith.index_cast %parallel_loop3A_785 : i32 to index
        %parallel_loop3A_823 = arith.constant 32 : index
        %parallel_loop3A_824 = tpu.vector_load %arg6[%parallel_loop3A_822, %parallel_loop3A_823] {strides = array<i32>} : memref<446x64xf32, #tpu.memory_space<vmem>>, vector<1x16xf32>,
        %parallel_loop3A_825 = vector.shape_cast %parallel_loop3A_824 : vector<1x16xf32> to vector<16xf32>
        %parallel_loop3A_826 = arith.addf %parallel_loop3A_821, %parallel_loop3A_825 : vector<16xf32>
        %parallel_loop3A_827 = arith.index_cast %parallel_loop3A_789 : i32 to index
        %parallel_loop3A_828 = arith.constant 32 : index
        %parallel_loop3A_829 = tpu.vector_load %arg10[%parallel_loop3A_827, %parallel_loop3A_828] {strides = array<i32>} : memref<256x64xf32, #tpu.memory_space<vmem>>, vector<1x16xf32>,
        %parallel_loop3A_830 = vector.shape_cast %parallel_loop3A_829 : vector<1x16xf32> to vector<16xf32>
        %parallel_loop3A_831 = vector.shape_cast %parallel_loop3A_826 : vector<16xf32> to vector<1x16xf32>
        tpu.vector_store %arg10[%parallel_loop3A_827, %parallel_loop3A_828], %parallel_loop3A_831 {strides = array<i32>} : memref<256x64xf32, #tpu.memory_space<vmem>>, vector<1x16xf32>,
        %parallel_loop3A_832 = arith.index_cast %parallel_loop3A_789 : i32 to index
        %parallel_loop3A_833 = arith.constant 48 : index
        %parallel_loop3A_834 = tpu.vector_load %arg8[%parallel_loop3A_832, %parallel_loop3A_833] {strides = array<i32>} : memref<256x64xf32, #tpu.memory_space<vmem>>, vector<1x16xf32>,
        %parallel_loop3A_835 = vector.shape_cast %parallel_loop3A_834 : vector<1x16xf32> to vector<16xf32>
        %parallel_loop3A_836 = arith.index_cast %parallel_loop3A_785 : i32 to index
        %parallel_loop3A_837 = arith.constant 48 : index
        %parallel_loop3A_838 = tpu.vector_load %arg6[%parallel_loop3A_836, %parallel_loop3A_837] {strides = array<i32>} : memref<446x64xf32, #tpu.memory_space<vmem>>, vector<1x16xf32>,
        %parallel_loop3A_839 = vector.shape_cast %parallel_loop3A_838 : vector<1x16xf32> to vector<16xf32>
        %parallel_loop3A_840 = arith.addf %parallel_loop3A_835, %parallel_loop3A_839 : vector<16xf32>
        %parallel_loop3A_841 = arith.index_cast %parallel_loop3A_789 : i32 to index
        %parallel_loop3A_842 = arith.constant 48 : index
        %parallel_loop3A_843 = tpu.vector_load %arg10[%parallel_loop3A_841, %parallel_loop3A_842] {strides = array<i32>} : memref<256x64xf32, #tpu.memory_space<vmem>>, vector<1x16xf32>,
        %parallel_loop3A_844 = vector.shape_cast %parallel_loop3A_843 : vector<1x16xf32> to vector<16xf32>
        %parallel_loop3A_845 = vector.shape_cast %parallel_loop3A_840 : vector<16xf32> to vector<1x16xf32>
        tpu.vector_store %arg10[%parallel_loop3A_841, %parallel_loop3A_842], %parallel_loop3A_845 {strides = array<i32>} : memref<256x64xf32, #tpu.memory_space<vmem>>, vector<1x16xf32>,
        %parallel_loop3A_846 = vector.extract_strided_slice %parallel_loop3A_101 {offsets = [12], sizes = [1], strides = [1]} : vector<16xi32> to vector<1xi32>
        %parallel_loop3A_847 = vector.extract %parallel_loop3A_846[0] : i32 from vector<1xi32>
        %parallel_loop3A_848 = arith.constant 16 : i32
        %parallel_loop3A_849 = arith.muli %parallel_loop3A_93, %parallel_loop3A_848 : i32
        %parallel_loop3A_850 = arith.constant 12 : i32
        %parallel_loop3A_851 = arith.addi %parallel_loop3A_849, %parallel_loop3A_850 : i32
        %parallel_loop3A_852 = arith.index_cast %parallel_loop3A_851 : i32 to index
        %parallel_loop3A_853 = arith.constant 0 : index
        %parallel_loop3A_854 = tpu.vector_load %arg8[%parallel_loop3A_852, %parallel_loop3A_853] {strides = array<i32>} : memref<256x64xf32, #tpu.memory_space<vmem>>, vector<1x16xf32>,
        %parallel_loop3A_855 = vector.shape_cast %parallel_loop3A_854 : vector<1x16xf32> to vector<16xf32>
        %parallel_loop3A_856 = arith.index_cast %parallel_loop3A_847 : i32 to index
        %parallel_loop3A_857 = arith.constant 0 : index
        %parallel_loop3A_858 = tpu.vector_load %arg6[%parallel_loop3A_856, %parallel_loop3A_857] {strides = array<i32>} : memref<446x64xf32, #tpu.memory_space<vmem>>, vector<1x16xf32>,
        %parallel_loop3A_859 = vector.shape_cast %parallel_loop3A_858 : vector<1x16xf32> to vector<16xf32>
        %parallel_loop3A_860 = arith.addf %parallel_loop3A_855, %parallel_loop3A_859 : vector<16xf32>
        %parallel_loop3A_861 = arith.index_cast %parallel_loop3A_851 : i32 to index
        %parallel_loop3A_862 = arith.constant 0 : index
        %parallel_loop3A_863 = tpu.vector_load %arg10[%parallel_loop3A_861, %parallel_loop3A_862] {strides = array<i32>} : memref<256x64xf32, #tpu.memory_space<vmem>>, vector<1x16xf32>,
        %parallel_loop3A_864 = vector.shape_cast %parallel_loop3A_863 : vector<1x16xf32> to vector<16xf32>
        %parallel_loop3A_865 = vector.shape_cast %parallel_loop3A_860 : vector<16xf32> to vector<1x16xf32>
        tpu.vector_store %arg10[%parallel_loop3A_861, %parallel_loop3A_862], %parallel_loop3A_865 {strides = array<i32>} : memref<256x64xf32, #tpu.memory_space<vmem>>, vector<1x16xf32>,
        %parallel_loop3A_866 = arith.index_cast %parallel_loop3A_851 : i32 to index
        %parallel_loop3A_867 = arith.constant 16 : index
        %parallel_loop3A_868 = tpu.vector_load %arg8[%parallel_loop3A_866, %parallel_loop3A_867] {strides = array<i32>} : memref<256x64xf32, #tpu.memory_space<vmem>>, vector<1x16xf32>,
        %parallel_loop3A_869 = vector.shape_cast %parallel_loop3A_868 : vector<1x16xf32> to vector<16xf32>
        %parallel_loop3A_870 = arith.index_cast %parallel_loop3A_847 : i32 to index
        %parallel_loop3A_871 = arith.constant 16 : index
        %parallel_loop3A_872 = tpu.vector_load %arg6[%parallel_loop3A_870, %parallel_loop3A_871] {strides = array<i32>} : memref<446x64xf32, #tpu.memory_space<vmem>>, vector<1x16xf32>,
        %parallel_loop3A_873 = vector.shape_cast %parallel_loop3A_872 : vector<1x16xf32> to vector<16xf32>
        %parallel_loop3A_874 = arith.addf %parallel_loop3A_869, %parallel_loop3A_873 : vector<16xf32>
        %parallel_loop3A_875 = arith.index_cast %parallel_loop3A_851 : i32 to index
        %parallel_loop3A_876 = arith.constant 16 : index
        %parallel_loop3A_877 = tpu.vector_load %arg10[%parallel_loop3A_875, %parallel_loop3A_876] {strides = array<i32>} : memref<256x64xf32, #tpu.memory_space<vmem>>, vector<1x16xf32>,
        %parallel_loop3A_878 = vector.shape_cast %parallel_loop3A_877 : vector<1x16xf32> to vector<16xf32>
        %parallel_loop3A_879 = vector.shape_cast %parallel_loop3A_874 : vector<16xf32> to vector<1x16xf32>
        tpu.vector_store %arg10[%parallel_loop3A_875, %parallel_loop3A_876], %parallel_loop3A_879 {strides = array<i32>} : memref<256x64xf32, #tpu.memory_space<vmem>>, vector<1x16xf32>,
        %parallel_loop3A_880 = arith.index_cast %parallel_loop3A_851 : i32 to index
        %parallel_loop3A_881 = arith.constant 32 : index
        %parallel_loop3A_882 = tpu.vector_load %arg8[%parallel_loop3A_880, %parallel_loop3A_881] {strides = array<i32>} : memref<256x64xf32, #tpu.memory_space<vmem>>, vector<1x16xf32>,
        %parallel_loop3A_883 = vector.shape_cast %parallel_loop3A_882 : vector<1x16xf32> to vector<16xf32>
        %parallel_loop3A_884 = arith.index_cast %parallel_loop3A_847 : i32 to index
        %parallel_loop3A_885 = arith.constant 32 : index
        %parallel_loop3A_886 = tpu.vector_load %arg6[%parallel_loop3A_884, %parallel_loop3A_885] {strides = array<i32>} : memref<446x64xf32, #tpu.memory_space<vmem>>, vector<1x16xf32>,
        %parallel_loop3A_887 = vector.shape_cast %parallel_loop3A_886 : vector<1x16xf32> to vector<16xf32>
        %parallel_loop3A_888 = arith.addf %parallel_loop3A_883, %parallel_loop3A_887 : vector<16xf32>
        %parallel_loop3A_889 = arith.index_cast %parallel_loop3A_851 : i32 to index
        %parallel_loop3A_890 = arith.constant 32 : index
        %parallel_loop3A_891 = tpu.vector_load %arg10[%parallel_loop3A_889, %parallel_loop3A_890] {strides = array<i32>} : memref<256x64xf32, #tpu.memory_space<vmem>>, vector<1x16xf32>,
        %parallel_loop3A_892 = vector.shape_cast %parallel_loop3A_891 : vector<1x16xf32> to vector<16xf32>
        %parallel_loop3A_893 = vector.shape_cast %parallel_loop3A_888 : vector<16xf32> to vector<1x16xf32>
        tpu.vector_store %arg10[%parallel_loop3A_889, %parallel_loop3A_890], %parallel_loop3A_893 {strides = array<i32>} : memref<256x64xf32, #tpu.memory_space<vmem>>, vector<1x16xf32>,
        %parallel_loop3A_894 = arith.index_cast %parallel_loop3A_851 : i32 to index
        %parallel_loop3A_895 = arith.constant 48 : index
        %parallel_loop3A_896 = tpu.vector_load %arg8[%parallel_loop3A_894, %parallel_loop3A_895] {strides = array<i32>} : memref<256x64xf32, #tpu.memory_space<vmem>>, vector<1x16xf32>,
        %parallel_loop3A_897 = vector.shape_cast %parallel_loop3A_896 : vector<1x16xf32> to vector<16xf32>
        %parallel_loop3A_898 = arith.index_cast %parallel_loop3A_847 : i32 to index
        %parallel_loop3A_899 = arith.constant 48 : index
        %parallel_loop3A_900 = tpu.vector_load %arg6[%parallel_loop3A_898, %parallel_loop3A_899] {strides = array<i32>} : memref<446x64xf32, #tpu.memory_space<vmem>>, vector<1x16xf32>,
        %parallel_loop3A_901 = vector.shape_cast %parallel_loop3A_900 : vector<1x16xf32> to vector<16xf32>
        %parallel_loop3A_902 = arith.addf %parallel_loop3A_897, %parallel_loop3A_901 : vector<16xf32>
        %parallel_loop3A_903 = arith.index_cast %parallel_loop3A_851 : i32 to index
        %parallel_loop3A_904 = arith.constant 48 : index
        %parallel_loop3A_905 = tpu.vector_load %arg10[%parallel_loop3A_903, %parallel_loop3A_904] {strides = array<i32>} : memref<256x64xf32, #tpu.memory_space<vmem>>, vector<1x16xf32>,
        %parallel_loop3A_906 = vector.shape_cast %parallel_loop3A_905 : vector<1x16xf32> to vector<16xf32>
        %parallel_loop3A_907 = vector.shape_cast %parallel_loop3A_902 : vector<16xf32> to vector<1x16xf32>
        tpu.vector_store %arg10[%parallel_loop3A_903, %parallel_loop3A_904], %parallel_loop3A_907 {strides = array<i32>} : memref<256x64xf32, #tpu.memory_space<vmem>>, vector<1x16xf32>,
        %parallel_loop3A_908 = vector.extract_strided_slice %parallel_loop3A_101 {offsets = [13], sizes = [1], strides = [1]} : vector<16xi32> to vector<1xi32>
        %parallel_loop3A_909 = vector.extract %parallel_loop3A_908[0] : i32 from vector<1xi32>
        %parallel_loop3A_910 = arith.constant 16 : i32
        %parallel_loop3A_911 = arith.muli %parallel_loop3A_93, %parallel_loop3A_910 : i32
        %parallel_loop3A_912 = arith.constant 13 : i32
        %parallel_loop3A_913 = arith.addi %parallel_loop3A_911, %parallel_loop3A_912 : i32
        %parallel_loop3A_914 = arith.index_cast %parallel_loop3A_913 : i32 to index
        %parallel_loop3A_915 = arith.constant 0 : index
        %parallel_loop3A_916 = tpu.vector_load %arg8[%parallel_loop3A_914, %parallel_loop3A_915] {strides = array<i32>} : memref<256x64xf32, #tpu.memory_space<vmem>>, vector<1x16xf32>,
        %parallel_loop3A_917 = vector.shape_cast %parallel_loop3A_916 : vector<1x16xf32> to vector<16xf32>
        %parallel_loop3A_918 = arith.index_cast %parallel_loop3A_909 : i32 to index
        %parallel_loop3A_919 = arith.constant 0 : index
        %parallel_loop3A_920 = tpu.vector_load %arg6[%parallel_loop3A_918, %parallel_loop3A_919] {strides = array<i32>} : memref<446x64xf32, #tpu.memory_space<vmem>>, vector<1x16xf32>,
        %parallel_loop3A_921 = vector.shape_cast %parallel_loop3A_920 : vector<1x16xf32> to vector<16xf32>
        %parallel_loop3A_922 = arith.addf %parallel_loop3A_917, %parallel_loop3A_921 : vector<16xf32>
        %parallel_loop3A_923 = arith.index_cast %parallel_loop3A_913 : i32 to index
        %parallel_loop3A_924 = arith.constant 0 : index
        %parallel_loop3A_925 = tpu.vector_load %arg10[%parallel_loop3A_923, %parallel_loop3A_924] {strides = array<i32>} : memref<256x64xf32, #tpu.memory_space<vmem>>, vector<1x16xf32>,
        %parallel_loop3A_926 = vector.shape_cast %parallel_loop3A_925 : vector<1x16xf32> to vector<16xf32>
        %parallel_loop3A_927 = vector.shape_cast %parallel_loop3A_922 : vector<16xf32> to vector<1x16xf32>
        tpu.vector_store %arg10[%parallel_loop3A_923, %parallel_loop3A_924], %parallel_loop3A_927 {strides = array<i32>} : memref<256x64xf32, #tpu.memory_space<vmem>>, vector<1x16xf32>,
        %parallel_loop3A_928 = arith.index_cast %parallel_loop3A_913 : i32 to index
        %parallel_loop3A_929 = arith.constant 16 : index
        %parallel_loop3A_930 = tpu.vector_load %arg8[%parallel_loop3A_928, %parallel_loop3A_929] {strides = array<i32>} : memref<256x64xf32, #tpu.memory_space<vmem>>, vector<1x16xf32>,
        %parallel_loop3A_931 = vector.shape_cast %parallel_loop3A_930 : vector<1x16xf32> to vector<16xf32>
        %parallel_loop3A_932 = arith.index_cast %parallel_loop3A_909 : i32 to index
        %parallel_loop3A_933 = arith.constant 16 : index
        %parallel_loop3A_934 = tpu.vector_load %arg6[%parallel_loop3A_932, %parallel_loop3A_933] {strides = array<i32>} : memref<446x64xf32, #tpu.memory_space<vmem>>, vector<1x16xf32>,
        %parallel_loop3A_935 = vector.shape_cast %parallel_loop3A_934 : vector<1x16xf32> to vector<16xf32>
        %parallel_loop3A_936 = arith.addf %parallel_loop3A_931, %parallel_loop3A_935 : vector<16xf32>
        %parallel_loop3A_937 = arith.index_cast %parallel_loop3A_913 : i32 to index
        %parallel_loop3A_938 = arith.constant 16 : index
        %parallel_loop3A_939 = tpu.vector_load %arg10[%parallel_loop3A_937, %parallel_loop3A_938] {strides = array<i32>} : memref<256x64xf32, #tpu.memory_space<vmem>>, vector<1x16xf32>,
        %parallel_loop3A_940 = vector.shape_cast %parallel_loop3A_939 : vector<1x16xf32> to vector<16xf32>
        %parallel_loop3A_941 = vector.shape_cast %parallel_loop3A_936 : vector<16xf32> to vector<1x16xf32>
        tpu.vector_store %arg10[%parallel_loop3A_937, %parallel_loop3A_938], %parallel_loop3A_941 {strides = array<i32>} : memref<256x64xf32, #tpu.memory_space<vmem>>, vector<1x16xf32>,
        %parallel_loop3A_942 = arith.index_cast %parallel_loop3A_913 : i32 to index
        %parallel_loop3A_943 = arith.constant 32 : index
        %parallel_loop3A_944 = tpu.vector_load %arg8[%parallel_loop3A_942, %parallel_loop3A_943] {strides = array<i32>} : memref<256x64xf32, #tpu.memory_space<vmem>>, vector<1x16xf32>,
        %parallel_loop3A_945 = vector.shape_cast %parallel_loop3A_944 : vector<1x16xf32> to vector<16xf32>
        %parallel_loop3A_946 = arith.index_cast %parallel_loop3A_909 : i32 to index
        %parallel_loop3A_947 = arith.constant 32 : index
        %parallel_loop3A_948 = tpu.vector_load %arg6[%parallel_loop3A_946, %parallel_loop3A_947] {strides = array<i32>} : memref<446x64xf32, #tpu.memory_space<vmem>>, vector<1x16xf32>,
        %parallel_loop3A_949 = vector.shape_cast %parallel_loop3A_948 : vector<1x16xf32> to vector<16xf32>
        %parallel_loop3A_950 = arith.addf %parallel_loop3A_945, %parallel_loop3A_949 : vector<16xf32>
        %parallel_loop3A_951 = arith.index_cast %parallel_loop3A_913 : i32 to index
        %parallel_loop3A_952 = arith.constant 32 : index
        %parallel_loop3A_953 = tpu.vector_load %arg10[%parallel_loop3A_951, %parallel_loop3A_952] {strides = array<i32>} : memref<256x64xf32, #tpu.memory_space<vmem>>, vector<1x16xf32>,
        %parallel_loop3A_954 = vector.shape_cast %parallel_loop3A_953 : vector<1x16xf32> to vector<16xf32>
        %parallel_loop3A_955 = vector.shape_cast %parallel_loop3A_950 : vector<16xf32> to vector<1x16xf32>
        tpu.vector_store %arg10[%parallel_loop3A_951, %parallel_loop3A_952], %parallel_loop3A_955 {strides = array<i32>} : memref<256x64xf32, #tpu.memory_space<vmem>>, vector<1x16xf32>,
        %parallel_loop3A_956 = arith.index_cast %parallel_loop3A_913 : i32 to index
        %parallel_loop3A_957 = arith.constant 48 : index
        %parallel_loop3A_958 = tpu.vector_load %arg8[%parallel_loop3A_956, %parallel_loop3A_957] {strides = array<i32>} : memref<256x64xf32, #tpu.memory_space<vmem>>, vector<1x16xf32>,
        %parallel_loop3A_959 = vector.shape_cast %parallel_loop3A_958 : vector<1x16xf32> to vector<16xf32>
        %parallel_loop3A_960 = arith.index_cast %parallel_loop3A_909 : i32 to index
        %parallel_loop3A_961 = arith.constant 48 : index
        %parallel_loop3A_962 = tpu.vector_load %arg6[%parallel_loop3A_960, %parallel_loop3A_961] {strides = array<i32>} : memref<446x64xf32, #tpu.memory_space<vmem>>, vector<1x16xf32>,
        %parallel_loop3A_963 = vector.shape_cast %parallel_loop3A_962 : vector<1x16xf32> to vector<16xf32>
        %parallel_loop3A_964 = arith.addf %parallel_loop3A_959, %parallel_loop3A_963 : vector<16xf32>
        %parallel_loop3A_965 = arith.index_cast %parallel_loop3A_913 : i32 to index
        %parallel_loop3A_966 = arith.constant 48 : index
        %parallel_loop3A_967 = tpu.vector_load %arg10[%parallel_loop3A_965, %parallel_loop3A_966] {strides = array<i32>} : memref<256x64xf32, #tpu.memory_space<vmem>>, vector<1x16xf32>,
        %parallel_loop3A_968 = vector.shape_cast %parallel_loop3A_967 : vector<1x16xf32> to vector<16xf32>
        %parallel_loop3A_969 = vector.shape_cast %parallel_loop3A_964 : vector<16xf32> to vector<1x16xf32>
        tpu.vector_store %arg10[%parallel_loop3A_965, %parallel_loop3A_966], %parallel_loop3A_969 {strides = array<i32>} : memref<256x64xf32, #tpu.memory_space<vmem>>, vector<1x16xf32>,
        %parallel_loop3A_970 = vector.extract_strided_slice %parallel_loop3A_101 {offsets = [14], sizes = [1], strides = [1]} : vector<16xi32> to vector<1xi32>
        %parallel_loop3A_971 = vector.extract %parallel_loop3A_970[0] : i32 from vector<1xi32>
        %parallel_loop3A_972 = arith.constant 16 : i32
        %parallel_loop3A_973 = arith.muli %parallel_loop3A_93, %parallel_loop3A_972 : i32
        %parallel_loop3A_974 = arith.constant 14 : i32
        %parallel_loop3A_975 = arith.addi %parallel_loop3A_973, %parallel_loop3A_974 : i32
        %parallel_loop3A_976 = arith.index_cast %parallel_loop3A_975 : i32 to index
        %parallel_loop3A_977 = arith.constant 0 : index
        %parallel_loop3A_978 = tpu.vector_load %arg8[%parallel_loop3A_976, %parallel_loop3A_977] {strides = array<i32>} : memref<256x64xf32, #tpu.memory_space<vmem>>, vector<1x16xf32>,
        %parallel_loop3A_979 = vector.shape_cast %parallel_loop3A_978 : vector<1x16xf32> to vector<16xf32>
        %parallel_loop3A_980 = arith.index_cast %parallel_loop3A_971 : i32 to index
        %parallel_loop3A_981 = arith.constant 0 : index
        %parallel_loop3A_982 = tpu.vector_load %arg6[%parallel_loop3A_980, %parallel_loop3A_981] {strides = array<i32>} : memref<446x64xf32, #tpu.memory_space<vmem>>, vector<1x16xf32>,
        %parallel_loop3A_983 = vector.shape_cast %parallel_loop3A_982 : vector<1x16xf32> to vector<16xf32>
        %parallel_loop3A_984 = arith.addf %parallel_loop3A_979, %parallel_loop3A_983 : vector<16xf32>
        %parallel_loop3A_985 = arith.index_cast %parallel_loop3A_975 : i32 to index
        %parallel_loop3A_986 = arith.constant 0 : index
        %parallel_loop3A_987 = tpu.vector_load %arg10[%parallel_loop3A_985, %parallel_loop3A_986] {strides = array<i32>} : memref<256x64xf32, #tpu.memory_space<vmem>>, vector<1x16xf32>,
        %parallel_loop3A_988 = vector.shape_cast %parallel_loop3A_987 : vector<1x16xf32> to vector<16xf32>
        %parallel_loop3A_989 = vector.shape_cast %parallel_loop3A_984 : vector<16xf32> to vector<1x16xf32>
        tpu.vector_store %arg10[%parallel_loop3A_985, %parallel_loop3A_986], %parallel_loop3A_989 {strides = array<i32>} : memref<256x64xf32, #tpu.memory_space<vmem>>, vector<1x16xf32>,
        %parallel_loop3A_990 = arith.index_cast %parallel_loop3A_975 : i32 to index
        %parallel_loop3A_991 = arith.constant 16 : index
        %parallel_loop3A_992 = tpu.vector_load %arg8[%parallel_loop3A_990, %parallel_loop3A_991] {strides = array<i32>} : memref<256x64xf32, #tpu.memory_space<vmem>>, vector<1x16xf32>,
        %parallel_loop3A_993 = vector.shape_cast %parallel_loop3A_992 : vector<1x16xf32> to vector<16xf32>
        %parallel_loop3A_994 = arith.index_cast %parallel_loop3A_971 : i32 to index
        %parallel_loop3A_995 = arith.constant 16 : index
        %parallel_loop3A_996 = tpu.vector_load %arg6[%parallel_loop3A_994, %parallel_loop3A_995] {strides = array<i32>} : memref<446x64xf32, #tpu.memory_space<vmem>>, vector<1x16xf32>,
        %parallel_loop3A_997 = vector.shape_cast %parallel_loop3A_996 : vector<1x16xf32> to vector<16xf32>
        %parallel_loop3A_998 = arith.addf %parallel_loop3A_993, %parallel_loop3A_997 : vector<16xf32>
        %parallel_loop3A_999 = arith.index_cast %parallel_loop3A_975 : i32 to index
        %parallel_loop3A_1000 = arith.constant 16 : index
        %parallel_loop3A_1001 = tpu.vector_load %arg10[%parallel_loop3A_999, %parallel_loop3A_1000] {strides = array<i32>} : memref<256x64xf32, #tpu.memory_space<vmem>>, vector<1x16xf32>,
        %parallel_loop3A_1002 = vector.shape_cast %parallel_loop3A_1001 : vector<1x16xf32> to vector<16xf32>
        %parallel_loop3A_1003 = vector.shape_cast %parallel_loop3A_998 : vector<16xf32> to vector<1x16xf32>
        tpu.vector_store %arg10[%parallel_loop3A_999, %parallel_loop3A_1000], %parallel_loop3A_1003 {strides = array<i32>} : memref<256x64xf32, #tpu.memory_space<vmem>>, vector<1x16xf32>,
        %parallel_loop3A_1004 = arith.index_cast %parallel_loop3A_975 : i32 to index
        %parallel_loop3A_1005 = arith.constant 32 : index
        %parallel_loop3A_1006 = tpu.vector_load %arg8[%parallel_loop3A_1004, %parallel_loop3A_1005] {strides = array<i32>} : memref<256x64xf32, #tpu.memory_space<vmem>>, vector<1x16xf32>,
        %parallel_loop3A_1007 = vector.shape_cast %parallel_loop3A_1006 : vector<1x16xf32> to vector<16xf32>
        %parallel_loop3A_1008 = arith.index_cast %parallel_loop3A_971 : i32 to index
        %parallel_loop3A_1009 = arith.constant 32 : index
        %parallel_loop3A_1010 = tpu.vector_load %arg6[%parallel_loop3A_1008, %parallel_loop3A_1009] {strides = array<i32>} : memref<446x64xf32, #tpu.memory_space<vmem>>, vector<1x16xf32>,
        %parallel_loop3A_1011 = vector.shape_cast %parallel_loop3A_1010 : vector<1x16xf32> to vector<16xf32>
        %parallel_loop3A_1012 = arith.addf %parallel_loop3A_1007, %parallel_loop3A_1011 : vector<16xf32>
        %parallel_loop3A_1013 = arith.index_cast %parallel_loop3A_975 : i32 to index
        %parallel_loop3A_1014 = arith.constant 32 : index
        %parallel_loop3A_1015 = tpu.vector_load %arg10[%parallel_loop3A_1013, %parallel_loop3A_1014] {strides = array<i32>} : memref<256x64xf32, #tpu.memory_space<vmem>>, vector<1x16xf32>,
        %parallel_loop3A_1016 = vector.shape_cast %parallel_loop3A_1015 : vector<1x16xf32> to vector<16xf32>
        %parallel_loop3A_1017 = vector.shape_cast %parallel_loop3A_1012 : vector<16xf32> to vector<1x16xf32>
        tpu.vector_store %arg10[%parallel_loop3A_1013, %parallel_loop3A_1014], %parallel_loop3A_1017 {strides = array<i32>} : memref<256x64xf32, #tpu.memory_space<vmem>>, vector<1x16xf32>,
        %parallel_loop3A_1018 = arith.index_cast %parallel_loop3A_975 : i32 to index
        %parallel_loop3A_1019 = arith.constant 48 : index
        %parallel_loop3A_1020 = tpu.vector_load %arg8[%parallel_loop3A_1018, %parallel_loop3A_1019] {strides = array<i32>} : memref<256x64xf32, #tpu.memory_space<vmem>>, vector<1x16xf32>,
        %parallel_loop3A_1021 = vector.shape_cast %parallel_loop3A_1020 : vector<1x16xf32> to vector<16xf32>
        %parallel_loop3A_1022 = arith.index_cast %parallel_loop3A_971 : i32 to index
        %parallel_loop3A_1023 = arith.constant 48 : index
        %parallel_loop3A_1024 = tpu.vector_load %arg6[%parallel_loop3A_1022, %parallel_loop3A_1023] {strides = array<i32>} : memref<446x64xf32, #tpu.memory_space<vmem>>, vector<1x16xf32>,
        %parallel_loop3A_1025 = vector.shape_cast %parallel_loop3A_1024 : vector<1x16xf32> to vector<16xf32>
        %parallel_loop3A_1026 = arith.addf %parallel_loop3A_1021, %parallel_loop3A_1025 : vector<16xf32>
        %parallel_loop3A_1027 = arith.index_cast %parallel_loop3A_975 : i32 to index
        %parallel_loop3A_1028 = arith.constant 48 : index
        %parallel_loop3A_1029 = tpu.vector_load %arg10[%parallel_loop3A_1027, %parallel_loop3A_1028] {strides = array<i32>} : memref<256x64xf32, #tpu.memory_space<vmem>>, vector<1x16xf32>,
        %parallel_loop3A_1030 = vector.shape_cast %parallel_loop3A_1029 : vector<1x16xf32> to vector<16xf32>
        %parallel_loop3A_1031 = vector.shape_cast %parallel_loop3A_1026 : vector<16xf32> to vector<1x16xf32>
        tpu.vector_store %arg10[%parallel_loop3A_1027, %parallel_loop3A_1028], %parallel_loop3A_1031 {strides = array<i32>} : memref<256x64xf32, #tpu.memory_space<vmem>>, vector<1x16xf32>,
        %parallel_loop3A_1032 = vector.extract_strided_slice %parallel_loop3A_101 {offsets = [15], sizes = [1], strides = [1]} : vector<16xi32> to vector<1xi32>
        %parallel_loop3A_1033 = vector.extract %parallel_loop3A_1032[0] : i32 from vector<1xi32>
        %parallel_loop3A_1034 = arith.constant 16 : i32
        %parallel_loop3A_1035 = arith.muli %parallel_loop3A_93, %parallel_loop3A_1034 : i32
        %parallel_loop3A_1036 = arith.constant 15 : i32
        %parallel_loop3A_1037 = arith.addi %parallel_loop3A_1035, %parallel_loop3A_1036 : i32
        %parallel_loop3A_1038 = arith.index_cast %parallel_loop3A_1037 : i32 to index
        %parallel_loop3A_1039 = arith.constant 0 : index
        %parallel_loop3A_1040 = tpu.vector_load %arg8[%parallel_loop3A_1038, %parallel_loop3A_1039] {strides = array<i32>} : memref<256x64xf32, #tpu.memory_space<vmem>>, vector<1x16xf32>,
        %parallel_loop3A_1041 = vector.shape_cast %parallel_loop3A_1040 : vector<1x16xf32> to vector<16xf32>
        %parallel_loop3A_1042 = arith.index_cast %parallel_loop3A_1033 : i32 to index
        %parallel_loop3A_1043 = arith.constant 0 : index
        %parallel_loop3A_1044 = tpu.vector_load %arg6[%parallel_loop3A_1042, %parallel_loop3A_1043] {strides = array<i32>} : memref<446x64xf32, #tpu.memory_space<vmem>>, vector<1x16xf32>,
        %parallel_loop3A_1045 = vector.shape_cast %parallel_loop3A_1044 : vector<1x16xf32> to vector<16xf32>
        %parallel_loop3A_1046 = arith.addf %parallel_loop3A_1041, %parallel_loop3A_1045 : vector<16xf32>
        %parallel_loop3A_1047 = arith.index_cast %parallel_loop3A_1037 : i32 to index
        %parallel_loop3A_1048 = arith.constant 0 : index
        %parallel_loop3A_1049 = tpu.vector_load %arg10[%parallel_loop3A_1047, %parallel_loop3A_1048] {strides = array<i32>} : memref<256x64xf32, #tpu.memory_space<vmem>>, vector<1x16xf32>,
        %parallel_loop3A_1050 = vector.shape_cast %parallel_loop3A_1049 : vector<1x16xf32> to vector<16xf32>
        %parallel_loop3A_1051 = vector.shape_cast %parallel_loop3A_1046 : vector<16xf32> to vector<1x16xf32>
        tpu.vector_store %arg10[%parallel_loop3A_1047, %parallel_loop3A_1048], %parallel_loop3A_1051 {strides = array<i32>} : memref<256x64xf32, #tpu.memory_space<vmem>>, vector<1x16xf32>,
        %parallel_loop3A_1052 = arith.index_cast %parallel_loop3A_1037 : i32 to index
        %parallel_loop3A_1053 = arith.constant 16 : index
        %parallel_loop3A_1054 = tpu.vector_load %arg8[%parallel_loop3A_1052, %parallel_loop3A_1053] {strides = array<i32>} : memref<256x64xf32, #tpu.memory_space<vmem>>, vector<1x16xf32>,
        %parallel_loop3A_1055 = vector.shape_cast %parallel_loop3A_1054 : vector<1x16xf32> to vector<16xf32>
        %parallel_loop3A_1056 = arith.index_cast %parallel_loop3A_1033 : i32 to index
        %parallel_loop3A_1057 = arith.constant 16 : index
        %parallel_loop3A_1058 = tpu.vector_load %arg6[%parallel_loop3A_1056, %parallel_loop3A_1057] {strides = array<i32>} : memref<446x64xf32, #tpu.memory_space<vmem>>, vector<1x16xf32>,
        %parallel_loop3A_1059 = vector.shape_cast %parallel_loop3A_1058 : vector<1x16xf32> to vector<16xf32>
        %parallel_loop3A_1060 = arith.addf %parallel_loop3A_1055, %parallel_loop3A_1059 : vector<16xf32>
        %parallel_loop3A_1061 = arith.index_cast %parallel_loop3A_1037 : i32 to index
        %parallel_loop3A_1062 = arith.constant 16 : index
        %parallel_loop3A_1063 = tpu.vector_load %arg10[%parallel_loop3A_1061, %parallel_loop3A_1062] {strides = array<i32>} : memref<256x64xf32, #tpu.memory_space<vmem>>, vector<1x16xf32>,
        %parallel_loop3A_1064 = vector.shape_cast %parallel_loop3A_1063 : vector<1x16xf32> to vector<16xf32>
        %parallel_loop3A_1065 = vector.shape_cast %parallel_loop3A_1060 : vector<16xf32> to vector<1x16xf32>
        tpu.vector_store %arg10[%parallel_loop3A_1061, %parallel_loop3A_1062], %parallel_loop3A_1065 {strides = array<i32>} : memref<256x64xf32, #tpu.memory_space<vmem>>, vector<1x16xf32>,
        %parallel_loop3A_1066 = arith.index_cast %parallel_loop3A_1037 : i32 to index
        %parallel_loop3A_1067 = arith.constant 32 : index
        %parallel_loop3A_1068 = tpu.vector_load %arg8[%parallel_loop3A_1066, %parallel_loop3A_1067] {strides = array<i32>} : memref<256x64xf32, #tpu.memory_space<vmem>>, vector<1x16xf32>,
        %parallel_loop3A_1069 = vector.shape_cast %parallel_loop3A_1068 : vector<1x16xf32> to vector<16xf32>
        %parallel_loop3A_1070 = arith.index_cast %parallel_loop3A_1033 : i32 to index
        %parallel_loop3A_1071 = arith.constant 32 : index
        %parallel_loop3A_1072 = tpu.vector_load %arg6[%parallel_loop3A_1070, %parallel_loop3A_1071] {strides = array<i32>} : memref<446x64xf32, #tpu.memory_space<vmem>>, vector<1x16xf32>,
        %parallel_loop3A_1073 = vector.shape_cast %parallel_loop3A_1072 : vector<1x16xf32> to vector<16xf32>
        %parallel_loop3A_1074 = arith.addf %parallel_loop3A_1069, %parallel_loop3A_1073 : vector<16xf32>
        %parallel_loop3A_1075 = arith.index_cast %parallel_loop3A_1037 : i32 to index
        %parallel_loop3A_1076 = arith.constant 32 : index
        %parallel_loop3A_1077 = tpu.vector_load %arg10[%parallel_loop3A_1075, %parallel_loop3A_1076] {strides = array<i32>} : memref<256x64xf32, #tpu.memory_space<vmem>>, vector<1x16xf32>,
        %parallel_loop3A_1078 = vector.shape_cast %parallel_loop3A_1077 : vector<1x16xf32> to vector<16xf32>
        %parallel_loop3A_1079 = vector.shape_cast %parallel_loop3A_1074 : vector<16xf32> to vector<1x16xf32>
        tpu.vector_store %arg10[%parallel_loop3A_1075, %parallel_loop3A_1076], %parallel_loop3A_1079 {strides = array<i32>} : memref<256x64xf32, #tpu.memory_space<vmem>>, vector<1x16xf32>,
        %parallel_loop3A_1080 = arith.index_cast %parallel_loop3A_1037 : i32 to index
        %parallel_loop3A_1081 = arith.constant 48 : index
        %parallel_loop3A_1082 = tpu.vector_load %arg8[%parallel_loop3A_1080, %parallel_loop3A_1081] {strides = array<i32>} : memref<256x64xf32, #tpu.memory_space<vmem>>, vector<1x16xf32>,
        %parallel_loop3A_1083 = vector.shape_cast %parallel_loop3A_1082 : vector<1x16xf32> to vector<16xf32>
        %parallel_loop3A_1084 = arith.index_cast %parallel_loop3A_1033 : i32 to index
        %parallel_loop3A_1085 = arith.constant 48 : index
        %parallel_loop3A_1086 = tpu.vector_load %arg6[%parallel_loop3A_1084, %parallel_loop3A_1085] {strides = array<i32>} : memref<446x64xf32, #tpu.memory_space<vmem>>, vector<1x16xf32>,
        %parallel_loop3A_1087 = vector.shape_cast %parallel_loop3A_1086 : vector<1x16xf32> to vector<16xf32>
        %parallel_loop3A_1088 = arith.addf %parallel_loop3A_1083, %parallel_loop3A_1087 : vector<16xf32>
        %parallel_loop3A_1089 = arith.index_cast %parallel_loop3A_1037 : i32 to index
        %parallel_loop3A_1090 = arith.constant 48 : index
        %parallel_loop3A_1091 = tpu.vector_load %arg10[%parallel_loop3A_1089, %parallel_loop3A_1090] {strides = array<i32>} : memref<256x64xf32, #tpu.memory_space<vmem>>, vector<1x16xf32>,
        %parallel_loop3A_1092 = vector.shape_cast %parallel_loop3A_1091 : vector<1x16xf32> to vector<16xf32>
        %parallel_loop3A_1093 = vector.shape_cast %parallel_loop3A_1088 : vector<16xf32> to vector<1x16xf32>
        tpu.vector_store %arg10[%parallel_loop3A_1089, %parallel_loop3A_1090], %parallel_loop3A_1093 {strides = array<i32>} : memref<256x64xf32, #tpu.memory_space<vmem>>, vector<1x16xf32>,
      } {sc.loop_unroll_factor = 1 : i64, sc.parallel_access}
      %mul3A_47 = arith.constant 256 : i32
      %mul3A_48 = arith.muli %mul3A_36, %mul3A_47 : i32
      %add3A_49 = arith.addi %mul3A_4, %mul3A_48 : i32
      %dma_start3A_50 = arith.constant 0 : i32
      %dma_start3A_51 = tpu.memref_slice %arg5[%add3A_49, %dma_start3A_50] : memref<819200x64xf32, #tpu.memory_space<hbm>> -> memref<256x64xf32, #tpu.memory_space<hbm>>
      %dma_start3A_52 = arith.constant 0 : i32
      %dma_start3A_53 = tpu.memref_slice %arg5[%add3A_49, %dma_start3A_52] : memref<819200x64xf32, #tpu.memory_space<hbm>> -> memref<256x64xf32, #tpu.memory_space<hbm>>
      tpu.enqueue_dma source(%arg10 : memref<256x64xf32, #tpu.memory_space<vmem>>) target(%dma_start3A_53 : memref<256x64xf32, #tpu.memory_space<hbm>>) target_semaphore(%arg14 : memref<!tpu.dma_semaphore, #tpu.memory_space<semaphore_mem>>)
      %add3A_54 = arith.constant 2 : i32
      %add3A_55 = arith.addi %mul3A_36, %add3A_54 : i32
      %lt3A = arith.constant 100 : i32
      %lt3A_56 = arith.cmpi slt, %add3A_55, %lt3A : i32
      %convert_element_type3A_57 = arith.extui %lt3A_56 : i1 to i32
      %cond3A_58 = arith.constant 0 : i32
      %cond3A_59 = arith.cmpi ne, %convert_element_type3A_57, %cond3A_58 : i32
      scf.if %cond3A_59 {
        %add3A_93 = arith.constant 2 : i32
        %add3A_94 = arith.addi %mul3A_36, %add3A_93 : i32
        %mul3A_95 = arith.constant 256 : i32
        %mul3A_96 = arith.muli %add3A_94, %mul3A_95 : i32
        %add3A_97 = arith.addi %mul3A_4, %mul3A_96 : i32
        %dma_start3A_98 = arith.constant 0 : i32
        %dma_start3A_99 = tpu.memref_slice %arg2[%add3A_97, %dma_start3A_98] : memref<819200x64xf32, #tpu.memory_space<hbm>> -> memref<256x64xf32, #tpu.memory_space<hbm>>
        %dma_start3A_100 = arith.constant 0 : i32
        %dma_start3A_101 = tpu.memref_slice %arg2[%add3A_97, %dma_start3A_100] : memref<819200x64xf32, #tpu.memory_space<hbm>> -> memref<256x64xf32, #tpu.memory_space<hbm>>
        tpu.enqueue_dma source(%dma_start3A_101 : memref<256x64xf32, #tpu.memory_space<hbm>>) target(%arg8 : memref<256x64xf32, #tpu.memory_space<vmem>>) target_semaphore(%arg12 : memref<!tpu.dma_semaphore, #tpu.memory_space<semaphore_mem>>)
      } else {
      }
      %dma_wait3A_60 = arith.constant 0 : i32
      %dma_wait3A_61 = arith.constant 0 : i32
      %dma_wait3A_62 = tpu.memref_slice %arg2[%dma_wait3A_60, %dma_wait3A_61] : memref<819200x64xf32, #tpu.memory_space<hbm>> -> memref<256x64xf32, #tpu.memory_space<hbm>>
      %dma_wait3A_63 = arith.constant 0 : i32
      %dma_wait3A_64 = arith.constant 0 : i32
      %dma_wait3A_65 = tpu.memref_slice %arg2[%dma_wait3A_63, %dma_wait3A_64] : memref<819200x64xf32, #tpu.memory_space<hbm>> -> memref<256x64xf32, #tpu.memory_space<hbm>>
      tpu.wait_dma2 semaphore(%arg13 : memref<!tpu.dma_semaphore, #tpu.memory_space<semaphore_mem>>) src(%dma_wait3A_65 : memref<256x64xf32, #tpu.memory_space<hbm>>) dst(%arg9 : memref<256x64xf32, #tpu.memory_space<vmem>>)
      %gt3A_66 = arith.constant 0 : i32
      %gt3A_67 = arith.cmpi sgt, %scan3A_33, %gt3A_66 : i32
      %convert_element_type3A_68 = arith.extui %gt3A_67 : i1 to i32
      %cond3A_69 = arith.constant 0 : i32
      %cond3A_70 = arith.cmpi ne, %convert_element_type3A_68, %cond3A_69 : i32
      scf.if %cond3A_70 {
        %dma_wait3A_93 = arith.constant 0 : i32
        %dma_wait3A_94 = arith.constant 0 : i32
        %dma_wait3A_95 = tpu.memref_slice %arg5[%dma_wait3A_93, %dma_wait3A_94] : memref<819200x64xf32, #tpu.memory_space<hbm>> -> memref<256x64xf32, #tpu.memory_space<hbm>>
        %dma_wait3A_96 = arith.constant 0 : i32
        %dma_wait3A_97 = arith.constant 0 : i32
        %dma_wait3A_98 = tpu.memref_slice %arg5[%dma_wait3A_96, %dma_wait3A_97] : memref<819200x64xf32, #tpu.memory_space<hbm>> -> memref<256x64xf32, #tpu.memory_space<hbm>>
        tpu.wait_dma2 semaphore(%arg15 : memref<!tpu.dma_semaphore, #tpu.memory_space<semaphore_mem>>) src(%arg11 : memref<256x64xf32, #tpu.memory_space<vmem>>) dst(%dma_wait3A_98 : memref<256x64xf32, #tpu.memory_space<hbm>>)
      } else {
      }
      %add3A_71 = arith.constant 1 : i32
      %add3A_72 = arith.addi %mul3A_36, %add3A_71 : i32
      %parallel_loop3A_73 = arith.constant 0 : i32
      %parallel_loop3A_74 = arith.constant 16 : i32
      %parallel_loop3A_75 = arith.constant 1 : i32
      scf.for %parallel_loop3A_93 = %parallel_loop3A_73 to %parallel_loop3A_74 step %parallel_loop3A_75  : i32 {
        %parallel_loop3A_94 = arith.constant 256 : i32
        %parallel_loop3A_95 = arith.muli %add3A_72, %parallel_loop3A_94 : i32
        %parallel_loop3A_96 = arith.constant 16 : i32
        %parallel_loop3A_97 = arith.muli %parallel_loop3A_93, %parallel_loop3A_96 : i32
        %parallel_loop3A_98 = arith.addi %parallel_loop3A_95, %parallel_loop3A_97 : i32
        %parallel_loop3A_99 = arith.index_cast %parallel_loop3A_98 : i32 to index
        %parallel_loop3A_100 = tpu.vector_load %arg7[%parallel_loop3A_99] {strides = array<i32>} : memref<25600xi32, #tpu.memory_space<vmem>>, vector<16xi32>,
        %parallel_loop3A_101 = vector.shape_cast %parallel_loop3A_100 : vector<16xi32> to vector<16xi32>
        %parallel_loop3A_102 = vector.extract_strided_slice %parallel_loop3A_101 {offsets = [0], sizes = [1], strides = [1]} : vector<16xi32> to vector<1xi32>
        %parallel_loop3A_103 = vector.extract %parallel_loop3A_102[0] : i32 from vector<1xi32>
        %parallel_loop3A_104 = arith.constant 16 : i32
        %parallel_loop3A_105 = arith.muli %parallel_loop3A_93, %parallel_loop3A_104 : i32
        %parallel_loop3A_106 = arith.constant 0 : i32
        %parallel_loop3A_107 = arith.addi %parallel_loop3A_105, %parallel_loop3A_106 : i32
        %parallel_loop3A_108 = arith.index_cast %parallel_loop3A_107 : i32 to index
        %parallel_loop3A_109 = arith.constant 0 : index
        %parallel_loop3A_110 = tpu.vector_load %arg9[%parallel_loop3A_108, %parallel_loop3A_109] {strides = array<i32>} : memref<256x64xf32, #tpu.memory_space<vmem>>, vector<1x16xf32>,
        %parallel_loop3A_111 = vector.shape_cast %parallel_loop3A_110 : vector<1x16xf32> to vector<16xf32>
        %parallel_loop3A_112 = arith.index_cast %parallel_loop3A_103 : i32 to index
        %parallel_loop3A_113 = arith.constant 0 : index
        %parallel_loop3A_114 = tpu.vector_load %arg6[%parallel_loop3A_112, %parallel_loop3A_113] {strides = array<i32>} : memref<446x64xf32, #tpu.memory_space<vmem>>, vector<1x16xf32>,
        %parallel_loop3A_115 = vector.shape_cast %parallel_loop3A_114 : vector<1x16xf32> to vector<16xf32>
        %parallel_loop3A_116 = arith.addf %parallel_loop3A_111, %parallel_loop3A_115 : vector<16xf32>
        %parallel_loop3A_117 = arith.index_cast %parallel_loop3A_107 : i32 to index
        %parallel_loop3A_118 = arith.constant 0 : index
        %parallel_loop3A_119 = tpu.vector_load %arg11[%parallel_loop3A_117, %parallel_loop3A_118] {strides = array<i32>} : memref<256x64xf32, #tpu.memory_space<vmem>>, vector<1x16xf32>,
        %parallel_loop3A_120 = vector.shape_cast %parallel_loop3A_119 : vector<1x16xf32> to vector<16xf32>
        %parallel_loop3A_121 = vector.shape_cast %parallel_loop3A_116 : vector<16xf32> to vector<1x16xf32>
        tpu.vector_store %arg11[%parallel_loop3A_117, %parallel_loop3A_118], %parallel_loop3A_121 {strides = array<i32>} : memref<256x64xf32, #tpu.memory_space<vmem>>, vector<1x16xf32>,
        %parallel_loop3A_122 = arith.index_cast %parallel_loop3A_107 : i32 to index
        %parallel_loop3A_123 = arith.constant 16 : index
        %parallel_loop3A_124 = tpu.vector_load %arg9[%parallel_loop3A_122, %parallel_loop3A_123] {strides = array<i32>} : memref<256x64xf32, #tpu.memory_space<vmem>>, vector<1x16xf32>,
        %parallel_loop3A_125 = vector.shape_cast %parallel_loop3A_124 : vector<1x16xf32> to vector<16xf32>
        %parallel_loop3A_126 = arith.index_cast %parallel_loop3A_103 : i32 to index
        %parallel_loop3A_127 = arith.constant 16 : index
        %parallel_loop3A_128 = tpu.vector_load %arg6[%parallel_loop3A_126, %parallel_loop3A_127] {strides = array<i32>} : memref<446x64xf32, #tpu.memory_space<vmem>>, vector<1x16xf32>,
        %parallel_loop3A_129 = vector.shape_cast %parallel_loop3A_128 : vector<1x16xf32> to vector<16xf32>
        %parallel_loop3A_130 = arith.addf %parallel_loop3A_125, %parallel_loop3A_129 : vector<16xf32>
        %parallel_loop3A_131 = arith.index_cast %parallel_loop3A_107 : i32 to index
        %parallel_loop3A_132 = arith.constant 16 : index
        %parallel_loop3A_133 = tpu.vector_load %arg11[%parallel_loop3A_131, %parallel_loop3A_132] {strides = array<i32>} : memref<256x64xf32, #tpu.memory_space<vmem>>, vector<1x16xf32>,
        %parallel_loop3A_134 = vector.shape_cast %parallel_loop3A_133 : vector<1x16xf32> to vector<16xf32>
        %parallel_loop3A_135 = vector.shape_cast %parallel_loop3A_130 : vector<16xf32> to vector<1x16xf32>
        tpu.vector_store %arg11[%parallel_loop3A_131, %parallel_loop3A_132], %parallel_loop3A_135 {strides = array<i32>} : memref<256x64xf32, #tpu.memory_space<vmem>>, vector<1x16xf32>,
        %parallel_loop3A_136 = arith.index_cast %parallel_loop3A_107 : i32 to index
        %parallel_loop3A_137 = arith.constant 32 : index
        %parallel_loop3A_138 = tpu.vector_load %arg9[%parallel_loop3A_136, %parallel_loop3A_137] {strides = array<i32>} : memref<256x64xf32, #tpu.memory_space<vmem>>, vector<1x16xf32>,
        %parallel_loop3A_139 = vector.shape_cast %parallel_loop3A_138 : vector<1x16xf32> to vector<16xf32>
        %parallel_loop3A_140 = arith.index_cast %parallel_loop3A_103 : i32 to index
        %parallel_loop3A_141 = arith.constant 32 : index
        %parallel_loop3A_142 = tpu.vector_load %arg6[%parallel_loop3A_140, %parallel_loop3A_141] {strides = array<i32>} : memref<446x64xf32, #tpu.memory_space<vmem>>, vector<1x16xf32>,
        %parallel_loop3A_143 = vector.shape_cast %parallel_loop3A_142 : vector<1x16xf32> to vector<16xf32>
        %parallel_loop3A_144 = arith.addf %parallel_loop3A_139, %parallel_loop3A_143 : vector<16xf32>
        %parallel_loop3A_145 = arith.index_cast %parallel_loop3A_107 : i32 to index
        %parallel_loop3A_146 = arith.constant 32 : index
        %parallel_loop3A_147 = tpu.vector_load %arg11[%parallel_loop3A_145, %parallel_loop3A_146] {strides = array<i32>} : memref<256x64xf32, #tpu.memory_space<vmem>>, vector<1x16xf32>,
        %parallel_loop3A_148 = vector.shape_cast %parallel_loop3A_147 : vector<1x16xf32> to vector<16xf32>
        %parallel_loop3A_149 = vector.shape_cast %parallel_loop3A_144 : vector<16xf32> to vector<1x16xf32>
        tpu.vector_store %arg11[%parallel_loop3A_145, %parallel_loop3A_146], %parallel_loop3A_149 {strides = array<i32>} : memref<256x64xf32, #tpu.memory_space<vmem>>, vector<1x16xf32>,
        %parallel_loop3A_150 = arith.index_cast %parallel_loop3A_107 : i32 to index
        %parallel_loop3A_151 = arith.constant 48 : index
        %parallel_loop3A_152 = tpu.vector_load %arg9[%parallel_loop3A_150, %parallel_loop3A_151] {strides = array<i32>} : memref<256x64xf32, #tpu.memory_space<vmem>>, vector<1x16xf32>,
        %parallel_loop3A_153 = vector.shape_cast %parallel_loop3A_152 : vector<1x16xf32> to vector<16xf32>
        %parallel_loop3A_154 = arith.index_cast %parallel_loop3A_103 : i32 to index
        %parallel_loop3A_155 = arith.constant 48 : index
        %parallel_loop3A_156 = tpu.vector_load %arg6[%parallel_loop3A_154, %parallel_loop3A_155] {strides = array<i32>} : memref<446x64xf32, #tpu.memory_space<vmem>>, vector<1x16xf32>,
        %parallel_loop3A_157 = vector.shape_cast %parallel_loop3A_156 : vector<1x16xf32> to vector<16xf32>
        %parallel_loop3A_158 = arith.addf %parallel_loop3A_153, %parallel_loop3A_157 : vector<16xf32>
        %parallel_loop3A_159 = arith.index_cast %parallel_loop3A_107 : i32 to index
        %parallel_loop3A_160 = arith.constant 48 : index
        %parallel_loop3A_161 = tpu.vector_load %arg11[%parallel_loop3A_159, %parallel_loop3A_160] {strides = array<i32>} : memref<256x64xf32, #tpu.memory_space<vmem>>, vector<1x16xf32>,
        %parallel_loop3A_162 = vector.shape_cast %parallel_loop3A_161 : vector<1x16xf32> to vector<16xf32>
        %parallel_loop3A_163 = vector.shape_cast %parallel_loop3A_158 : vector<16xf32> to vector<1x16xf32>
        tpu.vector_store %arg11[%parallel_loop3A_159, %parallel_loop3A_160], %parallel_loop3A_163 {strides = array<i32>} : memref<256x64xf32, #tpu.memory_space<vmem>>, vector<1x16xf32>,
        %parallel_loop3A_164 = vector.extract_strided_slice %parallel_loop3A_101 {offsets = [1], sizes = [1], strides = [1]} : vector<16xi32> to vector<1xi32>
        %parallel_loop3A_165 = vector.extract %parallel_loop3A_164[0] : i32 from vector<1xi32>
        %parallel_loop3A_166 = arith.constant 16 : i32
        %parallel_loop3A_167 = arith.muli %parallel_loop3A_93, %parallel_loop3A_166 : i32
        %parallel_loop3A_168 = arith.constant 1 : i32
        %parallel_loop3A_169 = arith.addi %parallel_loop3A_167, %parallel_loop3A_168 : i32
        %parallel_loop3A_170 = arith.index_cast %parallel_loop3A_169 : i32 to index
        %parallel_loop3A_171 = arith.constant 0 : index
        %parallel_loop3A_172 = tpu.vector_load %arg9[%parallel_loop3A_170, %parallel_loop3A_171] {strides = array<i32>} : memref<256x64xf32, #tpu.memory_space<vmem>>, vector<1x16xf32>,
        %parallel_loop3A_173 = vector.shape_cast %parallel_loop3A_172 : vector<1x16xf32> to vector<16xf32>
        %parallel_loop3A_174 = arith.index_cast %parallel_loop3A_165 : i32 to index
        %parallel_loop3A_175 = arith.constant 0 : index
        %parallel_loop3A_176 = tpu.vector_load %arg6[%parallel_loop3A_174, %parallel_loop3A_175] {strides = array<i32>} : memref<446x64xf32, #tpu.memory_space<vmem>>, vector<1x16xf32>,
        %parallel_loop3A_177 = vector.shape_cast %parallel_loop3A_176 : vector<1x16xf32> to vector<16xf32>
        %parallel_loop3A_178 = arith.addf %parallel_loop3A_173, %parallel_loop3A_177 : vector<16xf32>
        %parallel_loop3A_179 = arith.index_cast %parallel_loop3A_169 : i32 to index
        %parallel_loop3A_180 = arith.constant 0 : index
        %parallel_loop3A_181 = tpu.vector_load %arg11[%parallel_loop3A_179, %parallel_loop3A_180] {strides = array<i32>} : memref<256x64xf32, #tpu.memory_space<vmem>>, vector<1x16xf32>,
        %parallel_loop3A_182 = vector.shape_cast %parallel_loop3A_181 : vector<1x16xf32> to vector<16xf32>
        %parallel_loop3A_183 = vector.shape_cast %parallel_loop3A_178 : vector<16xf32> to vector<1x16xf32>
        tpu.vector_store %arg11[%parallel_loop3A_179, %parallel_loop3A_180], %parallel_loop3A_183 {strides = array<i32>} : memref<256x64xf32, #tpu.memory_space<vmem>>, vector<1x16xf32>,
        %parallel_loop3A_184 = arith.index_cast %parallel_loop3A_169 : i32 to index
        %parallel_loop3A_185 = arith.constant 16 : index
        %parallel_loop3A_186 = tpu.vector_load %arg9[%parallel_loop3A_184, %parallel_loop3A_185] {strides = array<i32>} : memref<256x64xf32, #tpu.memory_space<vmem>>, vector<1x16xf32>,
        %parallel_loop3A_187 = vector.shape_cast %parallel_loop3A_186 : vector<1x16xf32> to vector<16xf32>
        %parallel_loop3A_188 = arith.index_cast %parallel_loop3A_165 : i32 to index
        %parallel_loop3A_189 = arith.constant 16 : index
        %parallel_loop3A_190 = tpu.vector_load %arg6[%parallel_loop3A_188, %parallel_loop3A_189] {strides = array<i32>} : memref<446x64xf32, #tpu.memory_space<vmem>>, vector<1x16xf32>,
        %parallel_loop3A_191 = vector.shape_cast %parallel_loop3A_190 : vector<1x16xf32> to vector<16xf32>
        %parallel_loop3A_192 = arith.addf %parallel_loop3A_187, %parallel_loop3A_191 : vector<16xf32>
        %parallel_loop3A_193 = arith.index_cast %parallel_loop3A_169 : i32 to index
        %parallel_loop3A_194 = arith.constant 16 : index
        %parallel_loop3A_195 = tpu.vector_load %arg11[%parallel_loop3A_193, %parallel_loop3A_194] {strides = array<i32>} : memref<256x64xf32, #tpu.memory_space<vmem>>, vector<1x16xf32>,
        %parallel_loop3A_196 = vector.shape_cast %parallel_loop3A_195 : vector<1x16xf32> to vector<16xf32>
        %parallel_loop3A_197 = vector.shape_cast %parallel_loop3A_192 : vector<16xf32> to vector<1x16xf32>
        tpu.vector_store %arg11[%parallel_loop3A_193, %parallel_loop3A_194], %parallel_loop3A_197 {strides = array<i32>} : memref<256x64xf32, #tpu.memory_space<vmem>>, vector<1x16xf32>,
        %parallel_loop3A_198 = arith.index_cast %parallel_loop3A_169 : i32 to index
        %parallel_loop3A_199 = arith.constant 32 : index
        %parallel_loop3A_200 = tpu.vector_load %arg9[%parallel_loop3A_198, %parallel_loop3A_199] {strides = array<i32>} : memref<256x64xf32, #tpu.memory_space<vmem>>, vector<1x16xf32>,
        %parallel_loop3A_201 = vector.shape_cast %parallel_loop3A_200 : vector<1x16xf32> to vector<16xf32>
        %parallel_loop3A_202 = arith.index_cast %parallel_loop3A_165 : i32 to index
        %parallel_loop3A_203 = arith.constant 32 : index
        %parallel_loop3A_204 = tpu.vector_load %arg6[%parallel_loop3A_202, %parallel_loop3A_203] {strides = array<i32>} : memref<446x64xf32, #tpu.memory_space<vmem>>, vector<1x16xf32>,
        %parallel_loop3A_205 = vector.shape_cast %parallel_loop3A_204 : vector<1x16xf32> to vector<16xf32>
        %parallel_loop3A_206 = arith.addf %parallel_loop3A_201, %parallel_loop3A_205 : vector<16xf32>
        %parallel_loop3A_207 = arith.index_cast %parallel_loop3A_169 : i32 to index
        %parallel_loop3A_208 = arith.constant 32 : index
        %parallel_loop3A_209 = tpu.vector_load %arg11[%parallel_loop3A_207, %parallel_loop3A_208] {strides = array<i32>} : memref<256x64xf32, #tpu.memory_space<vmem>>, vector<1x16xf32>,
        %parallel_loop3A_210 = vector.shape_cast %parallel_loop3A_209 : vector<1x16xf32> to vector<16xf32>
        %parallel_loop3A_211 = vector.shape_cast %parallel_loop3A_206 : vector<16xf32> to vector<1x16xf32>
        tpu.vector_store %arg11[%parallel_loop3A_207, %parallel_loop3A_208], %parallel_loop3A_211 {strides = array<i32>} : memref<256x64xf32, #tpu.memory_space<vmem>>, vector<1x16xf32>,
        %parallel_loop3A_212 = arith.index_cast %parallel_loop3A_169 : i32 to index
        %parallel_loop3A_213 = arith.constant 48 : index
        %parallel_loop3A_214 = tpu.vector_load %arg9[%parallel_loop3A_212, %parallel_loop3A_213] {strides = array<i32>} : memref<256x64xf32, #tpu.memory_space<vmem>>, vector<1x16xf32>,
        %parallel_loop3A_215 = vector.shape_cast %parallel_loop3A_214 : vector<1x16xf32> to vector<16xf32>
        %parallel_loop3A_216 = arith.index_cast %parallel_loop3A_165 : i32 to index
        %parallel_loop3A_217 = arith.constant 48 : index
        %parallel_loop3A_218 = tpu.vector_load %arg6[%parallel_loop3A_216, %parallel_loop3A_217] {strides = array<i32>} : memref<446x64xf32, #tpu.memory_space<vmem>>, vector<1x16xf32>,
        %parallel_loop3A_219 = vector.shape_cast %parallel_loop3A_218 : vector<1x16xf32> to vector<16xf32>
        %parallel_loop3A_220 = arith.addf %parallel_loop3A_215, %parallel_loop3A_219 : vector<16xf32>
        %parallel_loop3A_221 = arith.index_cast %parallel_loop3A_169 : i32 to index
        %parallel_loop3A_222 = arith.constant 48 : index
        %parallel_loop3A_223 = tpu.vector_load %arg11[%parallel_loop3A_221, %parallel_loop3A_222] {strides = array<i32>} : memref<256x64xf32, #tpu.memory_space<vmem>>, vector<1x16xf32>,
        %parallel_loop3A_224 = vector.shape_cast %parallel_loop3A_223 : vector<1x16xf32> to vector<16xf32>
        %parallel_loop3A_225 = vector.shape_cast %parallel_loop3A_220 : vector<16xf32> to vector<1x16xf32>
        tpu.vector_store %arg11[%parallel_loop3A_221, %parallel_loop3A_222], %parallel_loop3A_225 {strides = array<i32>} : memref<256x64xf32, #tpu.memory_space<vmem>>, vector<1x16xf32>,
        %parallel_loop3A_226 = vector.extract_strided_slice %parallel_loop3A_101 {offsets = [2], sizes = [1], strides = [1]} : vector<16xi32> to vector<1xi32>
        %parallel_loop3A_227 = vector.extract %parallel_loop3A_226[0] : i32 from vector<1xi32>
        %parallel_loop3A_228 = arith.constant 16 : i32
        %parallel_loop3A_229 = arith.muli %parallel_loop3A_93, %parallel_loop3A_228 : i32
        %parallel_loop3A_230 = arith.constant 2 : i32
        %parallel_loop3A_231 = arith.addi %parallel_loop3A_229, %parallel_loop3A_230 : i32
        %parallel_loop3A_232 = arith.index_cast %parallel_loop3A_231 : i32 to index
        %parallel_loop3A_233 = arith.constant 0 : index
        %parallel_loop3A_234 = tpu.vector_load %arg9[%parallel_loop3A_232, %parallel_loop3A_233] {strides = array<i32>} : memref<256x64xf32, #tpu.memory_space<vmem>>, vector<1x16xf32>,
        %parallel_loop3A_235 = vector.shape_cast %parallel_loop3A_234 : vector<1x16xf32> to vector<16xf32>
        %parallel_loop3A_236 = arith.index_cast %parallel_loop3A_227 : i32 to index
        %parallel_loop3A_237 = arith.constant 0 : index
        %parallel_loop3A_238 = tpu.vector_load %arg6[%parallel_loop3A_236, %parallel_loop3A_237] {strides = array<i32>} : memref<446x64xf32, #tpu.memory_space<vmem>>, vector<1x16xf32>,
        %parallel_loop3A_239 = vector.shape_cast %parallel_loop3A_238 : vector<1x16xf32> to vector<16xf32>
        %parallel_loop3A_240 = arith.addf %parallel_loop3A_235, %parallel_loop3A_239 : vector<16xf32>
        %parallel_loop3A_241 = arith.index_cast %parallel_loop3A_231 : i32 to index
        %parallel_loop3A_242 = arith.constant 0 : index
        %parallel_loop3A_243 = tpu.vector_load %arg11[%parallel_loop3A_241, %parallel_loop3A_242] {strides = array<i32>} : memref<256x64xf32, #tpu.memory_space<vmem>>, vector<1x16xf32>,
        %parallel_loop3A_244 = vector.shape_cast %parallel_loop3A_243 : vector<1x16xf32> to vector<16xf32>
        %parallel_loop3A_245 = vector.shape_cast %parallel_loop3A_240 : vector<16xf32> to vector<1x16xf32>
        tpu.vector_store %arg11[%parallel_loop3A_241, %parallel_loop3A_242], %parallel_loop3A_245 {strides = array<i32>} : memref<256x64xf32, #tpu.memory_space<vmem>>, vector<1x16xf32>,
        %parallel_loop3A_246 = arith.index_cast %parallel_loop3A_231 : i32 to index
        %parallel_loop3A_247 = arith.constant 16 : index
        %parallel_loop3A_248 = tpu.vector_load %arg9[%parallel_loop3A_246, %parallel_loop3A_247] {strides = array<i32>} : memref<256x64xf32, #tpu.memory_space<vmem>>, vector<1x16xf32>,
        %parallel_loop3A_249 = vector.shape_cast %parallel_loop3A_248 : vector<1x16xf32> to vector<16xf32>
        %parallel_loop3A_250 = arith.index_cast %parallel_loop3A_227 : i32 to index
        %parallel_loop3A_251 = arith.constant 16 : index
        %parallel_loop3A_252 = tpu.vector_load %arg6[%parallel_loop3A_250, %parallel_loop3A_251] {strides = array<i32>} : memref<446x64xf32, #tpu.memory_space<vmem>>, vector<1x16xf32>,
        %parallel_loop3A_253 = vector.shape_cast %parallel_loop3A_252 : vector<1x16xf32> to vector<16xf32>
        %parallel_loop3A_254 = arith.addf %parallel_loop3A_249, %parallel_loop3A_253 : vector<16xf32>
        %parallel_loop3A_255 = arith.index_cast %parallel_loop3A_231 : i32 to index
        %parallel_loop3A_256 = arith.constant 16 : index
        %parallel_loop3A_257 = tpu.vector_load %arg11[%parallel_loop3A_255, %parallel_loop3A_256] {strides = array<i32>} : memref<256x64xf32, #tpu.memory_space<vmem>>, vector<1x16xf32>,
        %parallel_loop3A_258 = vector.shape_cast %parallel_loop3A_257 : vector<1x16xf32> to vector<16xf32>
        %parallel_loop3A_259 = vector.shape_cast %parallel_loop3A_254 : vector<16xf32> to vector<1x16xf32>
        tpu.vector_store %arg11[%parallel_loop3A_255, %parallel_loop3A_256], %parallel_loop3A_259 {strides = array<i32>} : memref<256x64xf32, #tpu.memory_space<vmem>>, vector<1x16xf32>,
        %parallel_loop3A_260 = arith.index_cast %parallel_loop3A_231 : i32 to index
        %parallel_loop3A_261 = arith.constant 32 : index
        %parallel_loop3A_262 = tpu.vector_load %arg9[%parallel_loop3A_260, %parallel_loop3A_261] {strides = array<i32>} : memref<256x64xf32, #tpu.memory_space<vmem>>, vector<1x16xf32>,
        %parallel_loop3A_263 = vector.shape_cast %parallel_loop3A_262 : vector<1x16xf32> to vector<16xf32>
        %parallel_loop3A_264 = arith.index_cast %parallel_loop3A_227 : i32 to index
        %parallel_loop3A_265 = arith.constant 32 : index
        %parallel_loop3A_266 = tpu.vector_load %arg6[%parallel_loop3A_264, %parallel_loop3A_265] {strides = array<i32>} : memref<446x64xf32, #tpu.memory_space<vmem>>, vector<1x16xf32>,
        %parallel_loop3A_267 = vector.shape_cast %parallel_loop3A_266 : vector<1x16xf32> to vector<16xf32>
        %parallel_loop3A_268 = arith.addf %parallel_loop3A_263, %parallel_loop3A_267 : vector<16xf32>
        %parallel_loop3A_269 = arith.index_cast %parallel_loop3A_231 : i32 to index
        %parallel_loop3A_270 = arith.constant 32 : index
        %parallel_loop3A_271 = tpu.vector_load %arg11[%parallel_loop3A_269, %parallel_loop3A_270] {strides = array<i32>} : memref<256x64xf32, #tpu.memory_space<vmem>>, vector<1x16xf32>,
        %parallel_loop3A_272 = vector.shape_cast %parallel_loop3A_271 : vector<1x16xf32> to vector<16xf32>
        %parallel_loop3A_273 = vector.shape_cast %parallel_loop3A_268 : vector<16xf32> to vector<1x16xf32>
        tpu.vector_store %arg11[%parallel_loop3A_269, %parallel_loop3A_270], %parallel_loop3A_273 {strides = array<i32>} : memref<256x64xf32, #tpu.memory_space<vmem>>, vector<1x16xf32>,
        %parallel_loop3A_274 = arith.index_cast %parallel_loop3A_231 : i32 to index
        %parallel_loop3A_275 = arith.constant 48 : index
        %parallel_loop3A_276 = tpu.vector_load %arg9[%parallel_loop3A_274, %parallel_loop3A_275] {strides = array<i32>} : memref<256x64xf32, #tpu.memory_space<vmem>>, vector<1x16xf32>,
        %parallel_loop3A_277 = vector.shape_cast %parallel_loop3A_276 : vector<1x16xf32> to vector<16xf32>
        %parallel_loop3A_278 = arith.index_cast %parallel_loop3A_227 : i32 to index
        %parallel_loop3A_279 = arith.constant 48 : index
        %parallel_loop3A_280 = tpu.vector_load %arg6[%parallel_loop3A_278, %parallel_loop3A_279] {strides = array<i32>} : memref<446x64xf32, #tpu.memory_space<vmem>>, vector<1x16xf32>,
        %parallel_loop3A_281 = vector.shape_cast %parallel_loop3A_280 : vector<1x16xf32> to vector<16xf32>
        %parallel_loop3A_282 = arith.addf %parallel_loop3A_277, %parallel_loop3A_281 : vector<16xf32>
        %parallel_loop3A_283 = arith.index_cast %parallel_loop3A_231 : i32 to index
        %parallel_loop3A_284 = arith.constant 48 : index
        %parallel_loop3A_285 = tpu.vector_load %arg11[%parallel_loop3A_283, %parallel_loop3A_284] {strides = array<i32>} : memref<256x64xf32, #tpu.memory_space<vmem>>, vector<1x16xf32>,
        %parallel_loop3A_286 = vector.shape_cast %parallel_loop3A_285 : vector<1x16xf32> to vector<16xf32>
        %parallel_loop3A_287 = vector.shape_cast %parallel_loop3A_282 : vector<16xf32> to vector<1x16xf32>
        tpu.vector_store %arg11[%parallel_loop3A_283, %parallel_loop3A_284], %parallel_loop3A_287 {strides = array<i32>} : memref<256x64xf32, #tpu.memory_space<vmem>>, vector<1x16xf32>,
        %parallel_loop3A_288 = vector.extract_strided_slice %parallel_loop3A_101 {offsets = [3], sizes = [1], strides = [1]} : vector<16xi32> to vector<1xi32>
        %parallel_loop3A_289 = vector.extract %parallel_loop3A_288[0] : i32 from vector<1xi32>
        %parallel_loop3A_290 = arith.constant 16 : i32
        %parallel_loop3A_291 = arith.muli %parallel_loop3A_93, %parallel_loop3A_290 : i32
        %parallel_loop3A_292 = arith.constant 3 : i32
        %parallel_loop3A_293 = arith.addi %parallel_loop3A_291, %parallel_loop3A_292 : i32
        %parallel_loop3A_294 = arith.index_cast %parallel_loop3A_293 : i32 to index
        %parallel_loop3A_295 = arith.constant 0 : index
        %parallel_loop3A_296 = tpu.vector_load %arg9[%parallel_loop3A_294, %parallel_loop3A_295] {strides = array<i32>} : memref<256x64xf32, #tpu.memory_space<vmem>>, vector<1x16xf32>,
        %parallel_loop3A_297 = vector.shape_cast %parallel_loop3A_296 : vector<1x16xf32> to vector<16xf32>
        %parallel_loop3A_298 = arith.index_cast %parallel_loop3A_289 : i32 to index
        %parallel_loop3A_299 = arith.constant 0 : index
        %parallel_loop3A_300 = tpu.vector_load %arg6[%parallel_loop3A_298, %parallel_loop3A_299] {strides = array<i32>} : memref<446x64xf32, #tpu.memory_space<vmem>>, vector<1x16xf32>,
        %parallel_loop3A_301 = vector.shape_cast %parallel_loop3A_300 : vector<1x16xf32> to vector<16xf32>
        %parallel_loop3A_302 = arith.addf %parallel_loop3A_297, %parallel_loop3A_301 : vector<16xf32>
        %parallel_loop3A_303 = arith.index_cast %parallel_loop3A_293 : i32 to index
        %parallel_loop3A_304 = arith.constant 0 : index
        %parallel_loop3A_305 = tpu.vector_load %arg11[%parallel_loop3A_303, %parallel_loop3A_304] {strides = array<i32>} : memref<256x64xf32, #tpu.memory_space<vmem>>, vector<1x16xf32>,
        %parallel_loop3A_306 = vector.shape_cast %parallel_loop3A_305 : vector<1x16xf32> to vector<16xf32>
        %parallel_loop3A_307 = vector.shape_cast %parallel_loop3A_302 : vector<16xf32> to vector<1x16xf32>
        tpu.vector_store %arg11[%parallel_loop3A_303, %parallel_loop3A_304], %parallel_loop3A_307 {strides = array<i32>} : memref<256x64xf32, #tpu.memory_space<vmem>>, vector<1x16xf32>,
        %parallel_loop3A_308 = arith.index_cast %parallel_loop3A_293 : i32 to index
        %parallel_loop3A_309 = arith.constant 16 : index
        %parallel_loop3A_310 = tpu.vector_load %arg9[%parallel_loop3A_308, %parallel_loop3A_309] {strides = array<i32>} : memref<256x64xf32, #tpu.memory_space<vmem>>, vector<1x16xf32>,
        %parallel_loop3A_311 = vector.shape_cast %parallel_loop3A_310 : vector<1x16xf32> to vector<16xf32>
        %parallel_loop3A_312 = arith.index_cast %parallel_loop3A_289 : i32 to index
        %parallel_loop3A_313 = arith.constant 16 : index
        %parallel_loop3A_314 = tpu.vector_load %arg6[%parallel_loop3A_312, %parallel_loop3A_313] {strides = array<i32>} : memref<446x64xf32, #tpu.memory_space<vmem>>, vector<1x16xf32>,
        %parallel_loop3A_315 = vector.shape_cast %parallel_loop3A_314 : vector<1x16xf32> to vector<16xf32>
        %parallel_loop3A_316 = arith.addf %parallel_loop3A_311, %parallel_loop3A_315 : vector<16xf32>
        %parallel_loop3A_317 = arith.index_cast %parallel_loop3A_293 : i32 to index
        %parallel_loop3A_318 = arith.constant 16 : index
        %parallel_loop3A_319 = tpu.vector_load %arg11[%parallel_loop3A_317, %parallel_loop3A_318] {strides = array<i32>} : memref<256x64xf32, #tpu.memory_space<vmem>>, vector<1x16xf32>,
        %parallel_loop3A_320 = vector.shape_cast %parallel_loop3A_319 : vector<1x16xf32> to vector<16xf32>
        %parallel_loop3A_321 = vector.shape_cast %parallel_loop3A_316 : vector<16xf32> to vector<1x16xf32>
        tpu.vector_store %arg11[%parallel_loop3A_317, %parallel_loop3A_318], %parallel_loop3A_321 {strides = array<i32>} : memref<256x64xf32, #tpu.memory_space<vmem>>, vector<1x16xf32>,
        %parallel_loop3A_322 = arith.index_cast %parallel_loop3A_293 : i32 to index
        %parallel_loop3A_323 = arith.constant 32 : index
        %parallel_loop3A_324 = tpu.vector_load %arg9[%parallel_loop3A_322, %parallel_loop3A_323] {strides = array<i32>} : memref<256x64xf32, #tpu.memory_space<vmem>>, vector<1x16xf32>,
        %parallel_loop3A_325 = vector.shape_cast %parallel_loop3A_324 : vector<1x16xf32> to vector<16xf32>
        %parallel_loop3A_326 = arith.index_cast %parallel_loop3A_289 : i32 to index
        %parallel_loop3A_327 = arith.constant 32 : index
        %parallel_loop3A_328 = tpu.vector_load %arg6[%parallel_loop3A_326, %parallel_loop3A_327] {strides = array<i32>} : memref<446x64xf32, #tpu.memory_space<vmem>>, vector<1x16xf32>,
        %parallel_loop3A_329 = vector.shape_cast %parallel_loop3A_328 : vector<1x16xf32> to vector<16xf32>
        %parallel_loop3A_330 = arith.addf %parallel_loop3A_325, %parallel_loop3A_329 : vector<16xf32>
        %parallel_loop3A_331 = arith.index_cast %parallel_loop3A_293 : i32 to index
        %parallel_loop3A_332 = arith.constant 32 : index
        %parallel_loop3A_333 = tpu.vector_load %arg11[%parallel_loop3A_331, %parallel_loop3A_332] {strides = array<i32>} : memref<256x64xf32, #tpu.memory_space<vmem>>, vector<1x16xf32>,
        %parallel_loop3A_334 = vector.shape_cast %parallel_loop3A_333 : vector<1x16xf32> to vector<16xf32>
        %parallel_loop3A_335 = vector.shape_cast %parallel_loop3A_330 : vector<16xf32> to vector<1x16xf32>
        tpu.vector_store %arg11[%parallel_loop3A_331, %parallel_loop3A_332], %parallel_loop3A_335 {strides = array<i32>} : memref<256x64xf32, #tpu.memory_space<vmem>>, vector<1x16xf32>,
        %parallel_loop3A_336 = arith.index_cast %parallel_loop3A_293 : i32 to index
        %parallel_loop3A_337 = arith.constant 48 : index
        %parallel_loop3A_338 = tpu.vector_load %arg9[%parallel_loop3A_336, %parallel_loop3A_337] {strides = array<i32>} : memref<256x64xf32, #tpu.memory_space<vmem>>, vector<1x16xf32>,
        %parallel_loop3A_339 = vector.shape_cast %parallel_loop3A_338 : vector<1x16xf32> to vector<16xf32>
        %parallel_loop3A_340 = arith.index_cast %parallel_loop3A_289 : i32 to index
        %parallel_loop3A_341 = arith.constant 48 : index
        %parallel_loop3A_342 = tpu.vector_load %arg6[%parallel_loop3A_340, %parallel_loop3A_341] {strides = array<i32>} : memref<446x64xf32, #tpu.memory_space<vmem>>, vector<1x16xf32>,
        %parallel_loop3A_343 = vector.shape_cast %parallel_loop3A_342 : vector<1x16xf32> to vector<16xf32>
        %parallel_loop3A_344 = arith.addf %parallel_loop3A_339, %parallel_loop3A_343 : vector<16xf32>
        %parallel_loop3A_345 = arith.index_cast %parallel_loop3A_293 : i32 to index
        %parallel_loop3A_346 = arith.constant 48 : index
        %parallel_loop3A_347 = tpu.vector_load %arg11[%parallel_loop3A_345, %parallel_loop3A_346] {strides = array<i32>} : memref<256x64xf32, #tpu.memory_space<vmem>>, vector<1x16xf32>,
        %parallel_loop3A_348 = vector.shape_cast %parallel_loop3A_347 : vector<1x16xf32> to vector<16xf32>
        %parallel_loop3A_349 = vector.shape_cast %parallel_loop3A_344 : vector<16xf32> to vector<1x16xf32>
        tpu.vector_store %arg11[%parallel_loop3A_345, %parallel_loop3A_346], %parallel_loop3A_349 {strides = array<i32>} : memref<256x64xf32, #tpu.memory_space<vmem>>, vector<1x16xf32>,
        %parallel_loop3A_350 = vector.extract_strided_slice %parallel_loop3A_101 {offsets = [4], sizes = [1], strides = [1]} : vector<16xi32> to vector<1xi32>
        %parallel_loop3A_351 = vector.extract %parallel_loop3A_350[0] : i32 from vector<1xi32>
        %parallel_loop3A_352 = arith.constant 16 : i32
        %parallel_loop3A_353 = arith.muli %parallel_loop3A_93, %parallel_loop3A_352 : i32
        %parallel_loop3A_354 = arith.constant 4 : i32
        %parallel_loop3A_355 = arith.addi %parallel_loop3A_353, %parallel_loop3A_354 : i32
        %parallel_loop3A_356 = arith.index_cast %parallel_loop3A_355 : i32 to index
        %parallel_loop3A_357 = arith.constant 0 : index
        %parallel_loop3A_358 = tpu.vector_load %arg9[%parallel_loop3A_356, %parallel_loop3A_357] {strides = array<i32>} : memref<256x64xf32, #tpu.memory_space<vmem>>, vector<1x16xf32>,
        %parallel_loop3A_359 = vector.shape_cast %parallel_loop3A_358 : vector<1x16xf32> to vector<16xf32>
        %parallel_loop3A_360 = arith.index_cast %parallel_loop3A_351 : i32 to index
        %parallel_loop3A_361 = arith.constant 0 : index
        %parallel_loop3A_362 = tpu.vector_load %arg6[%parallel_loop3A_360, %parallel_loop3A_361] {strides = array<i32>} : memref<446x64xf32, #tpu.memory_space<vmem>>, vector<1x16xf32>,
        %parallel_loop3A_363 = vector.shape_cast %parallel_loop3A_362 : vector<1x16xf32> to vector<16xf32>
        %parallel_loop3A_364 = arith.addf %parallel_loop3A_359, %parallel_loop3A_363 : vector<16xf32>
        %parallel_loop3A_365 = arith.index_cast %parallel_loop3A_355 : i32 to index
        %parallel_loop3A_366 = arith.constant 0 : index
        %parallel_loop3A_367 = tpu.vector_load %arg11[%parallel_loop3A_365, %parallel_loop3A_366] {strides = array<i32>} : memref<256x64xf32, #tpu.memory_space<vmem>>, vector<1x16xf32>,
        %parallel_loop3A_368 = vector.shape_cast %parallel_loop3A_367 : vector<1x16xf32> to vector<16xf32>
        %parallel_loop3A_369 = vector.shape_cast %parallel_loop3A_364 : vector<16xf32> to vector<1x16xf32>
        tpu.vector_store %arg11[%parallel_loop3A_365, %parallel_loop3A_366], %parallel_loop3A_369 {strides = array<i32>} : memref<256x64xf32, #tpu.memory_space<vmem>>, vector<1x16xf32>,
        %parallel_loop3A_370 = arith.index_cast %parallel_loop3A_355 : i32 to index
        %parallel_loop3A_371 = arith.constant 16 : index
        %parallel_loop3A_372 = tpu.vector_load %arg9[%parallel_loop3A_370, %parallel_loop3A_371] {strides = array<i32>} : memref<256x64xf32, #tpu.memory_space<vmem>>, vector<1x16xf32>,
        %parallel_loop3A_373 = vector.shape_cast %parallel_loop3A_372 : vector<1x16xf32> to vector<16xf32>
        %parallel_loop3A_374 = arith.index_cast %parallel_loop3A_351 : i32 to index
        %parallel_loop3A_375 = arith.constant 16 : index
        %parallel_loop3A_376 = tpu.vector_load %arg6[%parallel_loop3A_374, %parallel_loop3A_375] {strides = array<i32>} : memref<446x64xf32, #tpu.memory_space<vmem>>, vector<1x16xf32>,
        %parallel_loop3A_377 = vector.shape_cast %parallel_loop3A_376 : vector<1x16xf32> to vector<16xf32>
        %parallel_loop3A_378 = arith.addf %parallel_loop3A_373, %parallel_loop3A_377 : vector<16xf32>
        %parallel_loop3A_379 = arith.index_cast %parallel_loop3A_355 : i32 to index
        %parallel_loop3A_380 = arith.constant 16 : index
        %parallel_loop3A_381 = tpu.vector_load %arg11[%parallel_loop3A_379, %parallel_loop3A_380] {strides = array<i32>} : memref<256x64xf32, #tpu.memory_space<vmem>>, vector<1x16xf32>,
        %parallel_loop3A_382 = vector.shape_cast %parallel_loop3A_381 : vector<1x16xf32> to vector<16xf32>
        %parallel_loop3A_383 = vector.shape_cast %parallel_loop3A_378 : vector<16xf32> to vector<1x16xf32>
        tpu.vector_store %arg11[%parallel_loop3A_379, %parallel_loop3A_380], %parallel_loop3A_383 {strides = array<i32>} : memref<256x64xf32, #tpu.memory_space<vmem>>, vector<1x16xf32>,
        %parallel_loop3A_384 = arith.index_cast %parallel_loop3A_355 : i32 to index
        %parallel_loop3A_385 = arith.constant 32 : index
        %parallel_loop3A_386 = tpu.vector_load %arg9[%parallel_loop3A_384, %parallel_loop3A_385] {strides = array<i32>} : memref<256x64xf32, #tpu.memory_space<vmem>>, vector<1x16xf32>,
        %parallel_loop3A_387 = vector.shape_cast %parallel_loop3A_386 : vector<1x16xf32> to vector<16xf32>
        %parallel_loop3A_388 = arith.index_cast %parallel_loop3A_351 : i32 to index
        %parallel_loop3A_389 = arith.constant 32 : index
        %parallel_loop3A_390 = tpu.vector_load %arg6[%parallel_loop3A_388, %parallel_loop3A_389] {strides = array<i32>} : memref<446x64xf32, #tpu.memory_space<vmem>>, vector<1x16xf32>,
        %parallel_loop3A_391 = vector.shape_cast %parallel_loop3A_390 : vector<1x16xf32> to vector<16xf32>
        %parallel_loop3A_392 = arith.addf %parallel_loop3A_387, %parallel_loop3A_391 : vector<16xf32>
        %parallel_loop3A_393 = arith.index_cast %parallel_loop3A_355 : i32 to index
        %parallel_loop3A_394 = arith.constant 32 : index
        %parallel_loop3A_395 = tpu.vector_load %arg11[%parallel_loop3A_393, %parallel_loop3A_394] {strides = array<i32>} : memref<256x64xf32, #tpu.memory_space<vmem>>, vector<1x16xf32>,
        %parallel_loop3A_396 = vector.shape_cast %parallel_loop3A_395 : vector<1x16xf32> to vector<16xf32>
        %parallel_loop3A_397 = vector.shape_cast %parallel_loop3A_392 : vector<16xf32> to vector<1x16xf32>
        tpu.vector_store %arg11[%parallel_loop3A_393, %parallel_loop3A_394], %parallel_loop3A_397 {strides = array<i32>} : memref<256x64xf32, #tpu.memory_space<vmem>>, vector<1x16xf32>,
        %parallel_loop3A_398 = arith.index_cast %parallel_loop3A_355 : i32 to index
        %parallel_loop3A_399 = arith.constant 48 : index
        %parallel_loop3A_400 = tpu.vector_load %arg9[%parallel_loop3A_398, %parallel_loop3A_399] {strides = array<i32>} : memref<256x64xf32, #tpu.memory_space<vmem>>, vector<1x16xf32>,
        %parallel_loop3A_401 = vector.shape_cast %parallel_loop3A_400 : vector<1x16xf32> to vector<16xf32>
        %parallel_loop3A_402 = arith.index_cast %parallel_loop3A_351 : i32 to index
        %parallel_loop3A_403 = arith.constant 48 : index
        %parallel_loop3A_404 = tpu.vector_load %arg6[%parallel_loop3A_402, %parallel_loop3A_403] {strides = array<i32>} : memref<446x64xf32, #tpu.memory_space<vmem>>, vector<1x16xf32>,
        %parallel_loop3A_405 = vector.shape_cast %parallel_loop3A_404 : vector<1x16xf32> to vector<16xf32>
        %parallel_loop3A_406 = arith.addf %parallel_loop3A_401, %parallel_loop3A_405 : vector<16xf32>
        %parallel_loop3A_407 = arith.index_cast %parallel_loop3A_355 : i32 to index
        %parallel_loop3A_408 = arith.constant 48 : index
        %parallel_loop3A_409 = tpu.vector_load %arg11[%parallel_loop3A_407, %parallel_loop3A_408] {strides = array<i32>} : memref<256x64xf32, #tpu.memory_space<vmem>>, vector<1x16xf32>,
        %parallel_loop3A_410 = vector.shape_cast %parallel_loop3A_409 : vector<1x16xf32> to vector<16xf32>
        %parallel_loop3A_411 = vector.shape_cast %parallel_loop3A_406 : vector<16xf32> to vector<1x16xf32>
        tpu.vector_store %arg11[%parallel_loop3A_407, %parallel_loop3A_408], %parallel_loop3A_411 {strides = array<i32>} : memref<256x64xf32, #tpu.memory_space<vmem>>, vector<1x16xf32>,
        %parallel_loop3A_412 = vector.extract_strided_slice %parallel_loop3A_101 {offsets = [5], sizes = [1], strides = [1]} : vector<16xi32> to vector<1xi32>
        %parallel_loop3A_413 = vector.extract %parallel_loop3A_412[0] : i32 from vector<1xi32>
        %parallel_loop3A_414 = arith.constant 16 : i32
        %parallel_loop3A_415 = arith.muli %parallel_loop3A_93, %parallel_loop3A_414 : i32
        %parallel_loop3A_416 = arith.constant 5 : i32
        %parallel_loop3A_417 = arith.addi %parallel_loop3A_415, %parallel_loop3A_416 : i32
        %parallel_loop3A_418 = arith.index_cast %parallel_loop3A_417 : i32 to index
        %parallel_loop3A_419 = arith.constant 0 : index
        %parallel_loop3A_420 = tpu.vector_load %arg9[%parallel_loop3A_418, %parallel_loop3A_419] {strides = array<i32>} : memref<256x64xf32, #tpu.memory_space<vmem>>, vector<1x16xf32>,
        %parallel_loop3A_421 = vector.shape_cast %parallel_loop3A_420 : vector<1x16xf32> to vector<16xf32>
        %parallel_loop3A_422 = arith.index_cast %parallel_loop3A_413 : i32 to index
        %parallel_loop3A_423 = arith.constant 0 : index
        %parallel_loop3A_424 = tpu.vector_load %arg6[%parallel_loop3A_422, %parallel_loop3A_423] {strides = array<i32>} : memref<446x64xf32, #tpu.memory_space<vmem>>, vector<1x16xf32>,
        %parallel_loop3A_425 = vector.shape_cast %parallel_loop3A_424 : vector<1x16xf32> to vector<16xf32>
        %parallel_loop3A_426 = arith.addf %parallel_loop3A_421, %parallel_loop3A_425 : vector<16xf32>
        %parallel_loop3A_427 = arith.index_cast %parallel_loop3A_417 : i32 to index
        %parallel_loop3A_428 = arith.constant 0 : index
        %parallel_loop3A_429 = tpu.vector_load %arg11[%parallel_loop3A_427, %parallel_loop3A_428] {strides = array<i32>} : memref<256x64xf32, #tpu.memory_space<vmem>>, vector<1x16xf32>,
        %parallel_loop3A_430 = vector.shape_cast %parallel_loop3A_429 : vector<1x16xf32> to vector<16xf32>
        %parallel_loop3A_431 = vector.shape_cast %parallel_loop3A_426 : vector<16xf32> to vector<1x16xf32>
        tpu.vector_store %arg11[%parallel_loop3A_427, %parallel_loop3A_428], %parallel_loop3A_431 {strides = array<i32>} : memref<256x64xf32, #tpu.memory_space<vmem>>, vector<1x16xf32>,
        %parallel_loop3A_432 = arith.index_cast %parallel_loop3A_417 : i32 to index
        %parallel_loop3A_433 = arith.constant 16 : index
        %parallel_loop3A_434 = tpu.vector_load %arg9[%parallel_loop3A_432, %parallel_loop3A_433] {strides = array<i32>} : memref<256x64xf32, #tpu.memory_space<vmem>>, vector<1x16xf32>,
        %parallel_loop3A_435 = vector.shape_cast %parallel_loop3A_434 : vector<1x16xf32> to vector<16xf32>
        %parallel_loop3A_436 = arith.index_cast %parallel_loop3A_413 : i32 to index
        %parallel_loop3A_437 = arith.constant 16 : index
        %parallel_loop3A_438 = tpu.vector_load %arg6[%parallel_loop3A_436, %parallel_loop3A_437] {strides = array<i32>} : memref<446x64xf32, #tpu.memory_space<vmem>>, vector<1x16xf32>,
        %parallel_loop3A_439 = vector.shape_cast %parallel_loop3A_438 : vector<1x16xf32> to vector<16xf32>
        %parallel_loop3A_440 = arith.addf %parallel_loop3A_435, %parallel_loop3A_439 : vector<16xf32>
        %parallel_loop3A_441 = arith.index_cast %parallel_loop3A_417 : i32 to index
        %parallel_loop3A_442 = arith.constant 16 : index
        %parallel_loop3A_443 = tpu.vector_load %arg11[%parallel_loop3A_441, %parallel_loop3A_442] {strides = array<i32>} : memref<256x64xf32, #tpu.memory_space<vmem>>, vector<1x16xf32>,
        %parallel_loop3A_444 = vector.shape_cast %parallel_loop3A_443 : vector<1x16xf32> to vector<16xf32>
        %parallel_loop3A_445 = vector.shape_cast %parallel_loop3A_440 : vector<16xf32> to vector<1x16xf32>
        tpu.vector_store %arg11[%parallel_loop3A_441, %parallel_loop3A_442], %parallel_loop3A_445 {strides = array<i32>} : memref<256x64xf32, #tpu.memory_space<vmem>>, vector<1x16xf32>,
        %parallel_loop3A_446 = arith.index_cast %parallel_loop3A_417 : i32 to index
        %parallel_loop3A_447 = arith.constant 32 : index
        %parallel_loop3A_448 = tpu.vector_load %arg9[%parallel_loop3A_446, %parallel_loop3A_447] {strides = array<i32>} : memref<256x64xf32, #tpu.memory_space<vmem>>, vector<1x16xf32>,
        %parallel_loop3A_449 = vector.shape_cast %parallel_loop3A_448 : vector<1x16xf32> to vector<16xf32>
        %parallel_loop3A_450 = arith.index_cast %parallel_loop3A_413 : i32 to index
        %parallel_loop3A_451 = arith.constant 32 : index
        %parallel_loop3A_452 = tpu.vector_load %arg6[%parallel_loop3A_450, %parallel_loop3A_451] {strides = array<i32>} : memref<446x64xf32, #tpu.memory_space<vmem>>, vector<1x16xf32>,
        %parallel_loop3A_453 = vector.shape_cast %parallel_loop3A_452 : vector<1x16xf32> to vector<16xf32>
        %parallel_loop3A_454 = arith.addf %parallel_loop3A_449, %parallel_loop3A_453 : vector<16xf32>
        %parallel_loop3A_455 = arith.index_cast %parallel_loop3A_417 : i32 to index
        %parallel_loop3A_456 = arith.constant 32 : index
        %parallel_loop3A_457 = tpu.vector_load %arg11[%parallel_loop3A_455, %parallel_loop3A_456] {strides = array<i32>} : memref<256x64xf32, #tpu.memory_space<vmem>>, vector<1x16xf32>,
        %parallel_loop3A_458 = vector.shape_cast %parallel_loop3A_457 : vector<1x16xf32> to vector<16xf32>
        %parallel_loop3A_459 = vector.shape_cast %parallel_loop3A_454 : vector<16xf32> to vector<1x16xf32>
        tpu.vector_store %arg11[%parallel_loop3A_455, %parallel_loop3A_456], %parallel_loop3A_459 {strides = array<i32>} : memref<256x64xf32, #tpu.memory_space<vmem>>, vector<1x16xf32>,
        %parallel_loop3A_460 = arith.index_cast %parallel_loop3A_417 : i32 to index
        %parallel_loop3A_461 = arith.constant 48 : index
        %parallel_loop3A_462 = tpu.vector_load %arg9[%parallel_loop3A_460, %parallel_loop3A_461] {strides = array<i32>} : memref<256x64xf32, #tpu.memory_space<vmem>>, vector<1x16xf32>,
        %parallel_loop3A_463 = vector.shape_cast %parallel_loop3A_462 : vector<1x16xf32> to vector<16xf32>
        %parallel_loop3A_464 = arith.index_cast %parallel_loop3A_413 : i32 to index
        %parallel_loop3A_465 = arith.constant 48 : index
        %parallel_loop3A_466 = tpu.vector_load %arg6[%parallel_loop3A_464, %parallel_loop3A_465] {strides = array<i32>} : memref<446x64xf32, #tpu.memory_space<vmem>>, vector<1x16xf32>,
        %parallel_loop3A_467 = vector.shape_cast %parallel_loop3A_466 : vector<1x16xf32> to vector<16xf32>
        %parallel_loop3A_468 = arith.addf %parallel_loop3A_463, %parallel_loop3A_467 : vector<16xf32>
        %parallel_loop3A_469 = arith.index_cast %parallel_loop3A_417 : i32 to index
        %parallel_loop3A_470 = arith.constant 48 : index
        %parallel_loop3A_471 = tpu.vector_load %arg11[%parallel_loop3A_469, %parallel_loop3A_470] {strides = array<i32>} : memref<256x64xf32, #tpu.memory_space<vmem>>, vector<1x16xf32>,
        %parallel_loop3A_472 = vector.shape_cast %parallel_loop3A_471 : vector<1x16xf32> to vector<16xf32>
        %parallel_loop3A_473 = vector.shape_cast %parallel_loop3A_468 : vector<16xf32> to vector<1x16xf32>
        tpu.vector_store %arg11[%parallel_loop3A_469, %parallel_loop3A_470], %parallel_loop3A_473 {strides = array<i32>} : memref<256x64xf32, #tpu.memory_space<vmem>>, vector<1x16xf32>,
        %parallel_loop3A_474 = vector.extract_strided_slice %parallel_loop3A_101 {offsets = [6], sizes = [1], strides = [1]} : vector<16xi32> to vector<1xi32>
        %parallel_loop3A_475 = vector.extract %parallel_loop3A_474[0] : i32 from vector<1xi32>
        %parallel_loop3A_476 = arith.constant 16 : i32
        %parallel_loop3A_477 = arith.muli %parallel_loop3A_93, %parallel_loop3A_476 : i32
        %parallel_loop3A_478 = arith.constant 6 : i32
        %parallel_loop3A_479 = arith.addi %parallel_loop3A_477, %parallel_loop3A_478 : i32
        %parallel_loop3A_480 = arith.index_cast %parallel_loop3A_479 : i32 to index
        %parallel_loop3A_481 = arith.constant 0 : index
        %parallel_loop3A_482 = tpu.vector_load %arg9[%parallel_loop3A_480, %parallel_loop3A_481] {strides = array<i32>} : memref<256x64xf32, #tpu.memory_space<vmem>>, vector<1x16xf32>,
        %parallel_loop3A_483 = vector.shape_cast %parallel_loop3A_482 : vector<1x16xf32> to vector<16xf32>
        %parallel_loop3A_484 = arith.index_cast %parallel_loop3A_475 : i32 to index
        %parallel_loop3A_485 = arith.constant 0 : index
        %parallel_loop3A_486 = tpu.vector_load %arg6[%parallel_loop3A_484, %parallel_loop3A_485] {strides = array<i32>} : memref<446x64xf32, #tpu.memory_space<vmem>>, vector<1x16xf32>,
        %parallel_loop3A_487 = vector.shape_cast %parallel_loop3A_486 : vector<1x16xf32> to vector<16xf32>
        %parallel_loop3A_488 = arith.addf %parallel_loop3A_483, %parallel_loop3A_487 : vector<16xf32>
        %parallel_loop3A_489 = arith.index_cast %parallel_loop3A_479 : i32 to index
        %parallel_loop3A_490 = arith.constant 0 : index
        %parallel_loop3A_491 = tpu.vector_load %arg11[%parallel_loop3A_489, %parallel_loop3A_490] {strides = array<i32>} : memref<256x64xf32, #tpu.memory_space<vmem>>, vector<1x16xf32>,
        %parallel_loop3A_492 = vector.shape_cast %parallel_loop3A_491 : vector<1x16xf32> to vector<16xf32>
        %parallel_loop3A_493 = vector.shape_cast %parallel_loop3A_488 : vector<16xf32> to vector<1x16xf32>
        tpu.vector_store %arg11[%parallel_loop3A_489, %parallel_loop3A_490], %parallel_loop3A_493 {strides = array<i32>} : memref<256x64xf32, #tpu.memory_space<vmem>>, vector<1x16xf32>,
        %parallel_loop3A_494 = arith.index_cast %parallel_loop3A_479 : i32 to index
        %parallel_loop3A_495 = arith.constant 16 : index
        %parallel_loop3A_496 = tpu.vector_load %arg9[%parallel_loop3A_494, %parallel_loop3A_495] {strides = array<i32>} : memref<256x64xf32, #tpu.memory_space<vmem>>, vector<1x16xf32>,
        %parallel_loop3A_497 = vector.shape_cast %parallel_loop3A_496 : vector<1x16xf32> to vector<16xf32>
        %parallel_loop3A_498 = arith.index_cast %parallel_loop3A_475 : i32 to index
        %parallel_loop3A_499 = arith.constant 16 : index
        %parallel_loop3A_500 = tpu.vector_load %arg6[%parallel_loop3A_498, %parallel_loop3A_499] {strides = array<i32>} : memref<446x64xf32, #tpu.memory_space<vmem>>, vector<1x16xf32>,
        %parallel_loop3A_501 = vector.shape_cast %parallel_loop3A_500 : vector<1x16xf32> to vector<16xf32>
        %parallel_loop3A_502 = arith.addf %parallel_loop3A_497, %parallel_loop3A_501 : vector<16xf32>
        %parallel_loop3A_503 = arith.index_cast %parallel_loop3A_479 : i32 to index
        %parallel_loop3A_504 = arith.constant 16 : index
        %parallel_loop3A_505 = tpu.vector_load %arg11[%parallel_loop3A_503, %parallel_loop3A_504] {strides = array<i32>} : memref<256x64xf32, #tpu.memory_space<vmem>>, vector<1x16xf32>,
        %parallel_loop3A_506 = vector.shape_cast %parallel_loop3A_505 : vector<1x16xf32> to vector<16xf32>
        %parallel_loop3A_507 = vector.shape_cast %parallel_loop3A_502 : vector<16xf32> to vector<1x16xf32>
        tpu.vector_store %arg11[%parallel_loop3A_503, %parallel_loop3A_504], %parallel_loop3A_507 {strides = array<i32>} : memref<256x64xf32, #tpu.memory_space<vmem>>, vector<1x16xf32>,
        %parallel_loop3A_508 = arith.index_cast %parallel_loop3A_479 : i32 to index
        %parallel_loop3A_509 = arith.constant 32 : index
        %parallel_loop3A_510 = tpu.vector_load %arg9[%parallel_loop3A_508, %parallel_loop3A_509] {strides = array<i32>} : memref<256x64xf32, #tpu.memory_space<vmem>>, vector<1x16xf32>,
        %parallel_loop3A_511 = vector.shape_cast %parallel_loop3A_510 : vector<1x16xf32> to vector<16xf32>
        %parallel_loop3A_512 = arith.index_cast %parallel_loop3A_475 : i32 to index
        %parallel_loop3A_513 = arith.constant 32 : index
        %parallel_loop3A_514 = tpu.vector_load %arg6[%parallel_loop3A_512, %parallel_loop3A_513] {strides = array<i32>} : memref<446x64xf32, #tpu.memory_space<vmem>>, vector<1x16xf32>,
        %parallel_loop3A_515 = vector.shape_cast %parallel_loop3A_514 : vector<1x16xf32> to vector<16xf32>
        %parallel_loop3A_516 = arith.addf %parallel_loop3A_511, %parallel_loop3A_515 : vector<16xf32>
        %parallel_loop3A_517 = arith.index_cast %parallel_loop3A_479 : i32 to index
        %parallel_loop3A_518 = arith.constant 32 : index
        %parallel_loop3A_519 = tpu.vector_load %arg11[%parallel_loop3A_517, %parallel_loop3A_518] {strides = array<i32>} : memref<256x64xf32, #tpu.memory_space<vmem>>, vector<1x16xf32>,
        %parallel_loop3A_520 = vector.shape_cast %parallel_loop3A_519 : vector<1x16xf32> to vector<16xf32>
        %parallel_loop3A_521 = vector.shape_cast %parallel_loop3A_516 : vector<16xf32> to vector<1x16xf32>
        tpu.vector_store %arg11[%parallel_loop3A_517, %parallel_loop3A_518], %parallel_loop3A_521 {strides = array<i32>} : memref<256x64xf32, #tpu.memory_space<vmem>>, vector<1x16xf32>,
        %parallel_loop3A_522 = arith.index_cast %parallel_loop3A_479 : i32 to index
        %parallel_loop3A_523 = arith.constant 48 : index
        %parallel_loop3A_524 = tpu.vector_load %arg9[%parallel_loop3A_522, %parallel_loop3A_523] {strides = array<i32>} : memref<256x64xf32, #tpu.memory_space<vmem>>, vector<1x16xf32>,
        %parallel_loop3A_525 = vector.shape_cast %parallel_loop3A_524 : vector<1x16xf32> to vector<16xf32>
        %parallel_loop3A_526 = arith.index_cast %parallel_loop3A_475 : i32 to index
        %parallel_loop3A_527 = arith.constant 48 : index
        %parallel_loop3A_528 = tpu.vector_load %arg6[%parallel_loop3A_526, %parallel_loop3A_527] {strides = array<i32>} : memref<446x64xf32, #tpu.memory_space<vmem>>, vector<1x16xf32>,
        %parallel_loop3A_529 = vector.shape_cast %parallel_loop3A_528 : vector<1x16xf32> to vector<16xf32>
        %parallel_loop3A_530 = arith.addf %parallel_loop3A_525, %parallel_loop3A_529 : vector<16xf32>
        %parallel_loop3A_531 = arith.index_cast %parallel_loop3A_479 : i32 to index
        %parallel_loop3A_532 = arith.constant 48 : index
        %parallel_loop3A_533 = tpu.vector_load %arg11[%parallel_loop3A_531, %parallel_loop3A_532] {strides = array<i32>} : memref<256x64xf32, #tpu.memory_space<vmem>>, vector<1x16xf32>,
        %parallel_loop3A_534 = vector.shape_cast %parallel_loop3A_533 : vector<1x16xf32> to vector<16xf32>
        %parallel_loop3A_535 = vector.shape_cast %parallel_loop3A_530 : vector<16xf32> to vector<1x16xf32>
        tpu.vector_store %arg11[%parallel_loop3A_531, %parallel_loop3A_532], %parallel_loop3A_535 {strides = array<i32>} : memref<256x64xf32, #tpu.memory_space<vmem>>, vector<1x16xf32>,
        %parallel_loop3A_536 = vector.extract_strided_slice %parallel_loop3A_101 {offsets = [7], sizes = [1], strides = [1]} : vector<16xi32> to vector<1xi32>
        %parallel_loop3A_537 = vector.extract %parallel_loop3A_536[0] : i32 from vector<1xi32>
        %parallel_loop3A_538 = arith.constant 16 : i32
        %parallel_loop3A_539 = arith.muli %parallel_loop3A_93, %parallel_loop3A_538 : i32
        %parallel_loop3A_540 = arith.constant 7 : i32
        %parallel_loop3A_541 = arith.addi %parallel_loop3A_539, %parallel_loop3A_540 : i32
        %parallel_loop3A_542 = arith.index_cast %parallel_loop3A_541 : i32 to index
        %parallel_loop3A_543 = arith.constant 0 : index
        %parallel_loop3A_544 = tpu.vector_load %arg9[%parallel_loop3A_542, %parallel_loop3A_543] {strides = array<i32>} : memref<256x64xf32, #tpu.memory_space<vmem>>, vector<1x16xf32>,
        %parallel_loop3A_545 = vector.shape_cast %parallel_loop3A_544 : vector<1x16xf32> to vector<16xf32>
        %parallel_loop3A_546 = arith.index_cast %parallel_loop3A_537 : i32 to index
        %parallel_loop3A_547 = arith.constant 0 : index
        %parallel_loop3A_548 = tpu.vector_load %arg6[%parallel_loop3A_546, %parallel_loop3A_547] {strides = array<i32>} : memref<446x64xf32, #tpu.memory_space<vmem>>, vector<1x16xf32>,
        %parallel_loop3A_549 = vector.shape_cast %parallel_loop3A_548 : vector<1x16xf32> to vector<16xf32>
        %parallel_loop3A_550 = arith.addf %parallel_loop3A_545, %parallel_loop3A_549 : vector<16xf32>
        %parallel_loop3A_551 = arith.index_cast %parallel_loop3A_541 : i32 to index
        %parallel_loop3A_552 = arith.constant 0 : index
        %parallel_loop3A_553 = tpu.vector_load %arg11[%parallel_loop3A_551, %parallel_loop3A_552] {strides = array<i32>} : memref<256x64xf32, #tpu.memory_space<vmem>>, vector<1x16xf32>,
        %parallel_loop3A_554 = vector.shape_cast %parallel_loop3A_553 : vector<1x16xf32> to vector<16xf32>
        %parallel_loop3A_555 = vector.shape_cast %parallel_loop3A_550 : vector<16xf32> to vector<1x16xf32>
        tpu.vector_store %arg11[%parallel_loop3A_551, %parallel_loop3A_552], %parallel_loop3A_555 {strides = array<i32>} : memref<256x64xf32, #tpu.memory_space<vmem>>, vector<1x16xf32>,
        %parallel_loop3A_556 = arith.index_cast %parallel_loop3A_541 : i32 to index
        %parallel_loop3A_557 = arith.constant 16 : index
        %parallel_loop3A_558 = tpu.vector_load %arg9[%parallel_loop3A_556, %parallel_loop3A_557] {strides = array<i32>} : memref<256x64xf32, #tpu.memory_space<vmem>>, vector<1x16xf32>,
        %parallel_loop3A_559 = vector.shape_cast %parallel_loop3A_558 : vector<1x16xf32> to vector<16xf32>
        %parallel_loop3A_560 = arith.index_cast %parallel_loop3A_537 : i32 to index
        %parallel_loop3A_561 = arith.constant 16 : index
        %parallel_loop3A_562 = tpu.vector_load %arg6[%parallel_loop3A_560, %parallel_loop3A_561] {strides = array<i32>} : memref<446x64xf32, #tpu.memory_space<vmem>>, vector<1x16xf32>,
        %parallel_loop3A_563 = vector.shape_cast %parallel_loop3A_562 : vector<1x16xf32> to vector<16xf32>
        %parallel_loop3A_564 = arith.addf %parallel_loop3A_559, %parallel_loop3A_563 : vector<16xf32>
        %parallel_loop3A_565 = arith.index_cast %parallel_loop3A_541 : i32 to index
        %parallel_loop3A_566 = arith.constant 16 : index
        %parallel_loop3A_567 = tpu.vector_load %arg11[%parallel_loop3A_565, %parallel_loop3A_566] {strides = array<i32>} : memref<256x64xf32, #tpu.memory_space<vmem>>, vector<1x16xf32>,
        %parallel_loop3A_568 = vector.shape_cast %parallel_loop3A_567 : vector<1x16xf32> to vector<16xf32>
        %parallel_loop3A_569 = vector.shape_cast %parallel_loop3A_564 : vector<16xf32> to vector<1x16xf32>
        tpu.vector_store %arg11[%parallel_loop3A_565, %parallel_loop3A_566], %parallel_loop3A_569 {strides = array<i32>} : memref<256x64xf32, #tpu.memory_space<vmem>>, vector<1x16xf32>,
        %parallel_loop3A_570 = arith.index_cast %parallel_loop3A_541 : i32 to index
        %parallel_loop3A_571 = arith.constant 32 : index
        %parallel_loop3A_572 = tpu.vector_load %arg9[%parallel_loop3A_570, %parallel_loop3A_571] {strides = array<i32>} : memref<256x64xf32, #tpu.memory_space<vmem>>, vector<1x16xf32>,
        %parallel_loop3A_573 = vector.shape_cast %parallel_loop3A_572 : vector<1x16xf32> to vector<16xf32>
        %parallel_loop3A_574 = arith.index_cast %parallel_loop3A_537 : i32 to index
        %parallel_loop3A_575 = arith.constant 32 : index
        %parallel_loop3A_576 = tpu.vector_load %arg6[%parallel_loop3A_574, %parallel_loop3A_575] {strides = array<i32>} : memref<446x64xf32, #tpu.memory_space<vmem>>, vector<1x16xf32>,
        %parallel_loop3A_577 = vector.shape_cast %parallel_loop3A_576 : vector<1x16xf32> to vector<16xf32>
        %parallel_loop3A_578 = arith.addf %parallel_loop3A_573, %parallel_loop3A_577 : vector<16xf32>
        %parallel_loop3A_579 = arith.index_cast %parallel_loop3A_541 : i32 to index
        %parallel_loop3A_580 = arith.constant 32 : index
        %parallel_loop3A_581 = tpu.vector_load %arg11[%parallel_loop3A_579, %parallel_loop3A_580] {strides = array<i32>} : memref<256x64xf32, #tpu.memory_space<vmem>>, vector<1x16xf32>,
        %parallel_loop3A_582 = vector.shape_cast %parallel_loop3A_581 : vector<1x16xf32> to vector<16xf32>
        %parallel_loop3A_583 = vector.shape_cast %parallel_loop3A_578 : vector<16xf32> to vector<1x16xf32>
        tpu.vector_store %arg11[%parallel_loop3A_579, %parallel_loop3A_580], %parallel_loop3A_583 {strides = array<i32>} : memref<256x64xf32, #tpu.memory_space<vmem>>, vector<1x16xf32>,
        %parallel_loop3A_584 = arith.index_cast %parallel_loop3A_541 : i32 to index
        %parallel_loop3A_585 = arith.constant 48 : index
        %parallel_loop3A_586 = tpu.vector_load %arg9[%parallel_loop3A_584, %parallel_loop3A_585] {strides = array<i32>} : memref<256x64xf32, #tpu.memory_space<vmem>>, vector<1x16xf32>,
        %parallel_loop3A_587 = vector.shape_cast %parallel_loop3A_586 : vector<1x16xf32> to vector<16xf32>
        %parallel_loop3A_588 = arith.index_cast %parallel_loop3A_537 : i32 to index
        %parallel_loop3A_589 = arith.constant 48 : index
        %parallel_loop3A_590 = tpu.vector_load %arg6[%parallel_loop3A_588, %parallel_loop3A_589] {strides = array<i32>} : memref<446x64xf32, #tpu.memory_space<vmem>>, vector<1x16xf32>,
        %parallel_loop3A_591 = vector.shape_cast %parallel_loop3A_590 : vector<1x16xf32> to vector<16xf32>
        %parallel_loop3A_592 = arith.addf %parallel_loop3A_587, %parallel_loop3A_591 : vector<16xf32>
        %parallel_loop3A_593 = arith.index_cast %parallel_loop3A_541 : i32 to index
        %parallel_loop3A_594 = arith.constant 48 : index
        %parallel_loop3A_595 = tpu.vector_load %arg11[%parallel_loop3A_593, %parallel_loop3A_594] {strides = array<i32>} : memref<256x64xf32, #tpu.memory_space<vmem>>, vector<1x16xf32>,
        %parallel_loop3A_596 = vector.shape_cast %parallel_loop3A_595 : vector<1x16xf32> to vector<16xf32>
        %parallel_loop3A_597 = vector.shape_cast %parallel_loop3A_592 : vector<16xf32> to vector<1x16xf32>
        tpu.vector_store %arg11[%parallel_loop3A_593, %parallel_loop3A_594], %parallel_loop3A_597 {strides = array<i32>} : memref<256x64xf32, #tpu.memory_space<vmem>>, vector<1x16xf32>,
        %parallel_loop3A_598 = vector.extract_strided_slice %parallel_loop3A_101 {offsets = [8], sizes = [1], strides = [1]} : vector<16xi32> to vector<1xi32>
        %parallel_loop3A_599 = vector.extract %parallel_loop3A_598[0] : i32 from vector<1xi32>
        %parallel_loop3A_600 = arith.constant 16 : i32
        %parallel_loop3A_601 = arith.muli %parallel_loop3A_93, %parallel_loop3A_600 : i32
        %parallel_loop3A_602 = arith.constant 8 : i32
        %parallel_loop3A_603 = arith.addi %parallel_loop3A_601, %parallel_loop3A_602 : i32
        %parallel_loop3A_604 = arith.index_cast %parallel_loop3A_603 : i32 to index
        %parallel_loop3A_605 = arith.constant 0 : index
        %parallel_loop3A_606 = tpu.vector_load %arg9[%parallel_loop3A_604, %parallel_loop3A_605] {strides = array<i32>} : memref<256x64xf32, #tpu.memory_space<vmem>>, vector<1x16xf32>,
        %parallel_loop3A_607 = vector.shape_cast %parallel_loop3A_606 : vector<1x16xf32> to vector<16xf32>
        %parallel_loop3A_608 = arith.index_cast %parallel_loop3A_599 : i32 to index
        %parallel_loop3A_609 = arith.constant 0 : index
        %parallel_loop3A_610 = tpu.vector_load %arg6[%parallel_loop3A_608, %parallel_loop3A_609] {strides = array<i32>} : memref<446x64xf32, #tpu.memory_space<vmem>>, vector<1x16xf32>,
        %parallel_loop3A_611 = vector.shape_cast %parallel_loop3A_610 : vector<1x16xf32> to vector<16xf32>
        %parallel_loop3A_612 = arith.addf %parallel_loop3A_607, %parallel_loop3A_611 : vector<16xf32>
        %parallel_loop3A_613 = arith.index_cast %parallel_loop3A_603 : i32 to index
        %parallel_loop3A_614 = arith.constant 0 : index
        %parallel_loop3A_615 = tpu.vector_load %arg11[%parallel_loop3A_613, %parallel_loop3A_614] {strides = array<i32>} : memref<256x64xf32, #tpu.memory_space<vmem>>, vector<1x16xf32>,
        %parallel_loop3A_616 = vector.shape_cast %parallel_loop3A_615 : vector<1x16xf32> to vector<16xf32>
        %parallel_loop3A_617 = vector.shape_cast %parallel_loop3A_612 : vector<16xf32> to vector<1x16xf32>
        tpu.vector_store %arg11[%parallel_loop3A_613, %parallel_loop3A_614], %parallel_loop3A_617 {strides = array<i32>} : memref<256x64xf32, #tpu.memory_space<vmem>>, vector<1x16xf32>,
        %parallel_loop3A_618 = arith.index_cast %parallel_loop3A_603 : i32 to index
        %parallel_loop3A_619 = arith.constant 16 : index
        %parallel_loop3A_620 = tpu.vector_load %arg9[%parallel_loop3A_618, %parallel_loop3A_619] {strides = array<i32>} : memref<256x64xf32, #tpu.memory_space<vmem>>, vector<1x16xf32>,
        %parallel_loop3A_621 = vector.shape_cast %parallel_loop3A_620 : vector<1x16xf32> to vector<16xf32>
        %parallel_loop3A_622 = arith.index_cast %parallel_loop3A_599 : i32 to index
        %parallel_loop3A_623 = arith.constant 16 : index
        %parallel_loop3A_624 = tpu.vector_load %arg6[%parallel_loop3A_622, %parallel_loop3A_623] {strides = array<i32>} : memref<446x64xf32, #tpu.memory_space<vmem>>, vector<1x16xf32>,
        %parallel_loop3A_625 = vector.shape_cast %parallel_loop3A_624 : vector<1x16xf32> to vector<16xf32>
        %parallel_loop3A_626 = arith.addf %parallel_loop3A_621, %parallel_loop3A_625 : vector<16xf32>
        %parallel_loop3A_627 = arith.index_cast %parallel_loop3A_603 : i32 to index
        %parallel_loop3A_628 = arith.constant 16 : index
        %parallel_loop3A_629 = tpu.vector_load %arg11[%parallel_loop3A_627, %parallel_loop3A_628] {strides = array<i32>} : memref<256x64xf32, #tpu.memory_space<vmem>>, vector<1x16xf32>,
        %parallel_loop3A_630 = vector.shape_cast %parallel_loop3A_629 : vector<1x16xf32> to vector<16xf32>
        %parallel_loop3A_631 = vector.shape_cast %parallel_loop3A_626 : vector<16xf32> to vector<1x16xf32>
        tpu.vector_store %arg11[%parallel_loop3A_627, %parallel_loop3A_628], %parallel_loop3A_631 {strides = array<i32>} : memref<256x64xf32, #tpu.memory_space<vmem>>, vector<1x16xf32>,
        %parallel_loop3A_632 = arith.index_cast %parallel_loop3A_603 : i32 to index
        %parallel_loop3A_633 = arith.constant 32 : index
        %parallel_loop3A_634 = tpu.vector_load %arg9[%parallel_loop3A_632, %parallel_loop3A_633] {strides = array<i32>} : memref<256x64xf32, #tpu.memory_space<vmem>>, vector<1x16xf32>,
        %parallel_loop3A_635 = vector.shape_cast %parallel_loop3A_634 : vector<1x16xf32> to vector<16xf32>
        %parallel_loop3A_636 = arith.index_cast %parallel_loop3A_599 : i32 to index
        %parallel_loop3A_637 = arith.constant 32 : index
        %parallel_loop3A_638 = tpu.vector_load %arg6[%parallel_loop3A_636, %parallel_loop3A_637] {strides = array<i32>} : memref<446x64xf32, #tpu.memory_space<vmem>>, vector<1x16xf32>,
        %parallel_loop3A_639 = vector.shape_cast %parallel_loop3A_638 : vector<1x16xf32> to vector<16xf32>
        %parallel_loop3A_640 = arith.addf %parallel_loop3A_635, %parallel_loop3A_639 : vector<16xf32>
        %parallel_loop3A_641 = arith.index_cast %parallel_loop3A_603 : i32 to index
        %parallel_loop3A_642 = arith.constant 32 : index
        %parallel_loop3A_643 = tpu.vector_load %arg11[%parallel_loop3A_641, %parallel_loop3A_642] {strides = array<i32>} : memref<256x64xf32, #tpu.memory_space<vmem>>, vector<1x16xf32>,
        %parallel_loop3A_644 = vector.shape_cast %parallel_loop3A_643 : vector<1x16xf32> to vector<16xf32>
        %parallel_loop3A_645 = vector.shape_cast %parallel_loop3A_640 : vector<16xf32> to vector<1x16xf32>
        tpu.vector_store %arg11[%parallel_loop3A_641, %parallel_loop3A_642], %parallel_loop3A_645 {strides = array<i32>} : memref<256x64xf32, #tpu.memory_space<vmem>>, vector<1x16xf32>,
        %parallel_loop3A_646 = arith.index_cast %parallel_loop3A_603 : i32 to index
        %parallel_loop3A_647 = arith.constant 48 : index
        %parallel_loop3A_648 = tpu.vector_load %arg9[%parallel_loop3A_646, %parallel_loop3A_647] {strides = array<i32>} : memref<256x64xf32, #tpu.memory_space<vmem>>, vector<1x16xf32>,
        %parallel_loop3A_649 = vector.shape_cast %parallel_loop3A_648 : vector<1x16xf32> to vector<16xf32>
        %parallel_loop3A_650 = arith.index_cast %parallel_loop3A_599 : i32 to index
        %parallel_loop3A_651 = arith.constant 48 : index
        %parallel_loop3A_652 = tpu.vector_load %arg6[%parallel_loop3A_650, %parallel_loop3A_651] {strides = array<i32>} : memref<446x64xf32, #tpu.memory_space<vmem>>, vector<1x16xf32>,
        %parallel_loop3A_653 = vector.shape_cast %parallel_loop3A_652 : vector<1x16xf32> to vector<16xf32>
        %parallel_loop3A_654 = arith.addf %parallel_loop3A_649, %parallel_loop3A_653 : vector<16xf32>
        %parallel_loop3A_655 = arith.index_cast %parallel_loop3A_603 : i32 to index
        %parallel_loop3A_656 = arith.constant 48 : index
        %parallel_loop3A_657 = tpu.vector_load %arg11[%parallel_loop3A_655, %parallel_loop3A_656] {strides = array<i32>} : memref<256x64xf32, #tpu.memory_space<vmem>>, vector<1x16xf32>,
        %parallel_loop3A_658 = vector.shape_cast %parallel_loop3A_657 : vector<1x16xf32> to vector<16xf32>
        %parallel_loop3A_659 = vector.shape_cast %parallel_loop3A_654 : vector<16xf32> to vector<1x16xf32>
        tpu.vector_store %arg11[%parallel_loop3A_655, %parallel_loop3A_656], %parallel_loop3A_659 {strides = array<i32>} : memref<256x64xf32, #tpu.memory_space<vmem>>, vector<1x16xf32>,
        %parallel_loop3A_660 = vector.extract_strided_slice %parallel_loop3A_101 {offsets = [9], sizes = [1], strides = [1]} : vector<16xi32> to vector<1xi32>
        %parallel_loop3A_661 = vector.extract %parallel_loop3A_660[0] : i32 from vector<1xi32>
        %parallel_loop3A_662 = arith.constant 16 : i32
        %parallel_loop3A_663 = arith.muli %parallel_loop3A_93, %parallel_loop3A_662 : i32
        %parallel_loop3A_664 = arith.constant 9 : i32
        %parallel_loop3A_665 = arith.addi %parallel_loop3A_663, %parallel_loop3A_664 : i32
        %parallel_loop3A_666 = arith.index_cast %parallel_loop3A_665 : i32 to index
        %parallel_loop3A_667 = arith.constant 0 : index
        %parallel_loop3A_668 = tpu.vector_load %arg9[%parallel_loop3A_666, %parallel_loop3A_667] {strides = array<i32>} : memref<256x64xf32, #tpu.memory_space<vmem>>, vector<1x16xf32>,
        %parallel_loop3A_669 = vector.shape_cast %parallel_loop3A_668 : vector<1x16xf32> to vector<16xf32>
        %parallel_loop3A_670 = arith.index_cast %parallel_loop3A_661 : i32 to index
        %parallel_loop3A_671 = arith.constant 0 : index
        %parallel_loop3A_672 = tpu.vector_load %arg6[%parallel_loop3A_670, %parallel_loop3A_671] {strides = array<i32>} : memref<446x64xf32, #tpu.memory_space<vmem>>, vector<1x16xf32>,
        %parallel_loop3A_673 = vector.shape_cast %parallel_loop3A_672 : vector<1x16xf32> to vector<16xf32>
        %parallel_loop3A_674 = arith.addf %parallel_loop3A_669, %parallel_loop3A_673 : vector<16xf32>
        %parallel_loop3A_675 = arith.index_cast %parallel_loop3A_665 : i32 to index
        %parallel_loop3A_676 = arith.constant 0 : index
        %parallel_loop3A_677 = tpu.vector_load %arg11[%parallel_loop3A_675, %parallel_loop3A_676] {strides = array<i32>} : memref<256x64xf32, #tpu.memory_space<vmem>>, vector<1x16xf32>,
        %parallel_loop3A_678 = vector.shape_cast %parallel_loop3A_677 : vector<1x16xf32> to vector<16xf32>
        %parallel_loop3A_679 = vector.shape_cast %parallel_loop3A_674 : vector<16xf32> to vector<1x16xf32>
        tpu.vector_store %arg11[%parallel_loop3A_675, %parallel_loop3A_676], %parallel_loop3A_679 {strides = array<i32>} : memref<256x64xf32, #tpu.memory_space<vmem>>, vector<1x16xf32>,
        %parallel_loop3A_680 = arith.index_cast %parallel_loop3A_665 : i32 to index
        %parallel_loop3A_681 = arith.constant 16 : index
        %parallel_loop3A_682 = tpu.vector_load %arg9[%parallel_loop3A_680, %parallel_loop3A_681] {strides = array<i32>} : memref<256x64xf32, #tpu.memory_space<vmem>>, vector<1x16xf32>,
        %parallel_loop3A_683 = vector.shape_cast %parallel_loop3A_682 : vector<1x16xf32> to vector<16xf32>
        %parallel_loop3A_684 = arith.index_cast %parallel_loop3A_661 : i32 to index
        %parallel_loop3A_685 = arith.constant 16 : index
        %parallel_loop3A_686 = tpu.vector_load %arg6[%parallel_loop3A_684, %parallel_loop3A_685] {strides = array<i32>} : memref<446x64xf32, #tpu.memory_space<vmem>>, vector<1x16xf32>,
        %parallel_loop3A_687 = vector.shape_cast %parallel_loop3A_686 : vector<1x16xf32> to vector<16xf32>
        %parallel_loop3A_688 = arith.addf %parallel_loop3A_683, %parallel_loop3A_687 : vector<16xf32>
        %parallel_loop3A_689 = arith.index_cast %parallel_loop3A_665 : i32 to index
        %parallel_loop3A_690 = arith.constant 16 : index
        %parallel_loop3A_691 = tpu.vector_load %arg11[%parallel_loop3A_689, %parallel_loop3A_690] {strides = array<i32>} : memref<256x64xf32, #tpu.memory_space<vmem>>, vector<1x16xf32>,
        %parallel_loop3A_692 = vector.shape_cast %parallel_loop3A_691 : vector<1x16xf32> to vector<16xf32>
        %parallel_loop3A_693 = vector.shape_cast %parallel_loop3A_688 : vector<16xf32> to vector<1x16xf32>
        tpu.vector_store %arg11[%parallel_loop3A_689, %parallel_loop3A_690], %parallel_loop3A_693 {strides = array<i32>} : memref<256x64xf32, #tpu.memory_space<vmem>>, vector<1x16xf32>,
        %parallel_loop3A_694 = arith.index_cast %parallel_loop3A_665 : i32 to index
        %parallel_loop3A_695 = arith.constant 32 : index
        %parallel_loop3A_696 = tpu.vector_load %arg9[%parallel_loop3A_694, %parallel_loop3A_695] {strides = array<i32>} : memref<256x64xf32, #tpu.memory_space<vmem>>, vector<1x16xf32>,
        %parallel_loop3A_697 = vector.shape_cast %parallel_loop3A_696 : vector<1x16xf32> to vector<16xf32>
        %parallel_loop3A_698 = arith.index_cast %parallel_loop3A_661 : i32 to index
        %parallel_loop3A_699 = arith.constant 32 : index
        %parallel_loop3A_700 = tpu.vector_load %arg6[%parallel_loop3A_698, %parallel_loop3A_699] {strides = array<i32>} : memref<446x64xf32, #tpu.memory_space<vmem>>, vector<1x16xf32>,
        %parallel_loop3A_701 = vector.shape_cast %parallel_loop3A_700 : vector<1x16xf32> to vector<16xf32>
        %parallel_loop3A_702 = arith.addf %parallel_loop3A_697, %parallel_loop3A_701 : vector<16xf32>
        %parallel_loop3A_703 = arith.index_cast %parallel_loop3A_665 : i32 to index
        %parallel_loop3A_704 = arith.constant 32 : index
        %parallel_loop3A_705 = tpu.vector_load %arg11[%parallel_loop3A_703, %parallel_loop3A_704] {strides = array<i32>} : memref<256x64xf32, #tpu.memory_space<vmem>>, vector<1x16xf32>,
        %parallel_loop3A_706 = vector.shape_cast %parallel_loop3A_705 : vector<1x16xf32> to vector<16xf32>
        %parallel_loop3A_707 = vector.shape_cast %parallel_loop3A_702 : vector<16xf32> to vector<1x16xf32>
        tpu.vector_store %arg11[%parallel_loop3A_703, %parallel_loop3A_704], %parallel_loop3A_707 {strides = array<i32>} : memref<256x64xf32, #tpu.memory_space<vmem>>, vector<1x16xf32>,
        %parallel_loop3A_708 = arith.index_cast %parallel_loop3A_665 : i32 to index
        %parallel_loop3A_709 = arith.constant 48 : index
        %parallel_loop3A_710 = tpu.vector_load %arg9[%parallel_loop3A_708, %parallel_loop3A_709] {strides = array<i32>} : memref<256x64xf32, #tpu.memory_space<vmem>>, vector<1x16xf32>,
        %parallel_loop3A_711 = vector.shape_cast %parallel_loop3A_710 : vector<1x16xf32> to vector<16xf32>
        %parallel_loop3A_712 = arith.index_cast %parallel_loop3A_661 : i32 to index
        %parallel_loop3A_713 = arith.constant 48 : index
        %parallel_loop3A_714 = tpu.vector_load %arg6[%parallel_loop3A_712, %parallel_loop3A_713] {strides = array<i32>} : memref<446x64xf32, #tpu.memory_space<vmem>>, vector<1x16xf32>,
        %parallel_loop3A_715 = vector.shape_cast %parallel_loop3A_714 : vector<1x16xf32> to vector<16xf32>
        %parallel_loop3A_716 = arith.addf %parallel_loop3A_711, %parallel_loop3A_715 : vector<16xf32>
        %parallel_loop3A_717 = arith.index_cast %parallel_loop3A_665 : i32 to index
        %parallel_loop3A_718 = arith.constant 48 : index
        %parallel_loop3A_719 = tpu.vector_load %arg11[%parallel_loop3A_717, %parallel_loop3A_718] {strides = array<i32>} : memref<256x64xf32, #tpu.memory_space<vmem>>, vector<1x16xf32>,
        %parallel_loop3A_720 = vector.shape_cast %parallel_loop3A_719 : vector<1x16xf32> to vector<16xf32>
        %parallel_loop3A_721 = vector.shape_cast %parallel_loop3A_716 : vector<16xf32> to vector<1x16xf32>
        tpu.vector_store %arg11[%parallel_loop3A_717, %parallel_loop3A_718], %parallel_loop3A_721 {strides = array<i32>} : memref<256x64xf32, #tpu.memory_space<vmem>>, vector<1x16xf32>,
        %parallel_loop3A_722 = vector.extract_strided_slice %parallel_loop3A_101 {offsets = [10], sizes = [1], strides = [1]} : vector<16xi32> to vector<1xi32>
        %parallel_loop3A_723 = vector.extract %parallel_loop3A_722[0] : i32 from vector<1xi32>
        %parallel_loop3A_724 = arith.constant 16 : i32
        %parallel_loop3A_725 = arith.muli %parallel_loop3A_93, %parallel_loop3A_724 : i32
        %parallel_loop3A_726 = arith.constant 10 : i32
        %parallel_loop3A_727 = arith.addi %parallel_loop3A_725, %parallel_loop3A_726 : i32
        %parallel_loop3A_728 = arith.index_cast %parallel_loop3A_727 : i32 to index
        %parallel_loop3A_729 = arith.constant 0 : index
        %parallel_loop3A_730 = tpu.vector_load %arg9[%parallel_loop3A_728, %parallel_loop3A_729] {strides = array<i32>} : memref<256x64xf32, #tpu.memory_space<vmem>>, vector<1x16xf32>,
        %parallel_loop3A_731 = vector.shape_cast %parallel_loop3A_730 : vector<1x16xf32> to vector<16xf32>
        %parallel_loop3A_732 = arith.index_cast %parallel_loop3A_723 : i32 to index
        %parallel_loop3A_733 = arith.constant 0 : index
        %parallel_loop3A_734 = tpu.vector_load %arg6[%parallel_loop3A_732, %parallel_loop3A_733] {strides = array<i32>} : memref<446x64xf32, #tpu.memory_space<vmem>>, vector<1x16xf32>,
        %parallel_loop3A_735 = vector.shape_cast %parallel_loop3A_734 : vector<1x16xf32> to vector<16xf32>
        %parallel_loop3A_736 = arith.addf %parallel_loop3A_731, %parallel_loop3A_735 : vector<16xf32>
        %parallel_loop3A_737 = arith.index_cast %parallel_loop3A_727 : i32 to index
        %parallel_loop3A_738 = arith.constant 0 : index
        %parallel_loop3A_739 = tpu.vector_load %arg11[%parallel_loop3A_737, %parallel_loop3A_738] {strides = array<i32>} : memref<256x64xf32, #tpu.memory_space<vmem>>, vector<1x16xf32>,
        %parallel_loop3A_740 = vector.shape_cast %parallel_loop3A_739 : vector<1x16xf32> to vector<16xf32>
        %parallel_loop3A_741 = vector.shape_cast %parallel_loop3A_736 : vector<16xf32> to vector<1x16xf32>
        tpu.vector_store %arg11[%parallel_loop3A_737, %parallel_loop3A_738], %parallel_loop3A_741 {strides = array<i32>} : memref<256x64xf32, #tpu.memory_space<vmem>>, vector<1x16xf32>,
        %parallel_loop3A_742 = arith.index_cast %parallel_loop3A_727 : i32 to index
        %parallel_loop3A_743 = arith.constant 16 : index
        %parallel_loop3A_744 = tpu.vector_load %arg9[%parallel_loop3A_742, %parallel_loop3A_743] {strides = array<i32>} : memref<256x64xf32, #tpu.memory_space<vmem>>, vector<1x16xf32>,
        %parallel_loop3A_745 = vector.shape_cast %parallel_loop3A_744 : vector<1x16xf32> to vector<16xf32>
        %parallel_loop3A_746 = arith.index_cast %parallel_loop3A_723 : i32 to index
        %parallel_loop3A_747 = arith.constant 16 : index
        %parallel_loop3A_748 = tpu.vector_load %arg6[%parallel_loop3A_746, %parallel_loop3A_747] {strides = array<i32>} : memref<446x64xf32, #tpu.memory_space<vmem>>, vector<1x16xf32>,
        %parallel_loop3A_749 = vector.shape_cast %parallel_loop3A_748 : vector<1x16xf32> to vector<16xf32>
        %parallel_loop3A_750 = arith.addf %parallel_loop3A_745, %parallel_loop3A_749 : vector<16xf32>
        %parallel_loop3A_751 = arith.index_cast %parallel_loop3A_727 : i32 to index
        %parallel_loop3A_752 = arith.constant 16 : index
        %parallel_loop3A_753 = tpu.vector_load %arg11[%parallel_loop3A_751, %parallel_loop3A_752] {strides = array<i32>} : memref<256x64xf32, #tpu.memory_space<vmem>>, vector<1x16xf32>,
        %parallel_loop3A_754 = vector.shape_cast %parallel_loop3A_753 : vector<1x16xf32> to vector<16xf32>
        %parallel_loop3A_755 = vector.shape_cast %parallel_loop3A_750 : vector<16xf32> to vector<1x16xf32>
        tpu.vector_store %arg11[%parallel_loop3A_751, %parallel_loop3A_752], %parallel_loop3A_755 {strides = array<i32>} : memref<256x64xf32, #tpu.memory_space<vmem>>, vector<1x16xf32>,
        %parallel_loop3A_756 = arith.index_cast %parallel_loop3A_727 : i32 to index
        %parallel_loop3A_757 = arith.constant 32 : index
        %parallel_loop3A_758 = tpu.vector_load %arg9[%parallel_loop3A_756, %parallel_loop3A_757] {strides = array<i32>} : memref<256x64xf32, #tpu.memory_space<vmem>>, vector<1x16xf32>,
        %parallel_loop3A_759 = vector.shape_cast %parallel_loop3A_758 : vector<1x16xf32> to vector<16xf32>
        %parallel_loop3A_760 = arith.index_cast %parallel_loop3A_723 : i32 to index
        %parallel_loop3A_761 = arith.constant 32 : index
        %parallel_loop3A_762 = tpu.vector_load %arg6[%parallel_loop3A_760, %parallel_loop3A_761] {strides = array<i32>} : memref<446x64xf32, #tpu.memory_space<vmem>>, vector<1x16xf32>,
        %parallel_loop3A_763 = vector.shape_cast %parallel_loop3A_762 : vector<1x16xf32> to vector<16xf32>
        %parallel_loop3A_764 = arith.addf %parallel_loop3A_759, %parallel_loop3A_763 : vector<16xf32>
        %parallel_loop3A_765 = arith.index_cast %parallel_loop3A_727 : i32 to index
        %parallel_loop3A_766 = arith.constant 32 : index
        %parallel_loop3A_767 = tpu.vector_load %arg11[%parallel_loop3A_765, %parallel_loop3A_766] {strides = array<i32>} : memref<256x64xf32, #tpu.memory_space<vmem>>, vector<1x16xf32>,
        %parallel_loop3A_768 = vector.shape_cast %parallel_loop3A_767 : vector<1x16xf32> to vector<16xf32>
        %parallel_loop3A_769 = vector.shape_cast %parallel_loop3A_764 : vector<16xf32> to vector<1x16xf32>
        tpu.vector_store %arg11[%parallel_loop3A_765, %parallel_loop3A_766], %parallel_loop3A_769 {strides = array<i32>} : memref<256x64xf32, #tpu.memory_space<vmem>>, vector<1x16xf32>,
        %parallel_loop3A_770 = arith.index_cast %parallel_loop3A_727 : i32 to index
        %parallel_loop3A_771 = arith.constant 48 : index
        %parallel_loop3A_772 = tpu.vector_load %arg9[%parallel_loop3A_770, %parallel_loop3A_771] {strides = array<i32>} : memref<256x64xf32, #tpu.memory_space<vmem>>, vector<1x16xf32>,
        %parallel_loop3A_773 = vector.shape_cast %parallel_loop3A_772 : vector<1x16xf32> to vector<16xf32>
        %parallel_loop3A_774 = arith.index_cast %parallel_loop3A_723 : i32 to index
        %parallel_loop3A_775 = arith.constant 48 : index
        %parallel_loop3A_776 = tpu.vector_load %arg6[%parallel_loop3A_774, %parallel_loop3A_775] {strides = array<i32>} : memref<446x64xf32, #tpu.memory_space<vmem>>, vector<1x16xf32>,
        %parallel_loop3A_777 = vector.shape_cast %parallel_loop3A_776 : vector<1x16xf32> to vector<16xf32>
        %parallel_loop3A_778 = arith.addf %parallel_loop3A_773, %parallel_loop3A_777 : vector<16xf32>
        %parallel_loop3A_779 = arith.index_cast %parallel_loop3A_727 : i32 to index
        %parallel_loop3A_780 = arith.constant 48 : index
        %parallel_loop3A_781 = tpu.vector_load %arg11[%parallel_loop3A_779, %parallel_loop3A_780] {strides = array<i32>} : memref<256x64xf32, #tpu.memory_space<vmem>>, vector<1x16xf32>,
        %parallel_loop3A_782 = vector.shape_cast %parallel_loop3A_781 : vector<1x16xf32> to vector<16xf32>
        %parallel_loop3A_783 = vector.shape_cast %parallel_loop3A_778 : vector<16xf32> to vector<1x16xf32>
        tpu.vector_store %arg11[%parallel_loop3A_779, %parallel_loop3A_780], %parallel_loop3A_783 {strides = array<i32>} : memref<256x64xf32, #tpu.memory_space<vmem>>, vector<1x16xf32>,
        %parallel_loop3A_784 = vector.extract_strided_slice %parallel_loop3A_101 {offsets = [11], sizes = [1], strides = [1]} : vector<16xi32> to vector<1xi32>
        %parallel_loop3A_785 = vector.extract %parallel_loop3A_784[0] : i32 from vector<1xi32>
        %parallel_loop3A_786 = arith.constant 16 : i32
        %parallel_loop3A_787 = arith.muli %parallel_loop3A_93, %parallel_loop3A_786 : i32
        %parallel_loop3A_788 = arith.constant 11 : i32
        %parallel_loop3A_789 = arith.addi %parallel_loop3A_787, %parallel_loop3A_788 : i32
        %parallel_loop3A_790 = arith.index_cast %parallel_loop3A_789 : i32 to index
        %parallel_loop3A_791 = arith.constant 0 : index
        %parallel_loop3A_792 = tpu.vector_load %arg9[%parallel_loop3A_790, %parallel_loop3A_791] {strides = array<i32>} : memref<256x64xf32, #tpu.memory_space<vmem>>, vector<1x16xf32>,
        %parallel_loop3A_793 = vector.shape_cast %parallel_loop3A_792 : vector<1x16xf32> to vector<16xf32>
        %parallel_loop3A_794 = arith.index_cast %parallel_loop3A_785 : i32 to index
        %parallel_loop3A_795 = arith.constant 0 : index
        %parallel_loop3A_796 = tpu.vector_load %arg6[%parallel_loop3A_794, %parallel_loop3A_795] {strides = array<i32>} : memref<446x64xf32, #tpu.memory_space<vmem>>, vector<1x16xf32>,
        %parallel_loop3A_797 = vector.shape_cast %parallel_loop3A_796 : vector<1x16xf32> to vector<16xf32>
        %parallel_loop3A_798 = arith.addf %parallel_loop3A_793, %parallel_loop3A_797 : vector<16xf32>
        %parallel_loop3A_799 = arith.index_cast %parallel_loop3A_789 : i32 to index
        %parallel_loop3A_800 = arith.constant 0 : index
        %parallel_loop3A_801 = tpu.vector_load %arg11[%parallel_loop3A_799, %parallel_loop3A_800] {strides = array<i32>} : memref<256x64xf32, #tpu.memory_space<vmem>>, vector<1x16xf32>,
        %parallel_loop3A_802 = vector.shape_cast %parallel_loop3A_801 : vector<1x16xf32> to vector<16xf32>
        %parallel_loop3A_803 = vector.shape_cast %parallel_loop3A_798 : vector<16xf32> to vector<1x16xf32>
        tpu.vector_store %arg11[%parallel_loop3A_799, %parallel_loop3A_800], %parallel_loop3A_803 {strides = array<i32>} : memref<256x64xf32, #tpu.memory_space<vmem>>, vector<1x16xf32>,
        %parallel_loop3A_804 = arith.index_cast %parallel_loop3A_789 : i32 to index
        %parallel_loop3A_805 = arith.constant 16 : index
        %parallel_loop3A_806 = tpu.vector_load %arg9[%parallel_loop3A_804, %parallel_loop3A_805] {strides = array<i32>} : memref<256x64xf32, #tpu.memory_space<vmem>>, vector<1x16xf32>,
        %parallel_loop3A_807 = vector.shape_cast %parallel_loop3A_806 : vector<1x16xf32> to vector<16xf32>
        %parallel_loop3A_808 = arith.index_cast %parallel_loop3A_785 : i32 to index
        %parallel_loop3A_809 = arith.constant 16 : index
        %parallel_loop3A_810 = tpu.vector_load %arg6[%parallel_loop3A_808, %parallel_loop3A_809] {strides = array<i32>} : memref<446x64xf32, #tpu.memory_space<vmem>>, vector<1x16xf32>,
        %parallel_loop3A_811 = vector.shape_cast %parallel_loop3A_810 : vector<1x16xf32> to vector<16xf32>
        %parallel_loop3A_812 = arith.addf %parallel_loop3A_807, %parallel_loop3A_811 : vector<16xf32>
        %parallel_loop3A_813 = arith.index_cast %parallel_loop3A_789 : i32 to index
        %parallel_loop3A_814 = arith.constant 16 : index
        %parallel_loop3A_815 = tpu.vector_load %arg11[%parallel_loop3A_813, %parallel_loop3A_814] {strides = array<i32>} : memref<256x64xf32, #tpu.memory_space<vmem>>, vector<1x16xf32>,
        %parallel_loop3A_816 = vector.shape_cast %parallel_loop3A_815 : vector<1x16xf32> to vector<16xf32>
        %parallel_loop3A_817 = vector.shape_cast %parallel_loop3A_812 : vector<16xf32> to vector<1x16xf32>
        tpu.vector_store %arg11[%parallel_loop3A_813, %parallel_loop3A_814], %parallel_loop3A_817 {strides = array<i32>} : memref<256x64xf32, #tpu.memory_space<vmem>>, vector<1x16xf32>,
        %parallel_loop3A_818 = arith.index_cast %parallel_loop3A_789 : i32 to index
        %parallel_loop3A_819 = arith.constant 32 : index
        %parallel_loop3A_820 = tpu.vector_load %arg9[%parallel_loop3A_818, %parallel_loop3A_819] {strides = array<i32>} : memref<256x64xf32, #tpu.memory_space<vmem>>, vector<1x16xf32>,
        %parallel_loop3A_821 = vector.shape_cast %parallel_loop3A_820 : vector<1x16xf32> to vector<16xf32>
        %parallel_loop3A_822 = arith.index_cast %parallel_loop3A_785 : i32 to index
        %parallel_loop3A_823 = arith.constant 32 : index
        %parallel_loop3A_824 = tpu.vector_load %arg6[%parallel_loop3A_822, %parallel_loop3A_823] {strides = array<i32>} : memref<446x64xf32, #tpu.memory_space<vmem>>, vector<1x16xf32>,
        %parallel_loop3A_825 = vector.shape_cast %parallel_loop3A_824 : vector<1x16xf32> to vector<16xf32>
        %parallel_loop3A_826 = arith.addf %parallel_loop3A_821, %parallel_loop3A_825 : vector<16xf32>
        %parallel_loop3A_827 = arith.index_cast %parallel_loop3A_789 : i32 to index
        %parallel_loop3A_828 = arith.constant 32 : index
        %parallel_loop3A_829 = tpu.vector_load %arg11[%parallel_loop3A_827, %parallel_loop3A_828] {strides = array<i32>} : memref<256x64xf32, #tpu.memory_space<vmem>>, vector<1x16xf32>,
        %parallel_loop3A_830 = vector.shape_cast %parallel_loop3A_829 : vector<1x16xf32> to vector<16xf32>
        %parallel_loop3A_831 = vector.shape_cast %parallel_loop3A_826 : vector<16xf32> to vector<1x16xf32>
        tpu.vector_store %arg11[%parallel_loop3A_827, %parallel_loop3A_828], %parallel_loop3A_831 {strides = array<i32>} : memref<256x64xf32, #tpu.memory_space<vmem>>, vector<1x16xf32>,
        %parallel_loop3A_832 = arith.index_cast %parallel_loop3A_789 : i32 to index
        %parallel_loop3A_833 = arith.constant 48 : index
        %parallel_loop3A_834 = tpu.vector_load %arg9[%parallel_loop3A_832, %parallel_loop3A_833] {strides = array<i32>} : memref<256x64xf32, #tpu.memory_space<vmem>>, vector<1x16xf32>,
        %parallel_loop3A_835 = vector.shape_cast %parallel_loop3A_834 : vector<1x16xf32> to vector<16xf32>
        %parallel_loop3A_836 = arith.index_cast %parallel_loop3A_785 : i32 to index
        %parallel_loop3A_837 = arith.constant 48 : index
        %parallel_loop3A_838 = tpu.vector_load %arg6[%parallel_loop3A_836, %parallel_loop3A_837] {strides = array<i32>} : memref<446x64xf32, #tpu.memory_space<vmem>>, vector<1x16xf32>,
        %parallel_loop3A_839 = vector.shape_cast %parallel_loop3A_838 : vector<1x16xf32> to vector<16xf32>
        %parallel_loop3A_840 = arith.addf %parallel_loop3A_835, %parallel_loop3A_839 : vector<16xf32>
        %parallel_loop3A_841 = arith.index_cast %parallel_loop3A_789 : i32 to index
        %parallel_loop3A_842 = arith.constant 48 : index
        %parallel_loop3A_843 = tpu.vector_load %arg11[%parallel_loop3A_841, %parallel_loop3A_842] {strides = array<i32>} : memref<256x64xf32, #tpu.memory_space<vmem>>, vector<1x16xf32>,
        %parallel_loop3A_844 = vector.shape_cast %parallel_loop3A_843 : vector<1x16xf32> to vector<16xf32>
        %parallel_loop3A_845 = vector.shape_cast %parallel_loop3A_840 : vector<16xf32> to vector<1x16xf32>
        tpu.vector_store %arg11[%parallel_loop3A_841, %parallel_loop3A_842], %parallel_loop3A_845 {strides = array<i32>} : memref<256x64xf32, #tpu.memory_space<vmem>>, vector<1x16xf32>,
        %parallel_loop3A_846 = vector.extract_strided_slice %parallel_loop3A_101 {offsets = [12], sizes = [1], strides = [1]} : vector<16xi32> to vector<1xi32>
        %parallel_loop3A_847 = vector.extract %parallel_loop3A_846[0] : i32 from vector<1xi32>
        %parallel_loop3A_848 = arith.constant 16 : i32
        %parallel_loop3A_849 = arith.muli %parallel_loop3A_93, %parallel_loop3A_848 : i32
        %parallel_loop3A_850 = arith.constant 12 : i32
        %parallel_loop3A_851 = arith.addi %parallel_loop3A_849, %parallel_loop3A_850 : i32
        %parallel_loop3A_852 = arith.index_cast %parallel_loop3A_851 : i32 to index
        %parallel_loop3A_853 = arith.constant 0 : index
        %parallel_loop3A_854 = tpu.vector_load %arg9[%parallel_loop3A_852, %parallel_loop3A_853] {strides = array<i32>} : memref<256x64xf32, #tpu.memory_space<vmem>>, vector<1x16xf32>,
        %parallel_loop3A_855 = vector.shape_cast %parallel_loop3A_854 : vector<1x16xf32> to vector<16xf32>
        %parallel_loop3A_856 = arith.index_cast %parallel_loop3A_847 : i32 to index
        %parallel_loop3A_857 = arith.constant 0 : index
        %parallel_loop3A_858 = tpu.vector_load %arg6[%parallel_loop3A_856, %parallel_loop3A_857] {strides = array<i32>} : memref<446x64xf32, #tpu.memory_space<vmem>>, vector<1x16xf32>,
        %parallel_loop3A_859 = vector.shape_cast %parallel_loop3A_858 : vector<1x16xf32> to vector<16xf32>
        %parallel_loop3A_860 = arith.addf %parallel_loop3A_855, %parallel_loop3A_859 : vector<16xf32>
        %parallel_loop3A_861 = arith.index_cast %parallel_loop3A_851 : i32 to index
        %parallel_loop3A_862 = arith.constant 0 : index
        %parallel_loop3A_863 = tpu.vector_load %arg11[%parallel_loop3A_861, %parallel_loop3A_862] {strides = array<i32>} : memref<256x64xf32, #tpu.memory_space<vmem>>, vector<1x16xf32>,
        %parallel_loop3A_864 = vector.shape_cast %parallel_loop3A_863 : vector<1x16xf32> to vector<16xf32>
        %parallel_loop3A_865 = vector.shape_cast %parallel_loop3A_860 : vector<16xf32> to vector<1x16xf32>
        tpu.vector_store %arg11[%parallel_loop3A_861, %parallel_loop3A_862], %parallel_loop3A_865 {strides = array<i32>} : memref<256x64xf32, #tpu.memory_space<vmem>>, vector<1x16xf32>,
        %parallel_loop3A_866 = arith.index_cast %parallel_loop3A_851 : i32 to index
        %parallel_loop3A_867 = arith.constant 16 : index
        %parallel_loop3A_868 = tpu.vector_load %arg9[%parallel_loop3A_866, %parallel_loop3A_867] {strides = array<i32>} : memref<256x64xf32, #tpu.memory_space<vmem>>, vector<1x16xf32>,
        %parallel_loop3A_869 = vector.shape_cast %parallel_loop3A_868 : vector<1x16xf32> to vector<16xf32>
        %parallel_loop3A_870 = arith.index_cast %parallel_loop3A_847 : i32 to index
        %parallel_loop3A_871 = arith.constant 16 : index
        %parallel_loop3A_872 = tpu.vector_load %arg6[%parallel_loop3A_870, %parallel_loop3A_871] {strides = array<i32>} : memref<446x64xf32, #tpu.memory_space<vmem>>, vector<1x16xf32>,
        %parallel_loop3A_873 = vector.shape_cast %parallel_loop3A_872 : vector<1x16xf32> to vector<16xf32>
        %parallel_loop3A_874 = arith.addf %parallel_loop3A_869, %parallel_loop3A_873 : vector<16xf32>
        %parallel_loop3A_875 = arith.index_cast %parallel_loop3A_851 : i32 to index
        %parallel_loop3A_876 = arith.constant 16 : index
        %parallel_loop3A_877 = tpu.vector_load %arg11[%parallel_loop3A_875, %parallel_loop3A_876] {strides = array<i32>} : memref<256x64xf32, #tpu.memory_space<vmem>>, vector<1x16xf32>,
        %parallel_loop3A_878 = vector.shape_cast %parallel_loop3A_877 : vector<1x16xf32> to vector<16xf32>
        %parallel_loop3A_879 = vector.shape_cast %parallel_loop3A_874 : vector<16xf32> to vector<1x16xf32>
        tpu.vector_store %arg11[%parallel_loop3A_875, %parallel_loop3A_876], %parallel_loop3A_879 {strides = array<i32>} : memref<256x64xf32, #tpu.memory_space<vmem>>, vector<1x16xf32>,
        %parallel_loop3A_880 = arith.index_cast %parallel_loop3A_851 : i32 to index
        %parallel_loop3A_881 = arith.constant 32 : index
        %parallel_loop3A_882 = tpu.vector_load %arg9[%parallel_loop3A_880, %parallel_loop3A_881] {strides = array<i32>} : memref<256x64xf32, #tpu.memory_space<vmem>>, vector<1x16xf32>,
        %parallel_loop3A_883 = vector.shape_cast %parallel_loop3A_882 : vector<1x16xf32> to vector<16xf32>
        %parallel_loop3A_884 = arith.index_cast %parallel_loop3A_847 : i32 to index
        %parallel_loop3A_885 = arith.constant 32 : index
        %parallel_loop3A_886 = tpu.vector_load %arg6[%parallel_loop3A_884, %parallel_loop3A_885] {strides = array<i32>} : memref<446x64xf32, #tpu.memory_space<vmem>>, vector<1x16xf32>,
        %parallel_loop3A_887 = vector.shape_cast %parallel_loop3A_886 : vector<1x16xf32> to vector<16xf32>
        %parallel_loop3A_888 = arith.addf %parallel_loop3A_883, %parallel_loop3A_887 : vector<16xf32>
        %parallel_loop3A_889 = arith.index_cast %parallel_loop3A_851 : i32 to index
        %parallel_loop3A_890 = arith.constant 32 : index
        %parallel_loop3A_891 = tpu.vector_load %arg11[%parallel_loop3A_889, %parallel_loop3A_890] {strides = array<i32>} : memref<256x64xf32, #tpu.memory_space<vmem>>, vector<1x16xf32>,
        %parallel_loop3A_892 = vector.shape_cast %parallel_loop3A_891 : vector<1x16xf32> to vector<16xf32>
        %parallel_loop3A_893 = vector.shape_cast %parallel_loop3A_888 : vector<16xf32> to vector<1x16xf32>
        tpu.vector_store %arg11[%parallel_loop3A_889, %parallel_loop3A_890], %parallel_loop3A_893 {strides = array<i32>} : memref<256x64xf32, #tpu.memory_space<vmem>>, vector<1x16xf32>,
        %parallel_loop3A_894 = arith.index_cast %parallel_loop3A_851 : i32 to index
        %parallel_loop3A_895 = arith.constant 48 : index
        %parallel_loop3A_896 = tpu.vector_load %arg9[%parallel_loop3A_894, %parallel_loop3A_895] {strides = array<i32>} : memref<256x64xf32, #tpu.memory_space<vmem>>, vector<1x16xf32>,
        %parallel_loop3A_897 = vector.shape_cast %parallel_loop3A_896 : vector<1x16xf32> to vector<16xf32>
        %parallel_loop3A_898 = arith.index_cast %parallel_loop3A_847 : i32 to index
        %parallel_loop3A_899 = arith.constant 48 : index
        %parallel_loop3A_900 = tpu.vector_load %arg6[%parallel_loop3A_898, %parallel_loop3A_899] {strides = array<i32>} : memref<446x64xf32, #tpu.memory_space<vmem>>, vector<1x16xf32>,
        %parallel_loop3A_901 = vector.shape_cast %parallel_loop3A_900 : vector<1x16xf32> to vector<16xf32>
        %parallel_loop3A_902 = arith.addf %parallel_loop3A_897, %parallel_loop3A_901 : vector<16xf32>
        %parallel_loop3A_903 = arith.index_cast %parallel_loop3A_851 : i32 to index
        %parallel_loop3A_904 = arith.constant 48 : index
        %parallel_loop3A_905 = tpu.vector_load %arg11[%parallel_loop3A_903, %parallel_loop3A_904] {strides = array<i32>} : memref<256x64xf32, #tpu.memory_space<vmem>>, vector<1x16xf32>,
        %parallel_loop3A_906 = vector.shape_cast %parallel_loop3A_905 : vector<1x16xf32> to vector<16xf32>
        %parallel_loop3A_907 = vector.shape_cast %parallel_loop3A_902 : vector<16xf32> to vector<1x16xf32>
        tpu.vector_store %arg11[%parallel_loop3A_903, %parallel_loop3A_904], %parallel_loop3A_907 {strides = array<i32>} : memref<256x64xf32, #tpu.memory_space<vmem>>, vector<1x16xf32>,
        %parallel_loop3A_908 = vector.extract_strided_slice %parallel_loop3A_101 {offsets = [13], sizes = [1], strides = [1]} : vector<16xi32> to vector<1xi32>
        %parallel_loop3A_909 = vector.extract %parallel_loop3A_908[0] : i32 from vector<1xi32>
        %parallel_loop3A_910 = arith.constant 16 : i32
        %parallel_loop3A_911 = arith.muli %parallel_loop3A_93, %parallel_loop3A_910 : i32
        %parallel_loop3A_912 = arith.constant 13 : i32
        %parallel_loop3A_913 = arith.addi %parallel_loop3A_911, %parallel_loop3A_912 : i32
        %parallel_loop3A_914 = arith.index_cast %parallel_loop3A_913 : i32 to index
        %parallel_loop3A_915 = arith.constant 0 : index
        %parallel_loop3A_916 = tpu.vector_load %arg9[%parallel_loop3A_914, %parallel_loop3A_915] {strides = array<i32>} : memref<256x64xf32, #tpu.memory_space<vmem>>, vector<1x16xf32>,
        %parallel_loop3A_917 = vector.shape_cast %parallel_loop3A_916 : vector<1x16xf32> to vector<16xf32>
        %parallel_loop3A_918 = arith.index_cast %parallel_loop3A_909 : i32 to index
        %parallel_loop3A_919 = arith.constant 0 : index
        %parallel_loop3A_920 = tpu.vector_load %arg6[%parallel_loop3A_918, %parallel_loop3A_919] {strides = array<i32>} : memref<446x64xf32, #tpu.memory_space<vmem>>, vector<1x16xf32>,
        %parallel_loop3A_921 = vector.shape_cast %parallel_loop3A_920 : vector<1x16xf32> to vector<16xf32>
        %parallel_loop3A_922 = arith.addf %parallel_loop3A_917, %parallel_loop3A_921 : vector<16xf32>
        %parallel_loop3A_923 = arith.index_cast %parallel_loop3A_913 : i32 to index
        %parallel_loop3A_924 = arith.constant 0 : index
        %parallel_loop3A_925 = tpu.vector_load %arg11[%parallel_loop3A_923, %parallel_loop3A_924] {strides = array<i32>} : memref<256x64xf32, #tpu.memory_space<vmem>>, vector<1x16xf32>,
        %parallel_loop3A_926 = vector.shape_cast %parallel_loop3A_925 : vector<1x16xf32> to vector<16xf32>
        %parallel_loop3A_927 = vector.shape_cast %parallel_loop3A_922 : vector<16xf32> to vector<1x16xf32>
        tpu.vector_store %arg11[%parallel_loop3A_923, %parallel_loop3A_924], %parallel_loop3A_927 {strides = array<i32>} : memref<256x64xf32, #tpu.memory_space<vmem>>, vector<1x16xf32>,
        %parallel_loop3A_928 = arith.index_cast %parallel_loop3A_913 : i32 to index
        %parallel_loop3A_929 = arith.constant 16 : index
        %parallel_loop3A_930 = tpu.vector_load %arg9[%parallel_loop3A_928, %parallel_loop3A_929] {strides = array<i32>} : memref<256x64xf32, #tpu.memory_space<vmem>>, vector<1x16xf32>,
        %parallel_loop3A_931 = vector.shape_cast %parallel_loop3A_930 : vector<1x16xf32> to vector<16xf32>
        %parallel_loop3A_932 = arith.index_cast %parallel_loop3A_909 : i32 to index
        %parallel_loop3A_933 = arith.constant 16 : index
        %parallel_loop3A_934 = tpu.vector_load %arg6[%parallel_loop3A_932, %parallel_loop3A_933] {strides = array<i32>} : memref<446x64xf32, #tpu.memory_space<vmem>>, vector<1x16xf32>,
        %parallel_loop3A_935 = vector.shape_cast %parallel_loop3A_934 : vector<1x16xf32> to vector<16xf32>
        %parallel_loop3A_936 = arith.addf %parallel_loop3A_931, %parallel_loop3A_935 : vector<16xf32>
        %parallel_loop3A_937 = arith.index_cast %parallel_loop3A_913 : i32 to index
        %parallel_loop3A_938 = arith.constant 16 : index
        %parallel_loop3A_939 = tpu.vector_load %arg11[%parallel_loop3A_937, %parallel_loop3A_938] {strides = array<i32>} : memref<256x64xf32, #tpu.memory_space<vmem>>, vector<1x16xf32>,
        %parallel_loop3A_940 = vector.shape_cast %parallel_loop3A_939 : vector<1x16xf32> to vector<16xf32>
        %parallel_loop3A_941 = vector.shape_cast %parallel_loop3A_936 : vector<16xf32> to vector<1x16xf32>
        tpu.vector_store %arg11[%parallel_loop3A_937, %parallel_loop3A_938], %parallel_loop3A_941 {strides = array<i32>} : memref<256x64xf32, #tpu.memory_space<vmem>>, vector<1x16xf32>,
        %parallel_loop3A_942 = arith.index_cast %parallel_loop3A_913 : i32 to index
        %parallel_loop3A_943 = arith.constant 32 : index
        %parallel_loop3A_944 = tpu.vector_load %arg9[%parallel_loop3A_942, %parallel_loop3A_943] {strides = array<i32>} : memref<256x64xf32, #tpu.memory_space<vmem>>, vector<1x16xf32>,
        %parallel_loop3A_945 = vector.shape_cast %parallel_loop3A_944 : vector<1x16xf32> to vector<16xf32>
        %parallel_loop3A_946 = arith.index_cast %parallel_loop3A_909 : i32 to index
        %parallel_loop3A_947 = arith.constant 32 : index
        %parallel_loop3A_948 = tpu.vector_load %arg6[%parallel_loop3A_946, %parallel_loop3A_947] {strides = array<i32>} : memref<446x64xf32, #tpu.memory_space<vmem>>, vector<1x16xf32>,
        %parallel_loop3A_949 = vector.shape_cast %parallel_loop3A_948 : vector<1x16xf32> to vector<16xf32>
        %parallel_loop3A_950 = arith.addf %parallel_loop3A_945, %parallel_loop3A_949 : vector<16xf32>
        %parallel_loop3A_951 = arith.index_cast %parallel_loop3A_913 : i32 to index
        %parallel_loop3A_952 = arith.constant 32 : index
        %parallel_loop3A_953 = tpu.vector_load %arg11[%parallel_loop3A_951, %parallel_loop3A_952] {strides = array<i32>} : memref<256x64xf32, #tpu.memory_space<vmem>>, vector<1x16xf32>,
        %parallel_loop3A_954 = vector.shape_cast %parallel_loop3A_953 : vector<1x16xf32> to vector<16xf32>
        %parallel_loop3A_955 = vector.shape_cast %parallel_loop3A_950 : vector<16xf32> to vector<1x16xf32>
        tpu.vector_store %arg11[%parallel_loop3A_951, %parallel_loop3A_952], %parallel_loop3A_955 {strides = array<i32>} : memref<256x64xf32, #tpu.memory_space<vmem>>, vector<1x16xf32>,
        %parallel_loop3A_956 = arith.index_cast %parallel_loop3A_913 : i32 to index
        %parallel_loop3A_957 = arith.constant 48 : index
        %parallel_loop3A_958 = tpu.vector_load %arg9[%parallel_loop3A_956, %parallel_loop3A_957] {strides = array<i32>} : memref<256x64xf32, #tpu.memory_space<vmem>>, vector<1x16xf32>,
        %parallel_loop3A_959 = vector.shape_cast %parallel_loop3A_958 : vector<1x16xf32> to vector<16xf32>
        %parallel_loop3A_960 = arith.index_cast %parallel_loop3A_909 : i32 to index
        %parallel_loop3A_961 = arith.constant 48 : index
        %parallel_loop3A_962 = tpu.vector_load %arg6[%parallel_loop3A_960, %parallel_loop3A_961] {strides = array<i32>} : memref<446x64xf32, #tpu.memory_space<vmem>>, vector<1x16xf32>,
        %parallel_loop3A_963 = vector.shape_cast %parallel_loop3A_962 : vector<1x16xf32> to vector<16xf32>
        %parallel_loop3A_964 = arith.addf %parallel_loop3A_959, %parallel_loop3A_963 : vector<16xf32>
        %parallel_loop3A_965 = arith.index_cast %parallel_loop3A_913 : i32 to index
        %parallel_loop3A_966 = arith.constant 48 : index
        %parallel_loop3A_967 = tpu.vector_load %arg11[%parallel_loop3A_965, %parallel_loop3A_966] {strides = array<i32>} : memref<256x64xf32, #tpu.memory_space<vmem>>, vector<1x16xf32>,
        %parallel_loop3A_968 = vector.shape_cast %parallel_loop3A_967 : vector<1x16xf32> to vector<16xf32>
        %parallel_loop3A_969 = vector.shape_cast %parallel_loop3A_964 : vector<16xf32> to vector<1x16xf32>
        tpu.vector_store %arg11[%parallel_loop3A_965, %parallel_loop3A_966], %parallel_loop3A_969 {strides = array<i32>} : memref<256x64xf32, #tpu.memory_space<vmem>>, vector<1x16xf32>,
        %parallel_loop3A_970 = vector.extract_strided_slice %parallel_loop3A_101 {offsets = [14], sizes = [1], strides = [1]} : vector<16xi32> to vector<1xi32>
        %parallel_loop3A_971 = vector.extract %parallel_loop3A_970[0] : i32 from vector<1xi32>
        %parallel_loop3A_972 = arith.constant 16 : i32
        %parallel_loop3A_973 = arith.muli %parallel_loop3A_93, %parallel_loop3A_972 : i32
        %parallel_loop3A_974 = arith.constant 14 : i32
        %parallel_loop3A_975 = arith.addi %parallel_loop3A_973, %parallel_loop3A_974 : i32
        %parallel_loop3A_976 = arith.index_cast %parallel_loop3A_975 : i32 to index
        %parallel_loop3A_977 = arith.constant 0 : index
        %parallel_loop3A_978 = tpu.vector_load %arg9[%parallel_loop3A_976, %parallel_loop3A_977] {strides = array<i32>} : memref<256x64xf32, #tpu.memory_space<vmem>>, vector<1x16xf32>,
        %parallel_loop3A_979 = vector.shape_cast %parallel_loop3A_978 : vector<1x16xf32> to vector<16xf32>
        %parallel_loop3A_980 = arith.index_cast %parallel_loop3A_971 : i32 to index
        %parallel_loop3A_981 = arith.constant 0 : index
        %parallel_loop3A_982 = tpu.vector_load %arg6[%parallel_loop3A_980, %parallel_loop3A_981] {strides = array<i32>} : memref<446x64xf32, #tpu.memory_space<vmem>>, vector<1x16xf32>,
        %parallel_loop3A_983 = vector.shape_cast %parallel_loop3A_982 : vector<1x16xf32> to vector<16xf32>
        %parallel_loop3A_984 = arith.addf %parallel_loop3A_979, %parallel_loop3A_983 : vector<16xf32>
        %parallel_loop3A_985 = arith.index_cast %parallel_loop3A_975 : i32 to index
        %parallel_loop3A_986 = arith.constant 0 : index
        %parallel_loop3A_987 = tpu.vector_load %arg11[%parallel_loop3A_985, %parallel_loop3A_986] {strides = array<i32>} : memref<256x64xf32, #tpu.memory_space<vmem>>, vector<1x16xf32>,
        %parallel_loop3A_988 = vector.shape_cast %parallel_loop3A_987 : vector<1x16xf32> to vector<16xf32>
        %parallel_loop3A_989 = vector.shape_cast %parallel_loop3A_984 : vector<16xf32> to vector<1x16xf32>
        tpu.vector_store %arg11[%parallel_loop3A_985, %parallel_loop3A_986], %parallel_loop3A_989 {strides = array<i32>} : memref<256x64xf32, #tpu.memory_space<vmem>>, vector<1x16xf32>,
        %parallel_loop3A_990 = arith.index_cast %parallel_loop3A_975 : i32 to index
        %parallel_loop3A_991 = arith.constant 16 : index
        %parallel_loop3A_992 = tpu.vector_load %arg9[%parallel_loop3A_990, %parallel_loop3A_991] {strides = array<i32>} : memref<256x64xf32, #tpu.memory_space<vmem>>, vector<1x16xf32>,
        %parallel_loop3A_993 = vector.shape_cast %parallel_loop3A_992 : vector<1x16xf32> to vector<16xf32>
        %parallel_loop3A_994 = arith.index_cast %parallel_loop3A_971 : i32 to index
        %parallel_loop3A_995 = arith.constant 16 : index
        %parallel_loop3A_996 = tpu.vector_load %arg6[%parallel_loop3A_994, %parallel_loop3A_995] {strides = array<i32>} : memref<446x64xf32, #tpu.memory_space<vmem>>, vector<1x16xf32>,
        %parallel_loop3A_997 = vector.shape_cast %parallel_loop3A_996 : vector<1x16xf32> to vector<16xf32>
        %parallel_loop3A_998 = arith.addf %parallel_loop3A_993, %parallel_loop3A_997 : vector<16xf32>
        %parallel_loop3A_999 = arith.index_cast %parallel_loop3A_975 : i32 to index
        %parallel_loop3A_1000 = arith.constant 16 : index
        %parallel_loop3A_1001 = tpu.vector_load %arg11[%parallel_loop3A_999, %parallel_loop3A_1000] {strides = array<i32>} : memref<256x64xf32, #tpu.memory_space<vmem>>, vector<1x16xf32>,
        %parallel_loop3A_1002 = vector.shape_cast %parallel_loop3A_1001 : vector<1x16xf32> to vector<16xf32>
        %parallel_loop3A_1003 = vector.shape_cast %parallel_loop3A_998 : vector<16xf32> to vector<1x16xf32>
        tpu.vector_store %arg11[%parallel_loop3A_999, %parallel_loop3A_1000], %parallel_loop3A_1003 {strides = array<i32>} : memref<256x64xf32, #tpu.memory_space<vmem>>, vector<1x16xf32>,
        %parallel_loop3A_1004 = arith.index_cast %parallel_loop3A_975 : i32 to index
        %parallel_loop3A_1005 = arith.constant 32 : index
        %parallel_loop3A_1006 = tpu.vector_load %arg9[%parallel_loop3A_1004, %parallel_loop3A_1005] {strides = array<i32>} : memref<256x64xf32, #tpu.memory_space<vmem>>, vector<1x16xf32>,
        %parallel_loop3A_1007 = vector.shape_cast %parallel_loop3A_1006 : vector<1x16xf32> to vector<16xf32>
        %parallel_loop3A_1008 = arith.index_cast %parallel_loop3A_971 : i32 to index
        %parallel_loop3A_1009 = arith.constant 32 : index
        %parallel_loop3A_1010 = tpu.vector_load %arg6[%parallel_loop3A_1008, %parallel_loop3A_1009] {strides = array<i32>} : memref<446x64xf32, #tpu.memory_space<vmem>>, vector<1x16xf32>,
        %parallel_loop3A_1011 = vector.shape_cast %parallel_loop3A_1010 : vector<1x16xf32> to vector<16xf32>
        %parallel_loop3A_1012 = arith.addf %parallel_loop3A_1007, %parallel_loop3A_1011 : vector<16xf32>
        %parallel_loop3A_1013 = arith.index_cast %parallel_loop3A_975 : i32 to index
        %parallel_loop3A_1014 = arith.constant 32 : index
        %parallel_loop3A_1015 = tpu.vector_load %arg11[%parallel_loop3A_1013, %parallel_loop3A_1014] {strides = array<i32>} : memref<256x64xf32, #tpu.memory_space<vmem>>, vector<1x16xf32>,
        %parallel_loop3A_1016 = vector.shape_cast %parallel_loop3A_1015 : vector<1x16xf32> to vector<16xf32>
        %parallel_loop3A_1017 = vector.shape_cast %parallel_loop3A_1012 : vector<16xf32> to vector<1x16xf32>
        tpu.vector_store %arg11[%parallel_loop3A_1013, %parallel_loop3A_1014], %parallel_loop3A_1017 {strides = array<i32>} : memref<256x64xf32, #tpu.memory_space<vmem>>, vector<1x16xf32>,
        %parallel_loop3A_1018 = arith.index_cast %parallel_loop3A_975 : i32 to index
        %parallel_loop3A_1019 = arith.constant 48 : index
        %parallel_loop3A_1020 = tpu.vector_load %arg9[%parallel_loop3A_1018, %parallel_loop3A_1019] {strides = array<i32>} : memref<256x64xf32, #tpu.memory_space<vmem>>, vector<1x16xf32>,
        %parallel_loop3A_1021 = vector.shape_cast %parallel_loop3A_1020 : vector<1x16xf32> to vector<16xf32>
        %parallel_loop3A_1022 = arith.index_cast %parallel_loop3A_971 : i32 to index
        %parallel_loop3A_1023 = arith.constant 48 : index
        %parallel_loop3A_1024 = tpu.vector_load %arg6[%parallel_loop3A_1022, %parallel_loop3A_1023] {strides = array<i32>} : memref<446x64xf32, #tpu.memory_space<vmem>>, vector<1x16xf32>,
        %parallel_loop3A_1025 = vector.shape_cast %parallel_loop3A_1024 : vector<1x16xf32> to vector<16xf32>
        %parallel_loop3A_1026 = arith.addf %parallel_loop3A_1021, %parallel_loop3A_1025 : vector<16xf32>
        %parallel_loop3A_1027 = arith.index_cast %parallel_loop3A_975 : i32 to index
        %parallel_loop3A_1028 = arith.constant 48 : index
        %parallel_loop3A_1029 = tpu.vector_load %arg11[%parallel_loop3A_1027, %parallel_loop3A_1028] {strides = array<i32>} : memref<256x64xf32, #tpu.memory_space<vmem>>, vector<1x16xf32>,
        %parallel_loop3A_1030 = vector.shape_cast %parallel_loop3A_1029 : vector<1x16xf32> to vector<16xf32>
        %parallel_loop3A_1031 = vector.shape_cast %parallel_loop3A_1026 : vector<16xf32> to vector<1x16xf32>
        tpu.vector_store %arg11[%parallel_loop3A_1027, %parallel_loop3A_1028], %parallel_loop3A_1031 {strides = array<i32>} : memref<256x64xf32, #tpu.memory_space<vmem>>, vector<1x16xf32>,
        %parallel_loop3A_1032 = vector.extract_strided_slice %parallel_loop3A_101 {offsets = [15], sizes = [1], strides = [1]} : vector<16xi32> to vector<1xi32>
        %parallel_loop3A_1033 = vector.extract %parallel_loop3A_1032[0] : i32 from vector<1xi32>
        %parallel_loop3A_1034 = arith.constant 16 : i32
        %parallel_loop3A_1035 = arith.muli %parallel_loop3A_93, %parallel_loop3A_1034 : i32
        %parallel_loop3A_1036 = arith.constant 15 : i32
        %parallel_loop3A_1037 = arith.addi %parallel_loop3A_1035, %parallel_loop3A_1036 : i32
        %parallel_loop3A_1038 = arith.index_cast %parallel_loop3A_1037 : i32 to index
        %parallel_loop3A_1039 = arith.constant 0 : index
        %parallel_loop3A_1040 = tpu.vector_load %arg9[%parallel_loop3A_1038, %parallel_loop3A_1039] {strides = array<i32>} : memref<256x64xf32, #tpu.memory_space<vmem>>, vector<1x16xf32>,
        %parallel_loop3A_1041 = vector.shape_cast %parallel_loop3A_1040 : vector<1x16xf32> to vector<16xf32>
        %parallel_loop3A_1042 = arith.index_cast %parallel_loop3A_1033 : i32 to index
        %parallel_loop3A_1043 = arith.constant 0 : index
        %parallel_loop3A_1044 = tpu.vector_load %arg6[%parallel_loop3A_1042, %parallel_loop3A_1043] {strides = array<i32>} : memref<446x64xf32, #tpu.memory_space<vmem>>, vector<1x16xf32>,
        %parallel_loop3A_1045 = vector.shape_cast %parallel_loop3A_1044 : vector<1x16xf32> to vector<16xf32>
        %parallel_loop3A_1046 = arith.addf %parallel_loop3A_1041, %parallel_loop3A_1045 : vector<16xf32>
        %parallel_loop3A_1047 = arith.index_cast %parallel_loop3A_1037 : i32 to index
        %parallel_loop3A_1048 = arith.constant 0 : index
        %parallel_loop3A_1049 = tpu.vector_load %arg11[%parallel_loop3A_1047, %parallel_loop3A_1048] {strides = array<i32>} : memref<256x64xf32, #tpu.memory_space<vmem>>, vector<1x16xf32>,
        %parallel_loop3A_1050 = vector.shape_cast %parallel_loop3A_1049 : vector<1x16xf32> to vector<16xf32>
        %parallel_loop3A_1051 = vector.shape_cast %parallel_loop3A_1046 : vector<16xf32> to vector<1x16xf32>
        tpu.vector_store %arg11[%parallel_loop3A_1047, %parallel_loop3A_1048], %parallel_loop3A_1051 {strides = array<i32>} : memref<256x64xf32, #tpu.memory_space<vmem>>, vector<1x16xf32>,
        %parallel_loop3A_1052 = arith.index_cast %parallel_loop3A_1037 : i32 to index
        %parallel_loop3A_1053 = arith.constant 16 : index
        %parallel_loop3A_1054 = tpu.vector_load %arg9[%parallel_loop3A_1052, %parallel_loop3A_1053] {strides = array<i32>} : memref<256x64xf32, #tpu.memory_space<vmem>>, vector<1x16xf32>,
        %parallel_loop3A_1055 = vector.shape_cast %parallel_loop3A_1054 : vector<1x16xf32> to vector<16xf32>
        %parallel_loop3A_1056 = arith.index_cast %parallel_loop3A_1033 : i32 to index
        %parallel_loop3A_1057 = arith.constant 16 : index
        %parallel_loop3A_1058 = tpu.vector_load %arg6[%parallel_loop3A_1056, %parallel_loop3A_1057] {strides = array<i32>} : memref<446x64xf32, #tpu.memory_space<vmem>>, vector<1x16xf32>,
        %parallel_loop3A_1059 = vector.shape_cast %parallel_loop3A_1058 : vector<1x16xf32> to vector<16xf32>
        %parallel_loop3A_1060 = arith.addf %parallel_loop3A_1055, %parallel_loop3A_1059 : vector<16xf32>
        %parallel_loop3A_1061 = arith.index_cast %parallel_loop3A_1037 : i32 to index
        %parallel_loop3A_1062 = arith.constant 16 : index
        %parallel_loop3A_1063 = tpu.vector_load %arg11[%parallel_loop3A_1061, %parallel_loop3A_1062] {strides = array<i32>} : memref<256x64xf32, #tpu.memory_space<vmem>>, vector<1x16xf32>,
        %parallel_loop3A_1064 = vector.shape_cast %parallel_loop3A_1063 : vector<1x16xf32> to vector<16xf32>
        %parallel_loop3A_1065 = vector.shape_cast %parallel_loop3A_1060 : vector<16xf32> to vector<1x16xf32>
        tpu.vector_store %arg11[%parallel_loop3A_1061, %parallel_loop3A_1062], %parallel_loop3A_1065 {strides = array<i32>} : memref<256x64xf32, #tpu.memory_space<vmem>>, vector<1x16xf32>,
        %parallel_loop3A_1066 = arith.index_cast %parallel_loop3A_1037 : i32 to index
        %parallel_loop3A_1067 = arith.constant 32 : index
        %parallel_loop3A_1068 = tpu.vector_load %arg9[%parallel_loop3A_1066, %parallel_loop3A_1067] {strides = array<i32>} : memref<256x64xf32, #tpu.memory_space<vmem>>, vector<1x16xf32>,
        %parallel_loop3A_1069 = vector.shape_cast %parallel_loop3A_1068 : vector<1x16xf32> to vector<16xf32>
        %parallel_loop3A_1070 = arith.index_cast %parallel_loop3A_1033 : i32 to index
        %parallel_loop3A_1071 = arith.constant 32 : index
        %parallel_loop3A_1072 = tpu.vector_load %arg6[%parallel_loop3A_1070, %parallel_loop3A_1071] {strides = array<i32>} : memref<446x64xf32, #tpu.memory_space<vmem>>, vector<1x16xf32>,
        %parallel_loop3A_1073 = vector.shape_cast %parallel_loop3A_1072 : vector<1x16xf32> to vector<16xf32>
        %parallel_loop3A_1074 = arith.addf %parallel_loop3A_1069, %parallel_loop3A_1073 : vector<16xf32>
        %parallel_loop3A_1075 = arith.index_cast %parallel_loop3A_1037 : i32 to index
        %parallel_loop3A_1076 = arith.constant 32 : index
        %parallel_loop3A_1077 = tpu.vector_load %arg11[%parallel_loop3A_1075, %parallel_loop3A_1076] {strides = array<i32>} : memref<256x64xf32, #tpu.memory_space<vmem>>, vector<1x16xf32>,
        %parallel_loop3A_1078 = vector.shape_cast %parallel_loop3A_1077 : vector<1x16xf32> to vector<16xf32>
        %parallel_loop3A_1079 = vector.shape_cast %parallel_loop3A_1074 : vector<16xf32> to vector<1x16xf32>
        tpu.vector_store %arg11[%parallel_loop3A_1075, %parallel_loop3A_1076], %parallel_loop3A_1079 {strides = array<i32>} : memref<256x64xf32, #tpu.memory_space<vmem>>, vector<1x16xf32>,
        %parallel_loop3A_1080 = arith.index_cast %parallel_loop3A_1037 : i32 to index
        %parallel_loop3A_1081 = arith.constant 48 : index
        %parallel_loop3A_1082 = tpu.vector_load %arg9[%parallel_loop3A_1080, %parallel_loop3A_1081] {strides = array<i32>} : memref<256x64xf32, #tpu.memory_space<vmem>>, vector<1x16xf32>,
        %parallel_loop3A_1083 = vector.shape_cast %parallel_loop3A_1082 : vector<1x16xf32> to vector<16xf32>
        %parallel_loop3A_1084 = arith.index_cast %parallel_loop3A_1033 : i32 to index
        %parallel_loop3A_1085 = arith.constant 48 : index
        %parallel_loop3A_1086 = tpu.vector_load %arg6[%parallel_loop3A_1084, %parallel_loop3A_1085] {strides = array<i32>} : memref<446x64xf32, #tpu.memory_space<vmem>>, vector<1x16xf32>,
        %parallel_loop3A_1087 = vector.shape_cast %parallel_loop3A_1086 : vector<1x16xf32> to vector<16xf32>
        %parallel_loop3A_1088 = arith.addf %parallel_loop3A_1083, %parallel_loop3A_1087 : vector<16xf32>
        %parallel_loop3A_1089 = arith.index_cast %parallel_loop3A_1037 : i32 to index
        %parallel_loop3A_1090 = arith.constant 48 : index
        %parallel_loop3A_1091 = tpu.vector_load %arg11[%parallel_loop3A_1089, %parallel_loop3A_1090] {strides = array<i32>} : memref<256x64xf32, #tpu.memory_space<vmem>>, vector<1x16xf32>,
        %parallel_loop3A_1092 = vector.shape_cast %parallel_loop3A_1091 : vector<1x16xf32> to vector<16xf32>
        %parallel_loop3A_1093 = vector.shape_cast %parallel_loop3A_1088 : vector<16xf32> to vector<1x16xf32>
        tpu.vector_store %arg11[%parallel_loop3A_1089, %parallel_loop3A_1090], %parallel_loop3A_1093 {strides = array<i32>} : memref<256x64xf32, #tpu.memory_space<vmem>>, vector<1x16xf32>,
      } {sc.loop_unroll_factor = 1 : i64, sc.parallel_access}
      %add3A_76 = arith.constant 1 : i32
      %add3A_77 = arith.addi %mul3A_36, %add3A_76 : i32
      %mul3A_78 = arith.constant 256 : i32
      %mul3A_79 = arith.muli %add3A_77, %mul3A_78 : i32
      %add3A_80 = arith.addi %mul3A_4, %mul3A_79 : i32
      %dma_start3A_81 = arith.constant 0 : i32
      %dma_start3A_82 = tpu.memref_slice %arg5[%add3A_80, %dma_start3A_81] : memref<819200x64xf32, #tpu.memory_space<hbm>> -> memref<256x64xf32, #tpu.memory_space<hbm>>
      %dma_start3A_83 = arith.constant 0 : i32
      %dma_start3A_84 = tpu.memref_slice %arg5[%add3A_80, %dma_start3A_83] : memref<819200x64xf32, #tpu.memory_space<hbm>> -> memref<256x64xf32, #tpu.memory_space<hbm>>
      tpu.enqueue_dma source(%arg11 : memref<256x64xf32, #tpu.memory_space<vmem>>) target(%dma_start3A_84 : memref<256x64xf32, #tpu.memory_space<hbm>>) target_semaphore(%arg15 : memref<!tpu.dma_semaphore, #tpu.memory_space<semaphore_mem>>)
      %add3A_85 = arith.constant 3 : i32
      %add3A_86 = arith.addi %mul3A_36, %add3A_85 : i32
      %lt3A_87 = arith.constant 100 : i32
      %lt3A_88 = arith.cmpi slt, %add3A_86, %lt3A_87 : i32
      %convert_element_type3A_89 = arith.extui %lt3A_88 : i1 to i32
      %cond3A_90 = arith.constant 0 : i32
      %cond3A_91 = arith.cmpi ne, %convert_element_type3A_89, %cond3A_90 : i32
      scf.if %cond3A_91 {
        %add3A_93 = arith.constant 3 : i32
        %add3A_94 = arith.addi %mul3A_36, %add3A_93 : i32
        %mul3A_95 = arith.constant 256 : i32
        %mul3A_96 = arith.muli %add3A_94, %mul3A_95 : i32
        %add3A_97 = arith.addi %mul3A_4, %mul3A_96 : i32
        %dma_start3A_98 = arith.constant 0 : i32
        %dma_start3A_99 = tpu.memref_slice %arg2[%add3A_97, %dma_start3A_98] : memref<819200x64xf32, #tpu.memory_space<hbm>> -> memref<256x64xf32, #tpu.memory_space<hbm>>
        %dma_start3A_100 = arith.constant 0 : i32
        %dma_start3A_101 = tpu.memref_slice %arg2[%add3A_97, %dma_start3A_100] : memref<819200x64xf32, #tpu.memory_space<hbm>> -> memref<256x64xf32, #tpu.memory_space<hbm>>
        tpu.enqueue_dma source(%dma_start3A_101 : memref<256x64xf32, #tpu.memory_space<hbm>>) target(%arg9 : memref<256x64xf32, #tpu.memory_space<vmem>>) target_semaphore(%arg13 : memref<!tpu.dma_semaphore, #tpu.memory_space<semaphore_mem>>)
      } else {
      }
      %scan3A_92 = arith.constant 0 : i32
      scf.yield %scan3A_92 : i32
    }
    %scan3A_21 = arith.constant 50 : i32
    %dma_wait3A = arith.constant 0 : i32
    %dma_wait3A_22 = arith.constant 0 : i32
    %dma_wait3A_23 = tpu.memref_slice %arg5[%dma_wait3A, %dma_wait3A_22] : memref<819200x64xf32, #tpu.memory_space<hbm>> -> memref<256x64xf32, #tpu.memory_space<hbm>>
    %dma_wait3A_24 = arith.constant 0 : i32
    %dma_wait3A_25 = arith.constant 0 : i32
    %dma_wait3A_26 = tpu.memref_slice %arg5[%dma_wait3A_24, %dma_wait3A_25] : memref<819200x64xf32, #tpu.memory_space<hbm>> -> memref<256x64xf32, #tpu.memory_space<hbm>>
    tpu.wait_dma2 semaphore(%arg14 : memref<!tpu.dma_semaphore, #tpu.memory_space<semaphore_mem>>) src(%arg10 : memref<256x64xf32, #tpu.memory_space<vmem>>) dst(%dma_wait3A_26 : memref<256x64xf32, #tpu.memory_space<hbm>>)
    %dma_wait3A_27 = arith.constant 0 : i32
    %dma_wait3A_28 = arith.constant 0 : i32
    %dma_wait3A_29 = tpu.memref_slice %arg5[%dma_wait3A_27, %dma_wait3A_28] : memref<819200x64xf32, #tpu.memory_space<hbm>> -> memref<256x64xf32, #tpu.memory_space<hbm>>
    %dma_wait3A_30 = arith.constant 0 : i32
    %dma_wait3A_31 = arith.constant 0 : i32
    %dma_wait3A_32 = tpu.memref_slice %arg5[%dma_wait3A_30, %dma_wait3A_31] : memref<819200x64xf32, #tpu.memory_space<hbm>> -> memref<256x64xf32, #tpu.memory_space<hbm>>
    tpu.wait_dma2 semaphore(%arg15 : memref<!tpu.dma_semaphore, #tpu.memory_space<semaphore_mem>>) src(%arg11 : memref<256x64xf32, #tpu.memory_space<vmem>>) dst(%dma_wait3A_32 : memref<256x64xf32, #tpu.memory_space<hbm>>)
    return
  }
}

</mosaic_0001>

<sc_bundles>
// kernel: _run.3.cloned.1.call-start
scs
__scs_entry_jumppad:
0x0: {  	(pc) =	sbr.rel $0x88, $3  }
0x1: {  	(tag) =	ssettag $0x0;
	lr =	simm.s32 $0x1  }
0x2: {  	[smem:$0x3F9E] =	sst lr;
	_ =	strace $0xD0000000  }
0x3: {  	_ = 	snop  }
0x4: {  	_ = 	snop  }
0x5: {  	_ = 	snop  }
0x6: {  	_ = 	snop  }
0x7: {  	_ = 	snop  }
__scs_overlays_trampoline_lowered:
0x8: {  	[smem:$0x3FAD] =	sst s0  }
0x9: {  	[smem:$0x3FAE] =	sst s1  }
0xa: {  	[smem:$0x3FAF] =	sst s2  }
0xb: {  	[smem:$0x3FB0] =	sst s3  }
0xc: {  	[smem:$0x3FB1] =	sst s4  }
0xd: {  	[smem:$0x3FB2] =	sst s5  }
0xe: {  	[smem:$0x3FB3] =	sst s6  }
0xf: {  	[smem:$0x3FB4] =	sst s7  }
0x10: {  	[smem:$0x3FB5] =	sst s8  }
0x11: {  	[smem:$0x3FB6] =	sst s9;
	s0 =	simm.s32 @!p0 $0x0  }
0x12: {  	s1 =	sld [smem:$0x3F9C];
	s0 =	simm.s32 @p0 $0x1  }
0x13: {  	[smem:$0x3FB7] =	sst s0;
	s0 =	simm.s32 @!p1 $0x0  }
0x14: {  	s2 =	sld [smem:$0x3F9B];
	s0 =	simm.s32 @p1 $0x1  }
0x15: {  	[smem:$0x3FB8] =	sst s0;
	s0 =	simm.s32 @!p2 $0x0  }
0x16: {  	s3 =	sld [smem:$0x3FDB];
	s0 =	simm.s32 @p2 $0x1  }
0x17: {  	s4 =	simm.s32 $0x1BF5;
	[smem:$0x3FBA] =	sst s0  }
0x18: {  	s0 =	sld [smem:$0x3F9D];
	_ =	swait.ge [sflag:s4], $0x0  }
0x19: {  	s7 =	sld [smem:$0x3F9E]  }
0x1a: {  	s8 =	sadd.s32 $0xFFFFE003, lr  }
0x1b: {  	s9 =	sadd.s32 $0xFFFFFEF7, lr;
	s5 =	simm.s32 $0xFFFFFFFF;
	p2 =	slt.u32 s8, $0xFFFFF086  }
0x1c: {  	p1 =	slt.u32 s9, $0xF7A;
	s5 =	simm.s32 @!p2 $0x0  }
0x1d: {  	s5 =	simm.s32 @p1 $0x1;
	p0 =	seq.s32 s7, s2  }
0x1e: {  	s7 =	smul.u32 @!p0 $0xF7A, s2;
	p2 =	seq.s32 @!p0 s5, $0x0  }
0x1f: {  	s9 =	smul.u32 $0xF7A, s1;
	s8 =	simm.s32 @!p0 $0x1BF5;
	p2 =	por !p2, p0  }
0x20: {  	[sflag:s8] =	ssyncset.s32 @!p0 $0xFFFFF086;
	s6 =	sadd.s32 @!p0 s3, s7;
	s7 =	simm.s32 @!p0 $0x108  }
0x21: {  	s3 =	sadd.s32 s3, s9;
	s6 =	sadd.s32 @!p0 $0x88, s6;
	s7 =	simm.s32 @p2 $0x1082  }
0x22: {  	[simem:s7], [sflag:s8] =	dma.local @!p0 [hbm:s6], $0xF7A  }
0x23: {  	s9 =	sor.u32 $0xD0000000, s2;
	s6 =	simm.s32 $0x108;
	_ =	swait.ge @!p0 [sflag:s8], $0x0  }
0x24: {  	s3 =	sadd.s32 $0x88, s3;
	s6 =	simm.s32 @!p1 $0x1082;
	[sflag:s4] =	ssyncset.s32 $0xFFFFF086  }
0x25: {  	[simem:s6], [sflag:s4] =	dma.local [hbm:s3], $0xF7A  }
0x26: {  	[smem:$0x3F9E] =	sst s1;
	(tag) =	ssettag s2;
	_ =	strace s9  }
0x27: {  	s1 =	sld [smem:$0x3FAE]  }
0x28: {  	s2 =	sld [smem:$0x3FAF]  }
0x29: {  	s4 =	sld [smem:$0x3FB1]  }
0x2a: {  	p0 =	seq.s32 s5, $0x0;
	s5 =	sld [smem:$0x3FB2]  }
0x2b: {  	s6 =	sld [smem:$0x3FB3]  }
0x2c: {  	s7 =	sld [smem:$0x3FB4]  }
0x2d: {  	s3 =	simm.s32 $0x108;
	s8 =	sld [smem:$0x3FB5]  }
0x2e: {  	s3 =	simm.s32 @!p0 $0x1082;
	s9 =	sld [smem:$0x3FB6]  }
0x2f: {  	lr =	sadd.s32 s0, s3;
	s0 =	sld [smem:$0x3FAD]  }
0x30: {  	s3 =	sld [smem:$0x3FB0]  }
0x31: {  	[smem:$0x3FB9] =	sst s10  }
0x32: {  	s10 =	sld [smem:$0x3FB7];
	_ =	sdelay $0x3  }
0x33: {  	p0 =	seq.s32 s10, $0x1;
	s10 =	sld [smem:$0x3FB9];
	_ =	sdelay $0x3  }
0x34: {  	[smem:$0x3FB9] =	sst s10  }
0x35: {  	s10 =	sld [smem:$0x3FB8];
	_ =	sdelay $0x3  }
0x36: {  	p1 =	seq.s32 s10, $0x1;
	s10 =	sld [smem:$0x3FB9];
	_ =	sdelay $0x3  }
0x37: {  	[smem:$0x3FB9] =	sst s10  }
0x38: {  	s10 =	sld [smem:$0x3FBA]  }
0x39: {  	_ = 	snop;
	(pc) =	sbr.ind lr, $3  }
0x3a: {  	_ = 	snop  }
0x3b: {  	_ = 	snop  }
0x3c: {  	p2 =	seq.s32 s10, $0x1;
	s10 =	sld [smem:$0x3FB9]  }
0x3d: {  	_ =	shalt  }
0x3e: {  	_ =	shalt  }
0x3f: {  	_ =	shalt  }
0x40: {  	_ =	shalt  }
0x41: {  	_ =	shalt  }
0x42: {  	_ =	shalt  }
0x43: {  	_ =	shalt  }
0x44: {  	_ =	shalt  }
0x45: {  	_ =	shalt  }
0x46: {  	_ =	shalt  }
0x47: {  	_ =	shalt  }
0x48: {  	_ =	shalt  }
0x49: {  	_ =	shalt  }
0x4a: {  	_ =	shalt  }
0x4b: {  	_ =	shalt  }
0x4c: {  	_ =	shalt  }
0x4d: {  	_ =	shalt  }
0x4e: {  	_ =	shalt  }
0x4f: {  	_ =	shalt  }
0x50: {  	_ =	shalt  }
0x51: {  	_ =	shalt  }
0x52: {  	_ =	shalt  }
0x53: {  	_ =	shalt  }
0x54: {  	_ =	shalt  }
0x55: {  	_ =	shalt  }
0x56: {  	_ =	shalt  }
0x57: {  	_ =	shalt  }
0x58: {  	_ =	shalt  }
0x59: {  	_ =	shalt  }
0x5a: {  	_ =	shalt  }
0x5b: {  	_ =	shalt  }
0x5c: {  	_ =	shalt  }
0x5d: {  	_ =	shalt  }
0x5e: {  	_ =	shalt  }
0x5f: {  	_ =	shalt  }
0x60: {  	_ =	shalt  }
0x61: {  	_ =	shalt  }
0x62: {  	_ =	shalt  }
0x63: {  	_ =	shalt  }
0x64: {  	_ =	shalt  }
0x65: {  	_ =	shalt  }
0x66: {  	_ =	shalt  }
0x67: {  	_ =	shalt  }
0x68: {  	_ =	shalt  }
0x69: {  	_ =	shalt  }
0x6a: {  	_ =	shalt  }
0x6b: {  	_ =	shalt  }
0x6c: {  	_ =	shalt  }
0x6d: {  	_ =	shalt  }
0x6e: {  	_ =	shalt  }
0x6f: {  	_ =	shalt  }
0x70: {  	_ =	shalt  }
0x71: {  	_ =	shalt  }
0x72: {  	_ =	shalt  }
0x73: {  	_ =	shalt  }
0x74: {  	_ =	shalt  }
0x75: {  	_ =	shalt  }
0x76: {  	_ =	shalt  }
0x77: {  	_ =	shalt  }
0x78: {  	_ =	shalt  }
0x79: {  	_ =	shalt  }
0x7a: {  	_ =	shalt  }
0x7b: {  	_ =	shalt  }
0x7c: {  	_ =	shalt  }
0x7d: {  	_ =	shalt  }
0x7e: {  	_ =	shalt  }
0x7f: {  	_ =	shalt  }
0x80: {  	_ =	shalt  }
0x81: {  	_ =	shalt  }
0x82: {  	_ =	shalt  }
0x83: {  	_ =	shalt  }
0x84: {  	_ =	shalt  }
0x85: {  	_ =	shalt  }
0x86: {  	_ =	shalt  }
0x87: {  	_ =	shalt  }
.Lfunc_end0:
.L_simem_size_0:
called_computation.1_lowered:
.L_overlay_start_0:
0x88: {  	s2 =	sld [smem:$0x3FD9]  }
0x89: {  	s3 =	sld [smem:$0x3FFE];
	_ =	sdelay $0x1  }
0x8a: {  	s1 =	srdreg.scid  }
0x8b: {  	s0 =	sand.u32 $0x1, s1  }
0x8c: {  	s17 =	sshll.u32 s0, $0xA;
	s2 =	sadd.s32 s3, s2  }
0x8d: {  	s2 =	sadd.s32 s2, s17  }
0x8e: {  	[smem:$0x3FC5] =	sst s2  }
0x8f: {  	_ = 	snop  }
0x90: {  	s2 =	sld [smem:$0x3FC8]  }
0x91: {  	s18 =	sld [smem:$0x3FD0];
	(tm) =	ssettm $0x1  }
0x92: {  	s4 =	sld [smem:$0x3FFB];
	_ =	sdelay $0x3  }
0x93: {  	_ =	strace s4  }
0x94: {  	s4 =	sld [smem:$0x3FFC];
	_ =	sdelay $0x3  }
0x95: {  	_ =	strace s4  }
0x96: {  	s4 =	sld [smem:$0x3FFD];
	_ =	sdelay $0x3  }
0x97: {  	_ =	strace s4  }
0x98: {  	_ =	strace $0x8FFFFFFF  }
0x99: {  	s19 =	sld [smem:$0x3FDB];
	_ =	sdelay $0x1  }
0x9a: {  	s5 =	simm.s32 $_scs_section_size  }
0x9b: {  	s6 =	simm.s32 $_size__tile_overlayer_lowered;
	s7 =	simm.s32 $_tile_overlayer_lowered  }
0x9c: {  	s22 =	simm.s32 $0x1BFF;
	s21 =	sshll.u32 s7, $0x1;
	s4 =	sadd.s32 s5, s19  }
0x9d: {  	s8 =	simm.s32 $0x0;
	s20 =	sshll.u32 s6, $0x1;
	s6 =	sadd.s32 s21, s4  }
0x9e: {  	[timem:s8], [sflag:s22] =	dma.local [hbm:s6], s20  }
0x9f: {  	_ =	swait.ge [sflag:s22], s20  }
0xa0: {  	s5 =	ssub.s32 $0x0, s20;
	[sflag:s22] =	ssyncset.done $0x0  }
0xa1: {  	[sflag:s22] =	ssyncadd.s32 s5;
	_ =	sdelay $0x1  }
0xa2: {  	s23 =	simm.s32 $0x1B8B  }
0xa3: {  	_ =	swait.ge [sflag:s23], $0x1  }
0xa4: {  	[sflag:s23] =	ssyncset.done $0x0  }
0xa5: {  	s25 =	simm.s32 $0x1B8E;
	s24 =	sld [smem:$0x3FFE];
	[sflag:s23] =	ssyncadd.s32 $0xFFFFFFFF  }
0xa6: {  	s26 =	simm.s32 $execute0_lowered;
	[smem:$0x3FD2] =	sst s25  }
0xa7: {  	s6 =	sshll.u32 s26, $0x1;
	_ =	strace $0x80000046;
	[dreg:$0x1] =	wrdreg $0xFFFFFFFF  }
0xa8: {  	s28 =	simm.s32 $_size_execute0_lowered;
	s4 =	sadd.s32 s4, s6;
	[dreg:$0x0] =	wrdreg $0x0  }
0xa9: {  	s6 =	sshll.u32 s28, $0x1;
	[dreg:$0x2] =	wrdreg s4  }
0xaa: {  	[dreg:$0x3] =	wrdreg s6  }
0xab: {  	[dreg:$0x4] =	wrdreg $0xC0  }
0xac: {  	_ =	task [dreg:s8], $0x5FFFF  }
0xad: {  	[dreg:$0x1] =	wrdreg $0xFFFFFFFF  }
0xae: {  	[dreg:$0x0] =	wrdreg $0x60  }
0xaf: {  	[dreg:$0x2] =	wrdreg s18  }
0xb0: {  	[dreg:$0x3] =	wrdreg s2  }
0xb1: {  	[dreg:$0x4] =	wrdreg s24  }
0xb2: {  	[dreg:$0x5] =	wrdreg $0x9  }
0xb3: {  	_ =	task.clear_ibuf [dreg:s8], $0x6FFFF;
	_ =	strace $0x90000046  }
0xb4: {  	s29 =	simm.s32 $0x9;
	_ =	strace $0x80000048  }
0xb5: {  	_ =	swait.ge [sflag:s29], $0x1  }
0xb6: {  	[sflag:s29] =	ssyncadd.s32 $0xFFFFFFFF  }
0xb7: {  	_ =	strace $0x90000048  }
0xb8: {  	_ =	sfence  }
0xb9: {  	s30 =	sld [smem:$0x0];
	_ =	sdelay $0x2  }
0xba: {  	s31 =	sshll.u32 s1, $0xD;
	s1 =	sshrl.u32 s1, $0x2  }
0xbb: {  	s3 =	sand.u32 $0x4000, s31;
	s1 =	sadd.s32 s1, s30  }
0xbc: {  	s0 =	sor.u32 s3, s0;
	s1 =	sshll.u32 s1, $0x11  }
0xbd: {  	s0 =	sor.u32 s1, s0  }
0xbe: {  	s0 =	sadd.s32 $0x8F2B, s0  }
0xbf: {  	[sflag:s0] =	ssyncadd.remote.s32 $0x1  }
0xc0: {  	_ =	sfence.sel $0xFFFF  }
0xc1: {  	[dreg:$0x0] =	wrdreg $0xFFFFFFFF;
	(pc) =	sbr.abs _section_cstart, $3  }
0xc2: {  	[dreg:$0x1] =	wrdreg $0xFFFFFFFF  }
0xc3: {  	_ =	task.clear_ibuf [dreg:s8], $0x2FFFF;
	_ =	strace $0x9FFFFFFF  }
0xc4: {  	(tm) =	ssettm $0x7FFFFFFF  }
0xc5: {  	_ =	shalt  }
tec
execute0_lowered:
.L_overlay_start_1:
0x0: {  	(tag) =	ssettag $0x1  }
0x1: {  	s10 =	rddreg [dreg:$0x0]  }
0x2: {  	s0 =	rddreg [dreg:$0x1]  }
0x3: {  	s1 =	srdreg.scid;
	s3 =	stileid.u32  }
0x4: {  	s2 =	rddreg [dreg:$0x2];
	s1 =	sand.u32 $0x1, s1;
	s4 =	sshll.u32 s3, $0x1  }
0x5: {  	s16 =	simm.s32 $0x1;
	s3 =	simm.s32 $0x0;
	s4 =	sor.u32 s1, s4  }
0x6: {  	s5 =	sadd.s32 $0xA00, s2;
	[smem:$0x7FF] =	sst s3;
	s7 =	smul.u32 $0xC80, s4  }
0x7: {  	s1 =	ssub.s32 $0x2, s1;
	_ =	strace $0x80000047;
	s8 =	smul.u32 $0x32000, s4  }
0x8: {  	[dreg:$0x4] =	wrdreg s5;
	s5 =	smul.u32 $0x190000, s4;
	s0 =	sadd.s32 s0, s7  }
0x9: {  	s9 =	sshrl.u32 s1, $0x1;
	s26 =	sadd.s32 s10, s8;
	[dreg:$0x6] =	wrdreg s0  }
.Ltmp0:
0xa: {  	s29 =	sor.u32 $0x8000, s5;
	[dreg:$0x5] =	wrdreg s26;
	(pc) =	sbr.rel .LBB2_1-.Ltmp0, $4  }
0xb: {  	s1 =	ssub.s32 s1, s9;
	s30 =	sor.u32 $0xC000, s5;
	[dreg:$0x8] =	wrdreg s29  }
0xc: {  	s18 =	simm.s32 $0x2;
	s31 =	smax.u32 s1, $0x1;
	[dreg:$0x9] =	wrdreg s30  }
0xd: {  	s19 =	simm.s32 $0x4;
	s28 =	sadd.s32 $0x800, s26;
	[dreg:$0xa] =	wrdreg s31  }
0xe: {  	s6 =	sadd.s32 $0x1800, s2;
	s1 =	simm.s32 $0x0;
	[dreg:$0x7] =	wrdreg s28  }
.LBB2_12:
0xf: {  	s0 =	simm.s32 $0x3  }
0x10: {  	_ =	swait.ge [sflag:s0], $0x4000  }
0x11: {  	[sflag:s0] =	ssyncset.done $0x0  }
0x12: {  	[sflag:s0] =	ssyncadd.s32 $0xFFFFC000  }
0x13: {  	_ =	swait.ge [sflag:s19], $0x4000  }
0x14: {  	s1 =	rddreg [dreg:$0xb]  }
0x15: {  	s31 =	rddreg [dreg:$0xa];
	s1 =	sadd.s32 $0x1, s1  }
0x16: {  	p0 =	sne.s32 s1, s31  }
.Ltmp1:
0x17: {  	_ = 	snop;
	(pc) =	sbr.rel @!p0 .LBB2_13-.Ltmp1, $3  }
0x18: {  	_ =	sdelay $0x1  }
0x19: {  	[sflag:s19] =	ssyncset.done $0x0  }
0x1a: {  	[sflag:s19] =	ssyncadd.s32 $0xFFFFC000  }
.LBB2_1:
0x1b: {  	[dreg:$0xb] =	wrdreg s1  }
0x1c: {  	s0 =	rddreg [dreg:$0x4];
	s25 =	simm.s32 $0x5  }
0x1d: {  	[tilespmem:s3], [sflag:$0x5] =	stream.linear.gather [hbm4b:s0+s3], $0x6F80, $0x38;
	[tilespmem:$0x1D380] =	vst v63  }
0x1e: {  	_ =	swait.ge [sflag:s25], $0x6F80  }
0x1f: {  	[sflag:s25] =	ssyncset.done $0x0  }
0x20: {  	s23 =	simm.s32 $0x6F80;
	s26 =	rddreg [dreg:$0x6];
	[sflag:s25] =	ssyncadd.s32 $0xFFFF9080  }
0x21: {  	[tilespmem:s23], [sflag:$0x5] =	stream.linear.gather [hbm4b:s26+s3], $0x6400, $0x38;
	[tilespmem:$0x1D380] =	vst v63  }
0x22: {  	_ =	swait.ge [sflag:s25], $0x6400  }
0x23: {  	s29 =	simm.s32 $0xD380;
	[sflag:s25] =	ssyncset.done $0x0  }
0x24: {  	s31 =	simm.s32 $0x11380;
	s28 =	rddreg [dreg:$0x5];
	[sflag:s25] =	ssyncadd.s32 $0xFFFF9C00  }
0x25: {  	[tilespmem:s29], [sflag:$0x1] =	stream.linear.gather [hbm4b:s28+s3], $0x4000, $0x38;
	[tilespmem:$0x1D380] =	vst v63  }
0x26: {  	s24 =	simm.s32 $0x7080;
	s30 =	rddreg [dreg:$0x7];
	s25 =	simm.s32 $0x0  }
0x27: {  	[tilespmem:s31], [sflag:$0x2] =	stream.linear.gather [hbm4b:s30+s3], $0x4000, $0x38;
	[tilespmem:$0x1D380] =	vst v63  }
.LBB2_2:
0x28: {  	_ =	swait.ge [sflag:s16], $0x4000  }
0x29: {  	p0 =	seq.s32 s25, $0x0;
	[sflag:s16] =	ssyncset.done $0x0  }
0x2a: {  	s0 =	simm.s32 @!p0 $0x3;
	[sflag:s16] =	ssyncadd.s32 $0xFFFFC000  }
0x2b: {  	_ =	swait.ge @!p0 [sflag:s0], $0x4000  }
0x2c: {  	[sflag:s0] =	ssyncset.done @!p0 $0x0  }
0x2d: {  	[sflag:s0] =	ssyncadd.s32 @!p0 $0xFFFFC000  }
0x2e: {  	v0 =	vld [tilespmem:s23+$0x0];
	_ =	sdelay $0x4  }
0x2f: {  	v0 =	vshll.u32 v0, $0x8  }
0x30: {  	v4 =	vshra.s32 v0, $0x2  }
0x31: {  	(v2sf) =	vpush v4, $0x0;
	_ =	sdelay $0xd  }
0x32: {  	s31 =	simm.s32 $0x0  }
0x33: {  	v0 =	vld [tilespmem:s31+$0xD380];
	s15 =	spop (v2sf)  }
0x34: {  	v1 =	vld [tilespmem:s15+$0x0];
	_ =	sdelay $0x4  }
0x35: {  	v0 =	vadd.f32 v1, v0;
	_ =	sdelay $0x1  }
0x36: {  	v1 =	vld [tilespmem:s31+$0xD390];
	[tilespmem:s31+$0x15380] =	vst v0  }
0x37: {  	v0 =	vld [tilespmem:s15+$0x10];
	_ =	sdelay $0x4  }
0x38: {  	v0 =	vadd.f32 v0, v1;
	_ =	sdelay $0x1  }
0x39: {  	v1 =	vld [tilespmem:s31+$0xD3A0];
	[tilespmem:s31+$0x15390] =	vst v0  }
0x3a: {  	(v2sf) =	vpush v4, $0x1;
	v0 =	vld [tilespmem:s15+$0x20];
	_ =	sdelay $0x4  }
0x3b: {  	v0 =	vadd.f32 v0, v1;
	_ =	sdelay $0x1  }
0x3c: {  	v1 =	vld [tilespmem:s31+$0xD3B0];
	[tilespmem:s31+$0x153A0] =	vst v0  }
0x3d: {  	v0 =	vld [tilespmem:s15+$0x30];
	_ =	sdelay $0x4  }
0x3e: {  	v0 =	vadd.f32 v0, v1;
	_ =	sdelay $0x1  }
0x3f: {  	s17 =	spop (v2sf);
	v1 =	vld [tilespmem:s31+$0xD3C0];
	[tilespmem:s31+$0x153B0] =	vst v0  }
0x40: {  	v0 =	vld [tilespmem:s17+$0x0];
	_ =	sdelay $0x4  }
0x41: {  	v0 =	vadd.f32 v0, v1;
	_ =	sdelay $0x1  }
0x42: {  	v1 =	vld [tilespmem:s31+$0xD3D0];
	[tilespmem:s31+$0x153C0] =	vst v0  }
0x43: {  	v0 =	vld [tilespmem:s17+$0x10];
	_ =	sdelay $0x4  }
0x44: {  	v0 =	vadd.f32 v0, v1;
	_ =	sdelay $0x1  }
0x45: {  	v1 =	vld [tilespmem:s31+$0xD3E0];
	[tilespmem:s31+$0x153D0] =	vst v0  }
0x46: {  	(v2sf) =	vpush v4, $0x2;
	v0 =	vld [tilespmem:s17+$0x20];
	_ =	sdelay $0x4  }
0x47: {  	v0 =	vadd.f32 v0, v1;
	_ =	sdelay $0x1  }
0x48: {  	v1 =	vld [tilespmem:s31+$0xD3F0];
	[tilespmem:s31+$0x153E0] =	vst v0  }
0x49: {  	v0 =	vld [tilespmem:s17+$0x30];
	_ =	sdelay $0x4  }
0x4a: {  	v0 =	vadd.f32 v0, v1;
	_ =	sdelay $0x1  }
0x4b: {  	s20 =	spop (v2sf);
	v1 =	vld [tilespmem:s31+$0xD400];
	[tilespmem:s31+$0x153F0] =	vst v0  }
0x4c: {  	v0 =	vld [tilespmem:s20+$0x0];
	_ =	sdelay $0x4  }
0x4d: {  	v0 =	vadd.f32 v0, v1;
	_ =	sdelay $0x1  }
0x4e: {  	v1 =	vld [tilespmem:s31+$0xD410];
	[tilespmem:s31+$0x15400] =	vst v0  }
0x4f: {  	v0 =	vld [tilespmem:s20+$0x10];
	_ =	sdelay $0x4  }
0x50: {  	v0 =	vadd.f32 v0, v1;
	_ =	sdelay $0x1  }
0x51: {  	v1 =	vld [tilespmem:s31+$0xD420];
	[tilespmem:s31+$0x15410] =	vst v0  }
0x52: {  	v0 =	vld [tilespmem:s20+$0x20];
	(v2sf) =	vpush v4, $0x3;
	_ =	sdelay $0x4  }
0x53: {  	v0 =	vadd.f32 v0, v1;
	_ =	sdelay $0x1  }
0x54: {  	v1 =	vld [tilespmem:s31+$0xD430];
	[tilespmem:s31+$0x15420] =	vst v0  }
0x55: {  	v0 =	vld [tilespmem:s20+$0x30];
	_ =	sdelay $0x4  }
0x56: {  	v0 =	vadd.f32 v0, v1;
	_ =	sdelay $0x1  }
0x57: {  	v1 =	vld [tilespmem:s31+$0xD440];
	[tilespmem:s31+$0x15430] =	vst v0;
	s1 =	spop (v2sf)  }
0x58: {  	v0 =	vld [tilespmem:s1+$0x0];
	_ =	sdelay $0x4  }
0x59: {  	v0 =	vadd.f32 v0, v1;
	_ =	sdelay $0x1  }
0x5a: {  	v1 =	vld [tilespmem:s31+$0xD450];
	[tilespmem:s31+$0x15440] =	vst v0  }
0x5b: {  	v0 =	vld [tilespmem:s1+$0x10]  }
0x5c: {  	s21 =	sadd.s32 $0x10, s23  }
0x5d: {  	v2 =	vld [tilespmem:s21+$0x0];
	_ =	sdelay $0x2  }
0x5e: {  	v0 =	vadd.f32 v0, v1;
	_ =	sdelay $0x1  }
0x5f: {  	v2 =	vshll.u32 v2, $0x8;
	v1 =	vld [tilespmem:s31+$0xD460];
	[tilespmem:s31+$0x15450] =	vst v0  }
0x60: {  	(v2sf) =	vpush v4, $0x4;
	v0 =	vshra.s32 v2, $0x2;
	v2 =	vld [tilespmem:s1+$0x20]  }
0x61: {  	(v2sf) =	vpush v0, $0x0;
	_ =	sdelay $0x3  }
0x62: {  	v1 =	vadd.f32 v2, v1;
	_ =	sdelay $0x1  }
0x63: {  	v2 =	vld [tilespmem:s31+$0xD470];
	[tilespmem:s31+$0x15460] =	vst v1  }
0x64: {  	v1 =	vld [tilespmem:s1+$0x30];
	_ =	sdelay $0x4  }
0x65: {  	s26 =	simm.s32 $0x400;
	v1 =	vadd.f32 v1, v2  }
0x66: {  	v3 =	vld [tilespmem:s26+$0xD380]  }
0x67: {  	s22 =	spop (v2sf);
	v2 =	vld [tilespmem:s31+$0xD480];
	[tilespmem:s31+$0x15470] =	vst v1  }
0x68: {  	s2 =	spop (v2sf);
	v1 =	vld [tilespmem:s22+$0x0]  }
0x69: {  	v5 =	vld [tilespmem:s2+$0x0];
	_ =	sdelay $0x3  }
0x6a: {  	v1 =	vadd.f32 v1, v2  }
0x6b: {  	v2 =	vld [tilespmem:s31+$0xD490];
	v3 =	vadd.f32 v5, v3  }
0x6c: {  	v5 =	vld [tilespmem:s26+$0xD390];
	[tilespmem:s31+$0x15480] =	vst v1  }
0x6d: {  	[tilespmem:s26+$0x15380] =	vst v3;
	v1 =	vld [tilespmem:s22+$0x10]  }
0x6e: {  	v3 =	vld [tilespmem:s2+$0x10];
	_ =	sdelay $0x3  }
0x6f: {  	v1 =	vadd.f32 v1, v2  }
0x70: {  	v2 =	vld [tilespmem:s31+$0xD4A0];
	v3 =	vadd.f32 v3, v5  }
0x71: {  	v5 =	vld [tilespmem:s26+$0xD3A0];
	[tilespmem:s31+$0x15490] =	vst v1  }
0x72: {  	(v2sf) =	vpush v4, $0x5;
	[tilespmem:s26+$0x15390] =	vst v3;
	v1 =	vld [tilespmem:s22+$0x20]  }
0x73: {  	(v2sf) =	vpush v0, $0x1;
	v3 =	vld [tilespmem:s2+$0x20];
	_ =	sdelay $0x3  }
0x74: {  	v1 =	vadd.f32 v1, v2  }
0x75: {  	v2 =	vld [tilespmem:s31+$0xD4B0];
	v3 =	vadd.f32 v3, v5  }
0x76: {  	v5 =	vld [tilespmem:s26+$0xD3B0];
	[tilespmem:s31+$0x154A0] =	vst v1  }
0x77: {  	[tilespmem:s26+$0x153A0] =	vst v3;
	v1 =	vld [tilespmem:s22+$0x30]  }
0x78: {  	v3 =	vld [tilespmem:s2+$0x30];
	_ =	sdelay $0x3  }
0x79: {  	v1 =	vadd.f32 v1, v2  }
0x7a: {  	v2 =	vld [tilespmem:s31+$0xD4C0];
	v3 =	vadd.f32 v3, v5  }
0x7b: {  	s4 =	spop (v2sf);
	v5 =	vld [tilespmem:s26+$0xD3C0];
	[tilespmem:s31+$0x154B0] =	vst v1  }
0x7c: {  	s7 =	spop (v2sf);
	[tilespmem:s26+$0x153B0] =	vst v3;
	v1 =	vld [tilespmem:s4+$0x0]  }
0x7d: {  	v3 =	vld [tilespmem:s7+$0x0];
	_ =	sdelay $0x3  }
0x7e: {  	v1 =	vadd.f32 v1, v2  }
0x7f: {  	v2 =	vld [tilespmem:s31+$0xD4D0];
	v3 =	vadd.f32 v3, v5  }
0x80: {  	v5 =	vld [tilespmem:s26+$0xD3D0];
	[tilespmem:s31+$0x154C0] =	vst v1  }
0x81: {  	[tilespmem:s26+$0x153C0] =	vst v3;
	v1 =	vld [tilespmem:s4+$0x10]  }
0x82: {  	v3 =	vld [tilespmem:s7+$0x10];
	_ =	sdelay $0x3  }
0x83: {  	v1 =	vadd.f32 v1, v2  }
0x84: {  	v2 =	vld [tilespmem:s31+$0xD4E0];
	v3 =	vadd.f32 v3, v5  }
0x85: {  	v5 =	vld [tilespmem:s26+$0xD3E0];
	[tilespmem:s31+$0x154D0] =	vst v1  }
0x86: {  	(v2sf) =	vpush v4, $0x6;
	[tilespmem:s26+$0x153D0] =	vst v3;
	v1 =	vld [tilespmem:s4+$0x20]  }
0x87: {  	(v2sf) =	vpush v0, $0x2;
	v3 =	vld [tilespmem:s7+$0x20];
	_ =	sdelay $0x3  }
0x88: {  	v1 =	vadd.f32 v1, v2  }
0x89: {  	v2 =	vld [tilespmem:s31+$0xD4F0];
	v3 =	vadd.f32 v3, v5  }
0x8a: {  	v5 =	vld [tilespmem:s26+$0xD3F0];
	[tilespmem:s31+$0x154E0] =	vst v1  }
0x8b: {  	[tilespmem:s26+$0x153E0] =	vst v3;
	v1 =	vld [tilespmem:s4+$0x30]  }
0x8c: {  	v3 =	vld [tilespmem:s7+$0x30];
	_ =	sdelay $0x3  }
0x8d: {  	v1 =	vadd.f32 v1, v2  }
0x8e: {  	v2 =	vld [tilespmem:s31+$0xD500];
	v3 =	vadd.f32 v3, v5  }
0x8f: {  	s8 =	spop (v2sf);
	v5 =	vld [tilespmem:s26+$0xD400];
	[tilespmem:s31+$0x154F0] =	vst v1  }
0x90: {  	s9 =	spop (v2sf);
	[tilespmem:s26+$0x153F0] =	vst v3;
	v1 =	vld [tilespmem:s8+$0x0]  }
0x91: {  	v3 =	vld [tilespmem:s9+$0x0];
	_ =	sdelay $0x3  }
0x92: {  	v1 =	vadd.f32 v1, v2  }
0x93: {  	v2 =	vld [tilespmem:s31+$0xD510];
	v3 =	vadd.f32 v3, v5  }
0x94: {  	v5 =	vld [tilespmem:s26+$0xD410];
	[tilespmem:s31+$0x15500] =	vst v1  }
0x95: {  	[tilespmem:s26+$0x15400] =	vst v3;
	v1 =	vld [tilespmem:s8+$0x10]  }
0x96: {  	v3 =	vld [tilespmem:s9+$0x10];
	_ =	sdelay $0x3  }
0x97: {  	v1 =	vadd.f32 v1, v2  }
0x98: {  	v2 =	vld [tilespmem:s31+$0xD520];
	v3 =	vadd.f32 v3, v5  }
0x99: {  	v5 =	vld [tilespmem:s26+$0xD420];
	[tilespmem:s31+$0x15510] =	vst v1  }
0x9a: {  	(v2sf) =	vpush v4, $0x7;
	[tilespmem:s26+$0x15410] =	vst v3;
	v1 =	vld [tilespmem:s8+$0x20]  }
0x9b: {  	(v2sf) =	vpush v0, $0x3;
	v3 =	vld [tilespmem:s9+$0x20];
	_ =	sdelay $0x3  }
0x9c: {  	v1 =	vadd.f32 v1, v2  }
0x9d: {  	v2 =	vld [tilespmem:s31+$0xD530];
	v3 =	vadd.f32 v3, v5  }
0x9e: {  	v5 =	vld [tilespmem:s26+$0xD430];
	[tilespmem:s31+$0x15520] =	vst v1  }
0x9f: {  	[tilespmem:s26+$0x15420] =	vst v3;
	v1 =	vld [tilespmem:s8+$0x30]  }
0xa0: {  	v3 =	vld [tilespmem:s9+$0x30];
	_ =	sdelay $0x3  }
0xa1: {  	v1 =	vadd.f32 v1, v2  }
0xa2: {  	v2 =	vld [tilespmem:s31+$0xD540];
	v3 =	vadd.f32 v3, v5  }
0xa3: {  	s10 =	spop (v2sf);
	v5 =	vld [tilespmem:s26+$0xD440];
	[tilespmem:s31+$0x15530] =	vst v1  }
0xa4: {  	s11 =	spop (v2sf);
	[tilespmem:s26+$0x15430] =	vst v3;
	v1 =	vld [tilespmem:s10+$0x0]  }
0xa5: {  	v3 =	vld [tilespmem:s11+$0x0];
	_ =	sdelay $0x3  }
0xa6: {  	v1 =	vadd.f32 v1, v2  }
0xa7: {  	v2 =	vld [tilespmem:s31+$0xD550];
	v3 =	vadd.f32 v3, v5  }
0xa8: {  	v5 =	vld [tilespmem:s26+$0xD450];
	[tilespmem:s31+$0x15540] =	vst v1  }
0xa9: {  	[tilespmem:s26+$0x15440] =	vst v3;
	v1 =	vld [tilespmem:s10+$0x10]  }
0xaa: {  	v3 =	vld [tilespmem:s11+$0x10]  }
0xab: {  	s0 =	sadd.s32 $0x10, s21  }
0xac: {  	v6 =	vld [tilespmem:s0+$0x0];
	_ =	sdelay $0x1  }
0xad: {  	v1 =	vadd.f32 v1, v2  }
0xae: {  	v2 =	vld [tilespmem:s31+$0xD560];
	v3 =	vadd.f32 v3, v5  }
0xaf: {  	v5 =	vld [tilespmem:s26+$0xD460];
	[tilespmem:s31+$0x15550] =	vst v1  }
0xb0: {  	(v2sf) =	vpush v4, $0x8;
	v1 =	vshll.u32 v6, $0x8;
	[tilespmem:s26+$0x15450] =	vst v3;
	v3 =	vld [tilespmem:s10+$0x20]  }
0xb1: {  	(v2sf) =	vpush v0, $0x4;
	v1 =	vshra.s32 v1, $0x2;
	v6 =	vld [tilespmem:s11+$0x20]  }
0xb2: {  	(v2sf) =	vpush v1, $0x0;
	_ =	sdelay $0x2  }
0xb3: {  	v2 =	vadd.f32 v3, v2  }
0xb4: {  	v3 =	vld [tilespmem:s31+$0xD570];
	v5 =	vadd.f32 v6, v5  }
0xb5: {  	v6 =	vld [tilespmem:s26+$0xD470];
	[tilespmem:s31+$0x15560] =	vst v2  }
0xb6: {  	[tilespmem:s26+$0x15460] =	vst v5;
	v2 =	vld [tilespmem:s10+$0x30]  }
0xb7: {  	v5 =	vld [tilespmem:s11+$0x30];
	_ =	sdelay $0x3  }
0xb8: {  	v7 =	vld [tilespmem:s31+$0xD580];
	v2 =	vadd.f32 v2, v3  }
0xb9: {  	s29 =	simm.s32 $0x800;
	v3 =	vld [tilespmem:s26+$0xD480];
	v5 =	vadd.f32 v5, v6  }
0xba: {  	s12 =	spop (v2sf);
	v6 =	vld [tilespmem:s29+$0xD380];
	[tilespmem:s31+$0x15570] =	vst v2  }
0xbb: {  	s13 =	spop (v2sf);
	[tilespmem:s26+$0x15470] =	vst v5;
	v2 =	vld [tilespmem:s12+$0x0]  }
0xbc: {  	s4 =	spop (v2sf);
	v5 =	vld [tilespmem:s13+$0x0]  }
0xbd: {  	v8 =	vld [tilespmem:s4+$0x0];
	_ =	sdelay $0x2  }
0xbe: {  	v9 =	vld [tilespmem:s31+$0xD590];
	v2 =	vadd.f32 v2, v7  }
0xbf: {  	v7 =	vld [tilespmem:s26+$0xD490];
	v3 =	vadd.f32 v5, v3  }
0xc0: {  	v5 =	vld [tilespmem:s29+$0xD390];
	v6 =	vadd.f32 v8, v6;
	[tilespmem:s31+$0x15580] =	vst v2  }
0xc1: {  	[tilespmem:s26+$0x15480] =	vst v3;
	v2 =	vld [tilespmem:s12+$0x10]  }
0xc2: {  	[tilespmem:s29+$0x15380] =	vst v6;
	v3 =	vld [tilespmem:s13+$0x10]  }
0xc3: {  	v6 =	vld [tilespmem:s4+$0x10];
	_ =	sdelay $0x2  }
0xc4: {  	v8 =	vld [tilespmem:s31+$0xD5A0];
	v2 =	vadd.f32 v2, v9  }
0xc5: {  	v9 =	vld [tilespmem:s26+$0xD4A0];
	v3 =	vadd.f32 v3, v7  }
0xc6: {  	v7 =	vld [tilespmem:s29+$0xD3A0];
	v5 =	vadd.f32 v6, v5;
	[tilespmem:s31+$0x15590] =	vst v2  }
0xc7: {  	(v2sf) =	vpush v4, $0x9;
	[tilespmem:s26+$0x15490] =	vst v3;
	v2 =	vld [tilespmem:s12+$0x20]  }
0xc8: {  	(v2sf) =	vpush v0, $0x5;
	[tilespmem:s29+$0x15390] =	vst v5;
	v3 =	vld [tilespmem:s13+$0x20]  }
0xc9: {  	(v2sf) =	vpush v1, $0x1;
	v5 =	vld [tilespmem:s4+$0x20];
	_ =	sdelay $0x2  }
0xca: {  	v6 =	vld [tilespmem:s31+$0xD5B0];
	v2 =	vadd.f32 v2, v8  }
0xcb: {  	v8 =	vld [tilespmem:s26+$0xD4B0];
	v3 =	vadd.f32 v3, v9  }
0xcc: {  	v9 =	vld [tilespmem:s29+$0xD3B0];
	v5 =	vadd.f32 v5, v7;
	[tilespmem:s31+$0x155A0] =	vst v2  }
0xcd: {  	[tilespmem:s26+$0x154A0] =	vst v3;
	v2 =	vld [tilespmem:s12+$0x30]  }
0xce: {  	[tilespmem:s29+$0x153A0] =	vst v5;
	v3 =	vld [tilespmem:s13+$0x30]  }
0xcf: {  	v5 =	vld [tilespmem:s4+$0x30];
	_ =	sdelay $0x2  }
0xd0: {  	v7 =	vld [tilespmem:s31+$0xD5C0];
	v2 =	vadd.f32 v2, v6  }
0xd1: {  	v6 =	vld [tilespmem:s26+$0xD4C0];
	v3 =	vadd.f32 v3, v8  }
0xd2: {  	s14 =	spop (v2sf);
	v8 =	vld [tilespmem:s29+$0xD3C0];
	v5 =	vadd.f32 v5, v9;
	[tilespmem:s31+$0x155B0] =	vst v2  }
0xd3: {  	s15 =	spop (v2sf);
	[tilespmem:s26+$0x154B0] =	vst v3;
	v2 =	vld [tilespmem:s14+$0x0]  }
0xd4: {  	s17 =	spop (v2sf);
	[tilespmem:s29+$0x153B0] =	vst v5;
	v3 =	vld [tilespmem:s15+$0x0]  }
0xd5: {  	v5 =	vld [tilespmem:s17+$0x0];
	_ =	sdelay $0x2  }
0xd6: {  	v9 =	vld [tilespmem:s31+$0xD5D0];
	v2 =	vadd.f32 v2, v7  }
0xd7: {  	v7 =	vld [tilespmem:s26+$0xD4D0];
	v3 =	vadd.f32 v3, v6  }
0xd8: {  	v6 =	vld [tilespmem:s29+$0xD3D0];
	v5 =	vadd.f32 v5, v8;
	[tilespmem:s31+$0x155C0] =	vst v2  }
0xd9: {  	[tilespmem:s26+$0x154C0] =	vst v3;
	v2 =	vld [tilespmem:s14+$0x10]  }
0xda: {  	[tilespmem:s29+$0x153C0] =	vst v5;
	v3 =	vld [tilespmem:s15+$0x10]  }
0xdb: {  	v5 =	vld [tilespmem:s17+$0x10];
	_ =	sdelay $0x2  }
0xdc: {  	v8 =	vld [tilespmem:s31+$0xD5E0];
	v2 =	vadd.f32 v2, v9  }
0xdd: {  	v9 =	vld [tilespmem:s26+$0xD4E0];
	v3 =	vadd.f32 v3, v7  }
0xde: {  	v7 =	vld [tilespmem:s29+$0xD3E0];
	v5 =	vadd.f32 v5, v6;
	[tilespmem:s31+$0x155D0] =	vst v2  }
0xdf: {  	(v2sf) =	vpush v4, $0xA;
	[tilespmem:s26+$0x154D0] =	vst v3;
	v2 =	vld [tilespmem:s14+$0x20]  }
0xe0: {  	(v2sf) =	vpush v0, $0x6;
	[tilespmem:s29+$0x153D0] =	vst v5;
	v3 =	vld [tilespmem:s15+$0x20]  }
0xe1: {  	(v2sf) =	vpush v1, $0x2;
	v5 =	vld [tilespmem:s17+$0x20];
	_ =	sdelay $0x2  }
0xe2: {  	v6 =	vld [tilespmem:s31+$0xD5F0];
	v2 =	vadd.f32 v2, v8  }
0xe3: {  	v8 =	vld [tilespmem:s26+$0xD4F0];
	v3 =	vadd.f32 v3, v9  }
0xe4: {  	v9 =	vld [tilespmem:s29+$0xD3F0];
	v5 =	vadd.f32 v5, v7;
	[tilespmem:s31+$0x155E0] =	vst v2  }
0xe5: {  	[tilespmem:s26+$0x154E0] =	vst v3;
	v2 =	vld [tilespmem:s14+$0x30]  }
0xe6: {  	[tilespmem:s29+$0x153E0] =	vst v5;
	v3 =	vld [tilespmem:s15+$0x30]  }
0xe7: {  	v5 =	vld [tilespmem:s17+$0x30];
	_ =	sdelay $0x2  }
0xe8: {  	v7 =	vld [tilespmem:s31+$0xD600];
	v2 =	vadd.f32 v2, v6  }
0xe9: {  	v6 =	vld [tilespmem:s26+$0xD500];
	v3 =	vadd.f32 v3, v8  }
0xea: {  	s20 =	spop (v2sf);
	v8 =	vld [tilespmem:s29+$0xD400];
	v5 =	vadd.f32 v5, v9;
	[tilespmem:s31+$0x155F0] =	vst v2  }
0xeb: {  	s21 =	spop (v2sf);
	[tilespmem:s26+$0x154F0] =	vst v3;
	v2 =	vld [tilespmem:s20+$0x0]  }
0xec: {  	s22 =	spop (v2sf);
	[tilespmem:s29+$0x153F0] =	vst v5;
	v3 =	vld [tilespmem:s21+$0x0]  }
0xed: {  	v5 =	vld [tilespmem:s22+$0x0];
	_ =	sdelay $0x2  }
0xee: {  	v9 =	vld [tilespmem:s31+$0xD610];
	v2 =	vadd.f32 v2, v7  }
0xef: {  	v7 =	vld [tilespmem:s26+$0xD510];
	v3 =	vadd.f32 v3, v6  }
0xf0: {  	v6 =	vld [tilespmem:s29+$0xD410];
	v5 =	vadd.f32 v5, v8;
	[tilespmem:s31+$0x15600] =	vst v2  }
0xf1: {  	[tilespmem:s26+$0x15500] =	vst v3;
	v2 =	vld [tilespmem:s20+$0x10]  }
0xf2: {  	[tilespmem:s29+$0x15400] =	vst v5;
	v3 =	vld [tilespmem:s21+$0x10]  }
0xf3: {  	v5 =	vld [tilespmem:s22+$0x10];
	_ =	sdelay $0x2  }
0xf4: {  	v8 =	vld [tilespmem:s31+$0xD620];
	v2 =	vadd.f32 v2, v9  }
0xf5: {  	v9 =	vld [tilespmem:s26+$0xD520];
	v3 =	vadd.f32 v3, v7  }
0xf6: {  	v7 =	vld [tilespmem:s29+$0xD420];
	v5 =	vadd.f32 v5, v6;
	[tilespmem:s31+$0x15610] =	vst v2  }
0xf7: {  	(v2sf) =	vpush v4, $0xB;
	[tilespmem:s26+$0x15510] =	vst v3;
	v2 =	vld [tilespmem:s20+$0x20]  }
0xf8: {  	(v2sf) =	vpush v0, $0x7;
	[tilespmem:s29+$0x15410] =	vst v5;
	v3 =	vld [tilespmem:s21+$0x20]  }
0xf9: {  	(v2sf) =	vpush v1, $0x3;
	v5 =	vld [tilespmem:s22+$0x20];
	_ =	sdelay $0x2  }
0xfa: {  	v6 =	vld [tilespmem:s31+$0xD630];
	v2 =	vadd.f32 v2, v8  }
0xfb: {  	v8 =	vld [tilespmem:s26+$0xD530];
	v3 =	vadd.f32 v3, v9  }
0xfc: {  	v9 =	vld [tilespmem:s29+$0xD430];
	v5 =	vadd.f32 v5, v7;
	[tilespmem:s31+$0x15620] =	vst v2  }
0xfd: {  	[tilespmem:s26+$0x15520] =	vst v3;
	v2 =	vld [tilespmem:s20+$0x30]  }
0xfe: {  	[tilespmem:s29+$0x15420] =	vst v5;
	v3 =	vld [tilespmem:s21+$0x30]  }
0xff: {  	v5 =	vld [tilespmem:s22+$0x30];
	_ =	sdelay $0x2  }
0x100: {  	v7 =	vld [tilespmem:s31+$0xD640];
	v2 =	vadd.f32 v2, v6  }
0x101: {  	v6 =	vld [tilespmem:s26+$0xD540];
	v3 =	vadd.f32 v3, v8  }
0x102: {  	s4 =	spop (v2sf);
	v8 =	vld [tilespmem:s29+$0xD440];
	v5 =	vadd.f32 v5, v9;
	[tilespmem:s31+$0x15630] =	vst v2  }
0x103: {  	s7 =	spop (v2sf);
	[tilespmem:s26+$0x15530] =	vst v3;
	v2 =	vld [tilespmem:s4+$0x0]  }
0x104: {  	s8 =	spop (v2sf);
	[tilespmem:s29+$0x15430] =	vst v5;
	v3 =	vld [tilespmem:s7+$0x0]  }
0x105: {  	v5 =	vld [tilespmem:s8+$0x0];
	_ =	sdelay $0x2  }
0x106: {  	v9 =	vld [tilespmem:s31+$0xD650];
	v2 =	vadd.f32 v2, v7  }
0x107: {  	v7 =	vld [tilespmem:s26+$0xD550];
	v3 =	vadd.f32 v3, v6  }
0x108: {  	v6 =	vld [tilespmem:s29+$0xD450];
	v5 =	vadd.f32 v5, v8;
	[tilespmem:s31+$0x15640] =	vst v2  }
0x109: {  	[tilespmem:s26+$0x15540] =	vst v3;
	v2 =	vld [tilespmem:s4+$0x10]  }
0x10a: {  	[tilespmem:s29+$0x15440] =	vst v5;
	v3 =	vld [tilespmem:s7+$0x10]  }
0x10b: {  	v5 =	vld [tilespmem:s8+$0x10]  }
0x10c: {  	s0 =	sadd.s32 $0x10, s0  }
0x10d: {  	v8 =	vld [tilespmem:s0+$0x0]  }
0x10e: {  	v10 =	vld [tilespmem:s31+$0xD660];
	v2 =	vadd.f32 v2, v9  }
0x10f: {  	v9 =	vld [tilespmem:s26+$0xD560];
	v3 =	vadd.f32 v3, v7  }
0x110: {  	v7 =	vld [tilespmem:s29+$0xD460];
	v5 =	vadd.f32 v5, v6;
	[tilespmem:s31+$0x15650] =	vst v2  }
0x111: {  	(v2sf) =	vpush v4, $0xC;
	[tilespmem:s26+$0x15550] =	vst v3;
	v3 =	vld [tilespmem:s4+$0x20]  }
0x112: {  	(v2sf) =	vpush v0, $0x8;
	v2 =	vshll.u32 v8, $0x8;
	[tilespmem:s29+$0x15450] =	vst v5;
	v5 =	vld [tilespmem:s7+$0x20]  }
0x113: {  	(v2sf) =	vpush v1, $0x4;
	v2 =	vshra.s32 v2, $0x2;
	v6 =	vld [tilespmem:s8+$0x20]  }
0x114: {  	(v2sf) =	vpush v2, $0x0;
	_ =	sdelay $0x1  }
0x115: {  	v8 =	vld [tilespmem:s31+$0xD670];
	v3 =	vadd.f32 v3, v10  }
0x116: {  	v10 =	vld [tilespmem:s26+$0xD570];
	v5 =	vadd.f32 v5, v9  }
0x117: {  	v9 =	vld [tilespmem:s29+$0xD470];
	v6 =	vadd.f32 v6, v7;
	[tilespmem:s31+$0x15660] =	vst v3  }
0x118: {  	[tilespmem:s26+$0x15560] =	vst v5;
	v5 =	vld [tilespmem:s4+$0x30]  }
0x119: {  	[tilespmem:s29+$0x15460] =	vst v6;
	v6 =	vld [tilespmem:s7+$0x30]  }
0x11a: {  	v7 =	vld [tilespmem:s8+$0x30]  }
0x11b: {  	v11 =	vld [tilespmem:s31+$0xD680]  }
0x11c: {  	v12 =	vld [tilespmem:s26+$0xD580]  }
0x11d: {  	v14 =	vld [tilespmem:s26+$0xD590];
	v5 =	vadd.f32 v5, v8  }
0x11e: {  	s30 =	simm.s32 $0xC00;
	v8 =	vld [tilespmem:s29+$0xD480];
	v6 =	vadd.f32 v6, v10  }
0x11f: {  	s9 =	spop (v2sf);
	v10 =	vld [tilespmem:s30+$0xD380];
	v7 =	vadd.f32 v7, v9;
	[tilespmem:s31+$0x15670] =	vst v5  }
0x120: {  	s10 =	spop (v2sf);
	[tilespmem:s26+$0x15570] =	vst v6;
	v5 =	vld [tilespmem:s9+$0x0]  }
0x121: {  	s11 =	spop (v2sf);
	[tilespmem:s29+$0x15470] =	vst v7;
	v6 =	vld [tilespmem:s10+$0x0]  }
0x122: {  	s7 =	spop (v2sf);
	v7 =	vld [tilespmem:s11+$0x0]  }
0x123: {  	v9 =	vld [tilespmem:s7+$0x0]  }
0x124: {  	v13 =	vld [tilespmem:s31+$0xD690]  }
0x125: {  	v3 =	vld [tilespmem:s31+$0xD760];
	v5 =	vadd.f32 v5, v11  }
0x126: {  	v11 =	vld [tilespmem:s29+$0xD490];
	v6 =	vadd.f32 v6, v12  }
0x127: {  	v12 =	vld [tilespmem:s30+$0xD390];
	v7 =	vadd.f32 v7, v8;
	[tilespmem:s31+$0x15680] =	vst v5  }
0x128: {  	v5 =	vadd.f32 v9, v10;
	[tilespmem:s26+$0x15580] =	vst v6;
	v6 =	vld [tilespmem:s9+$0x10]  }
0x129: {  	[tilespmem:s29+$0x15480] =	vst v7;
	v7 =	vld [tilespmem:s10+$0x10]  }
0x12a: {  	[tilespmem:s30+$0x15380] =	vst v5;
	v5 =	vld [tilespmem:s11+$0x10]  }
0x12b: {  	v8 =	vld [tilespmem:s7+$0x10]  }
0x12c: {  	v9 =	vld [tilespmem:s31+$0xD6A0]  }
0x12d: {  	v10 =	vld [tilespmem:s26+$0xD5A0];
	v6 =	vadd.f32 v6, v13  }
0x12e: {  	v13 =	vld [tilespmem:s29+$0xD4A0];
	v7 =	vadd.f32 v7, v14  }
0x12f: {  	v14 =	vld [tilespmem:s30+$0xD3A0];
	v5 =	vadd.f32 v5, v11;
	[tilespmem:s31+$0x15690] =	vst v6  }
0x130: {  	(v2sf) =	vpush v4, $0xD;
	v6 =	vadd.f32 v8, v12;
	[tilespmem:s26+$0x15590] =	vst v7;
	v7 =	vld [tilespmem:s9+$0x20]  }
0x131: {  	(v2sf) =	vpush v0, $0x9;
	[tilespmem:s29+$0x15490] =	vst v5;
	v5 =	vld [tilespmem:s10+$0x20]  }
0x132: {  	(v2sf) =	vpush v1, $0x5;
	[tilespmem:s30+$0x15390] =	vst v6;
	v6 =	vld [tilespmem:s11+$0x20]  }
0x133: {  	(v2sf) =	vpush v2, $0x1;
	v8 =	vld [tilespmem:s7+$0x20]  }
0x134: {  	v11 =	vld [tilespmem:s31+$0xD6B0]  }
0x135: {  	v12 =	vld [tilespmem:s26+$0xD5B0];
	v7 =	vadd.f32 v7, v9  }
0x136: {  	v9 =	vld [tilespmem:s29+$0xD4B0];
	v5 =	vadd.f32 v5, v10  }
0x137: {  	v10 =	vld [tilespmem:s30+$0xD3B0];
	v6 =	vadd.f32 v6, v13;
	[tilespmem:s31+$0x156A0] =	vst v7  }
0x138: {  	v7 =	vadd.f32 v8, v14;
	[tilespmem:s26+$0x155A0] =	vst v5;
	v5 =	vld [tilespmem:s9+$0x30]  }
0x139: {  	[tilespmem:s29+$0x154A0] =	vst v6;
	v6 =	vld [tilespmem:s10+$0x30]  }
0x13a: {  	[tilespmem:s30+$0x153A0] =	vst v7;
	v7 =	vld [tilespmem:s11+$0x30]  }
0x13b: {  	v8 =	vld [tilespmem:s7+$0x30]  }
0x13c: {  	v13 =	vld [tilespmem:s31+$0xD6C0]  }
0x13d: {  	v14 =	vld [tilespmem:s26+$0xD5C0];
	v5 =	vadd.f32 v5, v11  }
0x13e: {  	v11 =	vld [tilespmem:s29+$0xD4C0];
	v6 =	vadd.f32 v6, v12  }
0x13f: {  	s12 =	spop (v2sf);
	v12 =	vld [tilespmem:s30+$0xD3C0];
	v7 =	vadd.f32 v7, v9;
	[tilespmem:s31+$0x156B0] =	vst v5  }
0x140: {  	s13 =	spop (v2sf);
	v5 =	vadd.f32 v8, v10;
	[tilespmem:s26+$0x155B0] =	vst v6;
	v6 =	vld [tilespmem:s12+$0x0]  }
0x141: {  	s14 =	spop (v2sf);
	[tilespmem:s29+$0x154B0] =	vst v7;
	v7 =	vld [tilespmem:s13+$0x0]  }
0x142: {  	s15 =	spop (v2sf);
	[tilespmem:s30+$0x153B0] =	vst v5;
	v5 =	vld [tilespmem:s14+$0x0]  }
0x143: {  	v8 =	vld [tilespmem:s15+$0x0]  }
0x144: {  	v9 =	vld [tilespmem:s31+$0xD6D0]  }
0x145: {  	v10 =	vld [tilespmem:s26+$0xD5D0];
	v6 =	vadd.f32 v6, v13  }
0x146: {  	v13 =	vld [tilespmem:s29+$0xD4D0];
	v7 =	vadd.f32 v7, v14  }
0x147: {  	v14 =	vld [tilespmem:s30+$0xD3D0];
	v5 =	vadd.f32 v5, v11;
	[tilespmem:s31+$0x156C0] =	vst v6  }
0x148: {  	v6 =	vadd.f32 v8, v12;
	[tilespmem:s26+$0x155C0] =	vst v7;
	v7 =	vld [tilespmem:s12+$0x10]  }
0x149: {  	[tilespmem:s29+$0x154C0] =	vst v5;
	v5 =	vld [tilespmem:s13+$0x10]  }
0x14a: {  	[tilespmem:s30+$0x153C0] =	vst v6;
	v6 =	vld [tilespmem:s14+$0x10]  }
0x14b: {  	v8 =	vld [tilespmem:s15+$0x10]  }
0x14c: {  	v11 =	vld [tilespmem:s31+$0xD6E0]  }
0x14d: {  	v12 =	vld [tilespmem:s26+$0xD5E0];
	v7 =	vadd.f32 v7, v9  }
0x14e: {  	v9 =	vld [tilespmem:s29+$0xD4E0];
	v5 =	vadd.f32 v5, v10  }
0x14f: {  	v10 =	vld [tilespmem:s30+$0xD3E0];
	v6 =	vadd.f32 v6, v13;
	[tilespmem:s31+$0x156D0] =	vst v7  }
0x150: {  	(v2sf) =	vpush v4, $0xE;
	v7 =	vadd.f32 v8, v14;
	[tilespmem:s26+$0x155D0] =	vst v5;
	v5 =	vld [tilespmem:s12+$0x20]  }
0x151: {  	(v2sf) =	vpush v0, $0xA;
	[tilespmem:s29+$0x154D0] =	vst v6;
	v6 =	vld [tilespmem:s13+$0x20]  }
0x152: {  	(v2sf) =	vpush v1, $0x6;
	[tilespmem:s30+$0x153D0] =	vst v7;
	v7 =	vld [tilespmem:s14+$0x20]  }
0x153: {  	(v2sf) =	vpush v2, $0x2;
	v8 =	vld [tilespmem:s15+$0x20]  }
0x154: {  	v13 =	vld [tilespmem:s31+$0xD6F0]  }
0x155: {  	v14 =	vld [tilespmem:s26+$0xD5F0];
	v5 =	vadd.f32 v5, v11  }
0x156: {  	v11 =	vld [tilespmem:s29+$0xD4F0];
	v6 =	vadd.f32 v6, v12  }
0x157: {  	v12 =	vld [tilespmem:s30+$0xD3F0];
	v7 =	vadd.f32 v7, v9;
	[tilespmem:s31+$0x156E0] =	vst v5  }
0x158: {  	v5 =	vadd.f32 v8, v10;
	[tilespmem:s26+$0x155E0] =	vst v6;
	v6 =	vld [tilespmem:s12+$0x30]  }
0x159: {  	[tilespmem:s29+$0x154E0] =	vst v7;
	v7 =	vld [tilespmem:s13+$0x30]  }
0x15a: {  	[tilespmem:s30+$0x153E0] =	vst v5;
	v5 =	vld [tilespmem:s14+$0x30]  }
0x15b: {  	v8 =	vld [tilespmem:s15+$0x30]  }
0x15c: {  	v9 =	vld [tilespmem:s31+$0xD700]  }
0x15d: {  	v10 =	vld [tilespmem:s26+$0xD600];
	v6 =	vadd.f32 v6, v13  }
0x15e: {  	v13 =	vld [tilespmem:s29+$0xD500];
	v7 =	vadd.f32 v7, v14  }
0x15f: {  	s17 =	spop (v2sf);
	v14 =	vld [tilespmem:s30+$0xD400];
	v5 =	vadd.f32 v5, v11;
	[tilespmem:s31+$0x156F0] =	vst v6  }
0x160: {  	s20 =	spop (v2sf);
	v6 =	vadd.f32 v8, v12;
	[tilespmem:s26+$0x155F0] =	vst v7;
	v7 =	vld [tilespmem:s17+$0x0]  }
0x161: {  	s21 =	spop (v2sf);
	[tilespmem:s29+$0x154F0] =	vst v5;
	v5 =	vld [tilespmem:s20+$0x0]  }
0x162: {  	s22 =	spop (v2sf);
	[tilespmem:s30+$0x153F0] =	vst v6;
	v6 =	vld [tilespmem:s21+$0x0]  }
0x163: {  	v8 =	vld [tilespmem:s22+$0x0]  }
0x164: {  	v11 =	vld [tilespmem:s31+$0xD710]  }
0x165: {  	v12 =	vld [tilespmem:s26+$0xD610];
	v7 =	vadd.f32 v7, v9  }
0x166: {  	v9 =	vld [tilespmem:s29+$0xD510];
	v5 =	vadd.f32 v5, v10  }
0x167: {  	v10 =	vld [tilespmem:s30+$0xD410];
	v6 =	vadd.f32 v6, v13;
	[tilespmem:s31+$0x15700] =	vst v7  }
0x168: {  	v7 =	vadd.f32 v8, v14;
	[tilespmem:s26+$0x15600] =	vst v5;
	v5 =	vld [tilespmem:s17+$0x10]  }
0x169: {  	[tilespmem:s29+$0x15500] =	vst v6;
	v6 =	vld [tilespmem:s20+$0x10]  }
0x16a: {  	[tilespmem:s30+$0x15400] =	vst v7;
	v7 =	vld [tilespmem:s21+$0x10]  }
0x16b: {  	v8 =	vld [tilespmem:s22+$0x10]  }
0x16c: {  	v13 =	vld [tilespmem:s31+$0xD720]  }
0x16d: {  	v14 =	vld [tilespmem:s26+$0xD620];
	v5 =	vadd.f32 v5, v11  }
0x16e: {  	v11 =	vld [tilespmem:s29+$0xD520];
	v6 =	vadd.f32 v6, v12  }
0x16f: {  	v12 =	vld [tilespmem:s30+$0xD420];
	v7 =	vadd.f32 v7, v9;
	[tilespmem:s31+$0x15710] =	vst v5  }
0x170: {  	(v2sf) =	vpush v4, $0xF;
	v5 =	vadd.f32 v8, v10;
	[tilespmem:s26+$0x15610] =	vst v6;
	v6 =	vld [tilespmem:s17+$0x20]  }
0x171: {  	(v2sf) =	vpush v0, $0xB;
	[tilespmem:s29+$0x15510] =	vst v7;
	v4 =	vld [tilespmem:s20+$0x20]  }
0x172: {  	(v2sf) =	vpush v1, $0x7;
	[tilespmem:s30+$0x15410] =	vst v5;
	v5 =	vld [tilespmem:s21+$0x20]  }
0x173: {  	(v2sf) =	vpush v2, $0x3;
	v7 =	vld [tilespmem:s22+$0x20]  }
0x174: {  	v9 =	vld [tilespmem:s26+$0xD630]  }
0x175: {  	v8 =	vld [tilespmem:s31+$0xD730];
	v6 =	vadd.f32 v6, v13  }
0x176: {  	v10 =	vld [tilespmem:s29+$0xD530];
	v4 =	vadd.f32 v4, v14  }
0x177: {  	v13 =	vld [tilespmem:s30+$0xD430];
	v5 =	vadd.f32 v5, v11;
	[tilespmem:s31+$0x15720] =	vst v6  }
0x178: {  	v6 =	vadd.f32 v7, v12;
	[tilespmem:s26+$0x15620] =	vst v4;
	v4 =	vld [tilespmem:s17+$0x30]  }
0x179: {  	[tilespmem:s29+$0x15520] =	vst v5;
	v5 =	vld [tilespmem:s20+$0x30]  }
0x17a: {  	[tilespmem:s30+$0x15420] =	vst v6;
	v6 =	vld [tilespmem:s21+$0x30]  }
0x17b: {  	v7 =	vld [tilespmem:s22+$0x30]  }
0x17c: {  	v11 =	vld [tilespmem:s31+$0xD740]  }
0x17d: {  	v12 =	vld [tilespmem:s26+$0xD640];
	v4 =	vadd.f32 v4, v8  }
0x17e: {  	v8 =	vld [tilespmem:s29+$0xD540];
	v5 =	vadd.f32 v5, v9  }
0x17f: {  	s1 =	spop (v2sf);
	v9 =	vld [tilespmem:s30+$0xD440];
	v6 =	vadd.f32 v6, v10;
	[tilespmem:s31+$0x15730] =	vst v4  }
0x180: {  	s7 =	spop (v2sf);
	v4 =	vadd.f32 v7, v13;
	[tilespmem:s26+$0x15630] =	vst v5;
	v5 =	vld [tilespmem:s1+$0x0]  }
0x181: {  	s8 =	spop (v2sf);
	[tilespmem:s29+$0x15530] =	vst v6;
	v7 =	vld [tilespmem:s7+$0x0]  }
0x182: {  	s9 =	spop (v2sf);
	[tilespmem:s30+$0x15430] =	vst v4;
	v10 =	vld [tilespmem:s8+$0x0]  }
0x183: {  	v13 =	vld [tilespmem:s9+$0x0]  }
0x184: {  	v14 =	vld [tilespmem:s31+$0xD750]  }
0x185: {  	v6 =	vld [tilespmem:s29+$0xD550];
	v5 =	vadd.f32 v5, v11  }
0x186: {  	v4 =	vld [tilespmem:s26+$0xD650];
	v11 =	vadd.f32 v7, v12  }
0x187: {  	v7 =	vld [tilespmem:s30+$0xD450];
	v8 =	vadd.f32 v10, v8;
	[tilespmem:s31+$0x15740] =	vst v5  }
0x188: {  	v5 =	vadd.f32 v13, v9;
	[tilespmem:s26+$0x15640] =	vst v11;
	v12 =	vld [tilespmem:s1+$0x10]  }
0x189: {  	[tilespmem:s29+$0x15540] =	vst v8;
	v10 =	vld [tilespmem:s7+$0x10]  }
0x18a: {  	[tilespmem:s30+$0x15440] =	vst v5;
	v11 =	vld [tilespmem:s8+$0x10]  }
0x18b: {  	s2 =	sadd.s32 $0x10, s0;
	v9 =	vld [tilespmem:s9+$0x10]  }
0x18c: {  	v8 =	vld [tilespmem:s2+$0x0]  }
0x18d: {  	s28 =	sshll.u32 s25, $0x1;
	s0 =	simm.s32 $0x4000;
	s4 =	simm.s32 $0x5000;
	v5 =	vld [tilespmem:s26+$0xD660];
	v12 =	vadd.f32 v12, v14  }
.LBB2_3:
0x18e: {  	p1 =	sne.s32 s4, $0xF000;
	v13 =	vld [tilespmem:s29+$0xD560];
	v4 =	vadd.f32 v10, v4  }
0x18f: {  	v10 =	vld [tilespmem:s30+$0xD460];
	v6 =	vadd.f32 v11, v6;
	[tilespmem:s31+$0x15750] =	vst v12  }
0x190: {  	v7 =	vadd.f32 v9, v7;
	[tilespmem:s26+$0x15650] =	vst v4;
	v9 =	vld [tilespmem:s1+$0x20]  }
0x191: {  	[tilespmem:s29+$0x15550] =	vst v6;
	v6 =	vld [tilespmem:s7+$0x20];
	(v2sf) =	vpush v0, $0xC  }
0x192: {  	v4 =	vshll.u32 v8, $0x8;
	[tilespmem:s30+$0x15450] =	vst v7;
	v7 =	vld [tilespmem:s8+$0x20];
	(v2sf) =	vpush v1, $0x8  }
0x193: {  	v4 =	vshra.s32 v4, $0x2;
	v8 =	vld [tilespmem:s9+$0x20];
	(v2sf) =	vpush v2, $0x4  }
0x194: {  	(v2sf) =	vpush v4, $0x0;
	v11 =	vld [tilespmem:s31+$0xD770]  }
0x195: {  	v12 =	vld [tilespmem:s26+$0xD670];
	v3 =	vadd.f32 v9, v3  }
0x196: {  	v9 =	vld [tilespmem:s29+$0xD570];
	v5 =	vadd.f32 v6, v5  }
0x197: {  	v6 =	vld [tilespmem:s30+$0xD470];
	v7 =	vadd.f32 v7, v13;
	[tilespmem:s31+$0x15760] =	vst v3  }
0x198: {  	v3 =	vadd.f32 v8, v10;
	[tilespmem:s26+$0x15660] =	vst v5;
	v5 =	vld [tilespmem:s1+$0x30]  }
0x199: {  	[tilespmem:s29+$0x15560] =	vst v7;
	v7 =	vld [tilespmem:s7+$0x30]  }
0x19a: {  	[tilespmem:s30+$0x15460] =	vst v3;
	v8 =	vld [tilespmem:s8+$0x30]  }
0x19b: {  	v10 =	vld [tilespmem:s9+$0x30]  }
0x19c: {  	v3 =	vld [tilespmem:s26+$0xD760]  }
0x19d: {  	v13 =	vld [tilespmem:s26+$0xD680];
	v5 =	vadd.f32 v5, v11  }
0x19e: {  	v11 =	vld [tilespmem:s29+$0xD580];
	v7 =	vadd.f32 v7, v12  }
0x19f: {  	s0 =	sshra.s32 s0, $0x2;
	v12 =	vld [tilespmem:s30+$0xD480];
	v8 =	vadd.f32 v8, v9;
	[tilespmem:s31+$0x15770] =	vst v5;
	s31 =	smov.u32 s26;
	s26 =	smov.u32 s29  }
0x1a0: {  	s29 =	smov.u32 s30;
	s30 =	smov.u32 s0;
	v5 =	vld [tilespmem:s0+$0xD380];
	v6 =	vadd.f32 v10, v6;
	[tilespmem:s31+$0x15670] =	vst v7;
	s1 =	spop (v2sf)  }
0x1a1: {  	s0 =	smov.u32 s4;
	[tilespmem:s26+$0x15570] =	vst v8;
	s7 =	spop (v2sf);
	v7 =	vld [tilespmem:s1+$0x0]  }
0x1a2: {  	[tilespmem:s29+$0x15470] =	vst v6;
	s8 =	spop (v2sf);
	v6 =	vld [tilespmem:s7+$0x0]  }
0x1a3: {  	s9 =	spop (v2sf);
	v8 =	vld [tilespmem:s8+$0x0]  }
0x1a4: {  	v9 =	vld [tilespmem:s9+$0x0]  }
0x1a5: {  	v10 =	vld [tilespmem:s31+$0xD690]  }
0x1a6: {  	v14 =	vld [tilespmem:s26+$0xD590];
	v7 =	vadd.f32 v7, v13  }
0x1a7: {  	v13 =	vld [tilespmem:s29+$0xD490];
	v6 =	vadd.f32 v6, v11  }
0x1a8: {  	v11 =	vld [tilespmem:s30+$0xD390];
	v8 =	vadd.f32 v8, v12;
	[tilespmem:s31+$0x15680] =	vst v7  }
0x1a9: {  	v5 =	vadd.f32 v9, v5;
	[tilespmem:s26+$0x15580] =	vst v6;
	v6 =	vld [tilespmem:s1+$0x10]  }
0x1aa: {  	[tilespmem:s29+$0x15480] =	vst v8;
	v7 =	vld [tilespmem:s7+$0x10]  }
0x1ab: {  	[tilespmem:s30+$0x15380] =	vst v5;
	v5 =	vld [tilespmem:s8+$0x10]  }
0x1ac: {  	v8 =	vld [tilespmem:s9+$0x10]  }
0x1ad: {  	v9 =	vld [tilespmem:s31+$0xD6A0]  }
0x1ae: {  	v12 =	vld [tilespmem:s26+$0xD5A0];
	v6 =	vadd.f32 v6, v10  }
0x1af: {  	v10 =	vld [tilespmem:s29+$0xD4A0];
	v7 =	vadd.f32 v7, v14  }
0x1b0: {  	v14 =	vld [tilespmem:s30+$0xD3A0];
	v5 =	vadd.f32 v5, v13;
	[tilespmem:s31+$0x15690] =	vst v6  }
0x1b1: {  	v6 =	vadd.f32 v8, v11;
	[tilespmem:s26+$0x15590] =	vst v7;
	v7 =	vld [tilespmem:s1+$0x20];
	(v2sf) =	vpush v0, $0xD  }
0x1b2: {  	[tilespmem:s29+$0x15490] =	vst v5;
	v5 =	vld [tilespmem:s7+$0x20];
	(v2sf) =	vpush v1, $0x9  }
0x1b3: {  	[tilespmem:s30+$0x15390] =	vst v6;
	v6 =	vld [tilespmem:s8+$0x20];
	(v2sf) =	vpush v2, $0x5  }
0x1b4: {  	v8 =	vld [tilespmem:s9+$0x20];
	(v2sf) =	vpush v4, $0x1  }
0x1b5: {  	v11 =	vld [tilespmem:s31+$0xD6B0]  }
0x1b6: {  	v13 =	vld [tilespmem:s26+$0xD5B0];
	v7 =	vadd.f32 v7, v9  }
0x1b7: {  	v9 =	vld [tilespmem:s29+$0xD4B0];
	v5 =	vadd.f32 v5, v12  }
0x1b8: {  	v12 =	vld [tilespmem:s30+$0xD3B0];
	v6 =	vadd.f32 v6, v10;
	[tilespmem:s31+$0x156A0] =	vst v7  }
0x1b9: {  	v7 =	vadd.f32 v8, v14;
	[tilespmem:s26+$0x155A0] =	vst v5;
	v5 =	vld [tilespmem:s1+$0x30]  }
0x1ba: {  	[tilespmem:s29+$0x154A0] =	vst v6;
	v6 =	vld [tilespmem:s7+$0x30]  }
0x1bb: {  	[tilespmem:s30+$0x153A0] =	vst v7;
	v7 =	vld [tilespmem:s8+$0x30]  }
0x1bc: {  	v8 =	vld [tilespmem:s9+$0x30]  }
0x1bd: {  	v10 =	vld [tilespmem:s31+$0xD6C0]  }
0x1be: {  	v14 =	vld [tilespmem:s26+$0xD5C0];
	v5 =	vadd.f32 v5, v11  }
0x1bf: {  	v11 =	vld [tilespmem:s29+$0xD4C0];
	v6 =	vadd.f32 v6, v13  }
0x1c0: {  	v13 =	vld [tilespmem:s30+$0xD3C0];
	v7 =	vadd.f32 v7, v9;
	[tilespmem:s31+$0x156B0] =	vst v5;
	s1 =	spop (v2sf)  }
0x1c1: {  	v5 =	vadd.f32 v8, v12;
	[tilespmem:s26+$0x155B0] =	vst v6;
	s7 =	spop (v2sf);
	v6 =	vld [tilespmem:s1+$0x0]  }
0x1c2: {  	[tilespmem:s29+$0x154B0] =	vst v7;
	s8 =	spop (v2sf);
	v7 =	vld [tilespmem:s7+$0x0]  }
0x1c3: {  	[tilespmem:s30+$0x153B0] =	vst v5;
	s9 =	spop (v2sf);
	v5 =	vld [tilespmem:s8+$0x0]  }
0x1c4: {  	v8 =	vld [tilespmem:s9+$0x0]  }
0x1c5: {  	v9 =	vld [tilespmem:s31+$0xD6D0]  }
0x1c6: {  	v12 =	vld [tilespmem:s26+$0xD5D0];
	v6 =	vadd.f32 v6, v10  }
0x1c7: {  	v10 =	vld [tilespmem:s29+$0xD4D0];
	v7 =	vadd.f32 v7, v14  }
0x1c8: {  	v14 =	vld [tilespmem:s30+$0xD3D0];
	v5 =	vadd.f32 v5, v11;
	[tilespmem:s31+$0x156C0] =	vst v6  }
0x1c9: {  	v6 =	vadd.f32 v8, v13;
	[tilespmem:s26+$0x155C0] =	vst v7;
	v7 =	vld [tilespmem:s1+$0x10]  }
0x1ca: {  	[tilespmem:s29+$0x154C0] =	vst v5;
	v5 =	vld [tilespmem:s7+$0x10]  }
0x1cb: {  	[tilespmem:s30+$0x153C0] =	vst v6;
	v6 =	vld [tilespmem:s8+$0x10]  }
0x1cc: {  	v8 =	vld [tilespmem:s9+$0x10]  }
0x1cd: {  	v11 =	vld [tilespmem:s31+$0xD6E0]  }
0x1ce: {  	v13 =	vld [tilespmem:s26+$0xD5E0];
	v7 =	vadd.f32 v7, v9  }
0x1cf: {  	v9 =	vld [tilespmem:s29+$0xD4E0];
	v5 =	vadd.f32 v5, v12  }
0x1d0: {  	v12 =	vld [tilespmem:s30+$0xD3E0];
	v6 =	vadd.f32 v6, v10;
	[tilespmem:s31+$0x156D0] =	vst v7  }
0x1d1: {  	v7 =	vadd.f32 v8, v14;
	[tilespmem:s26+$0x155D0] =	vst v5;
	v5 =	vld [tilespmem:s1+$0x20];
	(v2sf) =	vpush v0, $0xE  }
0x1d2: {  	[tilespmem:s29+$0x154D0] =	vst v6;
	v6 =	vld [tilespmem:s7+$0x20];
	(v2sf) =	vpush v1, $0xA  }
0x1d3: {  	[tilespmem:s30+$0x153D0] =	vst v7;
	v7 =	vld [tilespmem:s8+$0x20];
	(v2sf) =	vpush v2, $0x6  }
0x1d4: {  	v8 =	vld [tilespmem:s9+$0x20];
	(v2sf) =	vpush v4, $0x2  }
0x1d5: {  	v10 =	vld [tilespmem:s31+$0xD6F0]  }
0x1d6: {  	v14 =	vld [tilespmem:s26+$0xD5F0];
	v5 =	vadd.f32 v5, v11  }
0x1d7: {  	v11 =	vld [tilespmem:s29+$0xD4F0];
	v6 =	vadd.f32 v6, v13  }
0x1d8: {  	v13 =	vld [tilespmem:s30+$0xD3F0];
	v7 =	vadd.f32 v7, v9;
	[tilespmem:s31+$0x156E0] =	vst v5  }
0x1d9: {  	v5 =	vadd.f32 v8, v12;
	[tilespmem:s26+$0x155E0] =	vst v6;
	v6 =	vld [tilespmem:s1+$0x30]  }
0x1da: {  	[tilespmem:s29+$0x154E0] =	vst v7;
	v7 =	vld [tilespmem:s7+$0x30]  }
0x1db: {  	[tilespmem:s30+$0x153E0] =	vst v5;
	v5 =	vld [tilespmem:s8+$0x30]  }
0x1dc: {  	v8 =	vld [tilespmem:s9+$0x30]  }
0x1dd: {  	v9 =	vld [tilespmem:s31+$0xD700]  }
0x1de: {  	v12 =	vld [tilespmem:s26+$0xD600];
	v6 =	vadd.f32 v6, v10  }
0x1df: {  	v10 =	vld [tilespmem:s29+$0xD500];
	v7 =	vadd.f32 v7, v14  }
0x1e0: {  	v14 =	vld [tilespmem:s30+$0xD400];
	v5 =	vadd.f32 v5, v11;
	[tilespmem:s31+$0x156F0] =	vst v6;
	s1 =	spop (v2sf)  }
0x1e1: {  	v6 =	vadd.f32 v8, v13;
	[tilespmem:s26+$0x155F0] =	vst v7;
	s7 =	spop (v2sf);
	v7 =	vld [tilespmem:s1+$0x0]  }
0x1e2: {  	[tilespmem:s29+$0x154F0] =	vst v5;
	s8 =	spop (v2sf);
	v5 =	vld [tilespmem:s7+$0x0]  }
0x1e3: {  	[tilespmem:s30+$0x153F0] =	vst v6;
	s9 =	spop (v2sf);
	v6 =	vld [tilespmem:s8+$0x0]  }
0x1e4: {  	v8 =	vld [tilespmem:s9+$0x0]  }
0x1e5: {  	v11 =	vld [tilespmem:s31+$0xD710]  }
0x1e6: {  	v13 =	vld [tilespmem:s26+$0xD610];
	v7 =	vadd.f32 v7, v9  }
0x1e7: {  	v9 =	vld [tilespmem:s29+$0xD510];
	v5 =	vadd.f32 v5, v12  }
0x1e8: {  	v12 =	vld [tilespmem:s30+$0xD410];
	v6 =	vadd.f32 v6, v10;
	[tilespmem:s31+$0x15700] =	vst v7  }
0x1e9: {  	v7 =	vadd.f32 v8, v14;
	[tilespmem:s26+$0x15600] =	vst v5;
	v5 =	vld [tilespmem:s1+$0x10]  }
0x1ea: {  	[tilespmem:s29+$0x15500] =	vst v6;
	v6 =	vld [tilespmem:s7+$0x10]  }
0x1eb: {  	[tilespmem:s30+$0x15400] =	vst v7;
	v7 =	vld [tilespmem:s8+$0x10]  }
0x1ec: {  	v8 =	vld [tilespmem:s9+$0x10]  }
0x1ed: {  	v10 =	vld [tilespmem:s31+$0xD720]  }
0x1ee: {  	v14 =	vld [tilespmem:s26+$0xD620];
	v5 =	vadd.f32 v5, v11  }
0x1ef: {  	v11 =	vld [tilespmem:s29+$0xD520];
	v6 =	vadd.f32 v6, v13  }
0x1f0: {  	v13 =	vld [tilespmem:s30+$0xD420];
	v7 =	vadd.f32 v7, v9;
	[tilespmem:s31+$0x15710] =	vst v5  }
0x1f1: {  	v5 =	vadd.f32 v8, v12;
	[tilespmem:s26+$0x15610] =	vst v6;
	v6 =	vld [tilespmem:s1+$0x20];
	(v2sf) =	vpush v0, $0xF;
	v0 =	vmovc v1;
	v1 =	vmovc v2;
	v2 =	vmov v4  }
0x1f2: {  	[tilespmem:s29+$0x15510] =	vst v7;
	v4 =	vld [tilespmem:s7+$0x20];
	(v2sf) =	vpush v0, $0xB  }
0x1f3: {  	[tilespmem:s30+$0x15410] =	vst v5;
	v5 =	vld [tilespmem:s8+$0x20];
	(v2sf) =	vpush v1, $0x7  }
0x1f4: {  	v7 =	vld [tilespmem:s9+$0x20];
	(v2sf) =	vpush v2, $0x3  }
0x1f5: {  	v8 =	vld [tilespmem:s31+$0xD730]  }
0x1f6: {  	v9 =	vld [tilespmem:s26+$0xD630];
	v6 =	vadd.f32 v6, v10  }
0x1f7: {  	v10 =	vld [tilespmem:s29+$0xD530];
	v4 =	vadd.f32 v4, v14  }
0x1f8: {  	v12 =	vld [tilespmem:s30+$0xD430];
	v5 =	vadd.f32 v5, v11;
	[tilespmem:s31+$0x15720] =	vst v6  }
0x1f9: {  	v6 =	vadd.f32 v7, v13;
	[tilespmem:s26+$0x15620] =	vst v4;
	v4 =	vld [tilespmem:s1+$0x30]  }
0x1fa: {  	[tilespmem:s29+$0x15520] =	vst v5;
	v5 =	vld [tilespmem:s7+$0x30]  }
0x1fb: {  	[tilespmem:s30+$0x15420] =	vst v6;
	v6 =	vld [tilespmem:s8+$0x30]  }
0x1fc: {  	v7 =	vld [tilespmem:s9+$0x30]  }
0x1fd: {  	v11 =	vld [tilespmem:s31+$0xD740]  }
0x1fe: {  	v13 =	vld [tilespmem:s26+$0xD640];
	v4 =	vadd.f32 v4, v8  }
0x1ff: {  	v8 =	vld [tilespmem:s29+$0xD540];
	v5 =	vadd.f32 v5, v9  }
0x200: {  	v9 =	vld [tilespmem:s30+$0xD440];
	v6 =	vadd.f32 v6, v10;
	[tilespmem:s31+$0x15730] =	vst v4;
	s1 =	spop (v2sf)  }
0x201: {  	v4 =	vadd.f32 v7, v12;
	[tilespmem:s26+$0x15630] =	vst v5;
	s7 =	spop (v2sf);
	v5 =	vld [tilespmem:s1+$0x0]  }
0x202: {  	[tilespmem:s29+$0x15530] =	vst v6;
	s8 =	spop (v2sf);
	v7 =	vld [tilespmem:s7+$0x0]  }
0x203: {  	[tilespmem:s30+$0x15430] =	vst v4;
	s9 =	spop (v2sf);
	v10 =	vld [tilespmem:s8+$0x0]  }
0x204: {  	v12 =	vld [tilespmem:s9+$0x0]  }
0x205: {  	v14 =	vld [tilespmem:s31+$0xD750]  }
0x206: {  	v4 =	vld [tilespmem:s26+$0xD650];
	v5 =	vadd.f32 v5, v11  }
0x207: {  	v6 =	vld [tilespmem:s29+$0xD550];
	v11 =	vadd.f32 v7, v13  }
0x208: {  	v7 =	vld [tilespmem:s30+$0xD450];
	v8 =	vadd.f32 v10, v8;
	[tilespmem:s31+$0x15740] =	vst v5  }
0x209: {  	v5 =	vadd.f32 v12, v9;
	[tilespmem:s26+$0x15640] =	vst v11;
	v12 =	vld [tilespmem:s1+$0x10]  }
.Ltmp2:
0x20a: {  	[tilespmem:s29+$0x15540] =	vst v8;
	v10 =	vld [tilespmem:s7+$0x10];
	(pc) =	sbr.rel @p1 .LBB2_3-.Ltmp2, $4  }
0x20b: {  	[tilespmem:s30+$0x15440] =	vst v5;
	v11 =	vld [tilespmem:s8+$0x10]  }
0x20c: {  	v9 =	vld [tilespmem:s9+$0x10]  }
0x20d: {  	s2 =	sadd.s32 $0x10, s2;
	v5 =	vld [tilespmem:s26+$0xD660]  }
0x20e: {  	s4 =	sadd.s32 $0x1000, s4;
	v8 =	vld [tilespmem:s2+$0x0];
	v12 =	vadd.f32 v12, v14  }
0x20f: {  	v13 =	vld [tilespmem:s29+$0xD560];
	v4 =	vadd.f32 v10, v4  }
0x210: {  	v48 =	vld [tilespmem:s30+$0xD460]  }
0x211: {  	v54 =	vld [tilespmem:s31+$0xD770];
	[tilespmem:s26+$0x15650] =	vst v4  }
0x212: {  	(v2sf) =	vpush v0, $0xC;
	v50 =	vld [tilespmem:s7+$0x20]  }
0x213: {  	v55 =	vld [tilespmem:s26+$0xD670]  }
0x214: {  	v56 =	vld [tilespmem:s29+$0xD570];
	(v2sf) =	vpush v1, $0x8;
	v51 =	vshll.u32 v8, $0x8  }
0x215: {  	v57 =	vld [tilespmem:s30+$0xD470];
	v6 =	vadd.f32 v11, v6;
	(v2sf) =	vpush v2, $0x4;
	v4 =	vshra.s32 v51, $0x2  }
0x216: {  	v61 =	vld [tilespmem:s26+$0xD680];
	v7 =	vadd.f32 v9, v7;
	(v2sf) =	vpush v4, $0x0  }
0x217: {  	v14 =	vld [tilespmem:s29+$0xD580];
	[tilespmem:s29+$0x15550] =	vst v6;
	v5 =	vadd.f32 v50, v5  }
0x218: {  	[tilespmem:s30+$0x15450] =	vst v7;
	v52 =	vld [tilespmem:s8+$0x20]  }
0x219: {  	v53 =	vld [tilespmem:s9+$0x20];
	[tilespmem:s26+$0x15660] =	vst v5  }
0x21a: {  	v5 =	vld [tilespmem:s7+$0x30]  }
0x21b: {  	v62 =	vld [tilespmem:s30+$0xD480]  }
0x21c: {  	v15 =	vld [tilespmem:s26+$0xD690]  }
0x21d: {  	v21 =	vld [tilespmem:s29+$0xD590];
	v7 =	vadd.f32 v52, v13  }
0x21e: {  	v22 =	vld [tilespmem:s30+$0xD490];
	v58 =	vadd.f32 v53, v48  }
0x21f: {  	v29 =	vld [tilespmem:s26+$0xD6A0];
	[tilespmem:s29+$0x15560] =	vst v7;
	v5 =	vadd.f32 v5, v55  }
0x220: {  	[tilespmem:s30+$0x15460] =	vst v58;
	v7 =	vld [tilespmem:s8+$0x30]  }
0x221: {  	v60 =	vld [tilespmem:s9+$0x30];
	s14 =	spop (v2sf);
	[tilespmem:s26+$0x15670] =	vst v5  }
0x222: {  	v5 =	vld [tilespmem:s14+$0x0]  }
0x223: {  	v30 =	vld [tilespmem:s29+$0xD5A0];
	s15 =	spop (v2sf)  }
0x224: {  	s2 =	sshra.s32 s0, $0x2;
	v31 =	vld [tilespmem:s30+$0xD4A0];
	s4 =	spop (v2sf)  }
0x225: {  	v63 =	vld [tilespmem:s2+$0xD380];
	v7 =	vadd.f32 v7, v56;
	s17 =	spop (v2sf)  }
0x226: {  	v6 =	vadd.f32 v60, v57;
	v20 =	vld [tilespmem:s17+$0x0]  }
0x227: {  	v16 =	vld [tilespmem:s26+$0xD6B0];
	[tilespmem:s29+$0x15570] =	vst v7;
	v5 =	vadd.f32 v5, v61  }
0x228: {  	[tilespmem:s30+$0x15470] =	vst v6;
	v18 =	vld [tilespmem:s15+$0x0]  }
0x229: {  	v19 =	vld [tilespmem:s4+$0x0];
	[tilespmem:s26+$0x15680] =	vst v5  }
0x22a: {  	v25 =	vld [tilespmem:s14+$0x10]  }
0x22b: {  	v38 =	vld [tilespmem:s30+$0xD4B0];
	v24 =	vadd.f32 v20, v63  }
0x22c: {  	v45 =	vld [tilespmem:s30+$0xD4C0]  }
0x22d: {  	v23 =	vld [tilespmem:s2+$0xD390];
	v6 =	vadd.f32 v18, v14;
	[tilespmem:s2+$0x15380] =	vst v24  }
0x22e: {  	[tilespmem:s31+$0x15750] =	vst v12;
	v7 =	vadd.f32 v19, v62;
	v28 =	vld [tilespmem:s17+$0x10]  }
0x22f: {  	v49 =	vld [tilespmem:s1+$0x20];
	[tilespmem:s29+$0x15580] =	vst v6;
	v6 =	vadd.f32 v25, v15  }
0x230: {  	[tilespmem:s30+$0x15480] =	vst v7;
	v26 =	vld [tilespmem:s15+$0x10]  }
0x231: {  	v27 =	vld [tilespmem:s4+$0x10];
	[tilespmem:s26+$0x15690] =	vst v6  }
0x232: {  	v34 =	vld [tilespmem:s14+$0x20]  }
0x233: {  	v32 =	vld [tilespmem:s2+$0xD3A0];
	(v2sf) =	vpush v0, $0xD;
	v33 =	vadd.f32 v28, v23  }
0x234: {  	v39 =	vld [tilespmem:s2+$0xD3B0];
	v3 =	vadd.f32 v49, v3;
	(v2sf) =	vpush v1, $0x9  }
0x235: {  	v46 =	vld [tilespmem:s2+$0xD3C0];
	(v2sf) =	vpush v2, $0x5;
	v7 =	vadd.f32 v26, v21;
	[tilespmem:s2+$0x15390] =	vst v33  }
0x236: {  	[tilespmem:s31+$0x15760] =	vst v3;
	(v2sf) =	vpush v4, $0x1;
	v5 =	vadd.f32 v27, v22;
	v37 =	vld [tilespmem:s17+$0x20]  }
0x237: {  	v59 =	vld [tilespmem:s1+$0x30];
	[tilespmem:s29+$0x15590] =	vst v7;
	v7 =	vadd.f32 v34, v29  }
0x238: {  	[tilespmem:s30+$0x15490] =	vst v5;
	v35 =	vld [tilespmem:s15+$0x20]  }
0x239: {  	v36 =	vld [tilespmem:s4+$0x20];
	[tilespmem:s26+$0x156A0] =	vst v7  }
0x23a: {  	v41 =	vld [tilespmem:s14+$0x30]  }
0x23b: {  	v3 =	vld [tilespmem:s26+$0xD760];
	v40 =	vadd.f32 v37, v32  }
0x23c: {  	v10 =	vadd.f32 v59, v54;
	v6 =	vld [tilespmem:s29+$0xD5B0]  }
0x23d: {  	v5 =	vadd.f32 v35, v30;
	v7 =	vld [tilespmem:s29+$0xD5C0];
	[tilespmem:s2+$0x153A0] =	vst v40  }
0x23e: {  	[tilespmem:s31+$0x15770] =	vst v10;
	v8 =	vadd.f32 v36, v31;
	v43 =	vld [tilespmem:s17+$0x30]  }
0x23f: {  	[tilespmem:s29+$0x155A0] =	vst v5;
	v5 =	vld [tilespmem:s26+$0xD6C0];
	v44 =	vadd.f32 v41, v16  }
0x240: {  	[tilespmem:s30+$0x154A0] =	vst v8;
	v8 =	vld [tilespmem:s15+$0x30]  }
0x241: {  	v42 =	vld [tilespmem:s4+$0x30];
	[tilespmem:s26+$0x156B0] =	vst v44  }
0x242: {  	s4 =	spop (v2sf)  }
0x243: {  	v47 =	vadd.f32 v43, v39;
	s22 =	spop (v2sf)  }
0x244: {  	s20 =	spop (v2sf)  }
0x245: {  	[tilespmem:s2+$0x153B0] =	vst v47;
	s10 =	spop (v2sf)  }
0x246: {  	v11 =	vld [tilespmem:s10+$0x0];
	_ =	sdelay $0x4  }
0x247: {  	v10 =	vadd.f32 v11, v46;
	_ =	sdelay $0x1  }
0x248: {  	v48 =	vld [tilespmem:s2+$0xD3D0];
	[tilespmem:s2+$0x153C0] =	vst v10  }
0x249: {  	v10 =	vld [tilespmem:s10+$0x10];
	_ =	sdelay $0x4  }
0x24a: {  	(v2sf) =	vpush v0, $0xE;
	v10 =	vadd.f32 v10, v48  }
0x24b: {  	(v2sf) =	vpush v1, $0xA  }
0x24c: {  	v49 =	vld [tilespmem:s2+$0xD3E0];
	(v2sf) =	vpush v2, $0x6;
	[tilespmem:s2+$0x153D0] =	vst v10  }
0x24d: {  	(v2sf) =	vpush v4, $0x2;
	v10 =	vld [tilespmem:s10+$0x20];
	_ =	sdelay $0x4  }
0x24e: {  	v10 =	vadd.f32 v10, v49;
	_ =	sdelay $0x1  }
0x24f: {  	v50 =	vld [tilespmem:s2+$0xD3F0];
	[tilespmem:s2+$0x153E0] =	vst v10  }
0x250: {  	v10 =	vld [tilespmem:s10+$0x30];
	_ =	sdelay $0x3  }
0x251: {  	s31 =	spop (v2sf)  }
0x252: {  	s13 =	spop (v2sf);
	v10 =	vadd.f32 v10, v50  }
0x253: {  	s8 =	spop (v2sf)  }
0x254: {  	v51 =	vld [tilespmem:s2+$0xD400];
	s11 =	spop (v2sf);
	[tilespmem:s2+$0x153F0] =	vst v10  }
0x255: {  	v10 =	vld [tilespmem:s11+$0x0];
	_ =	sdelay $0x4  }
0x256: {  	v10 =	vadd.f32 v10, v51;
	_ =	sdelay $0x1  }
0x257: {  	v52 =	vld [tilespmem:s2+$0xD410];
	[tilespmem:s2+$0x15400] =	vst v10  }
0x258: {  	v10 =	vld [tilespmem:s11+$0x10];
	_ =	sdelay $0x4  }
0x259: {  	(v2sf) =	vpush v0, $0xF;
	v10 =	vadd.f32 v10, v52  }
0x25a: {  	(v2sf) =	vpush v1, $0xB  }
0x25b: {  	v53 =	vld [tilespmem:s2+$0xD420];
	(v2sf) =	vpush v2, $0x7;
	[tilespmem:s2+$0x15410] =	vst v10  }
0x25c: {  	(v2sf) =	vpush v4, $0x3;
	v10 =	vld [tilespmem:s11+$0x20];
	_ =	sdelay $0x4  }
0x25d: {  	v0 =	vadd.f32 v10, v53;
	_ =	sdelay $0x1  }
0x25e: {  	v54 =	vld [tilespmem:s2+$0xD430];
	[tilespmem:s2+$0x15420] =	vst v0  }
0x25f: {  	v0 =	vld [tilespmem:s11+$0x30];
	_ =	sdelay $0x3  }
0x260: {  	s0 =	spop (v2sf)  }
0x261: {  	s21 =	spop (v2sf);
	v0 =	vadd.f32 v0, v54  }
0x262: {  	s14 =	spop (v2sf)  }
0x263: {  	v55 =	vld [tilespmem:s2+$0xD440];
	s12 =	spop (v2sf);
	[tilespmem:s2+$0x15430] =	vst v0  }
0x264: {  	v0 =	vld [tilespmem:s12+$0x0];
	_ =	sdelay $0x4  }
0x265: {  	v0 =	vadd.f32 v0, v55;
	_ =	sdelay $0x1  }
0x266: {  	v56 =	vld [tilespmem:s2+$0xD450];
	[tilespmem:s2+$0x15440] =	vst v0  }
0x267: {  	v0 =	vld [tilespmem:s12+$0x10];
	_ =	sdelay $0x4  }
0x268: {  	v0 =	vadd.f32 v0, v56  }
0x269: {  	(v2sf) =	vpush v1, $0xC  }
0x26a: {  	v57 =	vld [tilespmem:s2+$0xD460];
	(v2sf) =	vpush v2, $0x8;
	[tilespmem:s2+$0x15450] =	vst v0  }
0x26b: {  	(v2sf) =	vpush v4, $0x4;
	v0 =	vld [tilespmem:s12+$0x20];
	_ =	sdelay $0x4  }
0x26c: {  	v0 =	vadd.f32 v0, v57;
	_ =	sdelay $0x1  }
0x26d: {  	v58 =	vld [tilespmem:s2+$0xD470];
	[tilespmem:s2+$0x15460] =	vst v0  }
0x26e: {  	v0 =	vld [tilespmem:s12+$0x30];
	_ =	sdelay $0x4  }
0x26f: {  	s7 =	spop (v2sf);
	v0 =	vadd.f32 v0, v58  }
0x270: {  	s10 =	spop (v2sf)  }
0x271: {  	v59 =	vld [tilespmem:s2+$0xD480];
	s15 =	spop (v2sf);
	[tilespmem:s2+$0x15470] =	vst v0  }
0x272: {  	v0 =	vld [tilespmem:s15+$0x0];
	_ =	sdelay $0x4  }
0x273: {  	v0 =	vadd.f32 v0, v59;
	_ =	sdelay $0x1  }
0x274: {  	v60 =	vld [tilespmem:s2+$0xD490];
	[tilespmem:s2+$0x15480] =	vst v0  }
0x275: {  	v0 =	vld [tilespmem:s15+$0x10];
	_ =	sdelay $0x4  }
0x276: {  	v0 =	vadd.f32 v0, v60  }
0x277: {  	(v2sf) =	vpush v1, $0xD  }
0x278: {  	v61 =	vld [tilespmem:s2+$0xD4A0];
	(v2sf) =	vpush v2, $0x9;
	[tilespmem:s2+$0x15490] =	vst v0  }
0x279: {  	(v2sf) =	vpush v4, $0x5;
	v0 =	vld [tilespmem:s15+$0x20];
	_ =	sdelay $0x4  }
0x27a: {  	v0 =	vadd.f32 v0, v61;
	_ =	sdelay $0x1  }
0x27b: {  	v62 =	vld [tilespmem:s2+$0xD4B0];
	[tilespmem:s2+$0x154A0] =	vst v0  }
0x27c: {  	v0 =	vld [tilespmem:s15+$0x30];
	_ =	sdelay $0x3  }
0x27d: {  	v9 =	vadd.f32 v42, v38  }
0x27e: {  	s12 =	spop (v2sf);
	v0 =	vadd.f32 v0, v62  }
0x27f: {  	v63 =	vld [tilespmem:s2+$0xD4C0];
	[tilespmem:s30+$0x154B0] =	vst v9;
	s1 =	spop (v2sf)  }
0x280: {  	v9 =	vld [tilespmem:s20+$0x0];
	s15 =	spop (v2sf);
	[tilespmem:s2+$0x154B0] =	vst v0  }
0x281: {  	v0 =	vld [tilespmem:s15+$0x0];
	_ =	sdelay $0x3  }
0x282: {  	v9 =	vadd.f32 v9, v45  }
0x283: {  	v13 =	vld [tilespmem:s30+$0xD4D0];
	v0 =	vadd.f32 v0, v63  }
0x284: {  	v14 =	vld [tilespmem:s2+$0xD4D0];
	[tilespmem:s30+$0x154C0] =	vst v9  }
0x285: {  	v9 =	vld [tilespmem:s20+$0x10];
	[tilespmem:s2+$0x154C0] =	vst v0  }
0x286: {  	v0 =	vld [tilespmem:s15+$0x10];
	_ =	sdelay $0x3  }
0x287: {  	v9 =	vadd.f32 v9, v13  }
0x288: {  	v15 =	vld [tilespmem:s30+$0xD4E0];
	v0 =	vadd.f32 v0, v14  }
0x289: {  	v16 =	vld [tilespmem:s2+$0xD4E0];
	[tilespmem:s30+$0x154D0] =	vst v9;
	(v2sf) =	vpush v1, $0xE  }
0x28a: {  	v9 =	vld [tilespmem:s20+$0x20];
	(v2sf) =	vpush v2, $0xA;
	[tilespmem:s2+$0x154D0] =	vst v0  }
0x28b: {  	(v2sf) =	vpush v4, $0x6;
	v0 =	vld [tilespmem:s15+$0x20];
	_ =	sdelay $0x3  }
0x28c: {  	v9 =	vadd.f32 v9, v15  }
0x28d: {  	v17 =	vld [tilespmem:s30+$0xD4F0];
	v0 =	vadd.f32 v0, v16  }
0x28e: {  	v18 =	vld [tilespmem:s2+$0xD4F0];
	[tilespmem:s30+$0x154E0] =	vst v9  }
0x28f: {  	v9 =	vld [tilespmem:s20+$0x30];
	[tilespmem:s2+$0x154E0] =	vst v0  }
0x290: {  	v0 =	vld [tilespmem:s15+$0x30];
	_ =	sdelay $0x3  }
0x291: {  	v9 =	vadd.f32 v9, v17  }
0x292: {  	v19 =	vld [tilespmem:s30+$0xD500];
	s9 =	spop (v2sf);
	v0 =	vadd.f32 v0, v18  }
0x293: {  	v20 =	vld [tilespmem:s2+$0xD500];
	[tilespmem:s30+$0x154F0] =	vst v9;
	s20 =	spop (v2sf)  }
0x294: {  	v9 =	vld [tilespmem:s8+$0x0];
	s17 =	spop (v2sf);
	[tilespmem:s2+$0x154F0] =	vst v0  }
0x295: {  	v0 =	vld [tilespmem:s17+$0x0];
	_ =	sdelay $0x3  }
0x296: {  	v9 =	vadd.f32 v9, v19  }
0x297: {  	v21 =	vld [tilespmem:s30+$0xD510];
	v0 =	vadd.f32 v0, v20  }
0x298: {  	v22 =	vld [tilespmem:s2+$0xD510];
	[tilespmem:s30+$0x15500] =	vst v9  }
0x299: {  	v9 =	vld [tilespmem:s8+$0x10];
	[tilespmem:s2+$0x15500] =	vst v0  }
0x29a: {  	v0 =	vld [tilespmem:s17+$0x10];
	_ =	sdelay $0x3  }
0x29b: {  	v9 =	vadd.f32 v9, v21  }
0x29c: {  	v23 =	vld [tilespmem:s30+$0xD520];
	v0 =	vadd.f32 v0, v22  }
0x29d: {  	v24 =	vld [tilespmem:s2+$0xD520];
	[tilespmem:s30+$0x15510] =	vst v9;
	(v2sf) =	vpush v1, $0xF  }
0x29e: {  	v9 =	vld [tilespmem:s8+$0x20];
	(v2sf) =	vpush v2, $0xB;
	[tilespmem:s2+$0x15510] =	vst v0  }
0x29f: {  	(v2sf) =	vpush v4, $0x7;
	v0 =	vld [tilespmem:s17+$0x20];
	_ =	sdelay $0x3  }
0x2a0: {  	v9 =	vadd.f32 v9, v23  }
0x2a1: {  	v25 =	vld [tilespmem:s30+$0xD530];
	v0 =	vadd.f32 v0, v24  }
0x2a2: {  	v26 =	vld [tilespmem:s2+$0xD530];
	[tilespmem:s30+$0x15520] =	vst v9  }
0x2a3: {  	v9 =	vld [tilespmem:s8+$0x30];
	[tilespmem:s2+$0x15520] =	vst v0  }
0x2a4: {  	v0 =	vld [tilespmem:s17+$0x30];
	_ =	sdelay $0x3  }
0x2a5: {  	v9 =	vadd.f32 v9, v25  }
0x2a6: {  	v27 =	vld [tilespmem:s30+$0xD540];
	s8 =	spop (v2sf);
	v0 =	vadd.f32 v0, v26  }
0x2a7: {  	v28 =	vld [tilespmem:s2+$0xD540];
	[tilespmem:s30+$0x15530] =	vst v9;
	s17 =	spop (v2sf)  }
0x2a8: {  	v9 =	vld [tilespmem:s14+$0x0];
	s11 =	spop (v2sf);
	[tilespmem:s2+$0x15530] =	vst v0  }
0x2a9: {  	v0 =	vld [tilespmem:s11+$0x0];
	_ =	sdelay $0x3  }
0x2aa: {  	v9 =	vadd.f32 v9, v27  }
0x2ab: {  	v29 =	vld [tilespmem:s30+$0xD550];
	v0 =	vadd.f32 v0, v28  }
0x2ac: {  	v30 =	vld [tilespmem:s2+$0xD550];
	[tilespmem:s30+$0x15540] =	vst v9  }
0x2ad: {  	v9 =	vld [tilespmem:s14+$0x10];
	[tilespmem:s2+$0x15540] =	vst v0  }
0x2ae: {  	v0 =	vld [tilespmem:s11+$0x10];
	_ =	sdelay $0x3  }
0x2af: {  	v9 =	vadd.f32 v9, v29  }
0x2b0: {  	v31 =	vld [tilespmem:s30+$0xD560];
	v0 =	vadd.f32 v0, v30  }
0x2b1: {  	v32 =	vld [tilespmem:s2+$0xD560];
	[tilespmem:s30+$0x15550] =	vst v9  }
0x2b2: {  	v9 =	vld [tilespmem:s14+$0x20];
	(v2sf) =	vpush v2, $0xC;
	[tilespmem:s2+$0x15550] =	vst v0  }
0x2b3: {  	(v2sf) =	vpush v4, $0x8;
	v0 =	vld [tilespmem:s11+$0x20];
	_ =	sdelay $0x3  }
0x2b4: {  	v9 =	vadd.f32 v9, v31  }
0x2b5: {  	v33 =	vld [tilespmem:s30+$0xD570];
	v0 =	vadd.f32 v0, v32  }
0x2b6: {  	v34 =	vld [tilespmem:s2+$0xD570];
	[tilespmem:s30+$0x15560] =	vst v9  }
0x2b7: {  	v9 =	vld [tilespmem:s14+$0x30];
	[tilespmem:s2+$0x15560] =	vst v0  }
0x2b8: {  	v0 =	vld [tilespmem:s11+$0x30];
	_ =	sdelay $0x3  }
0x2b9: {  	v9 =	vadd.f32 v9, v33  }
0x2ba: {  	v35 =	vld [tilespmem:s30+$0xD580];
	v0 =	vadd.f32 v0, v34  }
0x2bb: {  	v36 =	vld [tilespmem:s2+$0xD580];
	[tilespmem:s30+$0x15570] =	vst v9;
	s15 =	spop (v2sf)  }
0x2bc: {  	v9 =	vld [tilespmem:s10+$0x0];
	s11 =	spop (v2sf);
	[tilespmem:s2+$0x15570] =	vst v0  }
0x2bd: {  	v0 =	vld [tilespmem:s11+$0x0];
	_ =	sdelay $0x3  }
0x2be: {  	v9 =	vadd.f32 v9, v35  }
0x2bf: {  	v37 =	vld [tilespmem:s30+$0xD590];
	v0 =	vadd.f32 v0, v36  }
0x2c0: {  	v38 =	vld [tilespmem:s2+$0xD590];
	[tilespmem:s30+$0x15580] =	vst v9  }
0x2c1: {  	v9 =	vld [tilespmem:s10+$0x10];
	[tilespmem:s2+$0x15580] =	vst v0  }
0x2c2: {  	v0 =	vld [tilespmem:s11+$0x10];
	_ =	sdelay $0x3  }
0x2c3: {  	v9 =	vadd.f32 v9, v37  }
0x2c4: {  	v39 =	vld [tilespmem:s30+$0xD5A0];
	v0 =	vadd.f32 v0, v38  }
0x2c5: {  	v40 =	vld [tilespmem:s2+$0xD5A0];
	[tilespmem:s30+$0x15590] =	vst v9  }
0x2c6: {  	v9 =	vld [tilespmem:s10+$0x20];
	(v2sf) =	vpush v2, $0xD;
	[tilespmem:s2+$0x15590] =	vst v0  }
0x2c7: {  	(v2sf) =	vpush v4, $0x9;
	v0 =	vld [tilespmem:s11+$0x20];
	_ =	sdelay $0x3  }
0x2c8: {  	v9 =	vadd.f32 v9, v39  }
0x2c9: {  	v41 =	vld [tilespmem:s30+$0xD5B0];
	v0 =	vadd.f32 v0, v40  }
0x2ca: {  	v43 =	vld [tilespmem:s2+$0xD5B0];
	[tilespmem:s30+$0x155A0] =	vst v9  }
0x2cb: {  	v9 =	vld [tilespmem:s10+$0x30];
	[tilespmem:s2+$0x155A0] =	vst v0  }
0x2cc: {  	v42 =	vadd.f32 v8, v6;
	v0 =	vld [tilespmem:s11+$0x30];
	_ =	sdelay $0x1  }
0x2cd: {  	[tilespmem:s29+$0x155B0] =	vst v42  }
0x2ce: {  	v1 =	vld [tilespmem:s22+$0x0]  }
0x2cf: {  	v44 =	vadd.f32 v9, v41  }
0x2d0: {  	v47 =	vld [tilespmem:s2+$0xD5C0];
	v0 =	vadd.f32 v0, v43  }
0x2d1: {  	v45 =	vld [tilespmem:s30+$0xD5C0];
	[tilespmem:s30+$0x155B0] =	vst v44;
	s10 =	spop (v2sf)  }
0x2d2: {  	v8 =	vld [tilespmem:s1+$0x0];
	s11 =	spop (v2sf);
	[tilespmem:s2+$0x155B0] =	vst v0  }
0x2d3: {  	v1 =	vadd.f32 v1, v7;
	v0 =	vld [tilespmem:s11+$0x0];
	_ =	sdelay $0x1  }
0x2d4: {  	v46 =	vld [tilespmem:s29+$0xD5D0];
	[tilespmem:s29+$0x155C0] =	vst v1  }
0x2d5: {  	v1 =	vld [tilespmem:s22+$0x10]  }
0x2d6: {  	v8 =	vadd.f32 v8, v45  }
0x2d7: {  	v48 =	vld [tilespmem:s30+$0xD5D0];
	v0 =	vadd.f32 v0, v47  }
0x2d8: {  	v50 =	vld [tilespmem:s2+$0xD5D0];
	[tilespmem:s30+$0x155C0] =	vst v8  }
0x2d9: {  	v8 =	vld [tilespmem:s1+$0x10];
	[tilespmem:s2+$0x155C0] =	vst v0  }
0x2da: {  	v1 =	vadd.f32 v1, v46;
	v0 =	vld [tilespmem:s11+$0x10];
	_ =	sdelay $0x1  }
0x2db: {  	v49 =	vld [tilespmem:s29+$0xD5E0];
	[tilespmem:s29+$0x155D0] =	vst v1  }
0x2dc: {  	v1 =	vld [tilespmem:s22+$0x20]  }
0x2dd: {  	v8 =	vadd.f32 v8, v48  }
0x2de: {  	v51 =	vld [tilespmem:s30+$0xD5E0];
	v0 =	vadd.f32 v0, v50  }
0x2df: {  	v53 =	vld [tilespmem:s2+$0xD5E0];
	[tilespmem:s30+$0x155D0] =	vst v8  }
0x2e0: {  	v8 =	vld [tilespmem:s1+$0x20];
	(v2sf) =	vpush v2, $0xE;
	[tilespmem:s2+$0x155D0] =	vst v0  }
0x2e1: {  	v1 =	vadd.f32 v1, v49;
	(v2sf) =	vpush v4, $0xA;
	v0 =	vld [tilespmem:s11+$0x20];
	_ =	sdelay $0x1  }
0x2e2: {  	v52 =	vld [tilespmem:s29+$0xD5F0];
	[tilespmem:s29+$0x155E0] =	vst v1  }
0x2e3: {  	v1 =	vld [tilespmem:s22+$0x30]  }
0x2e4: {  	v8 =	vadd.f32 v8, v51  }
0x2e5: {  	v54 =	vld [tilespmem:s30+$0xD5F0];
	v0 =	vadd.f32 v0, v53  }
0x2e6: {  	v56 =	vld [tilespmem:s2+$0xD5F0];
	[tilespmem:s30+$0x155E0] =	vst v8  }
0x2e7: {  	v8 =	vld [tilespmem:s1+$0x30];
	[tilespmem:s2+$0x155E0] =	vst v0  }
0x2e8: {  	v1 =	vadd.f32 v1, v52;
	v0 =	vld [tilespmem:s11+$0x30];
	_ =	sdelay $0x1  }
0x2e9: {  	v55 =	vld [tilespmem:s29+$0xD600];
	[tilespmem:s29+$0x155F0] =	vst v1  }
0x2ea: {  	v1 =	vld [tilespmem:s13+$0x0]  }
0x2eb: {  	v8 =	vadd.f32 v8, v54  }
0x2ec: {  	v57 =	vld [tilespmem:s30+$0xD600];
	v0 =	vadd.f32 v0, v56  }
0x2ed: {  	v59 =	vld [tilespmem:s2+$0xD600];
	[tilespmem:s30+$0x155F0] =	vst v8;
	s14 =	spop (v2sf)  }
0x2ee: {  	v8 =	vld [tilespmem:s20+$0x0];
	s22 =	spop (v2sf);
	[tilespmem:s2+$0x155F0] =	vst v0  }
0x2ef: {  	v1 =	vadd.f32 v1, v55;
	v0 =	vld [tilespmem:s22+$0x0];
	_ =	sdelay $0x1  }
0x2f0: {  	v58 =	vld [tilespmem:s29+$0xD610];
	[tilespmem:s29+$0x15600] =	vst v1  }
0x2f1: {  	v1 =	vld [tilespmem:s13+$0x10]  }
0x2f2: {  	v8 =	vadd.f32 v8, v57  }
0x2f3: {  	v60 =	vld [tilespmem:s30+$0xD610];
	v0 =	vadd.f32 v0, v59  }
0x2f4: {  	v62 =	vld [tilespmem:s2+$0xD610];
	[tilespmem:s30+$0x15600] =	vst v8  }
0x2f5: {  	v8 =	vld [tilespmem:s20+$0x10];
	[tilespmem:s2+$0x15600] =	vst v0  }
0x2f6: {  	v1 =	vadd.f32 v1, v58;
	v0 =	vld [tilespmem:s22+$0x10];
	_ =	sdelay $0x1  }
0x2f7: {  	v61 =	vld [tilespmem:s29+$0xD620];
	[tilespmem:s29+$0x15610] =	vst v1  }
0x2f8: {  	v1 =	vld [tilespmem:s13+$0x20]  }
0x2f9: {  	v8 =	vadd.f32 v8, v60  }
0x2fa: {  	v13 =	vld [tilespmem:s2+$0xD620];
	v0 =	vadd.f32 v0, v62  }
0x2fb: {  	v63 =	vld [tilespmem:s30+$0xD620];
	[tilespmem:s30+$0x15610] =	vst v8  }
0x2fc: {  	v8 =	vld [tilespmem:s20+$0x20];
	(v2sf) =	vpush v2, $0xF;
	[tilespmem:s2+$0x15610] =	vst v0  }
0x2fd: {  	v1 =	vadd.f32 v1, v61;
	(v2sf) =	vpush v4, $0xB;
	v0 =	vld [tilespmem:s22+$0x20];
	_ =	sdelay $0x1  }
0x2fe: {  	v12 =	vld [tilespmem:s29+$0xD630];
	[tilespmem:s29+$0x15620] =	vst v1  }
0x2ff: {  	v1 =	vld [tilespmem:s13+$0x30]  }
0x300: {  	v14 =	vadd.f32 v8, v63  }
0x301: {  	v15 =	vld [tilespmem:s30+$0xD630];
	v0 =	vadd.f32 v0, v13  }
0x302: {  	v17 =	vld [tilespmem:s2+$0xD630];
	[tilespmem:s30+$0x15620] =	vst v14  }
0x303: {  	v2 =	vld [tilespmem:s20+$0x30];
	[tilespmem:s2+$0x15620] =	vst v0  }
0x304: {  	v1 =	vadd.f32 v1, v12;
	v0 =	vld [tilespmem:s22+$0x30];
	_ =	sdelay $0x1  }
0x305: {  	v16 =	vld [tilespmem:s29+$0xD640];
	[tilespmem:s29+$0x15630] =	vst v1  }
0x306: {  	v1 =	vld [tilespmem:s21+$0x0]  }
0x307: {  	v2 =	vadd.f32 v2, v15  }
0x308: {  	v18 =	vld [tilespmem:s30+$0xD640];
	v0 =	vadd.f32 v0, v17  }
0x309: {  	v20 =	vld [tilespmem:s2+$0xD640];
	[tilespmem:s30+$0x15630] =	vst v2;
	s13 =	spop (v2sf)  }
0x30a: {  	v2 =	vld [tilespmem:s17+$0x0];
	s11 =	spop (v2sf);
	[tilespmem:s2+$0x15630] =	vst v0  }
0x30b: {  	v1 =	vadd.f32 v1, v16;
	v0 =	vld [tilespmem:s11+$0x0];
	_ =	sdelay $0x1  }
0x30c: {  	v19 =	vld [tilespmem:s29+$0xD650];
	[tilespmem:s29+$0x15640] =	vst v1  }
0x30d: {  	v1 =	vld [tilespmem:s21+$0x10]  }
0x30e: {  	v2 =	vadd.f32 v2, v18  }
0x30f: {  	v21 =	vld [tilespmem:s30+$0xD650];
	v0 =	vadd.f32 v0, v20  }
0x310: {  	v23 =	vld [tilespmem:s2+$0xD650];
	[tilespmem:s30+$0x15640] =	vst v2  }
0x311: {  	v2 =	vld [tilespmem:s17+$0x10];
	[tilespmem:s2+$0x15640] =	vst v0  }
0x312: {  	v1 =	vadd.f32 v1, v19;
	v0 =	vld [tilespmem:s11+$0x10];
	_ =	sdelay $0x1  }
0x313: {  	v22 =	vld [tilespmem:s29+$0xD660];
	[tilespmem:s29+$0x15650] =	vst v1  }
0x314: {  	v1 =	vld [tilespmem:s21+$0x20]  }
0x315: {  	v2 =	vadd.f32 v2, v21  }
0x316: {  	v24 =	vld [tilespmem:s30+$0xD660];
	v0 =	vadd.f32 v0, v23  }
0x317: {  	v26 =	vld [tilespmem:s2+$0xD660];
	[tilespmem:s30+$0x15650] =	vst v2  }
0x318: {  	v2 =	vld [tilespmem:s17+$0x20];
	[tilespmem:s2+$0x15650] =	vst v0  }
0x319: {  	v1 =	vadd.f32 v1, v22;
	(v2sf) =	vpush v4, $0xC;
	v27 =	vld [tilespmem:s11+$0x20];
	_ =	sdelay $0x1  }
0x31a: {  	v25 =	vld [tilespmem:s29+$0xD670];
	[tilespmem:s29+$0x15660] =	vst v1  }
0x31b: {  	v28 =	vld [tilespmem:s21+$0x30]  }
0x31c: {  	v29 =	vadd.f32 v2, v24  }
0x31d: {  	v33 =	vld [tilespmem:s2+$0xD670];
	v1 =	vadd.f32 v27, v26  }
0x31e: {  	v30 =	vld [tilespmem:s30+$0xD670];
	[tilespmem:s30+$0x15660] =	vst v29  }
0x31f: {  	v31 =	vld [tilespmem:s17+$0x30];
	[tilespmem:s2+$0x15660] =	vst v1  }
0x320: {  	v6 =	vadd.f32 v28, v25;
	v34 =	vld [tilespmem:s11+$0x30];
	_ =	sdelay $0x1  }
0x321: {  	v32 =	vld [tilespmem:s29+$0xD680];
	[tilespmem:s29+$0x15670] =	vst v6  }
0x322: {  	v35 =	vld [tilespmem:s7+$0x0]  }
0x323: {  	v2 =	vadd.f32 v31, v30  }
0x324: {  	v36 =	vld [tilespmem:s30+$0xD680];
	v6 =	vadd.f32 v34, v33  }
0x325: {  	v38 =	vld [tilespmem:s2+$0xD680];
	[tilespmem:s30+$0x15670] =	vst v2  }
0x326: {  	s17 =	spop (v2sf);
	v2 =	vld [tilespmem:s15+$0x0];
	[tilespmem:s2+$0x15670] =	vst v6  }
0x327: {  	v7 =	vadd.f32 v35, v32;
	v6 =	vld [tilespmem:s17+$0x0];
	_ =	sdelay $0x1  }
0x328: {  	v37 =	vld [tilespmem:s29+$0xD690];
	[tilespmem:s29+$0x15680] =	vst v7  }
0x329: {  	v7 =	vld [tilespmem:s7+$0x10]  }
0x32a: {  	v2 =	vadd.f32 v2, v36  }
0x32b: {  	v39 =	vld [tilespmem:s30+$0xD690];
	v6 =	vadd.f32 v6, v38  }
0x32c: {  	v41 =	vld [tilespmem:s2+$0xD690];
	[tilespmem:s30+$0x15680] =	vst v2  }
0x32d: {  	v2 =	vld [tilespmem:s15+$0x10];
	[tilespmem:s2+$0x15680] =	vst v6  }
0x32e: {  	v7 =	vadd.f32 v7, v37;
	v6 =	vld [tilespmem:s17+$0x10];
	_ =	sdelay $0x1  }
0x32f: {  	[tilespmem:s29+$0x15690] =	vst v7  }
0x330: {  	v7 =	vld [tilespmem:s7+$0x20]  }
0x331: {  	v40 =	vld [tilespmem:s29+$0xD6A0];
	v2 =	vadd.f32 v2, v39  }
0x332: {  	v42 =	vld [tilespmem:s30+$0xD6A0];
	v6 =	vadd.f32 v6, v41  }
0x333: {  	v44 =	vld [tilespmem:s2+$0xD6A0];
	[tilespmem:s30+$0x15690] =	vst v2  }
0x334: {  	v2 =	vld [tilespmem:s15+$0x20];
	[tilespmem:s2+$0x15690] =	vst v6  }
0x335: {  	(v2sf) =	vpush v4, $0xD;
	v6 =	vld [tilespmem:s17+$0x20]  }
0x336: {  	v7 =	vadd.f32 v7, v40;
	_ =	sdelay $0x1  }
0x337: {  	[tilespmem:s29+$0x156A0] =	vst v7;
	v43 =	vld [tilespmem:s29+$0xD6B0]  }
0x338: {  	v7 =	vld [tilespmem:s7+$0x30];
	v2 =	vadd.f32 v2, v42  }
0x339: {  	v46 =	vld [tilespmem:s30+$0xD6B0];
	v6 =	vadd.f32 v6, v44  }
0x33a: {  	v48 =	vld [tilespmem:s2+$0xD6B0];
	[tilespmem:s30+$0x156A0] =	vst v2  }
0x33b: {  	v2 =	vld [tilespmem:s15+$0x30];
	[tilespmem:s2+$0x156A0] =	vst v6  }
0x33c: {  	v6 =	vld [tilespmem:s17+$0x30]  }
0x33d: {  	v45 =	vld [tilespmem:s4+$0x0];
	v7 =	vadd.f32 v7, v43  }
0x33e: {  	v49 =	vld [tilespmem:s26+$0xD6D0]  }
0x33f: {  	[tilespmem:s29+$0x156B0] =	vst v7;
	v47 =	vld [tilespmem:s29+$0xD6C0]  }
0x340: {  	v50 =	vld [tilespmem:s12+$0x0];
	v2 =	vadd.f32 v2, v46  }
0x341: {  	v52 =	vld [tilespmem:s30+$0xD6C0];
	v54 =	vadd.f32 v6, v48  }
0x342: {  	v5 =	vadd.f32 v45, v5;
	v56 =	vld [tilespmem:s2+$0xD6C0];
	[tilespmem:s30+$0x156B0] =	vst v2  }
0x343: {  	s20 =	spop (v2sf);
	v55 =	vld [tilespmem:s10+$0x0];
	[tilespmem:s2+$0x156B0] =	vst v54  }
0x344: {  	[tilespmem:s26+$0x156C0] =	vst v5;
	v58 =	vld [tilespmem:s20+$0x0]  }
0x345: {  	v51 =	vld [tilespmem:s4+$0x10];
	v5 =	vadd.f32 v50, v47;
	_ =	sdelay $0x1  }
0x346: {  	[tilespmem:s29+$0x156C0] =	vst v5;
	v53 =	vld [tilespmem:s29+$0xD6D0]  }
0x347: {  	v60 =	vld [tilespmem:s12+$0x10];
	v6 =	vadd.f32 v55, v52  }
0x348: {  	v16 =	vld [tilespmem:s2+$0xD6D0];
	v14 =	vadd.f32 v58, v56  }
0x349: {  	v57 =	vadd.f32 v51, v49;
	v62 =	vld [tilespmem:s30+$0xD6D0];
	[tilespmem:s30+$0x156C0] =	vst v6  }
0x34a: {  	v15 =	vld [tilespmem:s10+$0x10];
	[tilespmem:s2+$0x156C0] =	vst v14  }
0x34b: {  	[tilespmem:s26+$0x156D0] =	vst v57;
	v6 =	vld [tilespmem:s20+$0x10]  }
0x34c: {  	v61 =	vld [tilespmem:s4+$0x20];
	v2 =	vadd.f32 v60, v53  }
0x34d: {  	v59 =	vld [tilespmem:s26+$0xD6E0]  }
0x34e: {  	v63 =	vld [tilespmem:s29+$0xD6E0];
	[tilespmem:s29+$0x156D0] =	vst v2  }
0x34f: {  	v2 =	vld [tilespmem:s12+$0x20];
	v7 =	vadd.f32 v15, v62  }
0x350: {  	v18 =	vld [tilespmem:s30+$0xD6E0];
	v6 =	vadd.f32 v6, v16  }
0x351: {  	v20 =	vld [tilespmem:s2+$0xD6E0];
	[tilespmem:s30+$0x156D0] =	vst v7  }
0x352: {  	v5 =	vadd.f32 v61, v59;
	v7 =	vld [tilespmem:s10+$0x20];
	[tilespmem:s2+$0x156D0] =	vst v6  }
0x353: {  	(v2sf) =	vpush v4, $0xE;
	v6 =	vld [tilespmem:s20+$0x20]  }
0x354: {  	v19 =	vld [tilespmem:s29+$0xD6F0];
	[tilespmem:s26+$0x156E0] =	vst v5;
	v2 =	vadd.f32 v2, v63  }
0x355: {  	v5 =	vld [tilespmem:s4+$0x30]  }
0x356: {  	v17 =	vld [tilespmem:s26+$0xD6F0];
	[tilespmem:s29+$0x156E0] =	vst v2  }
0x357: {  	v2 =	vld [tilespmem:s12+$0x30];
	v7 =	vadd.f32 v7, v18  }
0x358: {  	v22 =	vld [tilespmem:s30+$0xD6F0];
	v6 =	vadd.f32 v6, v20  }
0x359: {  	v24 =	vld [tilespmem:s2+$0xD6F0];
	[tilespmem:s30+$0x156E0] =	vst v7  }
0x35a: {  	v7 =	vld [tilespmem:s10+$0x30];
	[tilespmem:s2+$0x156E0] =	vst v6  }
0x35b: {  	v5 =	vadd.f32 v5, v17;
	v6 =	vld [tilespmem:s20+$0x30]  }
0x35c: {  	v25 =	vld [tilespmem:s29+$0xD700];
	v2 =	vadd.f32 v2, v19  }
0x35d: {  	v21 =	vld [tilespmem:s26+$0xD700];
	[tilespmem:s26+$0x156F0] =	vst v5  }
0x35e: {  	v23 =	vld [tilespmem:s31+$0x0];
	[tilespmem:s29+$0x156F0] =	vst v2  }
0x35f: {  	v2 =	vld [tilespmem:s9+$0x0];
	v5 =	vadd.f32 v7, v22  }
0x360: {  	v30 =	vld [tilespmem:s2+$0xD700];
	v28 =	vadd.f32 v6, v24  }
0x361: {  	v27 =	vld [tilespmem:s30+$0xD700];
	[tilespmem:s30+$0x156F0] =	vst v5  }
0x362: {  	s21 =	spop (v2sf);
	v29 =	vld [tilespmem:s14+$0x0];
	[tilespmem:s2+$0x156F0] =	vst v28  }
0x363: {  	v8 =	vadd.f32 v23, v21;
	v5 =	vld [tilespmem:s21+$0x0]  }
0x364: {  	v31 =	vld [tilespmem:s29+$0xD710];
	v2 =	vadd.f32 v2, v25  }
0x365: {  	[tilespmem:s26+$0x15700] =	vst v8;
	v26 =	vld [tilespmem:s26+$0xD710]  }
0x366: {  	v8 =	vld [tilespmem:s31+$0x10];
	[tilespmem:s29+$0x15700] =	vst v2  }
0x367: {  	v2 =	vld [tilespmem:s9+$0x10];
	v6 =	vadd.f32 v29, v27  }
0x368: {  	v33 =	vld [tilespmem:s30+$0xD710];
	v5 =	vadd.f32 v5, v30  }
0x369: {  	v34 =	vld [tilespmem:s2+$0xD710];
	[tilespmem:s30+$0x15700] =	vst v6  }
0x36a: {  	v6 =	vld [tilespmem:s14+$0x10];
	[tilespmem:s2+$0x15700] =	vst v5  }
0x36b: {  	v5 =	vld [tilespmem:s21+$0x10]  }
0x36c: {  	v32 =	vld [tilespmem:s26+$0xD720];
	v8 =	vadd.f32 v8, v26  }
0x36d: {  	v35 =	vld [tilespmem:s29+$0xD720];
	v2 =	vadd.f32 v2, v31  }
0x36e: {  	v37 =	vld [tilespmem:s30+$0xD720];
	[tilespmem:s26+$0x15710] =	vst v8  }
0x36f: {  	v8 =	vld [tilespmem:s31+$0x20];
	[tilespmem:s29+$0x15710] =	vst v2;
	v6 =	vadd.f32 v6, v33  }
0x370: {  	v2 =	vld [tilespmem:s9+$0x20];
	v5 =	vadd.f32 v5, v34  }
0x371: {  	v38 =	vld [tilespmem:s2+$0xD720];
	[tilespmem:s30+$0x15710] =	vst v6  }
0x372: {  	v6 =	vld [tilespmem:s14+$0x20];
	[tilespmem:s2+$0x15710] =	vst v5  }
0x373: {  	(v2sf) =	vpush v4, $0xF;
	v5 =	vld [tilespmem:s21+$0x20]  }
0x374: {  	v40 =	vld [tilespmem:s30+$0xD730];
	v8 =	vadd.f32 v8, v32  }
0x375: {  	v36 =	vld [tilespmem:s26+$0xD730];
	v2 =	vadd.f32 v2, v35  }
0x376: {  	v39 =	vld [tilespmem:s29+$0xD730];
	[tilespmem:s26+$0x15720] =	vst v8  }
0x377: {  	v8 =	vld [tilespmem:s31+$0x30];
	[tilespmem:s29+$0x15720] =	vst v2;
	v6 =	vadd.f32 v6, v37  }
0x378: {  	v2 =	vld [tilespmem:s9+$0x30];
	v5 =	vadd.f32 v5, v38  }
0x379: {  	v44 =	vld [tilespmem:s2+$0xD730];
	[tilespmem:s30+$0x15720] =	vst v6  }
0x37a: {  	v43 =	vld [tilespmem:s14+$0x30];
	[tilespmem:s2+$0x15720] =	vst v5  }
0x37b: {  	v5 =	vld [tilespmem:s21+$0x30]  }
0x37c: {  	v47 =	vld [tilespmem:s30+$0xD740]  }
0x37d: {  	v49 =	vld [tilespmem:s2+$0xD740];
	v42 =	vadd.f32 v8, v36  }
0x37e: {  	v46 =	vld [tilespmem:s29+$0xD740];
	v2 =	vadd.f32 v2, v39  }
0x37f: {  	[tilespmem:s26+$0x15730] =	vst v42;
	v41 =	vld [tilespmem:s26+$0xD740];
	v7 =	vadd.f32 v43, v40  }
0x380: {  	[tilespmem:s29+$0x15730] =	vst v2;
	v6 =	vld [tilespmem:s0+$0x0];
	v5 =	vadd.f32 v5, v44  }
0x381: {  	v48 =	vld [tilespmem:s8+$0x0];
	[tilespmem:s30+$0x15730] =	vst v7  }
0x382: {  	s22 =	spop (v2sf);
	v7 =	vld [tilespmem:s13+$0x0];
	[tilespmem:s2+$0x15730] =	vst v5  }
0x383: {  	v5 =	vld [tilespmem:s22+$0x0]  }
0x384: {  	v45 =	vld [tilespmem:s26+$0xD750]  }
0x385: {  	v51 =	vld [tilespmem:s30+$0xD750];
	v6 =	vadd.f32 v6, v41  }
0x386: {  	v50 =	vld [tilespmem:s29+$0xD750];
	v4 =	vadd.f32 v48, v46  }
0x387: {  	v55 =	vld [tilespmem:s2+$0xD750];
	[tilespmem:s26+$0x15740] =	vst v6;
	v2 =	vadd.f32 v7, v47  }
0x388: {  	[tilespmem:s29+$0x15740] =	vst v4;
	v6 =	vld [tilespmem:s0+$0x10];
	v53 =	vadd.f32 v5, v49  }
0x389: {  	v52 =	vld [tilespmem:s8+$0x10];
	[tilespmem:s30+$0x15740] =	vst v2  }
0x38a: {  	v54 =	vld [tilespmem:s13+$0x10];
	[tilespmem:s2+$0x15740] =	vst v53  }
0x38b: {  	v2 =	vld [tilespmem:s22+$0x10];
	_ =	sdelay $0x1  }
0x38c: {  	v57 =	vld [tilespmem:s2+$0xD760];
	v6 =	vadd.f32 v6, v45  }
0x38d: {  	v0 =	vld [tilespmem:s29+$0xD760];
	v7 =	vadd.f32 v52, v50  }
0x38e: {  	v1 =	vld [tilespmem:s30+$0xD760];
	[tilespmem:s26+$0x15750] =	vst v6;
	v4 =	vadd.f32 v54, v51  }
0x38f: {  	v6 =	vld [tilespmem:s0+$0x20];
	[tilespmem:s29+$0x15750] =	vst v7;
	v2 =	vadd.f32 v2, v55  }
0x390: {  	v7 =	vld [tilespmem:s8+$0x20];
	[tilespmem:s30+$0x15750] =	vst v4  }
0x391: {  	v4 =	vld [tilespmem:s13+$0x20];
	[tilespmem:s2+$0x15750] =	vst v2  }
0x392: {  	v2 =	vld [tilespmem:s22+$0x20]  }
0x393: {  	v59 =	vld [tilespmem:s30+$0xD770]  }
0x394: {  	v63 =	vld [tilespmem:s2+$0xD770];
	v3 =	vadd.f32 v6, v3  }
0x395: {  	v56 =	vld [tilespmem:s26+$0xD770];
	v0 =	vadd.f32 v7, v0  }
0x396: {  	v58 =	vld [tilespmem:s29+$0xD770];
	[tilespmem:s26+$0x15760] =	vst v3;
	v1 =	vadd.f32 v4, v1  }
0x397: {  	v3 =	vld [tilespmem:s0+$0x30];
	[tilespmem:s29+$0x15760] =	vst v0;
	v61 =	vadd.f32 v2, v57  }
0x398: {  	v60 =	vld [tilespmem:s8+$0x30];
	[tilespmem:s30+$0x15760] =	vst v1  }
0x399: {  	v62 =	vld [tilespmem:s13+$0x30];
	[tilespmem:s2+$0x15760] =	vst v61  }
0x39a: {  	v1 =	vld [tilespmem:s22+$0x30];
	_ =	sdelay $0x1  }
0x39b: {  	v3 =	vadd.f32 v3, v56  }
0x39c: {  	p1 =	sne.s32 s25, $0x31;
	v4 =	vadd.f32 v60, v58  }
.Ltmp3:
0x39d: {  	[tilespmem:s26+$0x15770] =	vst v3;
	s26 =	sshll.u32 s25, $0xF;
	v0 =	vadd.f32 v62, v59;
	(pc) =	sbr.rel @p1 .LBB2_6-.Ltmp3, $4  }
0x39e: {  	[tilespmem:s29+$0x15770] =	vst v4;
	s29 =	sadd.s32 s5, s26;
	v1 =	vadd.f32 v1, v63  }
0x39f: {  	s0 =	sshrl.u32 s29, $0x3;
	[tilespmem:s30+$0x15770] =	vst v0  }
0x3a0: {  	s31 =	simm.s32 $0x15380;
	s0 =	sadd.s32 s6, s0;
	[tilespmem:s2+$0x15770] =	vst v1  }
0x3a1: {  	[hbm4b:s0+s3] =	stream.linear.scatter [tilespmem:s31], [sflag:$0x3], $0x4000, $0x38;
	[tilespmem:$0x1D380] =	vst v63  }
.Ltmp4:
0x3a2: {  	(pc) =	sbr.rel .LBB2_7-.Ltmp4, $4  }
0x3a3: {  	_ = 	snop  }
0x3a4: {  	_ =	swait.ge [sflag:s18], $0x4000  }
0x3a5: {  	[sflag:s18] =	ssyncset.done $0x0  }
0x3a6: {  	[sflag:s18] =	ssyncadd.s32 $0xFFFFC000  }
.LBB2_6:
0x3a7: {  	s0 =	rddreg [dreg:$0x8]  }
0x3a8: {  	s0 =	sadd.s32 s0, s26  }
0x3a9: {  	s1 =	rddreg [dreg:$0x0];
	s0 =	sshrl.u32 s0, $0x3  }
.Ltmp5:
0x3aa: {  	s31 =	simm.s32 $0xD380;
	s0 =	sadd.s32 s1, s0;
	(pc) =	sbr.rel @p0 .LBB2_8-.Ltmp5, $4  }
0x3ab: {  	[tilespmem:s31], [sflag:$0x1] =	stream.linear.gather [hbm4b:s0+s3], $0x4000, $0x38;
	[tilespmem:$0x1D380] =	vst v63  }
0x3ac: {  	_ =	swait.ge [sflag:s18], $0x4000  }
0x3ad: {  	[sflag:s18] =	ssyncset.done $0x0  }
0x3ae: {  	[sflag:s18] =	ssyncadd.s32 $0xFFFFC000  }
.LBB2_7:
0x3af: {  	_ =	swait.ge [sflag:s19], $0x4000  }
0x3b0: {  	[sflag:s19] =	ssyncset.done $0x0  }
0x3b1: {  	[sflag:s19] =	ssyncadd.s32 $0xFFFFC000  }
.LBB2_8:
0x3b2: {  	v0 =	vld [tilespmem:s24+$0x0];
	_ =	sdelay $0x4  }
0x3b3: {  	v0 =	vshll.u32 v0, $0x8  }
0x3b4: {  	v4 =	vshra.s32 v0, $0x2  }
0x3b5: {  	(v2sf) =	vpush v4, $0x0;
	_ =	sdelay $0xd  }
0x3b6: {  	s2 =	simm.s32 $0x0  }
0x3b7: {  	v0 =	vld [tilespmem:s2+$0x11380];
	s0 =	spop (v2sf)  }
0x3b8: {  	v1 =	vld [tilespmem:s0+$0x0];
	_ =	sdelay $0x4  }
0x3b9: {  	v0 =	vadd.f32 v1, v0;
	_ =	sdelay $0x1  }
0x3ba: {  	v1 =	vld [tilespmem:s2+$0x11390];
	[tilespmem:s2+$0x19380] =	vst v0  }
0x3bb: {  	v0 =	vld [tilespmem:s0+$0x10];
	_ =	sdelay $0x4  }
0x3bc: {  	v0 =	vadd.f32 v0, v1;
	_ =	sdelay $0x1  }
0x3bd: {  	v1 =	vld [tilespmem:s2+$0x113A0];
	[tilespmem:s2+$0x19390] =	vst v0  }
0x3be: {  	(v2sf) =	vpush v4, $0x1;
	v0 =	vld [tilespmem:s0+$0x20];
	_ =	sdelay $0x4  }
0x3bf: {  	v0 =	vadd.f32 v0, v1;
	_ =	sdelay $0x1  }
0x3c0: {  	v1 =	vld [tilespmem:s2+$0x113B0];
	[tilespmem:s2+$0x193A0] =	vst v0  }
0x3c1: {  	v0 =	vld [tilespmem:s0+$0x30];
	_ =	sdelay $0x4  }
0x3c2: {  	v0 =	vadd.f32 v0, v1;
	_ =	sdelay $0x1  }
0x3c3: {  	s17 =	spop (v2sf);
	v1 =	vld [tilespmem:s2+$0x113C0];
	[tilespmem:s2+$0x193B0] =	vst v0  }
0x3c4: {  	v0 =	vld [tilespmem:s17+$0x0];
	_ =	sdelay $0x4  }
0x3c5: {  	v0 =	vadd.f32 v0, v1;
	_ =	sdelay $0x1  }
0x3c6: {  	v1 =	vld [tilespmem:s2+$0x113D0];
	[tilespmem:s2+$0x193C0] =	vst v0  }
0x3c7: {  	v0 =	vld [tilespmem:s17+$0x10];
	_ =	sdelay $0x4  }
0x3c8: {  	v0 =	vadd.f32 v0, v1;
	_ =	sdelay $0x1  }
0x3c9: {  	v1 =	vld [tilespmem:s2+$0x113E0];
	[tilespmem:s2+$0x193D0] =	vst v0  }
0x3ca: {  	(v2sf) =	vpush v4, $0x2;
	v0 =	vld [tilespmem:s17+$0x20];
	_ =	sdelay $0x4  }
0x3cb: {  	v0 =	vadd.f32 v0, v1;
	_ =	sdelay $0x1  }
0x3cc: {  	v1 =	vld [tilespmem:s2+$0x113F0];
	[tilespmem:s2+$0x193E0] =	vst v0  }
0x3cd: {  	v0 =	vld [tilespmem:s17+$0x30];
	_ =	sdelay $0x4  }
0x3ce: {  	v0 =	vadd.f32 v0, v1;
	_ =	sdelay $0x1  }
0x3cf: {  	s20 =	spop (v2sf);
	v1 =	vld [tilespmem:s2+$0x11400];
	[tilespmem:s2+$0x193F0] =	vst v0  }
0x3d0: {  	v0 =	vld [tilespmem:s20+$0x0];
	_ =	sdelay $0x4  }
0x3d1: {  	v0 =	vadd.f32 v0, v1;
	_ =	sdelay $0x1  }
0x3d2: {  	v1 =	vld [tilespmem:s2+$0x11410];
	[tilespmem:s2+$0x19400] =	vst v0  }
0x3d3: {  	v0 =	vld [tilespmem:s20+$0x10];
	_ =	sdelay $0x4  }
0x3d4: {  	v0 =	vadd.f32 v0, v1;
	_ =	sdelay $0x1  }
0x3d5: {  	v1 =	vld [tilespmem:s2+$0x11420];
	[tilespmem:s2+$0x19410] =	vst v0  }
0x3d6: {  	v0 =	vld [tilespmem:s20+$0x20];
	(v2sf) =	vpush v4, $0x3;
	_ =	sdelay $0x4  }
0x3d7: {  	v0 =	vadd.f32 v0, v1;
	_ =	sdelay $0x1  }
0x3d8: {  	v1 =	vld [tilespmem:s2+$0x11430];
	[tilespmem:s2+$0x19420] =	vst v0  }
0x3d9: {  	v0 =	vld [tilespmem:s20+$0x30];
	_ =	sdelay $0x4  }
0x3da: {  	v0 =	vadd.f32 v0, v1;
	_ =	sdelay $0x1  }
0x3db: {  	v1 =	vld [tilespmem:s2+$0x11440];
	[tilespmem:s2+$0x19430] =	vst v0;
	s1 =	spop (v2sf)  }
0x3dc: {  	v0 =	vld [tilespmem:s1+$0x0];
	_ =	sdelay $0x4  }
0x3dd: {  	v0 =	vadd.f32 v0, v1;
	_ =	sdelay $0x1  }
0x3de: {  	v1 =	vld [tilespmem:s2+$0x11450];
	[tilespmem:s2+$0x19440] =	vst v0  }
0x3df: {  	v0 =	vld [tilespmem:s1+$0x10]  }
0x3e0: {  	s21 =	sadd.s32 $0x10, s24  }
0x3e1: {  	v2 =	vld [tilespmem:s21+$0x0];
	_ =	sdelay $0x2  }
0x3e2: {  	v0 =	vadd.f32 v0, v1;
	_ =	sdelay $0x1  }
0x3e3: {  	v2 =	vshll.u32 v2, $0x8;
	v1 =	vld [tilespmem:s2+$0x11460];
	[tilespmem:s2+$0x19450] =	vst v0  }
0x3e4: {  	(v2sf) =	vpush v4, $0x4;
	v0 =	vshra.s32 v2, $0x2;
	v2 =	vld [tilespmem:s1+$0x20]  }
0x3e5: {  	(v2sf) =	vpush v0, $0x0;
	_ =	sdelay $0x3  }
0x3e6: {  	v1 =	vadd.f32 v2, v1;
	_ =	sdelay $0x1  }
0x3e7: {  	v2 =	vld [tilespmem:s2+$0x11470];
	[tilespmem:s2+$0x19460] =	vst v1  }
0x3e8: {  	v1 =	vld [tilespmem:s1+$0x30];
	_ =	sdelay $0x4  }
0x3e9: {  	s29 =	simm.s32 $0x400;
	v1 =	vadd.f32 v1, v2  }
0x3ea: {  	v3 =	vld [tilespmem:s29+$0x11380]  }
0x3eb: {  	s22 =	spop (v2sf);
	v2 =	vld [tilespmem:s2+$0x11480];
	[tilespmem:s2+$0x19470] =	vst v1  }
0x3ec: {  	s4 =	spop (v2sf);
	v1 =	vld [tilespmem:s22+$0x0]  }
0x3ed: {  	v5 =	vld [tilespmem:s4+$0x0];
	_ =	sdelay $0x3  }
0x3ee: {  	v1 =	vadd.f32 v1, v2  }
0x3ef: {  	v2 =	vld [tilespmem:s2+$0x11490];
	v3 =	vadd.f32 v5, v3  }
0x3f0: {  	v5 =	vld [tilespmem:s29+$0x11390];
	[tilespmem:s2+$0x19480] =	vst v1  }
0x3f1: {  	[tilespmem:s29+$0x19380] =	vst v3;
	v1 =	vld [tilespmem:s22+$0x10]  }
0x3f2: {  	v3 =	vld [tilespmem:s4+$0x10];
	_ =	sdelay $0x3  }
0x3f3: {  	v1 =	vadd.f32 v1, v2  }
0x3f4: {  	v2 =	vld [tilespmem:s2+$0x114A0];
	v3 =	vadd.f32 v3, v5  }
0x3f5: {  	v5 =	vld [tilespmem:s29+$0x113A0];
	[tilespmem:s2+$0x19490] =	vst v1  }
0x3f6: {  	(v2sf) =	vpush v4, $0x5;
	[tilespmem:s29+$0x19390] =	vst v3;
	v1 =	vld [tilespmem:s22+$0x20]  }
0x3f7: {  	(v2sf) =	vpush v0, $0x1;
	v3 =	vld [tilespmem:s4+$0x20];
	_ =	sdelay $0x3  }
0x3f8: {  	v1 =	vadd.f32 v1, v2  }
0x3f9: {  	v2 =	vld [tilespmem:s2+$0x114B0];
	v3 =	vadd.f32 v3, v5  }
0x3fa: {  	v5 =	vld [tilespmem:s29+$0x113B0];
	[tilespmem:s2+$0x194A0] =	vst v1  }
0x3fb: {  	[tilespmem:s29+$0x193A0] =	vst v3;
	v1 =	vld [tilespmem:s22+$0x30]  }
0x3fc: {  	v3 =	vld [tilespmem:s4+$0x30];
	_ =	sdelay $0x3  }
0x3fd: {  	v1 =	vadd.f32 v1, v2  }
0x3fe: {  	v2 =	vld [tilespmem:s2+$0x114C0];
	v3 =	vadd.f32 v3, v5  }
0x3ff: {  	s4 =	spop (v2sf);
	v5 =	vld [tilespmem:s29+$0x113C0];
	[tilespmem:s2+$0x194B0] =	vst v1  }
0x400: {  	s7 =	spop (v2sf);
	[tilespmem:s29+$0x193B0] =	vst v3;
	v1 =	vld [tilespmem:s4+$0x0]  }
0x401: {  	v3 =	vld [tilespmem:s7+$0x0];
	_ =	sdelay $0x3  }
0x402: {  	v1 =	vadd.f32 v1, v2  }
0x403: {  	v2 =	vld [tilespmem:s2+$0x114D0];
	v3 =	vadd.f32 v3, v5  }
0x404: {  	v5 =	vld [tilespmem:s29+$0x113D0];
	[tilespmem:s2+$0x194C0] =	vst v1  }
0x405: {  	[tilespmem:s29+$0x193C0] =	vst v3;
	v1 =	vld [tilespmem:s4+$0x10]  }
0x406: {  	v3 =	vld [tilespmem:s7+$0x10];
	_ =	sdelay $0x3  }
0x407: {  	v1 =	vadd.f32 v1, v2  }
0x408: {  	v2 =	vld [tilespmem:s2+$0x114E0];
	v3 =	vadd.f32 v3, v5  }
0x409: {  	v5 =	vld [tilespmem:s29+$0x113E0];
	[tilespmem:s2+$0x194D0] =	vst v1  }
0x40a: {  	(v2sf) =	vpush v4, $0x6;
	[tilespmem:s29+$0x193D0] =	vst v3;
	v1 =	vld [tilespmem:s4+$0x20]  }
0x40b: {  	(v2sf) =	vpush v0, $0x2;
	v3 =	vld [tilespmem:s7+$0x20];
	_ =	sdelay $0x3  }
0x40c: {  	v1 =	vadd.f32 v1, v2  }
0x40d: {  	v2 =	vld [tilespmem:s2+$0x114F0];
	v3 =	vadd.f32 v3, v5  }
0x40e: {  	v5 =	vld [tilespmem:s29+$0x113F0];
	[tilespmem:s2+$0x194E0] =	vst v1  }
0x40f: {  	[tilespmem:s29+$0x193E0] =	vst v3;
	v1 =	vld [tilespmem:s4+$0x30]  }
0x410: {  	v3 =	vld [tilespmem:s7+$0x30];
	_ =	sdelay $0x3  }
0x411: {  	v1 =	vadd.f32 v1, v2  }
0x412: {  	v2 =	vld [tilespmem:s2+$0x11500];
	v3 =	vadd.f32 v3, v5  }
0x413: {  	s8 =	spop (v2sf);
	v5 =	vld [tilespmem:s29+$0x11400];
	[tilespmem:s2+$0x194F0] =	vst v1  }
0x414: {  	s9 =	spop (v2sf);
	[tilespmem:s29+$0x193F0] =	vst v3;
	v1 =	vld [tilespmem:s8+$0x0]  }
0x415: {  	v3 =	vld [tilespmem:s9+$0x0];
	_ =	sdelay $0x3  }
0x416: {  	v1 =	vadd.f32 v1, v2  }
0x417: {  	v2 =	vld [tilespmem:s2+$0x11510];
	v3 =	vadd.f32 v3, v5  }
0x418: {  	v5 =	vld [tilespmem:s29+$0x11410];
	[tilespmem:s2+$0x19500] =	vst v1  }
0x419: {  	[tilespmem:s29+$0x19400] =	vst v3;
	v1 =	vld [tilespmem:s8+$0x10]  }
0x41a: {  	v3 =	vld [tilespmem:s9+$0x10];
	_ =	sdelay $0x3  }
0x41b: {  	v1 =	vadd.f32 v1, v2  }
0x41c: {  	v2 =	vld [tilespmem:s2+$0x11520];
	v3 =	vadd.f32 v3, v5  }
0x41d: {  	v5 =	vld [tilespmem:s29+$0x11420];
	[tilespmem:s2+$0x19510] =	vst v1  }
0x41e: {  	(v2sf) =	vpush v4, $0x7;
	[tilespmem:s29+$0x19410] =	vst v3;
	v1 =	vld [tilespmem:s8+$0x20]  }
0x41f: {  	(v2sf) =	vpush v0, $0x3;
	v3 =	vld [tilespmem:s9+$0x20];
	_ =	sdelay $0x3  }
0x420: {  	v1 =	vadd.f32 v1, v2  }
0x421: {  	v2 =	vld [tilespmem:s2+$0x11530];
	v3 =	vadd.f32 v3, v5  }
0x422: {  	v5 =	vld [tilespmem:s29+$0x11430];
	[tilespmem:s2+$0x19520] =	vst v1  }
0x423: {  	[tilespmem:s29+$0x19420] =	vst v3;
	v1 =	vld [tilespmem:s8+$0x30]  }
0x424: {  	v3 =	vld [tilespmem:s9+$0x30];
	_ =	sdelay $0x3  }
0x425: {  	v1 =	vadd.f32 v1, v2  }
0x426: {  	v2 =	vld [tilespmem:s2+$0x11540];
	v3 =	vadd.f32 v3, v5  }
0x427: {  	s10 =	spop (v2sf);
	v5 =	vld [tilespmem:s29+$0x11440];
	[tilespmem:s2+$0x19530] =	vst v1  }
0x428: {  	s11 =	spop (v2sf);
	[tilespmem:s29+$0x19430] =	vst v3;
	v1 =	vld [tilespmem:s10+$0x0]  }
0x429: {  	v3 =	vld [tilespmem:s11+$0x0];
	_ =	sdelay $0x3  }
0x42a: {  	v1 =	vadd.f32 v1, v2  }
0x42b: {  	v2 =	vld [tilespmem:s2+$0x11550];
	v3 =	vadd.f32 v3, v5  }
0x42c: {  	v5 =	vld [tilespmem:s29+$0x11450];
	[tilespmem:s2+$0x19540] =	vst v1  }
0x42d: {  	[tilespmem:s29+$0x19440] =	vst v3;
	v1 =	vld [tilespmem:s10+$0x10]  }
0x42e: {  	v3 =	vld [tilespmem:s11+$0x10]  }
0x42f: {  	s0 =	sadd.s32 $0x10, s21  }
0x430: {  	v6 =	vld [tilespmem:s0+$0x0];
	_ =	sdelay $0x1  }
0x431: {  	v1 =	vadd.f32 v1, v2  }
0x432: {  	v2 =	vld [tilespmem:s2+$0x11560];
	v3 =	vadd.f32 v3, v5  }
0x433: {  	v5 =	vld [tilespmem:s29+$0x11460];
	[tilespmem:s2+$0x19550] =	vst v1  }
0x434: {  	(v2sf) =	vpush v4, $0x8;
	v1 =	vshll.u32 v6, $0x8;
	[tilespmem:s29+$0x19450] =	vst v3;
	v3 =	vld [tilespmem:s10+$0x20]  }
0x435: {  	(v2sf) =	vpush v0, $0x4;
	v1 =	vshra.s32 v1, $0x2;
	v6 =	vld [tilespmem:s11+$0x20]  }
0x436: {  	(v2sf) =	vpush v1, $0x0;
	_ =	sdelay $0x2  }
0x437: {  	v2 =	vadd.f32 v3, v2  }
0x438: {  	v3 =	vld [tilespmem:s2+$0x11570];
	v5 =	vadd.f32 v6, v5  }
0x439: {  	v6 =	vld [tilespmem:s29+$0x11470];
	[tilespmem:s2+$0x19560] =	vst v2  }
0x43a: {  	[tilespmem:s29+$0x19460] =	vst v5;
	v2 =	vld [tilespmem:s10+$0x30]  }
0x43b: {  	v5 =	vld [tilespmem:s11+$0x30];
	_ =	sdelay $0x3  }
0x43c: {  	v7 =	vld [tilespmem:s2+$0x11580];
	v2 =	vadd.f32 v2, v3  }
0x43d: {  	s30 =	simm.s32 $0x800;
	v3 =	vld [tilespmem:s29+$0x11480];
	v5 =	vadd.f32 v5, v6  }
0x43e: {  	s12 =	spop (v2sf);
	v6 =	vld [tilespmem:s30+$0x11380];
	[tilespmem:s2+$0x19570] =	vst v2  }
0x43f: {  	s13 =	spop (v2sf);
	[tilespmem:s29+$0x19470] =	vst v5;
	v2 =	vld [tilespmem:s12+$0x0]  }
0x440: {  	s7 =	spop (v2sf);
	v5 =	vld [tilespmem:s13+$0x0]  }
0x441: {  	v8 =	vld [tilespmem:s7+$0x0];
	_ =	sdelay $0x2  }
0x442: {  	v9 =	vld [tilespmem:s2+$0x11590];
	v2 =	vadd.f32 v2, v7  }
0x443: {  	v7 =	vld [tilespmem:s29+$0x11490];
	v3 =	vadd.f32 v5, v3  }
0x444: {  	v5 =	vld [tilespmem:s30+$0x11390];
	v6 =	vadd.f32 v8, v6;
	[tilespmem:s2+$0x19580] =	vst v2  }
0x445: {  	[tilespmem:s29+$0x19480] =	vst v3;
	v2 =	vld [tilespmem:s12+$0x10]  }
0x446: {  	[tilespmem:s30+$0x19380] =	vst v6;
	v3 =	vld [tilespmem:s13+$0x10]  }
0x447: {  	v6 =	vld [tilespmem:s7+$0x10];
	_ =	sdelay $0x2  }
0x448: {  	v8 =	vld [tilespmem:s2+$0x115A0];
	v2 =	vadd.f32 v2, v9  }
0x449: {  	v9 =	vld [tilespmem:s29+$0x114A0];
	v3 =	vadd.f32 v3, v7  }
0x44a: {  	v7 =	vld [tilespmem:s30+$0x113A0];
	v5 =	vadd.f32 v6, v5;
	[tilespmem:s2+$0x19590] =	vst v2  }
0x44b: {  	(v2sf) =	vpush v4, $0x9;
	[tilespmem:s29+$0x19490] =	vst v3;
	v2 =	vld [tilespmem:s12+$0x20]  }
0x44c: {  	(v2sf) =	vpush v0, $0x5;
	[tilespmem:s30+$0x19390] =	vst v5;
	v3 =	vld [tilespmem:s13+$0x20]  }
0x44d: {  	(v2sf) =	vpush v1, $0x1;
	v5 =	vld [tilespmem:s7+$0x20];
	_ =	sdelay $0x2  }
0x44e: {  	v6 =	vld [tilespmem:s2+$0x115B0];
	v2 =	vadd.f32 v2, v8  }
0x44f: {  	v8 =	vld [tilespmem:s29+$0x114B0];
	v3 =	vadd.f32 v3, v9  }
0x450: {  	v9 =	vld [tilespmem:s30+$0x113B0];
	v5 =	vadd.f32 v5, v7;
	[tilespmem:s2+$0x195A0] =	vst v2  }
0x451: {  	[tilespmem:s29+$0x194A0] =	vst v3;
	v2 =	vld [tilespmem:s12+$0x30]  }
0x452: {  	[tilespmem:s30+$0x193A0] =	vst v5;
	v3 =	vld [tilespmem:s13+$0x30]  }
0x453: {  	v5 =	vld [tilespmem:s7+$0x30];
	_ =	sdelay $0x2  }
0x454: {  	v7 =	vld [tilespmem:s2+$0x115C0];
	v2 =	vadd.f32 v2, v6  }
0x455: {  	v6 =	vld [tilespmem:s29+$0x114C0];
	v3 =	vadd.f32 v3, v8  }
0x456: {  	s14 =	spop (v2sf);
	v8 =	vld [tilespmem:s30+$0x113C0];
	v5 =	vadd.f32 v5, v9;
	[tilespmem:s2+$0x195B0] =	vst v2  }
0x457: {  	s15 =	spop (v2sf);
	[tilespmem:s29+$0x194B0] =	vst v3;
	v2 =	vld [tilespmem:s14+$0x0]  }
0x458: {  	s17 =	spop (v2sf);
	[tilespmem:s30+$0x193B0] =	vst v5;
	v3 =	vld [tilespmem:s15+$0x0]  }
0x459: {  	v5 =	vld [tilespmem:s17+$0x0];
	_ =	sdelay $0x2  }
0x45a: {  	v9 =	vld [tilespmem:s2+$0x115D0];
	v2 =	vadd.f32 v2, v7  }
0x45b: {  	v7 =	vld [tilespmem:s29+$0x114D0];
	v3 =	vadd.f32 v3, v6  }
0x45c: {  	v6 =	vld [tilespmem:s30+$0x113D0];
	v5 =	vadd.f32 v5, v8;
	[tilespmem:s2+$0x195C0] =	vst v2  }
0x45d: {  	[tilespmem:s29+$0x194C0] =	vst v3;
	v2 =	vld [tilespmem:s14+$0x10]  }
0x45e: {  	[tilespmem:s30+$0x193C0] =	vst v5;
	v3 =	vld [tilespmem:s15+$0x10]  }
0x45f: {  	v5 =	vld [tilespmem:s17+$0x10];
	_ =	sdelay $0x2  }
0x460: {  	v8 =	vld [tilespmem:s2+$0x115E0];
	v2 =	vadd.f32 v2, v9  }
0x461: {  	v9 =	vld [tilespmem:s29+$0x114E0];
	v3 =	vadd.f32 v3, v7  }
0x462: {  	v7 =	vld [tilespmem:s30+$0x113E0];
	v5 =	vadd.f32 v5, v6;
	[tilespmem:s2+$0x195D0] =	vst v2  }
0x463: {  	(v2sf) =	vpush v4, $0xA;
	[tilespmem:s29+$0x194D0] =	vst v3;
	v2 =	vld [tilespmem:s14+$0x20]  }
0x464: {  	(v2sf) =	vpush v0, $0x6;
	[tilespmem:s30+$0x193D0] =	vst v5;
	v3 =	vld [tilespmem:s15+$0x20]  }
0x465: {  	(v2sf) =	vpush v1, $0x2;
	v5 =	vld [tilespmem:s17+$0x20];
	_ =	sdelay $0x2  }
0x466: {  	v6 =	vld [tilespmem:s2+$0x115F0];
	v2 =	vadd.f32 v2, v8  }
0x467: {  	v8 =	vld [tilespmem:s29+$0x114F0];
	v3 =	vadd.f32 v3, v9  }
0x468: {  	v9 =	vld [tilespmem:s30+$0x113F0];
	v5 =	vadd.f32 v5, v7;
	[tilespmem:s2+$0x195E0] =	vst v2  }
0x469: {  	[tilespmem:s29+$0x194E0] =	vst v3;
	v2 =	vld [tilespmem:s14+$0x30]  }
0x46a: {  	[tilespmem:s30+$0x193E0] =	vst v5;
	v3 =	vld [tilespmem:s15+$0x30]  }
0x46b: {  	v5 =	vld [tilespmem:s17+$0x30];
	_ =	sdelay $0x2  }
0x46c: {  	v7 =	vld [tilespmem:s2+$0x11600];
	v2 =	vadd.f32 v2, v6  }
0x46d: {  	v6 =	vld [tilespmem:s29+$0x11500];
	v3 =	vadd.f32 v3, v8  }
0x46e: {  	s20 =	spop (v2sf);
	v8 =	vld [tilespmem:s30+$0x11400];
	v5 =	vadd.f32 v5, v9;
	[tilespmem:s2+$0x195F0] =	vst v2  }
0x46f: {  	s21 =	spop (v2sf);
	[tilespmem:s29+$0x194F0] =	vst v3;
	v2 =	vld [tilespmem:s20+$0x0]  }
0x470: {  	s22 =	spop (v2sf);
	[tilespmem:s30+$0x193F0] =	vst v5;
	v3 =	vld [tilespmem:s21+$0x0]  }
0x471: {  	v5 =	vld [tilespmem:s22+$0x0];
	_ =	sdelay $0x2  }
0x472: {  	v9 =	vld [tilespmem:s2+$0x11610];
	v2 =	vadd.f32 v2, v7  }
0x473: {  	v7 =	vld [tilespmem:s29+$0x11510];
	v3 =	vadd.f32 v3, v6  }
0x474: {  	v6 =	vld [tilespmem:s30+$0x11410];
	v5 =	vadd.f32 v5, v8;
	[tilespmem:s2+$0x19600] =	vst v2  }
0x475: {  	[tilespmem:s29+$0x19500] =	vst v3;
	v2 =	vld [tilespmem:s20+$0x10]  }
0x476: {  	[tilespmem:s30+$0x19400] =	vst v5;
	v3 =	vld [tilespmem:s21+$0x10]  }
0x477: {  	v5 =	vld [tilespmem:s22+$0x10];
	_ =	sdelay $0x2  }
0x478: {  	v8 =	vld [tilespmem:s2+$0x11620];
	v2 =	vadd.f32 v2, v9  }
0x479: {  	v9 =	vld [tilespmem:s29+$0x11520];
	v3 =	vadd.f32 v3, v7  }
0x47a: {  	v7 =	vld [tilespmem:s30+$0x11420];
	v5 =	vadd.f32 v5, v6;
	[tilespmem:s2+$0x19610] =	vst v2  }
0x47b: {  	(v2sf) =	vpush v4, $0xB;
	[tilespmem:s29+$0x19510] =	vst v3;
	v2 =	vld [tilespmem:s20+$0x20]  }
0x47c: {  	(v2sf) =	vpush v0, $0x7;
	[tilespmem:s30+$0x19410] =	vst v5;
	v3 =	vld [tilespmem:s21+$0x20]  }
0x47d: {  	(v2sf) =	vpush v1, $0x3;
	v5 =	vld [tilespmem:s22+$0x20];
	_ =	sdelay $0x2  }
0x47e: {  	v6 =	vld [tilespmem:s2+$0x11630];
	v2 =	vadd.f32 v2, v8  }
0x47f: {  	v8 =	vld [tilespmem:s29+$0x11530];
	v3 =	vadd.f32 v3, v9  }
0x480: {  	v9 =	vld [tilespmem:s30+$0x11430];
	v5 =	vadd.f32 v5, v7;
	[tilespmem:s2+$0x19620] =	vst v2  }
0x481: {  	[tilespmem:s29+$0x19520] =	vst v3;
	v2 =	vld [tilespmem:s20+$0x30]  }
0x482: {  	[tilespmem:s30+$0x19420] =	vst v5;
	v3 =	vld [tilespmem:s21+$0x30]  }
0x483: {  	v5 =	vld [tilespmem:s22+$0x30];
	_ =	sdelay $0x2  }
0x484: {  	v7 =	vld [tilespmem:s2+$0x11640];
	v2 =	vadd.f32 v2, v6  }
0x485: {  	v6 =	vld [tilespmem:s29+$0x11540];
	v3 =	vadd.f32 v3, v8  }
0x486: {  	s4 =	spop (v2sf);
	v8 =	vld [tilespmem:s30+$0x11440];
	v5 =	vadd.f32 v5, v9;
	[tilespmem:s2+$0x19630] =	vst v2  }
0x487: {  	s7 =	spop (v2sf);
	[tilespmem:s29+$0x19530] =	vst v3;
	v2 =	vld [tilespmem:s4+$0x0]  }
0x488: {  	s8 =	spop (v2sf);
	[tilespmem:s30+$0x19430] =	vst v5;
	v3 =	vld [tilespmem:s7+$0x0]  }
0x489: {  	v5 =	vld [tilespmem:s8+$0x0];
	_ =	sdelay $0x2  }
0x48a: {  	v9 =	vld [tilespmem:s2+$0x11650];
	v2 =	vadd.f32 v2, v7  }
0x48b: {  	v7 =	vld [tilespmem:s29+$0x11550];
	v3 =	vadd.f32 v3, v6  }
0x48c: {  	v6 =	vld [tilespmem:s30+$0x11450];
	v5 =	vadd.f32 v5, v8;
	[tilespmem:s2+$0x19640] =	vst v2  }
0x48d: {  	[tilespmem:s29+$0x19540] =	vst v3;
	v2 =	vld [tilespmem:s4+$0x10]  }
0x48e: {  	[tilespmem:s30+$0x19440] =	vst v5;
	v3 =	vld [tilespmem:s7+$0x10]  }
0x48f: {  	v5 =	vld [tilespmem:s8+$0x10]  }
0x490: {  	s0 =	sadd.s32 $0x10, s0  }
0x491: {  	v8 =	vld [tilespmem:s0+$0x0]  }
0x492: {  	v10 =	vld [tilespmem:s2+$0x11660];
	v2 =	vadd.f32 v2, v9  }
0x493: {  	v9 =	vld [tilespmem:s29+$0x11560];
	v3 =	vadd.f32 v3, v7  }
0x494: {  	v7 =	vld [tilespmem:s30+$0x11460];
	v5 =	vadd.f32 v5, v6;
	[tilespmem:s2+$0x19650] =	vst v2  }
0x495: {  	(v2sf) =	vpush v4, $0xC;
	[tilespmem:s29+$0x19550] =	vst v3;
	v3 =	vld [tilespmem:s4+$0x20]  }
0x496: {  	(v2sf) =	vpush v0, $0x8;
	v2 =	vshll.u32 v8, $0x8;
	[tilespmem:s30+$0x19450] =	vst v5;
	v5 =	vld [tilespmem:s7+$0x20]  }
0x497: {  	(v2sf) =	vpush v1, $0x4;
	v2 =	vshra.s32 v2, $0x2;
	v6 =	vld [tilespmem:s8+$0x20]  }
0x498: {  	(v2sf) =	vpush v2, $0x0;
	_ =	sdelay $0x1  }
0x499: {  	v8 =	vld [tilespmem:s2+$0x11670];
	v3 =	vadd.f32 v3, v10  }
0x49a: {  	v10 =	vld [tilespmem:s29+$0x11570];
	v5 =	vadd.f32 v5, v9  }
0x49b: {  	v9 =	vld [tilespmem:s30+$0x11470];
	v6 =	vadd.f32 v6, v7;
	[tilespmem:s2+$0x19660] =	vst v3  }
0x49c: {  	[tilespmem:s29+$0x19560] =	vst v5;
	v5 =	vld [tilespmem:s4+$0x30]  }
0x49d: {  	[tilespmem:s30+$0x19460] =	vst v6;
	v6 =	vld [tilespmem:s7+$0x30]  }
0x49e: {  	v7 =	vld [tilespmem:s8+$0x30]  }
0x49f: {  	v11 =	vld [tilespmem:s2+$0x11680]  }
0x4a0: {  	v12 =	vld [tilespmem:s29+$0x11580]  }
0x4a1: {  	v14 =	vld [tilespmem:s29+$0x11590];
	v5 =	vadd.f32 v5, v8  }
0x4a2: {  	s31 =	simm.s32 $0xC00;
	v8 =	vld [tilespmem:s30+$0x11480];
	v6 =	vadd.f32 v6, v10  }
0x4a3: {  	s9 =	spop (v2sf);
	v10 =	vld [tilespmem:s31+$0x11380];
	v7 =	vadd.f32 v7, v9;
	[tilespmem:s2+$0x19670] =	vst v5  }
0x4a4: {  	s10 =	spop (v2sf);
	[tilespmem:s29+$0x19570] =	vst v6;
	v5 =	vld [tilespmem:s9+$0x0]  }
0x4a5: {  	s11 =	spop (v2sf);
	[tilespmem:s30+$0x19470] =	vst v7;
	v6 =	vld [tilespmem:s10+$0x0]  }
0x4a6: {  	s8 =	spop (v2sf);
	v7 =	vld [tilespmem:s11+$0x0]  }
0x4a7: {  	v9 =	vld [tilespmem:s8+$0x0]  }
0x4a8: {  	v13 =	vld [tilespmem:s2+$0x11690]  }
0x4a9: {  	v3 =	vld [tilespmem:s2+$0x11760];
	v5 =	vadd.f32 v5, v11  }
0x4aa: {  	v11 =	vld [tilespmem:s30+$0x11490];
	v6 =	vadd.f32 v6, v12  }
0x4ab: {  	v12 =	vld [tilespmem:s31+$0x11390];
	v7 =	vadd.f32 v7, v8;
	[tilespmem:s2+$0x19680] =	vst v5  }
0x4ac: {  	v5 =	vadd.f32 v9, v10;
	[tilespmem:s29+$0x19580] =	vst v6;
	v6 =	vld [tilespmem:s9+$0x10]  }
0x4ad: {  	[tilespmem:s30+$0x19480] =	vst v7;
	v7 =	vld [tilespmem:s10+$0x10]  }
0x4ae: {  	[tilespmem:s31+$0x19380] =	vst v5;
	v5 =	vld [tilespmem:s11+$0x10]  }
0x4af: {  	v8 =	vld [tilespmem:s8+$0x10]  }
0x4b0: {  	v9 =	vld [tilespmem:s2+$0x116A0]  }
0x4b1: {  	v10 =	vld [tilespmem:s29+$0x115A0];
	v6 =	vadd.f32 v6, v13  }
0x4b2: {  	v13 =	vld [tilespmem:s30+$0x114A0];
	v7 =	vadd.f32 v7, v14  }
0x4b3: {  	v14 =	vld [tilespmem:s31+$0x113A0];
	v5 =	vadd.f32 v5, v11;
	[tilespmem:s2+$0x19690] =	vst v6  }
0x4b4: {  	(v2sf) =	vpush v4, $0xD;
	v6 =	vadd.f32 v8, v12;
	[tilespmem:s29+$0x19590] =	vst v7;
	v7 =	vld [tilespmem:s9+$0x20]  }
0x4b5: {  	(v2sf) =	vpush v0, $0x9;
	[tilespmem:s30+$0x19490] =	vst v5;
	v5 =	vld [tilespmem:s10+$0x20]  }
0x4b6: {  	(v2sf) =	vpush v1, $0x5;
	[tilespmem:s31+$0x19390] =	vst v6;
	v6 =	vld [tilespmem:s11+$0x20]  }
0x4b7: {  	(v2sf) =	vpush v2, $0x1;
	v8 =	vld [tilespmem:s8+$0x20]  }
0x4b8: {  	v11 =	vld [tilespmem:s2+$0x116B0]  }
0x4b9: {  	v12 =	vld [tilespmem:s29+$0x115B0];
	v7 =	vadd.f32 v7, v9  }
0x4ba: {  	v9 =	vld [tilespmem:s30+$0x114B0];
	v5 =	vadd.f32 v5, v10  }
0x4bb: {  	v10 =	vld [tilespmem:s31+$0x113B0];
	v6 =	vadd.f32 v6, v13;
	[tilespmem:s2+$0x196A0] =	vst v7  }
0x4bc: {  	v7 =	vadd.f32 v8, v14;
	[tilespmem:s29+$0x195A0] =	vst v5;
	v5 =	vld [tilespmem:s9+$0x30]  }
0x4bd: {  	[tilespmem:s30+$0x194A0] =	vst v6;
	v6 =	vld [tilespmem:s10+$0x30]  }
0x4be: {  	[tilespmem:s31+$0x193A0] =	vst v7;
	v7 =	vld [tilespmem:s11+$0x30]  }
0x4bf: {  	v8 =	vld [tilespmem:s8+$0x30]  }
0x4c0: {  	v13 =	vld [tilespmem:s2+$0x116C0]  }
0x4c1: {  	v14 =	vld [tilespmem:s29+$0x115C0];
	v5 =	vadd.f32 v5, v11  }
0x4c2: {  	v11 =	vld [tilespmem:s30+$0x114C0];
	v6 =	vadd.f32 v6, v12  }
0x4c3: {  	s12 =	spop (v2sf);
	v12 =	vld [tilespmem:s31+$0x113C0];
	v7 =	vadd.f32 v7, v9;
	[tilespmem:s2+$0x196B0] =	vst v5  }
0x4c4: {  	s13 =	spop (v2sf);
	v5 =	vadd.f32 v8, v10;
	[tilespmem:s29+$0x195B0] =	vst v6;
	v6 =	vld [tilespmem:s12+$0x0]  }
0x4c5: {  	s14 =	spop (v2sf);
	[tilespmem:s30+$0x194B0] =	vst v7;
	v7 =	vld [tilespmem:s13+$0x0]  }
0x4c6: {  	s15 =	spop (v2sf);
	[tilespmem:s31+$0x193B0] =	vst v5;
	v5 =	vld [tilespmem:s14+$0x0]  }
0x4c7: {  	v8 =	vld [tilespmem:s15+$0x0]  }
0x4c8: {  	v9 =	vld [tilespmem:s2+$0x116D0]  }
0x4c9: {  	v10 =	vld [tilespmem:s29+$0x115D0];
	v6 =	vadd.f32 v6, v13  }
0x4ca: {  	v13 =	vld [tilespmem:s30+$0x114D0];
	v7 =	vadd.f32 v7, v14  }
0x4cb: {  	v14 =	vld [tilespmem:s31+$0x113D0];
	v5 =	vadd.f32 v5, v11;
	[tilespmem:s2+$0x196C0] =	vst v6  }
0x4cc: {  	v6 =	vadd.f32 v8, v12;
	[tilespmem:s29+$0x195C0] =	vst v7;
	v7 =	vld [tilespmem:s12+$0x10]  }
0x4cd: {  	[tilespmem:s30+$0x194C0] =	vst v5;
	v5 =	vld [tilespmem:s13+$0x10]  }
0x4ce: {  	[tilespmem:s31+$0x193C0] =	vst v6;
	v6 =	vld [tilespmem:s14+$0x10]  }
0x4cf: {  	v8 =	vld [tilespmem:s15+$0x10]  }
0x4d0: {  	v11 =	vld [tilespmem:s2+$0x116E0]  }
0x4d1: {  	v12 =	vld [tilespmem:s29+$0x115E0];
	v7 =	vadd.f32 v7, v9  }
0x4d2: {  	v9 =	vld [tilespmem:s30+$0x114E0];
	v5 =	vadd.f32 v5, v10  }
0x4d3: {  	v10 =	vld [tilespmem:s31+$0x113E0];
	v6 =	vadd.f32 v6, v13;
	[tilespmem:s2+$0x196D0] =	vst v7  }
0x4d4: {  	(v2sf) =	vpush v4, $0xE;
	v7 =	vadd.f32 v8, v14;
	[tilespmem:s29+$0x195D0] =	vst v5;
	v5 =	vld [tilespmem:s12+$0x20]  }
0x4d5: {  	(v2sf) =	vpush v0, $0xA;
	[tilespmem:s30+$0x194D0] =	vst v6;
	v6 =	vld [tilespmem:s13+$0x20]  }
0x4d6: {  	(v2sf) =	vpush v1, $0x6;
	[tilespmem:s31+$0x193D0] =	vst v7;
	v7 =	vld [tilespmem:s14+$0x20]  }
0x4d7: {  	(v2sf) =	vpush v2, $0x2;
	v8 =	vld [tilespmem:s15+$0x20]  }
0x4d8: {  	v13 =	vld [tilespmem:s2+$0x116F0]  }
0x4d9: {  	v14 =	vld [tilespmem:s29+$0x115F0];
	v5 =	vadd.f32 v5, v11  }
0x4da: {  	v11 =	vld [tilespmem:s30+$0x114F0];
	v6 =	vadd.f32 v6, v12  }
0x4db: {  	v12 =	vld [tilespmem:s31+$0x113F0];
	v7 =	vadd.f32 v7, v9;
	[tilespmem:s2+$0x196E0] =	vst v5  }
0x4dc: {  	v5 =	vadd.f32 v8, v10;
	[tilespmem:s29+$0x195E0] =	vst v6;
	v6 =	vld [tilespmem:s12+$0x30]  }
0x4dd: {  	[tilespmem:s30+$0x194E0] =	vst v7;
	v7 =	vld [tilespmem:s13+$0x30]  }
0x4de: {  	[tilespmem:s31+$0x193E0] =	vst v5;
	v5 =	vld [tilespmem:s14+$0x30]  }
0x4df: {  	v8 =	vld [tilespmem:s15+$0x30]  }
0x4e0: {  	v9 =	vld [tilespmem:s2+$0x11700]  }
0x4e1: {  	v10 =	vld [tilespmem:s29+$0x11600];
	v6 =	vadd.f32 v6, v13  }
0x4e2: {  	v13 =	vld [tilespmem:s30+$0x11500];
	v7 =	vadd.f32 v7, v14  }
0x4e3: {  	s17 =	spop (v2sf);
	v14 =	vld [tilespmem:s31+$0x11400];
	v5 =	vadd.f32 v5, v11;
	[tilespmem:s2+$0x196F0] =	vst v6  }
0x4e4: {  	s20 =	spop (v2sf);
	v6 =	vadd.f32 v8, v12;
	[tilespmem:s29+$0x195F0] =	vst v7;
	v7 =	vld [tilespmem:s17+$0x0]  }
0x4e5: {  	s21 =	spop (v2sf);
	[tilespmem:s30+$0x194F0] =	vst v5;
	v5 =	vld [tilespmem:s20+$0x0]  }
0x4e6: {  	s22 =	spop (v2sf);
	[tilespmem:s31+$0x193F0] =	vst v6;
	v6 =	vld [tilespmem:s21+$0x0]  }
0x4e7: {  	v8 =	vld [tilespmem:s22+$0x0]  }
0x4e8: {  	v11 =	vld [tilespmem:s2+$0x11710]  }
0x4e9: {  	v12 =	vld [tilespmem:s29+$0x11610];
	v7 =	vadd.f32 v7, v9  }
0x4ea: {  	v9 =	vld [tilespmem:s30+$0x11510];
	v5 =	vadd.f32 v5, v10  }
0x4eb: {  	v10 =	vld [tilespmem:s31+$0x11410];
	v6 =	vadd.f32 v6, v13;
	[tilespmem:s2+$0x19700] =	vst v7  }
0x4ec: {  	v7 =	vadd.f32 v8, v14;
	[tilespmem:s29+$0x19600] =	vst v5;
	v5 =	vld [tilespmem:s17+$0x10]  }
0x4ed: {  	[tilespmem:s30+$0x19500] =	vst v6;
	v6 =	vld [tilespmem:s20+$0x10]  }
0x4ee: {  	[tilespmem:s31+$0x19400] =	vst v7;
	v7 =	vld [tilespmem:s21+$0x10]  }
0x4ef: {  	v8 =	vld [tilespmem:s22+$0x10]  }
0x4f0: {  	v13 =	vld [tilespmem:s2+$0x11720]  }
0x4f1: {  	v14 =	vld [tilespmem:s29+$0x11620];
	v5 =	vadd.f32 v5, v11  }
0x4f2: {  	v11 =	vld [tilespmem:s30+$0x11520];
	v6 =	vadd.f32 v6, v12  }
0x4f3: {  	v12 =	vld [tilespmem:s31+$0x11420];
	v7 =	vadd.f32 v7, v9;
	[tilespmem:s2+$0x19710] =	vst v5  }
0x4f4: {  	(v2sf) =	vpush v4, $0xF;
	v5 =	vadd.f32 v8, v10;
	[tilespmem:s29+$0x19610] =	vst v6;
	v6 =	vld [tilespmem:s17+$0x20]  }
0x4f5: {  	(v2sf) =	vpush v0, $0xB;
	[tilespmem:s30+$0x19510] =	vst v7;
	v4 =	vld [tilespmem:s20+$0x20]  }
0x4f6: {  	(v2sf) =	vpush v1, $0x7;
	[tilespmem:s31+$0x19410] =	vst v5;
	v5 =	vld [tilespmem:s21+$0x20]  }
0x4f7: {  	(v2sf) =	vpush v2, $0x3;
	v7 =	vld [tilespmem:s22+$0x20]  }
0x4f8: {  	v9 =	vld [tilespmem:s29+$0x11630]  }
0x4f9: {  	v8 =	vld [tilespmem:s2+$0x11730];
	v6 =	vadd.f32 v6, v13  }
0x4fa: {  	v10 =	vld [tilespmem:s30+$0x11530];
	v4 =	vadd.f32 v4, v14  }
0x4fb: {  	v13 =	vld [tilespmem:s31+$0x11430];
	v5 =	vadd.f32 v5, v11;
	[tilespmem:s2+$0x19720] =	vst v6  }
0x4fc: {  	v6 =	vadd.f32 v7, v12;
	[tilespmem:s29+$0x19620] =	vst v4;
	v4 =	vld [tilespmem:s17+$0x30]  }
0x4fd: {  	[tilespmem:s30+$0x19520] =	vst v5;
	v5 =	vld [tilespmem:s20+$0x30]  }
0x4fe: {  	[tilespmem:s31+$0x19420] =	vst v6;
	v6 =	vld [tilespmem:s21+$0x30]  }
0x4ff: {  	v7 =	vld [tilespmem:s22+$0x30]  }
0x500: {  	v11 =	vld [tilespmem:s2+$0x11740]  }
0x501: {  	v12 =	vld [tilespmem:s29+$0x11640];
	v4 =	vadd.f32 v4, v8  }
0x502: {  	v8 =	vld [tilespmem:s30+$0x11540];
	v5 =	vadd.f32 v5, v9  }
0x503: {  	s1 =	spop (v2sf);
	v9 =	vld [tilespmem:s31+$0x11440];
	v6 =	vadd.f32 v6, v10;
	[tilespmem:s2+$0x19730] =	vst v4  }
0x504: {  	s7 =	spop (v2sf);
	v4 =	vadd.f32 v7, v13;
	[tilespmem:s29+$0x19630] =	vst v5;
	v5 =	vld [tilespmem:s1+$0x0]  }
0x505: {  	s9 =	spop (v2sf);
	[tilespmem:s30+$0x19530] =	vst v6;
	v7 =	vld [tilespmem:s7+$0x0]  }
0x506: {  	s10 =	spop (v2sf);
	[tilespmem:s31+$0x19430] =	vst v4;
	v10 =	vld [tilespmem:s9+$0x0]  }
0x507: {  	v13 =	vld [tilespmem:s10+$0x0]  }
0x508: {  	v14 =	vld [tilespmem:s2+$0x11750]  }
0x509: {  	v6 =	vld [tilespmem:s30+$0x11550];
	v5 =	vadd.f32 v5, v11  }
0x50a: {  	v4 =	vld [tilespmem:s29+$0x11650];
	v11 =	vadd.f32 v7, v12  }
0x50b: {  	v7 =	vld [tilespmem:s31+$0x11450];
	v8 =	vadd.f32 v10, v8;
	[tilespmem:s2+$0x19740] =	vst v5  }
0x50c: {  	v5 =	vadd.f32 v13, v9;
	[tilespmem:s29+$0x19640] =	vst v11;
	v12 =	vld [tilespmem:s1+$0x10]  }
0x50d: {  	[tilespmem:s30+$0x19540] =	vst v8;
	v10 =	vld [tilespmem:s7+$0x10]  }
0x50e: {  	[tilespmem:s31+$0x19440] =	vst v5;
	v11 =	vld [tilespmem:s9+$0x10]  }
0x50f: {  	s4 =	sadd.s32 $0x10, s0;
	v9 =	vld [tilespmem:s10+$0x10]  }
0x510: {  	v8 =	vld [tilespmem:s4+$0x0]  }
0x511: {  	s28 =	sor.u32 $0x1, s28;
	s0 =	simm.s32 $0x4000;
	s8 =	simm.s32 $0x5000;
	v5 =	vld [tilespmem:s29+$0x11660];
	v12 =	vadd.f32 v12, v14  }
.LBB2_9:
0x512: {  	p0 =	sne.s32 s8, $0xF000;
	v13 =	vld [tilespmem:s30+$0x11560];
	v4 =	vadd.f32 v10, v4  }
0x513: {  	v10 =	vld [tilespmem:s31+$0x11460];
	v6 =	vadd.f32 v11, v6;
	[tilespmem:s2+$0x19750] =	vst v12  }
0x514: {  	v7 =	vadd.f32 v9, v7;
	[tilespmem:s29+$0x19650] =	vst v4;
	v9 =	vld [tilespmem:s1+$0x20]  }
0x515: {  	[tilespmem:s30+$0x19550] =	vst v6;
	v6 =	vld [tilespmem:s7+$0x20];
	(v2sf) =	vpush v0, $0xC  }
0x516: {  	v4 =	vshll.u32 v8, $0x8;
	[tilespmem:s31+$0x19450] =	vst v7;
	v7 =	vld [tilespmem:s9+$0x20];
	(v2sf) =	vpush v1, $0x8  }
0x517: {  	v4 =	vshra.s32 v4, $0x2;
	v8 =	vld [tilespmem:s10+$0x20];
	(v2sf) =	vpush v2, $0x4  }
0x518: {  	(v2sf) =	vpush v4, $0x0;
	v11 =	vld [tilespmem:s2+$0x11770]  }
0x519: {  	v12 =	vld [tilespmem:s29+$0x11670];
	v3 =	vadd.f32 v9, v3  }
0x51a: {  	v9 =	vld [tilespmem:s30+$0x11570];
	v5 =	vadd.f32 v6, v5  }
0x51b: {  	v6 =	vld [tilespmem:s31+$0x11470];
	v7 =	vadd.f32 v7, v13;
	[tilespmem:s2+$0x19760] =	vst v3  }
0x51c: {  	v3 =	vadd.f32 v8, v10;
	[tilespmem:s29+$0x19660] =	vst v5;
	v5 =	vld [tilespmem:s1+$0x30]  }
0x51d: {  	[tilespmem:s30+$0x19560] =	vst v7;
	v7 =	vld [tilespmem:s7+$0x30]  }
0x51e: {  	[tilespmem:s31+$0x19460] =	vst v3;
	v8 =	vld [tilespmem:s9+$0x30]  }
0x51f: {  	v10 =	vld [tilespmem:s10+$0x30]  }
0x520: {  	v3 =	vld [tilespmem:s29+$0x11760]  }
0x521: {  	v13 =	vld [tilespmem:s29+$0x11680];
	v5 =	vadd.f32 v5, v11  }
0x522: {  	v11 =	vld [tilespmem:s30+$0x11580];
	v7 =	vadd.f32 v7, v12  }
0x523: {  	s0 =	sshra.s32 s0, $0x2;
	v12 =	vld [tilespmem:s31+$0x11480];
	v8 =	vadd.f32 v8, v9;
	[tilespmem:s2+$0x19770] =	vst v5;
	s2 =	smov.u32 s29;
	s29 =	smov.u32 s30  }
0x524: {  	s30 =	smov.u32 s31;
	s31 =	smov.u32 s0;
	v5 =	vld [tilespmem:s0+$0x11380];
	v6 =	vadd.f32 v10, v6;
	[tilespmem:s2+$0x19670] =	vst v7;
	s1 =	spop (v2sf)  }
0x525: {  	s0 =	smov.u32 s8;
	[tilespmem:s29+$0x19570] =	vst v8;
	s7 =	spop (v2sf);
	v7 =	vld [tilespmem:s1+$0x0]  }
0x526: {  	[tilespmem:s30+$0x19470] =	vst v6;
	s9 =	spop (v2sf);
	v6 =	vld [tilespmem:s7+$0x0]  }
0x527: {  	s10 =	spop (v2sf);
	v8 =	vld [tilespmem:s9+$0x0]  }
0x528: {  	v9 =	vld [tilespmem:s10+$0x0]  }
0x529: {  	v10 =	vld [tilespmem:s2+$0x11690]  }
0x52a: {  	v14 =	vld [tilespmem:s29+$0x11590];
	v7 =	vadd.f32 v7, v13  }
0x52b: {  	v13 =	vld [tilespmem:s30+$0x11490];
	v6 =	vadd.f32 v6, v11  }
0x52c: {  	v11 =	vld [tilespmem:s31+$0x11390];
	v8 =	vadd.f32 v8, v12;
	[tilespmem:s2+$0x19680] =	vst v7  }
0x52d: {  	v5 =	vadd.f32 v9, v5;
	[tilespmem:s29+$0x19580] =	vst v6;
	v6 =	vld [tilespmem:s1+$0x10]  }
0x52e: {  	[tilespmem:s30+$0x19480] =	vst v8;
	v7 =	vld [tilespmem:s7+$0x10]  }
0x52f: {  	[tilespmem:s31+$0x19380] =	vst v5;
	v5 =	vld [tilespmem:s9+$0x10]  }
0x530: {  	v8 =	vld [tilespmem:s10+$0x10]  }
0x531: {  	v9 =	vld [tilespmem:s2+$0x116A0]  }
0x532: {  	v12 =	vld [tilespmem:s29+$0x115A0];
	v6 =	vadd.f32 v6, v10  }
0x533: {  	v10 =	vld [tilespmem:s30+$0x114A0];
	v7 =	vadd.f32 v7, v14  }
0x534: {  	v14 =	vld [tilespmem:s31+$0x113A0];
	v5 =	vadd.f32 v5, v13;
	[tilespmem:s2+$0x19690] =	vst v6  }
0x535: {  	v6 =	vadd.f32 v8, v11;
	[tilespmem:s29+$0x19590] =	vst v7;
	v7 =	vld [tilespmem:s1+$0x20];
	(v2sf) =	vpush v0, $0xD  }
0x536: {  	[tilespmem:s30+$0x19490] =	vst v5;
	v5 =	vld [tilespmem:s7+$0x20];
	(v2sf) =	vpush v1, $0x9  }
0x537: {  	[tilespmem:s31+$0x19390] =	vst v6;
	v6 =	vld [tilespmem:s9+$0x20];
	(v2sf) =	vpush v2, $0x5  }
0x538: {  	v8 =	vld [tilespmem:s10+$0x20];
	(v2sf) =	vpush v4, $0x1  }
0x539: {  	v11 =	vld [tilespmem:s2+$0x116B0]  }
0x53a: {  	v13 =	vld [tilespmem:s29+$0x115B0];
	v7 =	vadd.f32 v7, v9  }
0x53b: {  	v9 =	vld [tilespmem:s30+$0x114B0];
	v5 =	vadd.f32 v5, v12  }
0x53c: {  	v12 =	vld [tilespmem:s31+$0x113B0];
	v6 =	vadd.f32 v6, v10;
	[tilespmem:s2+$0x196A0] =	vst v7  }
0x53d: {  	v7 =	vadd.f32 v8, v14;
	[tilespmem:s29+$0x195A0] =	vst v5;
	v5 =	vld [tilespmem:s1+$0x30]  }
0x53e: {  	[tilespmem:s30+$0x194A0] =	vst v6;
	v6 =	vld [tilespmem:s7+$0x30]  }
0x53f: {  	[tilespmem:s31+$0x193A0] =	vst v7;
	v7 =	vld [tilespmem:s9+$0x30]  }
0x540: {  	v8 =	vld [tilespmem:s10+$0x30]  }
0x541: {  	v10 =	vld [tilespmem:s2+$0x116C0]  }
0x542: {  	v14 =	vld [tilespmem:s29+$0x115C0];
	v5 =	vadd.f32 v5, v11  }
0x543: {  	v11 =	vld [tilespmem:s30+$0x114C0];
	v6 =	vadd.f32 v6, v13  }
0x544: {  	v13 =	vld [tilespmem:s31+$0x113C0];
	v7 =	vadd.f32 v7, v9;
	[tilespmem:s2+$0x196B0] =	vst v5;
	s1 =	spop (v2sf)  }
0x545: {  	v5 =	vadd.f32 v8, v12;
	[tilespmem:s29+$0x195B0] =	vst v6;
	s7 =	spop (v2sf);
	v6 =	vld [tilespmem:s1+$0x0]  }
0x546: {  	[tilespmem:s30+$0x194B0] =	vst v7;
	s9 =	spop (v2sf);
	v7 =	vld [tilespmem:s7+$0x0]  }
0x547: {  	[tilespmem:s31+$0x193B0] =	vst v5;
	s10 =	spop (v2sf);
	v5 =	vld [tilespmem:s9+$0x0]  }
0x548: {  	v8 =	vld [tilespmem:s10+$0x0]  }
0x549: {  	v9 =	vld [tilespmem:s2+$0x116D0]  }
0x54a: {  	v12 =	vld [tilespmem:s29+$0x115D0];
	v6 =	vadd.f32 v6, v10  }
0x54b: {  	v10 =	vld [tilespmem:s30+$0x114D0];
	v7 =	vadd.f32 v7, v14  }
0x54c: {  	v14 =	vld [tilespmem:s31+$0x113D0];
	v5 =	vadd.f32 v5, v11;
	[tilespmem:s2+$0x196C0] =	vst v6  }
0x54d: {  	v6 =	vadd.f32 v8, v13;
	[tilespmem:s29+$0x195C0] =	vst v7;
	v7 =	vld [tilespmem:s1+$0x10]  }
0x54e: {  	[tilespmem:s30+$0x194C0] =	vst v5;
	v5 =	vld [tilespmem:s7+$0x10]  }
0x54f: {  	[tilespmem:s31+$0x193C0] =	vst v6;
	v6 =	vld [tilespmem:s9+$0x10]  }
0x550: {  	v8 =	vld [tilespmem:s10+$0x10]  }
0x551: {  	v11 =	vld [tilespmem:s2+$0x116E0]  }
0x552: {  	v13 =	vld [tilespmem:s29+$0x115E0];
	v7 =	vadd.f32 v7, v9  }
0x553: {  	v9 =	vld [tilespmem:s30+$0x114E0];
	v5 =	vadd.f32 v5, v12  }
0x554: {  	v12 =	vld [tilespmem:s31+$0x113E0];
	v6 =	vadd.f32 v6, v10;
	[tilespmem:s2+$0x196D0] =	vst v7  }
0x555: {  	v7 =	vadd.f32 v8, v14;
	[tilespmem:s29+$0x195D0] =	vst v5;
	v5 =	vld [tilespmem:s1+$0x20];
	(v2sf) =	vpush v0, $0xE  }
0x556: {  	[tilespmem:s30+$0x194D0] =	vst v6;
	v6 =	vld [tilespmem:s7+$0x20];
	(v2sf) =	vpush v1, $0xA  }
0x557: {  	[tilespmem:s31+$0x193D0] =	vst v7;
	v7 =	vld [tilespmem:s9+$0x20];
	(v2sf) =	vpush v2, $0x6  }
0x558: {  	v8 =	vld [tilespmem:s10+$0x20];
	(v2sf) =	vpush v4, $0x2  }
0x559: {  	v10 =	vld [tilespmem:s2+$0x116F0]  }
0x55a: {  	v14 =	vld [tilespmem:s29+$0x115F0];
	v5 =	vadd.f32 v5, v11  }
0x55b: {  	v11 =	vld [tilespmem:s30+$0x114F0];
	v6 =	vadd.f32 v6, v13  }
0x55c: {  	v13 =	vld [tilespmem:s31+$0x113F0];
	v7 =	vadd.f32 v7, v9;
	[tilespmem:s2+$0x196E0] =	vst v5  }
0x55d: {  	v5 =	vadd.f32 v8, v12;
	[tilespmem:s29+$0x195E0] =	vst v6;
	v6 =	vld [tilespmem:s1+$0x30]  }
0x55e: {  	[tilespmem:s30+$0x194E0] =	vst v7;
	v7 =	vld [tilespmem:s7+$0x30]  }
0x55f: {  	[tilespmem:s31+$0x193E0] =	vst v5;
	v5 =	vld [tilespmem:s9+$0x30]  }
0x560: {  	v8 =	vld [tilespmem:s10+$0x30]  }
0x561: {  	v9 =	vld [tilespmem:s2+$0x11700]  }
0x562: {  	v12 =	vld [tilespmem:s29+$0x11600];
	v6 =	vadd.f32 v6, v10  }
0x563: {  	v10 =	vld [tilespmem:s30+$0x11500];
	v7 =	vadd.f32 v7, v14  }
0x564: {  	v14 =	vld [tilespmem:s31+$0x11400];
	v5 =	vadd.f32 v5, v11;
	[tilespmem:s2+$0x196F0] =	vst v6;
	s1 =	spop (v2sf)  }
0x565: {  	v6 =	vadd.f32 v8, v13;
	[tilespmem:s29+$0x195F0] =	vst v7;
	s7 =	spop (v2sf);
	v7 =	vld [tilespmem:s1+$0x0]  }
0x566: {  	[tilespmem:s30+$0x194F0] =	vst v5;
	s9 =	spop (v2sf);
	v5 =	vld [tilespmem:s7+$0x0]  }
0x567: {  	[tilespmem:s31+$0x193F0] =	vst v6;
	s10 =	spop (v2sf);
	v6 =	vld [tilespmem:s9+$0x0]  }
0x568: {  	v8 =	vld [tilespmem:s10+$0x0]  }
0x569: {  	v11 =	vld [tilespmem:s2+$0x11710]  }
0x56a: {  	v13 =	vld [tilespmem:s29+$0x11610];
	v7 =	vadd.f32 v7, v9  }
0x56b: {  	v9 =	vld [tilespmem:s30+$0x11510];
	v5 =	vadd.f32 v5, v12  }
0x56c: {  	v12 =	vld [tilespmem:s31+$0x11410];
	v6 =	vadd.f32 v6, v10;
	[tilespmem:s2+$0x19700] =	vst v7  }
0x56d: {  	v7 =	vadd.f32 v8, v14;
	[tilespmem:s29+$0x19600] =	vst v5;
	v5 =	vld [tilespmem:s1+$0x10]  }
0x56e: {  	[tilespmem:s30+$0x19500] =	vst v6;
	v6 =	vld [tilespmem:s7+$0x10]  }
0x56f: {  	[tilespmem:s31+$0x19400] =	vst v7;
	v7 =	vld [tilespmem:s9+$0x10]  }
0x570: {  	v8 =	vld [tilespmem:s10+$0x10]  }
0x571: {  	v10 =	vld [tilespmem:s2+$0x11720]  }
0x572: {  	v14 =	vld [tilespmem:s29+$0x11620];
	v5 =	vadd.f32 v5, v11  }
0x573: {  	v11 =	vld [tilespmem:s30+$0x11520];
	v6 =	vadd.f32 v6, v13  }
0x574: {  	v13 =	vld [tilespmem:s31+$0x11420];
	v7 =	vadd.f32 v7, v9;
	[tilespmem:s2+$0x19710] =	vst v5  }
0x575: {  	v5 =	vadd.f32 v8, v12;
	[tilespmem:s29+$0x19610] =	vst v6;
	v6 =	vld [tilespmem:s1+$0x20];
	(v2sf) =	vpush v0, $0xF;
	v0 =	vmovc v1;
	v1 =	vmovc v2;
	v2 =	vmov v4  }
0x576: {  	[tilespmem:s30+$0x19510] =	vst v7;
	v4 =	vld [tilespmem:s7+$0x20];
	(v2sf) =	vpush v0, $0xB  }
0x577: {  	[tilespmem:s31+$0x19410] =	vst v5;
	v5 =	vld [tilespmem:s9+$0x20];
	(v2sf) =	vpush v1, $0x7  }
0x578: {  	v7 =	vld [tilespmem:s10+$0x20];
	(v2sf) =	vpush v2, $0x3  }
0x579: {  	v8 =	vld [tilespmem:s2+$0x11730]  }
0x57a: {  	v9 =	vld [tilespmem:s29+$0x11630];
	v6 =	vadd.f32 v6, v10  }
0x57b: {  	v10 =	vld [tilespmem:s30+$0x11530];
	v4 =	vadd.f32 v4, v14  }
0x57c: {  	v12 =	vld [tilespmem:s31+$0x11430];
	v5 =	vadd.f32 v5, v11;
	[tilespmem:s2+$0x19720] =	vst v6  }
0x57d: {  	v6 =	vadd.f32 v7, v13;
	[tilespmem:s29+$0x19620] =	vst v4;
	v4 =	vld [tilespmem:s1+$0x30]  }
0x57e: {  	[tilespmem:s30+$0x19520] =	vst v5;
	v5 =	vld [tilespmem:s7+$0x30]  }
0x57f: {  	[tilespmem:s31+$0x19420] =	vst v6;
	v6 =	vld [tilespmem:s9+$0x30]  }
0x580: {  	v7 =	vld [tilespmem:s10+$0x30]  }
0x581: {  	v11 =	vld [tilespmem:s2+$0x11740]  }
0x582: {  	v13 =	vld [tilespmem:s29+$0x11640];
	v4 =	vadd.f32 v4, v8  }
0x583: {  	v8 =	vld [tilespmem:s30+$0x11540];
	v5 =	vadd.f32 v5, v9  }
0x584: {  	v9 =	vld [tilespmem:s31+$0x11440];
	v6 =	vadd.f32 v6, v10;
	[tilespmem:s2+$0x19730] =	vst v4;
	s1 =	spop (v2sf)  }
0x585: {  	v4 =	vadd.f32 v7, v12;
	[tilespmem:s29+$0x19630] =	vst v5;
	s7 =	spop (v2sf);
	v5 =	vld [tilespmem:s1+$0x0]  }
0x586: {  	[tilespmem:s30+$0x19530] =	vst v6;
	s9 =	spop (v2sf);
	v7 =	vld [tilespmem:s7+$0x0]  }
0x587: {  	[tilespmem:s31+$0x19430] =	vst v4;
	s10 =	spop (v2sf);
	v10 =	vld [tilespmem:s9+$0x0]  }
0x588: {  	v12 =	vld [tilespmem:s10+$0x0]  }
0x589: {  	v14 =	vld [tilespmem:s2+$0x11750]  }
0x58a: {  	v4 =	vld [tilespmem:s29+$0x11650];
	v5 =	vadd.f32 v5, v11  }
0x58b: {  	v6 =	vld [tilespmem:s30+$0x11550];
	v11 =	vadd.f32 v7, v13  }
0x58c: {  	v7 =	vld [tilespmem:s31+$0x11450];
	v8 =	vadd.f32 v10, v8;
	[tilespmem:s2+$0x19740] =	vst v5  }
0x58d: {  	v5 =	vadd.f32 v12, v9;
	[tilespmem:s29+$0x19640] =	vst v11;
	v12 =	vld [tilespmem:s1+$0x10]  }
.Ltmp6:
0x58e: {  	[tilespmem:s30+$0x19540] =	vst v8;
	v10 =	vld [tilespmem:s7+$0x10];
	(pc) =	sbr.rel @p0 .LBB2_9-.Ltmp6, $4  }
0x58f: {  	[tilespmem:s31+$0x19440] =	vst v5;
	v11 =	vld [tilespmem:s9+$0x10]  }
0x590: {  	v9 =	vld [tilespmem:s10+$0x10]  }
0x591: {  	s4 =	sadd.s32 $0x10, s4;
	v5 =	vld [tilespmem:s29+$0x11660]  }
0x592: {  	s8 =	sadd.s32 $0x1000, s8;
	v8 =	vld [tilespmem:s4+$0x0];
	v12 =	vadd.f32 v12, v14  }
0x593: {  	v13 =	vld [tilespmem:s30+$0x11560];
	v4 =	vadd.f32 v10, v4  }
0x594: {  	v48 =	vld [tilespmem:s31+$0x11460]  }
0x595: {  	v54 =	vld [tilespmem:s2+$0x11770];
	[tilespmem:s29+$0x19650] =	vst v4  }
0x596: {  	(v2sf) =	vpush v0, $0xC;
	v50 =	vld [tilespmem:s7+$0x20]  }
0x597: {  	v55 =	vld [tilespmem:s29+$0x11670]  }
0x598: {  	v56 =	vld [tilespmem:s30+$0x11570];
	(v2sf) =	vpush v1, $0x8;
	v51 =	vshll.u32 v8, $0x8  }
0x599: {  	v57 =	vld [tilespmem:s31+$0x11470];
	v6 =	vadd.f32 v11, v6;
	(v2sf) =	vpush v2, $0x4;
	v4 =	vshra.s32 v51, $0x2  }
0x59a: {  	v61 =	vld [tilespmem:s29+$0x11680];
	v7 =	vadd.f32 v9, v7;
	(v2sf) =	vpush v4, $0x0  }
0x59b: {  	v14 =	vld [tilespmem:s30+$0x11580];
	[tilespmem:s30+$0x19550] =	vst v6;
	v5 =	vadd.f32 v50, v5  }
0x59c: {  	[tilespmem:s31+$0x19450] =	vst v7;
	v52 =	vld [tilespmem:s9+$0x20]  }
0x59d: {  	v53 =	vld [tilespmem:s10+$0x20];
	[tilespmem:s29+$0x19660] =	vst v5  }
0x59e: {  	v5 =	vld [tilespmem:s7+$0x30]  }
0x59f: {  	v62 =	vld [tilespmem:s31+$0x11480]  }
0x5a0: {  	v15 =	vld [tilespmem:s29+$0x11690]  }
0x5a1: {  	v21 =	vld [tilespmem:s30+$0x11590];
	v7 =	vadd.f32 v52, v13  }
0x5a2: {  	v22 =	vld [tilespmem:s31+$0x11490];
	v58 =	vadd.f32 v53, v48  }
0x5a3: {  	v29 =	vld [tilespmem:s29+$0x116A0];
	[tilespmem:s30+$0x19560] =	vst v7;
	v5 =	vadd.f32 v5, v55  }
0x5a4: {  	[tilespmem:s31+$0x19460] =	vst v58;
	v7 =	vld [tilespmem:s9+$0x30]  }
0x5a5: {  	v60 =	vld [tilespmem:s10+$0x30];
	s15 =	spop (v2sf);
	[tilespmem:s29+$0x19670] =	vst v5  }
0x5a6: {  	v5 =	vld [tilespmem:s15+$0x0]  }
0x5a7: {  	v30 =	vld [tilespmem:s30+$0x115A0];
	s4 =	spop (v2sf)  }
0x5a8: {  	s0 =	sshra.s32 s0, $0x2;
	v31 =	vld [tilespmem:s31+$0x114A0];
	s17 =	spop (v2sf)  }
0x5a9: {  	v63 =	vld [tilespmem:s0+$0x11380];
	v7 =	vadd.f32 v7, v56;
	s8 =	spop (v2sf)  }
0x5aa: {  	v6 =	vadd.f32 v60, v57;
	v20 =	vld [tilespmem:s8+$0x0]  }
0x5ab: {  	v16 =	vld [tilespmem:s29+$0x116B0];
	[tilespmem:s30+$0x19570] =	vst v7;
	v5 =	vadd.f32 v5, v61  }
0x5ac: {  	[tilespmem:s31+$0x19470] =	vst v6;
	v18 =	vld [tilespmem:s4+$0x0]  }
0x5ad: {  	v19 =	vld [tilespmem:s17+$0x0];
	[tilespmem:s29+$0x19680] =	vst v5  }
0x5ae: {  	v25 =	vld [tilespmem:s15+$0x10]  }
0x5af: {  	v38 =	vld [tilespmem:s31+$0x114B0];
	v24 =	vadd.f32 v20, v63  }
0x5b0: {  	v45 =	vld [tilespmem:s31+$0x114C0]  }
0x5b1: {  	v23 =	vld [tilespmem:s0+$0x11390];
	v6 =	vadd.f32 v18, v14;
	[tilespmem:s0+$0x19380] =	vst v24  }
0x5b2: {  	[tilespmem:s2+$0x19750] =	vst v12;
	v7 =	vadd.f32 v19, v62;
	v28 =	vld [tilespmem:s8+$0x10]  }
0x5b3: {  	v49 =	vld [tilespmem:s1+$0x20];
	[tilespmem:s30+$0x19580] =	vst v6;
	v6 =	vadd.f32 v25, v15  }
0x5b4: {  	[tilespmem:s31+$0x19480] =	vst v7;
	v26 =	vld [tilespmem:s4+$0x10]  }
0x5b5: {  	v27 =	vld [tilespmem:s17+$0x10];
	[tilespmem:s29+$0x19690] =	vst v6  }
0x5b6: {  	v34 =	vld [tilespmem:s15+$0x20]  }
0x5b7: {  	v32 =	vld [tilespmem:s0+$0x113A0];
	(v2sf) =	vpush v0, $0xD;
	v33 =	vadd.f32 v28, v23  }
0x5b8: {  	v39 =	vld [tilespmem:s0+$0x113B0];
	v3 =	vadd.f32 v49, v3;
	(v2sf) =	vpush v1, $0x9  }
0x5b9: {  	v46 =	vld [tilespmem:s0+$0x113C0];
	(v2sf) =	vpush v2, $0x5;
	v7 =	vadd.f32 v26, v21;
	[tilespmem:s0+$0x19390] =	vst v33  }
0x5ba: {  	[tilespmem:s2+$0x19760] =	vst v3;
	(v2sf) =	vpush v4, $0x1;
	v5 =	vadd.f32 v27, v22;
	v37 =	vld [tilespmem:s8+$0x20]  }
0x5bb: {  	v59 =	vld [tilespmem:s1+$0x30];
	[tilespmem:s30+$0x19590] =	vst v7;
	v7 =	vadd.f32 v34, v29  }
0x5bc: {  	[tilespmem:s31+$0x19490] =	vst v5;
	v35 =	vld [tilespmem:s4+$0x20]  }
0x5bd: {  	v36 =	vld [tilespmem:s17+$0x20];
	[tilespmem:s29+$0x196A0] =	vst v7  }
0x5be: {  	v41 =	vld [tilespmem:s15+$0x30]  }
0x5bf: {  	v3 =	vld [tilespmem:s29+$0x11760];
	v40 =	vadd.f32 v37, v32  }
0x5c0: {  	v10 =	vadd.f32 v59, v54;
	v6 =	vld [tilespmem:s30+$0x115B0]  }
0x5c1: {  	v5 =	vadd.f32 v35, v30;
	v7 =	vld [tilespmem:s30+$0x115C0];
	[tilespmem:s0+$0x193A0] =	vst v40  }
0x5c2: {  	[tilespmem:s2+$0x19770] =	vst v10;
	v8 =	vadd.f32 v36, v31;
	v43 =	vld [tilespmem:s8+$0x30]  }
0x5c3: {  	[tilespmem:s30+$0x195A0] =	vst v5;
	v5 =	vld [tilespmem:s29+$0x116C0];
	v44 =	vadd.f32 v41, v16  }
0x5c4: {  	[tilespmem:s31+$0x194A0] =	vst v8;
	v8 =	vld [tilespmem:s4+$0x30]  }
0x5c5: {  	v42 =	vld [tilespmem:s17+$0x30];
	[tilespmem:s29+$0x196B0] =	vst v44  }
0x5c6: {  	s8 =	spop (v2sf)  }
0x5c7: {  	v47 =	vadd.f32 v43, v39;
	s14 =	spop (v2sf)  }
0x5c8: {  	s20 =	spop (v2sf)  }
0x5c9: {  	[tilespmem:s0+$0x193B0] =	vst v47;
	s9 =	spop (v2sf)  }
0x5ca: {  	v11 =	vld [tilespmem:s9+$0x0];
	_ =	sdelay $0x4  }
0x5cb: {  	v10 =	vadd.f32 v11, v46;
	_ =	sdelay $0x1  }
0x5cc: {  	v48 =	vld [tilespmem:s0+$0x113D0];
	[tilespmem:s0+$0x193C0] =	vst v10  }
0x5cd: {  	v10 =	vld [tilespmem:s9+$0x10];
	_ =	sdelay $0x4  }
0x5ce: {  	(v2sf) =	vpush v0, $0xE;
	v10 =	vadd.f32 v10, v48  }
0x5cf: {  	(v2sf) =	vpush v1, $0xA  }
0x5d0: {  	v49 =	vld [tilespmem:s0+$0x113E0];
	(v2sf) =	vpush v2, $0x6;
	[tilespmem:s0+$0x193D0] =	vst v10  }
0x5d1: {  	(v2sf) =	vpush v4, $0x2;
	v10 =	vld [tilespmem:s9+$0x20];
	_ =	sdelay $0x4  }
0x5d2: {  	v10 =	vadd.f32 v10, v49;
	_ =	sdelay $0x1  }
0x5d3: {  	v50 =	vld [tilespmem:s0+$0x113F0];
	[tilespmem:s0+$0x193E0] =	vst v10  }
0x5d4: {  	v10 =	vld [tilespmem:s9+$0x30];
	_ =	sdelay $0x3  }
0x5d5: {  	s4 =	spop (v2sf)  }
0x5d6: {  	s22 =	spop (v2sf);
	v10 =	vadd.f32 v10, v50  }
0x5d7: {  	s9 =	spop (v2sf)  }
0x5d8: {  	v51 =	vld [tilespmem:s0+$0x11400];
	s10 =	spop (v2sf);
	[tilespmem:s0+$0x193F0] =	vst v10  }
0x5d9: {  	v10 =	vld [tilespmem:s10+$0x0];
	_ =	sdelay $0x4  }
0x5da: {  	v10 =	vadd.f32 v10, v51;
	_ =	sdelay $0x1  }
0x5db: {  	v52 =	vld [tilespmem:s0+$0x11410];
	[tilespmem:s0+$0x19400] =	vst v10  }
0x5dc: {  	v10 =	vld [tilespmem:s10+$0x10];
	_ =	sdelay $0x4  }
0x5dd: {  	(v2sf) =	vpush v0, $0xF;
	v10 =	vadd.f32 v10, v52  }
0x5de: {  	(v2sf) =	vpush v1, $0xB  }
0x5df: {  	v53 =	vld [tilespmem:s0+$0x11420];
	(v2sf) =	vpush v2, $0x7;
	[tilespmem:s0+$0x19410] =	vst v10  }
0x5e0: {  	(v2sf) =	vpush v4, $0x3;
	v10 =	vld [tilespmem:s10+$0x20];
	_ =	sdelay $0x4  }
0x5e1: {  	v0 =	vadd.f32 v10, v53;
	_ =	sdelay $0x1  }
0x5e2: {  	v54 =	vld [tilespmem:s0+$0x11430];
	[tilespmem:s0+$0x19420] =	vst v0  }
0x5e3: {  	v0 =	vld [tilespmem:s10+$0x30];
	_ =	sdelay $0x3  }
0x5e4: {  	s2 =	spop (v2sf)  }
0x5e5: {  	s13 =	spop (v2sf);
	v0 =	vadd.f32 v0, v54  }
0x5e6: {  	s17 =	spop (v2sf)  }
0x5e7: {  	v55 =	vld [tilespmem:s0+$0x11440];
	s11 =	spop (v2sf);
	[tilespmem:s0+$0x19430] =	vst v0  }
0x5e8: {  	v0 =	vld [tilespmem:s11+$0x0];
	_ =	sdelay $0x4  }
0x5e9: {  	v0 =	vadd.f32 v0, v55;
	_ =	sdelay $0x1  }
0x5ea: {  	v56 =	vld [tilespmem:s0+$0x11450];
	[tilespmem:s0+$0x19440] =	vst v0  }
0x5eb: {  	v0 =	vld [tilespmem:s11+$0x10];
	_ =	sdelay $0x4  }
0x5ec: {  	v0 =	vadd.f32 v0, v56  }
0x5ed: {  	(v2sf) =	vpush v1, $0xC  }
0x5ee: {  	v57 =	vld [tilespmem:s0+$0x11460];
	(v2sf) =	vpush v2, $0x8;
	[tilespmem:s0+$0x19450] =	vst v0  }
0x5ef: {  	(v2sf) =	vpush v4, $0x4;
	v0 =	vld [tilespmem:s11+$0x20];
	_ =	sdelay $0x4  }
0x5f0: {  	v0 =	vadd.f32 v0, v57;
	_ =	sdelay $0x1  }
0x5f1: {  	v58 =	vld [tilespmem:s0+$0x11470];
	[tilespmem:s0+$0x19460] =	vst v0  }
0x5f2: {  	v0 =	vld [tilespmem:s11+$0x30];
	_ =	sdelay $0x4  }
0x5f3: {  	s21 =	spop (v2sf);
	v0 =	vadd.f32 v0, v58  }
0x5f4: {  	s15 =	spop (v2sf)  }
0x5f5: {  	v59 =	vld [tilespmem:s0+$0x11480];
	s12 =	spop (v2sf);
	[tilespmem:s0+$0x19470] =	vst v0  }
0x5f6: {  	v0 =	vld [tilespmem:s12+$0x0];
	_ =	sdelay $0x4  }
0x5f7: {  	v0 =	vadd.f32 v0, v59;
	_ =	sdelay $0x1  }
0x5f8: {  	v60 =	vld [tilespmem:s0+$0x11490];
	[tilespmem:s0+$0x19480] =	vst v0  }
0x5f9: {  	v0 =	vld [tilespmem:s12+$0x10];
	_ =	sdelay $0x4  }
0x5fa: {  	v0 =	vadd.f32 v0, v60  }
0x5fb: {  	(v2sf) =	vpush v1, $0xD  }
0x5fc: {  	v61 =	vld [tilespmem:s0+$0x114A0];
	(v2sf) =	vpush v2, $0x9;
	[tilespmem:s0+$0x19490] =	vst v0  }
0x5fd: {  	(v2sf) =	vpush v4, $0x5;
	v0 =	vld [tilespmem:s12+$0x20];
	_ =	sdelay $0x4  }
0x5fe: {  	v0 =	vadd.f32 v0, v61;
	_ =	sdelay $0x1  }
0x5ff: {  	v62 =	vld [tilespmem:s0+$0x114B0];
	[tilespmem:s0+$0x194A0] =	vst v0  }
0x600: {  	v0 =	vld [tilespmem:s12+$0x30];
	_ =	sdelay $0x3  }
0x601: {  	v9 =	vadd.f32 v42, v38  }
0x602: {  	s7 =	spop (v2sf);
	v0 =	vadd.f32 v0, v62  }
0x603: {  	v63 =	vld [tilespmem:s0+$0x114C0];
	[tilespmem:s31+$0x194B0] =	vst v9;
	s10 =	spop (v2sf)  }
0x604: {  	v9 =	vld [tilespmem:s20+$0x0];
	s12 =	spop (v2sf);
	[tilespmem:s0+$0x194B0] =	vst v0  }
0x605: {  	v0 =	vld [tilespmem:s12+$0x0];
	_ =	sdelay $0x3  }
0x606: {  	v9 =	vadd.f32 v9, v45  }
0x607: {  	v13 =	vld [tilespmem:s31+$0x114D0];
	v0 =	vadd.f32 v0, v63  }
0x608: {  	v14 =	vld [tilespmem:s0+$0x114D0];
	[tilespmem:s31+$0x194C0] =	vst v9  }
0x609: {  	v9 =	vld [tilespmem:s20+$0x10];
	[tilespmem:s0+$0x194C0] =	vst v0  }
0x60a: {  	v0 =	vld [tilespmem:s12+$0x10];
	_ =	sdelay $0x3  }
0x60b: {  	v9 =	vadd.f32 v9, v13  }
0x60c: {  	v15 =	vld [tilespmem:s31+$0x114E0];
	v0 =	vadd.f32 v0, v14  }
0x60d: {  	v16 =	vld [tilespmem:s0+$0x114E0];
	[tilespmem:s31+$0x194D0] =	vst v9;
	(v2sf) =	vpush v1, $0xE  }
0x60e: {  	v9 =	vld [tilespmem:s20+$0x20];
	(v2sf) =	vpush v2, $0xA;
	[tilespmem:s0+$0x194D0] =	vst v0  }
0x60f: {  	(v2sf) =	vpush v4, $0x6;
	v0 =	vld [tilespmem:s12+$0x20];
	_ =	sdelay $0x3  }
0x610: {  	v9 =	vadd.f32 v9, v15  }
0x611: {  	v17 =	vld [tilespmem:s31+$0x114F0];
	v0 =	vadd.f32 v0, v16  }
0x612: {  	v18 =	vld [tilespmem:s0+$0x114F0];
	[tilespmem:s31+$0x194E0] =	vst v9  }
0x613: {  	v9 =	vld [tilespmem:s20+$0x30];
	[tilespmem:s0+$0x194E0] =	vst v0  }
0x614: {  	v0 =	vld [tilespmem:s12+$0x30];
	_ =	sdelay $0x3  }
0x615: {  	v9 =	vadd.f32 v9, v17  }
0x616: {  	v19 =	vld [tilespmem:s31+$0x11500];
	s12 =	spop (v2sf);
	v0 =	vadd.f32 v0, v18  }
0x617: {  	v20 =	vld [tilespmem:s0+$0x11500];
	[tilespmem:s31+$0x194F0] =	vst v9;
	s1 =	spop (v2sf)  }
0x618: {  	v9 =	vld [tilespmem:s9+$0x0];
	s20 =	spop (v2sf);
	[tilespmem:s0+$0x194F0] =	vst v0  }
0x619: {  	v0 =	vld [tilespmem:s20+$0x0];
	_ =	sdelay $0x3  }
0x61a: {  	v9 =	vadd.f32 v9, v19  }
0x61b: {  	v21 =	vld [tilespmem:s31+$0x11510];
	v0 =	vadd.f32 v0, v20  }
0x61c: {  	v22 =	vld [tilespmem:s0+$0x11510];
	[tilespmem:s31+$0x19500] =	vst v9  }
0x61d: {  	v9 =	vld [tilespmem:s9+$0x10];
	[tilespmem:s0+$0x19500] =	vst v0  }
0x61e: {  	v0 =	vld [tilespmem:s20+$0x10];
	_ =	sdelay $0x3  }
0x61f: {  	v9 =	vadd.f32 v9, v21  }
0x620: {  	v23 =	vld [tilespmem:s31+$0x11520];
	v0 =	vadd.f32 v0, v22  }
0x621: {  	v24 =	vld [tilespmem:s0+$0x11520];
	[tilespmem:s31+$0x19510] =	vst v9;
	(v2sf) =	vpush v1, $0xF  }
0x622: {  	v9 =	vld [tilespmem:s9+$0x20];
	(v2sf) =	vpush v2, $0xB;
	[tilespmem:s0+$0x19510] =	vst v0  }
0x623: {  	(v2sf) =	vpush v4, $0x7;
	v0 =	vld [tilespmem:s20+$0x20];
	_ =	sdelay $0x3  }
0x624: {  	v9 =	vadd.f32 v9, v23  }
0x625: {  	v25 =	vld [tilespmem:s31+$0x11530];
	v0 =	vadd.f32 v0, v24  }
0x626: {  	v26 =	vld [tilespmem:s0+$0x11530];
	[tilespmem:s31+$0x19520] =	vst v9  }
0x627: {  	v9 =	vld [tilespmem:s9+$0x30];
	[tilespmem:s0+$0x19520] =	vst v0  }
0x628: {  	v0 =	vld [tilespmem:s20+$0x30];
	_ =	sdelay $0x3  }
0x629: {  	v9 =	vadd.f32 v9, v25  }
0x62a: {  	v27 =	vld [tilespmem:s31+$0x11540];
	s9 =	spop (v2sf);
	v0 =	vadd.f32 v0, v26  }
0x62b: {  	v28 =	vld [tilespmem:s0+$0x11540];
	[tilespmem:s31+$0x19530] =	vst v9;
	s20 =	spop (v2sf)  }
0x62c: {  	v9 =	vld [tilespmem:s17+$0x0];
	s11 =	spop (v2sf);
	[tilespmem:s0+$0x19530] =	vst v0  }
0x62d: {  	v0 =	vld [tilespmem:s11+$0x0];
	_ =	sdelay $0x3  }
0x62e: {  	v9 =	vadd.f32 v9, v27  }
0x62f: {  	v29 =	vld [tilespmem:s31+$0x11550];
	v0 =	vadd.f32 v0, v28  }
0x630: {  	v30 =	vld [tilespmem:s0+$0x11550];
	[tilespmem:s31+$0x19540] =	vst v9  }
0x631: {  	v9 =	vld [tilespmem:s17+$0x10];
	[tilespmem:s0+$0x19540] =	vst v0  }
0x632: {  	v0 =	vld [tilespmem:s11+$0x10];
	_ =	sdelay $0x3  }
0x633: {  	v9 =	vadd.f32 v9, v29  }
0x634: {  	v31 =	vld [tilespmem:s31+$0x11560];
	v0 =	vadd.f32 v0, v30  }
0x635: {  	v32 =	vld [tilespmem:s0+$0x11560];
	[tilespmem:s31+$0x19550] =	vst v9  }
0x636: {  	v9 =	vld [tilespmem:s17+$0x20];
	(v2sf) =	vpush v2, $0xC;
	[tilespmem:s0+$0x19550] =	vst v0  }
0x637: {  	(v2sf) =	vpush v4, $0x8;
	v0 =	vld [tilespmem:s11+$0x20];
	_ =	sdelay $0x3  }
0x638: {  	v9 =	vadd.f32 v9, v31  }
0x639: {  	v33 =	vld [tilespmem:s31+$0x11570];
	v0 =	vadd.f32 v0, v32  }
0x63a: {  	v34 =	vld [tilespmem:s0+$0x11570];
	[tilespmem:s31+$0x19560] =	vst v9  }
0x63b: {  	v9 =	vld [tilespmem:s17+$0x30];
	[tilespmem:s0+$0x19560] =	vst v0  }
0x63c: {  	v0 =	vld [tilespmem:s11+$0x30];
	_ =	sdelay $0x3  }
0x63d: {  	v9 =	vadd.f32 v9, v33  }
0x63e: {  	v35 =	vld [tilespmem:s31+$0x11580];
	v0 =	vadd.f32 v0, v34  }
0x63f: {  	v36 =	vld [tilespmem:s0+$0x11580];
	[tilespmem:s31+$0x19570] =	vst v9;
	s17 =	spop (v2sf)  }
0x640: {  	v9 =	vld [tilespmem:s15+$0x0];
	s11 =	spop (v2sf);
	[tilespmem:s0+$0x19570] =	vst v0  }
0x641: {  	v0 =	vld [tilespmem:s11+$0x0];
	_ =	sdelay $0x3  }
0x642: {  	v9 =	vadd.f32 v9, v35  }
0x643: {  	v37 =	vld [tilespmem:s31+$0x11590];
	v0 =	vadd.f32 v0, v36  }
0x644: {  	v38 =	vld [tilespmem:s0+$0x11590];
	[tilespmem:s31+$0x19580] =	vst v9  }
0x645: {  	v9 =	vld [tilespmem:s15+$0x10];
	[tilespmem:s0+$0x19580] =	vst v0  }
0x646: {  	v0 =	vld [tilespmem:s11+$0x10];
	_ =	sdelay $0x3  }
0x647: {  	v9 =	vadd.f32 v9, v37  }
0x648: {  	v39 =	vld [tilespmem:s31+$0x115A0];
	v0 =	vadd.f32 v0, v38  }
0x649: {  	v40 =	vld [tilespmem:s0+$0x115A0];
	[tilespmem:s31+$0x19590] =	vst v9  }
0x64a: {  	v9 =	vld [tilespmem:s15+$0x20];
	(v2sf) =	vpush v2, $0xD;
	[tilespmem:s0+$0x19590] =	vst v0  }
0x64b: {  	(v2sf) =	vpush v4, $0x9;
	v0 =	vld [tilespmem:s11+$0x20];
	_ =	sdelay $0x3  }
0x64c: {  	v9 =	vadd.f32 v9, v39  }
0x64d: {  	v41 =	vld [tilespmem:s31+$0x115B0];
	v0 =	vadd.f32 v0, v40  }
0x64e: {  	v43 =	vld [tilespmem:s0+$0x115B0];
	[tilespmem:s31+$0x195A0] =	vst v9  }
0x64f: {  	v9 =	vld [tilespmem:s15+$0x30];
	[tilespmem:s0+$0x195A0] =	vst v0  }
0x650: {  	v0 =	vld [tilespmem:s11+$0x30]  }
0x651: {  	v42 =	vadd.f32 v8, v6;
	_ =	sdelay $0x1  }
0x652: {  	[tilespmem:s30+$0x195B0] =	vst v42  }
0x653: {  	v44 =	vadd.f32 v9, v41;
	v1 =	vld [tilespmem:s14+$0x0]  }
0x654: {  	v47 =	vld [tilespmem:s0+$0x115C0];
	v0 =	vadd.f32 v0, v43  }
0x655: {  	v45 =	vld [tilespmem:s31+$0x115C0];
	[tilespmem:s31+$0x195B0] =	vst v44;
	s15 =	spop (v2sf)  }
0x656: {  	v8 =	vld [tilespmem:s10+$0x0];
	s11 =	spop (v2sf);
	[tilespmem:s0+$0x195B0] =	vst v0  }
0x657: {  	v0 =	vld [tilespmem:s11+$0x0]  }
0x658: {  	v1 =	vadd.f32 v1, v7;
	_ =	sdelay $0x1  }
0x659: {  	v46 =	vld [tilespmem:s30+$0x115D0];
	[tilespmem:s30+$0x195C0] =	vst v1  }
0x65a: {  	v8 =	vadd.f32 v8, v45;
	v1 =	vld [tilespmem:s14+$0x10]  }
0x65b: {  	v48 =	vld [tilespmem:s31+$0x115D0];
	v0 =	vadd.f32 v0, v47  }
0x65c: {  	v50 =	vld [tilespmem:s0+$0x115D0];
	[tilespmem:s31+$0x195C0] =	vst v8  }
0x65d: {  	v8 =	vld [tilespmem:s10+$0x10];
	[tilespmem:s0+$0x195C0] =	vst v0  }
0x65e: {  	v0 =	vld [tilespmem:s11+$0x10]  }
0x65f: {  	v1 =	vadd.f32 v1, v46;
	_ =	sdelay $0x1  }
0x660: {  	v49 =	vld [tilespmem:s30+$0x115E0];
	[tilespmem:s30+$0x195D0] =	vst v1  }
0x661: {  	v8 =	vadd.f32 v8, v48;
	v1 =	vld [tilespmem:s14+$0x20]  }
0x662: {  	v51 =	vld [tilespmem:s31+$0x115E0];
	v0 =	vadd.f32 v0, v50  }
0x663: {  	v53 =	vld [tilespmem:s0+$0x115E0];
	[tilespmem:s31+$0x195D0] =	vst v8  }
0x664: {  	v8 =	vld [tilespmem:s10+$0x20];
	(v2sf) =	vpush v2, $0xE;
	[tilespmem:s0+$0x195D0] =	vst v0  }
0x665: {  	(v2sf) =	vpush v4, $0xA;
	v0 =	vld [tilespmem:s11+$0x20]  }
0x666: {  	v1 =	vadd.f32 v1, v49;
	_ =	sdelay $0x1  }
0x667: {  	v52 =	vld [tilespmem:s30+$0x115F0];
	[tilespmem:s30+$0x195E0] =	vst v1  }
0x668: {  	v8 =	vadd.f32 v8, v51;
	v1 =	vld [tilespmem:s14+$0x30]  }
0x669: {  	v54 =	vld [tilespmem:s31+$0x115F0];
	v0 =	vadd.f32 v0, v53  }
0x66a: {  	v56 =	vld [tilespmem:s0+$0x115F0];
	[tilespmem:s31+$0x195E0] =	vst v8  }
0x66b: {  	v8 =	vld [tilespmem:s10+$0x30];
	[tilespmem:s0+$0x195E0] =	vst v0  }
0x66c: {  	v0 =	vld [tilespmem:s11+$0x30]  }
0x66d: {  	v1 =	vadd.f32 v1, v52;
	_ =	sdelay $0x1  }
0x66e: {  	v55 =	vld [tilespmem:s30+$0x11600];
	[tilespmem:s30+$0x195F0] =	vst v1  }
0x66f: {  	v8 =	vadd.f32 v8, v54;
	v1 =	vld [tilespmem:s22+$0x0]  }
0x670: {  	v57 =	vld [tilespmem:s31+$0x11600];
	v0 =	vadd.f32 v0, v56  }
0x671: {  	v59 =	vld [tilespmem:s0+$0x11600];
	[tilespmem:s31+$0x195F0] =	vst v8;
	s10 =	spop (v2sf)  }
0x672: {  	v8 =	vld [tilespmem:s1+$0x0];
	s14 =	spop (v2sf);
	[tilespmem:s0+$0x195F0] =	vst v0  }
0x673: {  	v0 =	vld [tilespmem:s14+$0x0]  }
0x674: {  	v1 =	vadd.f32 v1, v55;
	_ =	sdelay $0x1  }
0x675: {  	v58 =	vld [tilespmem:s30+$0x11610];
	[tilespmem:s30+$0x19600] =	vst v1  }
0x676: {  	v8 =	vadd.f32 v8, v57;
	v1 =	vld [tilespmem:s22+$0x10]  }
0x677: {  	v60 =	vld [tilespmem:s31+$0x11610];
	v0 =	vadd.f32 v0, v59  }
0x678: {  	v62 =	vld [tilespmem:s0+$0x11610];
	[tilespmem:s31+$0x19600] =	vst v8  }
0x679: {  	v8 =	vld [tilespmem:s1+$0x10];
	[tilespmem:s0+$0x19600] =	vst v0  }
0x67a: {  	v0 =	vld [tilespmem:s14+$0x10]  }
0x67b: {  	v1 =	vadd.f32 v1, v58;
	_ =	sdelay $0x1  }
0x67c: {  	v61 =	vld [tilespmem:s30+$0x11620];
	[tilespmem:s30+$0x19610] =	vst v1  }
0x67d: {  	v8 =	vadd.f32 v8, v60;
	v1 =	vld [tilespmem:s22+$0x20]  }
0x67e: {  	v13 =	vld [tilespmem:s0+$0x11620];
	v0 =	vadd.f32 v0, v62  }
0x67f: {  	v63 =	vld [tilespmem:s31+$0x11620];
	[tilespmem:s31+$0x19610] =	vst v8  }
0x680: {  	v8 =	vld [tilespmem:s1+$0x20];
	(v2sf) =	vpush v2, $0xF;
	[tilespmem:s0+$0x19610] =	vst v0  }
0x681: {  	(v2sf) =	vpush v4, $0xB;
	v0 =	vld [tilespmem:s14+$0x20]  }
0x682: {  	v1 =	vadd.f32 v1, v61;
	_ =	sdelay $0x1  }
0x683: {  	v12 =	vld [tilespmem:s30+$0x11630];
	[tilespmem:s30+$0x19620] =	vst v1  }
0x684: {  	v14 =	vadd.f32 v8, v63;
	v1 =	vld [tilespmem:s22+$0x30]  }
0x685: {  	v15 =	vld [tilespmem:s31+$0x11630];
	v0 =	vadd.f32 v0, v13  }
0x686: {  	v17 =	vld [tilespmem:s0+$0x11630];
	[tilespmem:s31+$0x19620] =	vst v14  }
0x687: {  	v2 =	vld [tilespmem:s1+$0x30];
	[tilespmem:s0+$0x19620] =	vst v0  }
0x688: {  	v0 =	vld [tilespmem:s14+$0x30]  }
0x689: {  	v1 =	vadd.f32 v1, v12;
	_ =	sdelay $0x1  }
0x68a: {  	v16 =	vld [tilespmem:s30+$0x11640];
	[tilespmem:s30+$0x19630] =	vst v1  }
0x68b: {  	v1 =	vld [tilespmem:s13+$0x0];
	v2 =	vadd.f32 v2, v15  }
0x68c: {  	v18 =	vld [tilespmem:s31+$0x11640];
	v0 =	vadd.f32 v0, v17  }
0x68d: {  	v20 =	vld [tilespmem:s0+$0x11640];
	[tilespmem:s31+$0x19630] =	vst v2;
	s14 =	spop (v2sf)  }
0x68e: {  	v2 =	vld [tilespmem:s20+$0x0];
	s11 =	spop (v2sf);
	[tilespmem:s0+$0x19630] =	vst v0  }
0x68f: {  	v0 =	vld [tilespmem:s11+$0x0]  }
0x690: {  	v1 =	vadd.f32 v1, v16;
	_ =	sdelay $0x1  }
0x691: {  	v19 =	vld [tilespmem:s30+$0x11650];
	[tilespmem:s30+$0x19640] =	vst v1  }
0x692: {  	v1 =	vld [tilespmem:s13+$0x10];
	v2 =	vadd.f32 v2, v18  }
0x693: {  	v21 =	vld [tilespmem:s31+$0x11650];
	v0 =	vadd.f32 v0, v20  }
0x694: {  	v23 =	vld [tilespmem:s0+$0x11650];
	[tilespmem:s31+$0x19640] =	vst v2  }
0x695: {  	v2 =	vld [tilespmem:s20+$0x10];
	[tilespmem:s0+$0x19640] =	vst v0  }
0x696: {  	v0 =	vld [tilespmem:s11+$0x10]  }
0x697: {  	v1 =	vadd.f32 v1, v19;
	_ =	sdelay $0x1  }
0x698: {  	v22 =	vld [tilespmem:s30+$0x11660];
	[tilespmem:s30+$0x19650] =	vst v1  }
0x699: {  	v1 =	vld [tilespmem:s13+$0x20];
	v2 =	vadd.f32 v2, v21  }
0x69a: {  	v24 =	vld [tilespmem:s31+$0x11660];
	v0 =	vadd.f32 v0, v23  }
0x69b: {  	v26 =	vld [tilespmem:s0+$0x11660];
	[tilespmem:s31+$0x19650] =	vst v2  }
0x69c: {  	v2 =	vld [tilespmem:s20+$0x20];
	[tilespmem:s0+$0x19650] =	vst v0  }
0x69d: {  	(v2sf) =	vpush v4, $0xC;
	v27 =	vld [tilespmem:s11+$0x20]  }
0x69e: {  	v1 =	vadd.f32 v1, v22;
	_ =	sdelay $0x1  }
0x69f: {  	v25 =	vld [tilespmem:s30+$0x11670];
	[tilespmem:s30+$0x19660] =	vst v1  }
0x6a0: {  	v28 =	vld [tilespmem:s13+$0x30];
	v29 =	vadd.f32 v2, v24  }
0x6a1: {  	v33 =	vld [tilespmem:s0+$0x11670];
	v1 =	vadd.f32 v27, v26  }
0x6a2: {  	v30 =	vld [tilespmem:s31+$0x11670];
	[tilespmem:s31+$0x19660] =	vst v29  }
0x6a3: {  	v31 =	vld [tilespmem:s20+$0x30];
	[tilespmem:s0+$0x19660] =	vst v1  }
0x6a4: {  	v34 =	vld [tilespmem:s11+$0x30]  }
0x6a5: {  	v6 =	vadd.f32 v28, v25;
	_ =	sdelay $0x1  }
0x6a6: {  	v32 =	vld [tilespmem:s30+$0x11680];
	[tilespmem:s30+$0x19670] =	vst v6  }
0x6a7: {  	v35 =	vld [tilespmem:s21+$0x0];
	v2 =	vadd.f32 v31, v30  }
0x6a8: {  	v36 =	vld [tilespmem:s31+$0x11680];
	v6 =	vadd.f32 v34, v33  }
0x6a9: {  	v38 =	vld [tilespmem:s0+$0x11680];
	[tilespmem:s31+$0x19670] =	vst v2  }
0x6aa: {  	v2 =	vld [tilespmem:s17+$0x0];
	s13 =	spop (v2sf);
	[tilespmem:s0+$0x19670] =	vst v6  }
0x6ab: {  	v6 =	vld [tilespmem:s13+$0x0]  }
0x6ac: {  	v7 =	vadd.f32 v35, v32;
	_ =	sdelay $0x1  }
0x6ad: {  	v37 =	vld [tilespmem:s30+$0x11690];
	[tilespmem:s30+$0x19680] =	vst v7  }
0x6ae: {  	v7 =	vld [tilespmem:s21+$0x10];
	v2 =	vadd.f32 v2, v36  }
0x6af: {  	v39 =	vld [tilespmem:s31+$0x11690];
	v6 =	vadd.f32 v6, v38  }
0x6b0: {  	v41 =	vld [tilespmem:s0+$0x11690];
	[tilespmem:s31+$0x19680] =	vst v2  }
0x6b1: {  	v2 =	vld [tilespmem:s17+$0x10];
	[tilespmem:s0+$0x19680] =	vst v6  }
0x6b2: {  	v6 =	vld [tilespmem:s13+$0x10]  }
0x6b3: {  	v7 =	vadd.f32 v7, v37;
	_ =	sdelay $0x1  }
0x6b4: {  	v40 =	vld [tilespmem:s30+$0x116A0];
	[tilespmem:s30+$0x19690] =	vst v7  }
0x6b5: {  	v7 =	vld [tilespmem:s21+$0x20];
	v2 =	vadd.f32 v2, v39  }
0x6b6: {  	v42 =	vld [tilespmem:s31+$0x116A0];
	v6 =	vadd.f32 v6, v41  }
0x6b7: {  	v44 =	vld [tilespmem:s0+$0x116A0];
	[tilespmem:s31+$0x19690] =	vst v2  }
0x6b8: {  	v2 =	vld [tilespmem:s17+$0x20];
	[tilespmem:s0+$0x19690] =	vst v6  }
0x6b9: {  	(v2sf) =	vpush v4, $0xD;
	v6 =	vld [tilespmem:s13+$0x20]  }
0x6ba: {  	v7 =	vadd.f32 v7, v40  }
0x6bb: {  	v45 =	vld [tilespmem:s8+$0x0]  }
0x6bc: {  	v43 =	vld [tilespmem:s30+$0x116B0];
	[tilespmem:s30+$0x196A0] =	vst v7  }
0x6bd: {  	v7 =	vld [tilespmem:s21+$0x30];
	v2 =	vadd.f32 v2, v42  }
0x6be: {  	v46 =	vld [tilespmem:s31+$0x116B0];
	v6 =	vadd.f32 v6, v44  }
0x6bf: {  	v48 =	vld [tilespmem:s0+$0x116B0];
	[tilespmem:s31+$0x196A0] =	vst v2  }
0x6c0: {  	v5 =	vadd.f32 v45, v5;
	v2 =	vld [tilespmem:s17+$0x30];
	[tilespmem:s0+$0x196A0] =	vst v6  }
0x6c1: {  	v6 =	vld [tilespmem:s13+$0x30]  }
0x6c2: {  	[tilespmem:s29+$0x196C0] =	vst v5;
	v7 =	vadd.f32 v7, v43  }
0x6c3: {  	v51 =	vld [tilespmem:s8+$0x10]  }
0x6c4: {  	v47 =	vld [tilespmem:s30+$0x116C0];
	[tilespmem:s30+$0x196B0] =	vst v7  }
0x6c5: {  	v50 =	vld [tilespmem:s7+$0x0];
	v2 =	vadd.f32 v2, v46  }
0x6c6: {  	v52 =	vld [tilespmem:s31+$0x116C0];
	v54 =	vadd.f32 v6, v48  }
0x6c7: {  	v56 =	vld [tilespmem:s0+$0x116C0];
	[tilespmem:s31+$0x196B0] =	vst v2  }
0x6c8: {  	v55 =	vld [tilespmem:s15+$0x0];
	s20 =	spop (v2sf);
	[tilespmem:s0+$0x196B0] =	vst v54  }
0x6c9: {  	v58 =	vld [tilespmem:s20+$0x0]  }
0x6ca: {  	v49 =	vld [tilespmem:s29+$0x116D0];
	v5 =	vadd.f32 v50, v47;
	_ =	sdelay $0x1  }
0x6cb: {  	v53 =	vld [tilespmem:s30+$0x116D0];
	[tilespmem:s30+$0x196C0] =	vst v5  }
0x6cc: {  	v60 =	vld [tilespmem:s7+$0x10];
	v6 =	vadd.f32 v55, v52  }
0x6cd: {  	v16 =	vld [tilespmem:s0+$0x116D0];
	v14 =	vadd.f32 v58, v56  }
0x6ce: {  	v57 =	vadd.f32 v51, v49;
	v62 =	vld [tilespmem:s31+$0x116D0];
	[tilespmem:s31+$0x196C0] =	vst v6  }
0x6cf: {  	v15 =	vld [tilespmem:s15+$0x10];
	[tilespmem:s0+$0x196C0] =	vst v14  }
0x6d0: {  	[tilespmem:s29+$0x196D0] =	vst v57;
	v6 =	vld [tilespmem:s20+$0x10]  }
0x6d1: {  	v61 =	vld [tilespmem:s8+$0x20];
	v2 =	vadd.f32 v60, v53  }
0x6d2: {  	v59 =	vld [tilespmem:s29+$0x116E0]  }
0x6d3: {  	v63 =	vld [tilespmem:s30+$0x116E0];
	[tilespmem:s30+$0x196D0] =	vst v2  }
0x6d4: {  	v2 =	vld [tilespmem:s7+$0x20];
	v7 =	vadd.f32 v15, v62  }
0x6d5: {  	v18 =	vld [tilespmem:s31+$0x116E0];
	v6 =	vadd.f32 v6, v16  }
0x6d6: {  	v20 =	vld [tilespmem:s0+$0x116E0];
	[tilespmem:s31+$0x196D0] =	vst v7  }
0x6d7: {  	v5 =	vadd.f32 v61, v59;
	v7 =	vld [tilespmem:s15+$0x20];
	[tilespmem:s0+$0x196D0] =	vst v6  }
0x6d8: {  	(v2sf) =	vpush v4, $0xE;
	v6 =	vld [tilespmem:s20+$0x20]  }
0x6d9: {  	v19 =	vld [tilespmem:s30+$0x116F0];
	[tilespmem:s29+$0x196E0] =	vst v5;
	v2 =	vadd.f32 v2, v63  }
0x6da: {  	v5 =	vld [tilespmem:s8+$0x30]  }
0x6db: {  	v17 =	vld [tilespmem:s29+$0x116F0];
	[tilespmem:s30+$0x196E0] =	vst v2  }
0x6dc: {  	v2 =	vld [tilespmem:s7+$0x30];
	v7 =	vadd.f32 v7, v18  }
0x6dd: {  	v22 =	vld [tilespmem:s31+$0x116F0];
	v6 =	vadd.f32 v6, v20  }
0x6de: {  	v24 =	vld [tilespmem:s0+$0x116F0];
	[tilespmem:s31+$0x196E0] =	vst v7  }
0x6df: {  	v7 =	vld [tilespmem:s15+$0x30];
	[tilespmem:s0+$0x196E0] =	vst v6  }
0x6e0: {  	v5 =	vadd.f32 v5, v17;
	v6 =	vld [tilespmem:s20+$0x30]  }
0x6e1: {  	v25 =	vld [tilespmem:s30+$0x11700];
	v2 =	vadd.f32 v2, v19  }
0x6e2: {  	v21 =	vld [tilespmem:s29+$0x11700];
	[tilespmem:s29+$0x196F0] =	vst v5  }
0x6e3: {  	v23 =	vld [tilespmem:s4+$0x0];
	[tilespmem:s30+$0x196F0] =	vst v2  }
0x6e4: {  	v2 =	vld [tilespmem:s12+$0x0];
	v5 =	vadd.f32 v7, v22  }
0x6e5: {  	v30 =	vld [tilespmem:s0+$0x11700];
	v28 =	vadd.f32 v6, v24  }
0x6e6: {  	v27 =	vld [tilespmem:s31+$0x11700];
	[tilespmem:s31+$0x196F0] =	vst v5  }
0x6e7: {  	s21 =	spop (v2sf);
	v29 =	vld [tilespmem:s10+$0x0];
	[tilespmem:s0+$0x196F0] =	vst v28  }
0x6e8: {  	v8 =	vadd.f32 v23, v21;
	v5 =	vld [tilespmem:s21+$0x0]  }
0x6e9: {  	v31 =	vld [tilespmem:s30+$0x11710];
	v2 =	vadd.f32 v2, v25  }
0x6ea: {  	[tilespmem:s29+$0x19700] =	vst v8;
	v26 =	vld [tilespmem:s29+$0x11710]  }
0x6eb: {  	v8 =	vld [tilespmem:s4+$0x10];
	[tilespmem:s30+$0x19700] =	vst v2  }
0x6ec: {  	v2 =	vld [tilespmem:s12+$0x10];
	v6 =	vadd.f32 v29, v27  }
0x6ed: {  	v33 =	vld [tilespmem:s31+$0x11710];
	v5 =	vadd.f32 v5, v30  }
0x6ee: {  	v34 =	vld [tilespmem:s0+$0x11710];
	[tilespmem:s31+$0x19700] =	vst v6  }
0x6ef: {  	v6 =	vld [tilespmem:s10+$0x10];
	[tilespmem:s0+$0x19700] =	vst v5  }
0x6f0: {  	v5 =	vld [tilespmem:s21+$0x10]  }
0x6f1: {  	v32 =	vld [tilespmem:s29+$0x11720];
	v8 =	vadd.f32 v8, v26  }
0x6f2: {  	v35 =	vld [tilespmem:s30+$0x11720];
	v2 =	vadd.f32 v2, v31  }
0x6f3: {  	v37 =	vld [tilespmem:s31+$0x11720];
	[tilespmem:s29+$0x19710] =	vst v8  }
0x6f4: {  	v8 =	vld [tilespmem:s4+$0x20];
	[tilespmem:s30+$0x19710] =	vst v2;
	v6 =	vadd.f32 v6, v33  }
0x6f5: {  	v2 =	vld [tilespmem:s12+$0x20];
	v5 =	vadd.f32 v5, v34  }
0x6f6: {  	v38 =	vld [tilespmem:s0+$0x11720];
	[tilespmem:s31+$0x19710] =	vst v6  }
0x6f7: {  	v6 =	vld [tilespmem:s10+$0x20];
	[tilespmem:s0+$0x19710] =	vst v5  }
0x6f8: {  	(v2sf) =	vpush v4, $0xF;
	v5 =	vld [tilespmem:s21+$0x20]  }
0x6f9: {  	v40 =	vld [tilespmem:s31+$0x11730];
	v8 =	vadd.f32 v8, v32  }
0x6fa: {  	v36 =	vld [tilespmem:s29+$0x11730];
	v2 =	vadd.f32 v2, v35  }
0x6fb: {  	v39 =	vld [tilespmem:s30+$0x11730];
	[tilespmem:s29+$0x19720] =	vst v8  }
0x6fc: {  	v8 =	vld [tilespmem:s4+$0x30];
	[tilespmem:s30+$0x19720] =	vst v2;
	v6 =	vadd.f32 v6, v37  }
0x6fd: {  	v2 =	vld [tilespmem:s12+$0x30];
	v5 =	vadd.f32 v5, v38  }
0x6fe: {  	v44 =	vld [tilespmem:s0+$0x11730];
	[tilespmem:s31+$0x19720] =	vst v6  }
0x6ff: {  	v43 =	vld [tilespmem:s10+$0x30];
	[tilespmem:s0+$0x19720] =	vst v5  }
0x700: {  	v5 =	vld [tilespmem:s21+$0x30]  }
0x701: {  	v47 =	vld [tilespmem:s31+$0x11740]  }
0x702: {  	v49 =	vld [tilespmem:s0+$0x11740];
	v42 =	vadd.f32 v8, v36  }
0x703: {  	v46 =	vld [tilespmem:s30+$0x11740];
	v2 =	vadd.f32 v2, v39  }
0x704: {  	[tilespmem:s29+$0x19730] =	vst v42;
	v41 =	vld [tilespmem:s29+$0x11740];
	v7 =	vadd.f32 v43, v40  }
0x705: {  	[tilespmem:s30+$0x19730] =	vst v2;
	v6 =	vld [tilespmem:s2+$0x0];
	v5 =	vadd.f32 v5, v44  }
0x706: {  	v48 =	vld [tilespmem:s9+$0x0];
	[tilespmem:s31+$0x19730] =	vst v7  }
0x707: {  	s22 =	spop (v2sf);
	v7 =	vld [tilespmem:s14+$0x0];
	[tilespmem:s0+$0x19730] =	vst v5  }
0x708: {  	v5 =	vld [tilespmem:s22+$0x0]  }
0x709: {  	v45 =	vld [tilespmem:s29+$0x11750]  }
0x70a: {  	v51 =	vld [tilespmem:s31+$0x11750];
	v6 =	vadd.f32 v6, v41  }
0x70b: {  	v50 =	vld [tilespmem:s30+$0x11750];
	v4 =	vadd.f32 v48, v46  }
0x70c: {  	v55 =	vld [tilespmem:s0+$0x11750];
	[tilespmem:s29+$0x19740] =	vst v6;
	v2 =	vadd.f32 v7, v47  }
0x70d: {  	[tilespmem:s30+$0x19740] =	vst v4;
	v6 =	vld [tilespmem:s2+$0x10];
	v53 =	vadd.f32 v5, v49  }
0x70e: {  	v52 =	vld [tilespmem:s9+$0x10];
	[tilespmem:s31+$0x19740] =	vst v2  }
0x70f: {  	v54 =	vld [tilespmem:s14+$0x10];
	[tilespmem:s0+$0x19740] =	vst v53  }
0x710: {  	v2 =	vld [tilespmem:s22+$0x10];
	_ =	sdelay $0x1  }
0x711: {  	v57 =	vld [tilespmem:s0+$0x11760];
	v6 =	vadd.f32 v6, v45  }
0x712: {  	v0 =	vld [tilespmem:s30+$0x11760];
	v7 =	vadd.f32 v52, v50  }
0x713: {  	v1 =	vld [tilespmem:s31+$0x11760];
	[tilespmem:s29+$0x19750] =	vst v6;
	v4 =	vadd.f32 v54, v51  }
0x714: {  	v6 =	vld [tilespmem:s2+$0x20];
	[tilespmem:s30+$0x19750] =	vst v7;
	v2 =	vadd.f32 v2, v55  }
0x715: {  	v7 =	vld [tilespmem:s9+$0x20];
	[tilespmem:s31+$0x19750] =	vst v4  }
0x716: {  	v4 =	vld [tilespmem:s14+$0x20];
	[tilespmem:s0+$0x19750] =	vst v2  }
0x717: {  	v2 =	vld [tilespmem:s22+$0x20]  }
0x718: {  	v59 =	vld [tilespmem:s31+$0x11770]  }
0x719: {  	v63 =	vld [tilespmem:s0+$0x11770];
	v3 =	vadd.f32 v6, v3  }
0x71a: {  	v56 =	vld [tilespmem:s29+$0x11770];
	v0 =	vadd.f32 v7, v0  }
0x71b: {  	v58 =	vld [tilespmem:s30+$0x11770];
	[tilespmem:s29+$0x19760] =	vst v3;
	v1 =	vadd.f32 v4, v1  }
0x71c: {  	v3 =	vld [tilespmem:s2+$0x30];
	[tilespmem:s30+$0x19760] =	vst v0;
	v61 =	vadd.f32 v2, v57  }
0x71d: {  	v60 =	vld [tilespmem:s9+$0x30];
	[tilespmem:s31+$0x19760] =	vst v1  }
0x71e: {  	v62 =	vld [tilespmem:s14+$0x30];
	[tilespmem:s0+$0x19760] =	vst v61  }
0x71f: {  	v1 =	vld [tilespmem:s22+$0x30];
	_ =	sdelay $0x1  }
0x720: {  	v3 =	vadd.f32 v3, v56  }
0x721: {  	p0 =	seq.s32 s25, $0x31;
	v4 =	vadd.f32 v60, v58  }
.Ltmp7:
0x722: {  	[tilespmem:s29+$0x19770] =	vst v3;
	s29 =	sshll.u32 s28, $0xE;
	v0 =	vadd.f32 v62, v59;
	(pc) =	sbr.rel @p0 .LBB2_12-.Ltmp7, $4  }
0x723: {  	[tilespmem:s30+$0x19770] =	vst v4;
	s1 =	sadd.s32 s5, s29;
	v1 =	vadd.f32 v1, v63  }
0x724: {  	s1 =	sshrl.u32 s1, $0x3;
	[tilespmem:s31+$0x19770] =	vst v0  }
0x725: {  	s30 =	sadd.s32 s6, s1;
	s31 =	simm.s32 $0x19380;
	[tilespmem:s0+$0x19770] =	vst v1  }
0x726: {  	[hbm4b:s30+s3] =	stream.linear.scatter [tilespmem:s31], [sflag:$0x4], $0x4000, $0x38;
	[tilespmem:$0x1D380] =	vst v63  }
.Ltmp8:
0x727: {  	s0 =	rddreg [dreg:$0x9];
	(pc) =	sbr.rel .LBB2_2-.Ltmp8, $4  }
0x728: {  	s1 =	rddreg [dreg:$0x0];
	s0 =	sadd.s32 s0, s26  }
0x729: {  	s31 =	simm.s32 $0x11380;
	s25 =	sadd.s32 $0x1, s25;
	s0 =	sshrl.u32 s0, $0x3  }
0x72a: {  	s23 =	sadd.s32 $0x200, s23;
	s24 =	sadd.s32 $0x200, s24;
	s0 =	sadd.s32 s1, s0  }
0x72b: {  	[tilespmem:s31], [sflag:$0x2] =	stream.linear.gather [hbm4b:s0+s3], $0x4000, $0x38;
	[tilespmem:$0x1D380] =	vst v63  }
.LBB2_13:
0x72c: {  	_ =	sfence.sel $0x180000  }
0x72d: {  	[bflag:$0x0] =	sbarrier.arrive $0xFFFF  }
0x72e: {  	_ =	strace $0x90000047  }
0x72f: {  	s0 =	stileid.u32;
	[bflag:$0x2] =	sbarrier.arrive $0xFFFF  }
0x730: {  	p0 =	sne.s32 s0, $0x0;
	s0 =	rddreg [dreg:$0x3]  }
0x731: {  	s0 =	sadd.s32 @!p0 $0x100000, s0  }
0x732: {  	[sflag:s0] =	ssyncadd.tile.s32 @!p0 $0x1;
	_ =	shalt  }
.Lfunc_end2:
_tile_overlayer_lowered:
.L_overlay_start_2:
0x733: {  	(tag) =	ssettag $0x2  }
0x734: {  	s0 =	rddreg [dreg:$0x0];
	s2 =	stileid.u32  }
0x735: {  	s1 =	rddreg [dreg:$0x1];
	p0 =	sne.s32 s2, $0x0  }
0x736: {  	s3 =	rddreg [dreg:$0x2];
	[bflag:$0x3] =	sbarrier.arrive $0xFFFF;
	s2 =	simm.s32 @!p0 $0x1C05  }
0x737: {  	[timem:s3], [sflag:s2] =	dma.local @!p0 [hbm:s0], s1  }
0x738: {  	s0 =	simm.s32 @!p0 $0x5  }
0x739: {  	_ =	swait.ge @!p0 [sflag:s0], s1  }
0x73a: {  	s1 =	ssub.s32 @!p0 $0x0, s1;
	[sflag:s0] =	ssyncset.done @!p0 $0x0  }
0x73b: {  	[sflag:s0] =	ssyncadd.s32 @!p0 s1  }
0x73c: {  	[bflag:$0x3] =	sbarrier.arrive $0xFFFF  }
0x73d: {  	_ =	shalt  }

// kernel: sparse-core-data-format-call.cloned.1.call-start
scs
called_computation_lowered:
.L_overlay_start_0:
0x0: {  	s2 =	sld [smem:$0x3FD9]  }
0x1: {  	s3 =	sld [smem:$0x3FFE];
	_ =	sdelay $0x1  }
0x2: {  	s1 =	srdreg.scid  }
0x3: {  	s0 =	sand.u32 $0x1, s1  }
0x4: {  	s18 =	sshll.u32 s0, $0xA;
	s2 =	sadd.s32 s3, s2  }
0x5: {  	s2 =	sadd.s32 s2, s18  }
0x6: {  	[smem:$0x3FC5] =	sst s2  }
0x7: {  	_ = 	snop  }
0x8: {  	s2 =	sld [smem:$0x3FD0];
	(tm) =	ssettm $0x1  }
0x9: {  	s19 =	sld [smem:$0x3FFB];
	_ =	sdelay $0x3  }
0xa: {  	_ =	strace s19  }
0xb: {  	s3 =	sld [smem:$0x3FFC];
	_ =	sdelay $0x3  }
0xc: {  	_ =	strace s3  }
0xd: {  	s3 =	sld [smem:$0x3FFD];
	_ =	sdelay $0x3  }
0xe: {  	_ =	strace s3  }
0xf: {  	_ =	strace $0x8FFFFFFF  }
0x10: {  	s20 =	sld [smem:$0x3FDB];
	_ =	sdelay $0x1  }
0x11: {  	s4 =	simm.s32 $_scs_section_size  }
0x12: {  	s5 =	simm.s32 $_size__tile_overlayer_lowered;
	s6 =	simm.s32 $_tile_overlayer_lowered  }
0x13: {  	s23 =	simm.s32 $0x1BFF;
	s22 =	sshll.u32 s6, $0x1;
	s3 =	sadd.s32 s4, s20  }
0x14: {  	s7 =	simm.s32 $0x0;
	s21 =	sshll.u32 s5, $0x1;
	s5 =	sadd.s32 s22, s3  }
0x15: {  	[timem:s7], [sflag:s23] =	dma.local [hbm:s5], s21  }
0x16: {  	_ =	swait.ge [sflag:s23], s21  }
0x17: {  	s4 =	ssub.s32 $0x0, s21;
	[sflag:s23] =	ssyncset.done $0x0  }
0x18: {  	[sflag:s23] =	ssyncadd.s32 s4;
	_ =	sdelay $0x1  }
0x19: {  	s24 =	simm.s32 $0x1B8B  }
0x1a: {  	_ =	swait.ge [sflag:s24], $0x1  }
0x1b: {  	[sflag:s24] =	ssyncset.done $0x0  }
0x1c: {  	s26 =	simm.s32 $0x1B8E;
	s25 =	sld [smem:$0x3FFE];
	[sflag:s24] =	ssyncadd.s32 $0xFFFFFFFF  }
0x1d: {  	s27 =	simm.s32 $execute0_lowered;
	[smem:$0x3FD2] =	sst s26  }
0x1e: {  	s5 =	sshll.u32 s27, $0x1;
	_ =	strace $0x80000049;
	[dreg:$0x1] =	wrdreg $0xFFFFFFFF  }
0x1f: {  	s28 =	simm.s32 $_size_execute0_lowered;
	s3 =	sadd.s32 s3, s5;
	[dreg:$0x0] =	wrdreg $0x0  }
0x20: {  	s5 =	sshll.u32 s28, $0x1;
	[dreg:$0x2] =	wrdreg s3  }
0x21: {  	[dreg:$0x3] =	wrdreg s5  }
0x22: {  	[dreg:$0x4] =	wrdreg $0xC0  }
0x23: {  	_ =	task [dreg:s7], $0x5FFFF  }
0x24: {  	[dreg:$0x1] =	wrdreg $0xFFFFFFFF  }
0x25: {  	[dreg:$0x0] =	wrdreg $0x60  }
0x26: {  	[dreg:$0x2] =	wrdreg s25  }
0x27: {  	[dreg:$0x3] =	wrdreg s2  }
0x28: {  	[dreg:$0x4] =	wrdreg $0x9  }
0x29: {  	_ =	task.clear_ibuf [dreg:s7], $0x5FFFF;
	_ =	strace $0x90000049  }
0x2a: {  	s29 =	simm.s32 $0x9;
	_ =	strace $0x8000004B  }
0x2b: {  	_ =	swait.ge [sflag:s29], $0x1  }
0x2c: {  	[sflag:s29] =	ssyncadd.s32 $0xFFFFFFFF  }
0x2d: {  	_ =	strace $0x9000004B  }
0x2e: {  	_ =	sfence  }
0x2f: {  	s30 =	sld [smem:$0x0];
	_ =	sdelay $0x2  }
0x30: {  	s31 =	sshll.u32 s1, $0xD;
	s1 =	sshrl.u32 s1, $0x2  }
0x31: {  	s3 =	sand.u32 $0x4000, s31;
	s1 =	sadd.s32 s1, s30  }
0x32: {  	s0 =	sor.u32 s3, s0;
	s1 =	sshll.u32 s1, $0x11  }
0x33: {  	s0 =	sor.u32 s1, s0  }
0x34: {  	s0 =	sadd.s32 $0x8F2B, s0  }
0x35: {  	[sflag:s0] =	ssyncadd.remote.s32 $0x1  }
0x36: {  	_ =	sfence.sel $0xFFFF  }
0x37: {  	[dreg:$0x0] =	wrdreg $0xFFFFFFFF;
	(pc) =	sbr.abs _section_cstart, $3  }
0x38: {  	[dreg:$0x1] =	wrdreg $0xFFFFFFFF  }
0x39: {  	_ =	task.clear_ibuf [dreg:s7], $0x2FFFF;
	_ =	strace $0x9FFFFFFF  }
0x3a: {  	(tm) =	ssettm $0x7FFFFFFF  }
0x3b: {  	_ =	shalt  }
tec
execute0_lowered:
.L_overlay_start_1:
0x0: {  	(tag) =	ssettag $0x1  }
0x1: {  	s0 =	srdreg.scid  }
0x2: {  	s1 =	sshll.u32 s0, $0x4  }
0x3: {  	s4 =	rddreg [dreg:$0x0];
	s0 =	stileid.u32;
	s1 =	sand.u32 $0x10, s1  }
0x4: {  	s2 =	rddreg [dreg:$0x1];
	s7 =	simm.s32 $0x1;
	s1 =	sor.u32 s0, s1  }
0x5: {  	s8 =	simm.s32 $0x2;
	s11 =	simm.s32 $0x0;
	s3 =	sshll.u32 s1, $0x7  }
0x6: {  	s10 =	simm.s32 $0x0;
	s4 =	sadd.s32 $0x641800, s4;
	s6 =	ssub.s32 $0xC8000, s3  }
.Ltmp0:
0x7: {  	s1 =	rddreg [dreg:$0x2];
	s5 =	sand.u32 $0xF80, s6;
	(pc) =	sbr.rel .LBB1_1-.Ltmp0, $4  }
0x8: {  	_ =	strace $0x8000004A;
	s9 =	smov.u32 s3;
	p0 =	sne.s32 s5, $0x0  }
0x9: {  	s6 =	sshrl.u32 s6, $0xC;
	s5 =	simm.s32 $0x1;
	s7 =	simm.s32 @!p0 $0x0  }
0xa: {  	[sflag:s5] =	ssyncpa.u1 $0x0;
	p0 =	por $0x0, $0x0;
	s6 =	sadd.s32 s7, s6  }
0xb: {  	[sflag:s8] =	ssyncpa.u1 $0x0;
	s8 =	simm.s32 $0x640000;
	s7 =	sadd.s32 $0x1, s6  }
.LBB1_4:
0xc: {  	s14 =	sshll.u32 s11, $0x3  }
0xd: {  	s30 =	sand.u32 $0x7F, s11;
	s15 =	sand.u32 $0xFFFFFC00, s14  }
0xe: {  	s11 =	sor.u32 s30, s15  }
0xf: {  	s15 =	smulhi.u32 $0x51EB851F, s11  }
0x10: {  	s14 =	smulhi.u32 $0x51EB851F, s14  }
0x11: {  	s15 =	sshrl.u32 s15, $0x12  }
0x12: {  	s14 =	sshrl.u32 s14, $0x12;
	s15 =	smul.u32 $0xC8000, s15  }
0x13: {  	s14 =	sand.u32 $0x3F, s14  }
0x14: {  	s14 =	smul.u32 $0x19000, s14;
	s11 =	ssub.s32 s11, s15  }
0x15: {  	[tilespmem:s13+$0x810 ss:$0x81] =	vst.msk $0xffff, v2;
	s15 =	sand.u32 $0x7, s11  }
0x16: {  	[tilespmem:s13+$0x1020 ss:$0x81] =	vst.msk $0xffff, v0;
	s14 =	sadd.s32 s2, s14;
	s11 =	sshrl.u32 s11, $0x3;
	s15 =	sshll.u32 s15, $0x12  }
0x17: {  	[tilespmem:s13+$0x0 ss:$0x81] =	vst.msk $0xffff, v1;
	s11 =	sadd.s32 s11, s14;
	s31 =	sor.u32 $0x400, s15  }
0x18: {  	[hbm4b:s11+s31] =	stream.strided.scatter [tilespmem:s12], [sflag:$0x2], $0x2000, s8, s31, $0x20;
	[tilespmem:$0x8080] =	vst v63  }
.LBB1_5:
0x19: {  	s13 =	sadd.s32 $0x1000, s9  }
0x1a: {  	p2 =	sgt.s32 s13, $0xC7FFF  }
0x1b: {  	s13 =	smov.u32 @p2 s3;
	p2 =	sne.s32 s10, s7  }
.Ltmp1:
0x1c: {  	p1 =	slt.u32 s10, $0x2;
	(pc) =	sbr.rel @!p2 .LBB1_6-.Ltmp1, $4  }
0x1d: {  	s12 =	simm.s32 @!p1 $0x2  }
0x1e: {  	s14 =	sadd.s32 $0x1, s10;
	_ =	swait.ge @!p1 [sflag:s12], $0x2000  }
0x1f: {  	s11 =	smov.u32 s9;
	p0 =	por !p0, !p0;
	[sflag:s12] =	ssyncset.done @!p1 $0x0  }
0x20: {  	s10 =	smov.u32 s14;
	s9 =	smov.u32 s13;
	[sflag:s12] =	ssyncadd.s32 @!p1 $0xFFFFE000  }
.LBB1_1:
0x21: {  	p1 =	sge.u32 s10, s6  }
0x22: {  	s12 =	sand.u32 @!p1 $0x1FFFFFF, s9  }
0x23: {  	s13 =	smulhi.u32 @!p1 $0x147AE15, s12;
	_ =	sdelay $0x1  }
0x24: {  	s13 =	sshrl.u32 @!p1 s13, $0xC  }
0x25: {  	s13 =	smul.u32 @!p1 $0xC8000, s13;
	_ =	sdelay $0x1  }
0x26: {  	s31 =	sadd.s32 $0xFFFFFFFF, s10;
	s14 =	sxor.u32 @!p1 $0xFFFFFFFF, s10;
	s12 =	ssub.s32 @!p1 s12, s13  }
0x27: {  	s15 =	simm.s32 @!p1 $0x80;
	s14 =	sshll.u32 @!p1 s14, $0xD;
	s12 =	sshll.u32 @!p1 s12, $0x4  }
0x28: {  	s13 =	sand.u32 @!p1 $0x2000, s14;
	s14 =	simm.s32 @!p1 $0x40;
	s12 =	sadd.s32 @!p1 s4, s12  }
0x29: {  	[tilespmem:s13], [sflag:$0x1] =	stream.strided.gather @!p1 [hbm4b:s12+s14], $0x2000, s15, s14, $0x38;
	[tilespmem:$0x8080] =	vst v63  }
0x2a: {  	p1 =	sge.u32 s31, s6  }
.Ltmp2:
0x2b: {  	_ = 	snop;
	(pc) =	sbr.rel @p1 .LBB1_5-.Ltmp2, $1  }
0x2c: {  	_ =	sdelay $0x3  }
0x2d: {  	s12 =	simm.s32 $0x1  }
0x2e: {  	_ =	swait.ge [sflag:s5], $0x2000;
	s12 =	simm.s32 @!p0 $0x0  }
0x2f: {  	[sflag:s5] =	ssyncset.done $0x0;
	s13 =	sshll.u32 s12, $0xD  }
0x30: {  	[sflag:s5] =	ssyncadd.s32 $0xFFFFE000;
	s16 =	sor.u32 $0x20, s13  }
0x31: {  	s12 =	smul.u32 $0x8100, s12;
	v3 =	vld [tilespmem:s16+$0x10]  }
0x32: {  	s30 =	sand.u32 $0x1, s10;
	v2 =	vld [tilespmem:s16+$0xFFFFFFF0]  }
0x33: {  	s13 =	smul.u32 $0x8100, s30;
	s12 =	sshrl.u32 s12, $0x2;
	v0 =	vld [tilespmem:s16+$0x0]  }
0x34: {  	v1 =	vld [tilespmem:s16+$0xFFFFFFE0];
	s14 =	sor.u32 $0x4000, s12  }
0x35: {  	s31 =	sshrl.u32 s13, $0x2;
	s13 =	sadd.s32 $0x0, s14  }
0x36: {  	s15 =	simm.s32 $0x4;
	s16 =	sadd.s32 $0x40, s16;
	s12 =	sor.u32 $0x4000, s31;
	[tilespmem:s13+$0x1830 ss:$0x81] =	vst.msk $0xffff, v3  }
.LBB1_3:
0x37: {  	v3 =	vld [tilespmem:s16+$0x10];
	p1 =	sne.s32 s15, $0x1FC;
	[tilespmem:s13+$0x810 ss:$0x81] =	vst.msk $0xffff, v2;
	s17 =	smov.u32 s15;
	s15 =	sadd.s32 $0x4, s15  }
.Ltmp3:
0x38: {  	v2 =	vld [tilespmem:s16+$0xFFFFFFF0];
	[tilespmem:s13+$0x1020 ss:$0x81] =	vst.msk $0xffff, v0;
	(pc) =	sbr.rel @p1 .LBB1_3-.Ltmp3, $4  }
0x39: {  	v0 =	vld [tilespmem:s16+$0x0];
	[tilespmem:s13+$0x0 ss:$0x81] =	vst.msk $0xffff, v1  }
0x3a: {  	s13 =	sshra.s32 s17, $0x2;
	v1 =	vld [tilespmem:s16+$0xFFFFFFE0]  }
0x3b: {  	s13 =	sadd.s32 s13, s14  }
0x3c: {  	s16 =	sadd.s32 $0x40, s16;
	[tilespmem:s13+$0x1830 ss:$0x81] =	vst.msk $0xffff, v3  }
.Ltmp4:
0x3d: {  	_ = 	snop;
	(pc) =	sbr.rel .LBB1_4-.Ltmp4, $1  }
0x3e: {  	_ =	sdelay $0x3  }
.LBB1_6:
0x3f: {  	_ =	sfence.sel $0x180000  }
0x40: {  	s2 =	simm.s32 $0x1;
	[bflag:$0x0] =	sbarrier.arrive $0xFFFF  }
0x41: {  	s31 =	simm.s32 $0x2;
	[sflag:s2] =	ssyncpa.u1 $0x1  }
0x42: {  	[sflag:s31] =	ssyncpa.u1 $0x1  }
0x43: {  	p0 =	sne.s32 s0, $0x0;
	_ =	strace $0x9000004A  }
0x44: {  	s0 =	sadd.s32 @!p0 $0x100000, s1;
	[bflag:$0x2] =	sbarrier.arrive $0xFFFF  }
0x45: {  	[sflag:s0] =	ssyncadd.tile.s32 @!p0 $0x1;
	_ =	shalt  }
.Lfunc_end1:
_tile_overlayer_lowered:
.L_overlay_start_2:
0x46: {  	(tag) =	ssettag $0x2  }
0x47: {  	s0 =	rddreg [dreg:$0x0];
	s2 =	stileid.u32  }
0x48: {  	s1 =	rddreg [dreg:$0x1];
	p0 =	sne.s32 s2, $0x0  }
0x49: {  	s3 =	rddreg [dreg:$0x2];
	[bflag:$0x3] =	sbarrier.arrive $0xFFFF;
	s2 =	simm.s32 @!p0 $0x1C01  }
0x4a: {  	[timem:s3], [sflag:s2] =	dma.local @!p0 [hbm:s0], s1  }
0x4b: {  	s0 =	simm.s32 @!p0 $0x1  }
0x4c: {  	_ =	swait.ge @!p0 [sflag:s0], s1  }
0x4d: {  	s1 =	ssub.s32 @!p0 $0x0, s1;
	[sflag:s0] =	ssyncset.done @!p0 $0x0  }
0x4e: {  	[sflag:s0] =	ssyncadd.s32 @!p0 s1  }
0x4f: {  	[bflag:$0x3] =	sbarrier.arrive $0xFFFF  }
0x50: {  	_ =	shalt  }

</sc_bundles>
